<compile_context>
chip_gen: v7x
topology: tpu7x:2x2x1
jax: 0.10.2.dev20260603
libtpu: 0.0.44.dev20260713+nightly
codegen_flags: <defaults>
</compile_context>

<pallas_src>
import functools

import jax
import jax.numpy as jnp
from jax import lax
from jax.experimental import pallas as pl
from jax.experimental.pallas import tpu as pltpu
from jax.experimental.pallas import tpu_sc as plsc

N = 10000
NP = 10240
F = 128
NC, NS = 2, 16
NW = NC * NS
C = 128
BN = 1000
ROWS_PER_TILE = NP // NS

_mesh = plsc.VectorSubcoreMesh(core_axis_name="c", subcore_axis_name="s")


def _zero_vmem(buf, n_rows, width):
    def zbody(k, carry):
        i = k // (width // 16)
        j = k - i * (width // 16)
        buf[i, pl.ds(j * 16, 16)] = jnp.zeros((16,), jnp.float32)
        return carry
    lax.fori_loop(0, n_rows * (width // 16), zbody, 0)


def _make_prop(G):
    T = G // 2

    @functools.partial(
        pl.kernel,
        out_type=jax.ShapeDtypeStruct((NC, NP, F), jnp.float32),
        mesh=_mesh,
        scratch_types=[
            pltpu.VMEM((C,), jnp.int32),
            pltpu.VMEM((C,), jnp.int32),
            pltpu.VMEM((C,), jnp.int32),
            pltpu.VMEM((C,), jnp.int32),
            pltpu.VMEM((C, F), jnp.float32),
            pltpu.VMEM((C, F), jnp.float32),
            pltpu.VMEM_SHARED((NP, F), jnp.float32),
            pltpu.SemaphoreType.DMA,
            pltpu.SemaphoreType.DMA,
            pltpu.SemaphoreType.DMA,
            pltpu.SemaphoreType.DMA,
        ],
    )
    def _prop(row_hbm, col_hbm, g_hbm, out_hbm, ir0, ic0, ir1, ic1,
              rows0, rows1, acc_sh, semi0, semi1, semg0, semg1):
        cid = lax.axis_index("c")
        sid = lax.axis_index("s")
        wid = sid * NC + cid

        _zero_vmem(rows0, C, F)
        zb = sid * ROWS_PER_TILE
        for m in range(ROWS_PER_TILE // C):
            pltpu.sync_copy(rows0, acc_sh.at[pl.ds(zb + m * C, C)])
        plsc.subcore_barrier()

        pltpu.async_copy(row_hbm.at[wid, 0], ir0, semi0)
        pltpu.async_copy(col_hbm.at[wid, 0], ic0, semi0)
        pltpu.async_copy(row_hbm.at[wid, 1], ir1, semi1)
        pltpu.async_copy(col_hbm.at[wid, 1], ic1, semi1)

        def body(t, carry):
            a = t * 2
            b = a + 1
            na = jnp.minimum(a + 2, G - 2)
            nb = jnp.minimum(b + 2, G - 1)
            pltpu.make_async_copy(row_hbm.at[wid, a], ir0, semi0).wait()
            pltpu.make_async_copy(col_hbm.at[wid, a], ic0, semi0).wait()
            dg0 = pltpu.async_copy(g_hbm.at[ir0], rows0, semg0)
            pltpu.make_async_copy(row_hbm.at[wid, b], ir1, semi1).wait()
            pltpu.make_async_copy(col_hbm.at[wid, b], ic1, semi1).wait()
            dg1 = pltpu.async_copy(g_hbm.at[ir1], rows1, semg1)
            dg0.wait()
            pltpu.sync_copy(rows0, acc_sh.at[ic0], add=True)
            pltpu.async_copy(row_hbm.at[wid, na], ir0, semi0)
            pltpu.async_copy(col_hbm.at[wid, na], ic0, semi0)
            dg1.wait()
            pltpu.sync_copy(rows1, acc_sh.at[ic1], add=True)
            pltpu.async_copy(row_hbm.at[wid, nb], ir1, semi1)
            pltpu.async_copy(col_hbm.at[wid, nb], ic1, semi1)
            return carry

        lax.fori_loop(0, T, body, 0)

        pltpu.make_async_copy(row_hbm.at[wid, 0], ir0, semi0).wait()
        pltpu.make_async_copy(col_hbm.at[wid, 0], ic0, semi0).wait()
        pltpu.make_async_copy(row_hbm.at[wid, 0], ir1, semi1).wait()
        pltpu.make_async_copy(col_hbm.at[wid, 0], ic1, semi1).wait()

        plsc.subcore_barrier()
        rb = sid * ROWS_PER_TILE
        pltpu.sync_copy(acc_sh.at[pl.ds(rb, ROWS_PER_TILE)],
                        out_hbm.at[cid, pl.ds(rb, ROWS_PER_TILE)])

    return _prop


def _make_deg(G):
    @functools.partial(
        pl.kernel,
        out_type=jax.ShapeDtypeStruct((NC, NP, F), jnp.float32),
        mesh=_mesh,
        scratch_types=[
            pltpu.VMEM((G, C), jnp.int32),
            pltpu.VMEM((C, F), jnp.float32),
            pltpu.VMEM_SHARED((NP, F), jnp.float32),
            pltpu.SemaphoreType.DMA,
        ],
    )
    def _deg(col_hbm, out_hbm, colbuf, ones_v, acc_sh, sems):
        cid = lax.axis_index("c")
        sid = lax.axis_index("s")
        wid = sid * NC + cid

        _zero_vmem(ones_v, C, F)
        zb = sid * ROWS_PER_TILE
        for m in range(ROWS_PER_TILE // C):
            pltpu.sync_copy(ones_v, acc_sh.at[pl.ds(zb + m * C, C)])

        def obody(k, carry):
            i = k // (F // 16)
            j = k - i * (F // 16)
            ones_v[i, pl.ds(j * 16, 16)] = jnp.ones((16,), jnp.float32)
            return carry
        lax.fori_loop(0, C * (F // 16), obody, 0)
        pltpu.sync_copy(col_hbm.at[wid], colbuf)
        plsc.subcore_barrier()

        KD = 8

        def body(q, carry):
            for j in range(KD):
                pltpu.async_copy(ones_v, acc_sh.at[colbuf.at[q * KD + j]],
                                 sems, add=True)
            for j in range(KD):
                pltpu.make_async_copy(ones_v, acc_sh.at[colbuf.at[q * KD + j]],
                                      sems).wait()
            return carry

        lax.fori_loop(0, G // KD, body, 0)

        plsc.subcore_barrier()
        rb = sid * ROWS_PER_TILE
        pltpu.sync_copy(acc_sh.at[pl.ds(rb, ROWS_PER_TILE)],
                        out_hbm.at[cid, pl.ds(rb, ROWS_PER_TILE)])

    return _deg



_row_spec = pl.BlockSpec((BN, F), lambda i: (i, 0))
_w_spec = pl.BlockSpec((F, F), lambda i: (0, 0))
_b_spec = pl.BlockSpec((1, F), lambda i: (0, 0))
_GRID = N // BN


def _tc_call(body, n_out):
    outs = tuple(jax.ShapeDtypeStruct((N, F), jnp.float32) for _ in range(n_out))
    return lambda specs, *args: pl.pallas_call(
        body,
        grid=(_GRID,),
        in_specs=list(specs),
        out_specs=tuple(_row_spec for _ in range(n_out)),
        out_shape=outs,
    )(*args)


def _pre_body(x_ref, w0_ref, b0_ref, ws_ref, dga_ref, dgb_ref,
              acc_ref, g_ref, dis_ref):
    h = jnp.maximum(x_ref[...] @ w0_ref[...] + b0_ref[...], 0.0)
    d = dga_ref[:, 0:1] + dgb_ref[:, 0:1]
    dis = jnp.where(d > 0.0, lax.rsqrt(d), 0.0)
    acc_ref[...] = h @ ws_ref[...]
    g_ref[...] = dis * h
    dis_ref[...] = jnp.broadcast_to(dis, (BN, F))


def _step_body(sa_ref, sb_ref, dis_ref, acc_ref, wk_ref, acc_out, g_out):
    dis = dis_ref[...]
    h = dis * (sa_ref[...] + sb_ref[...])
    acc_out[...] = acc_ref[...] + h @ wk_ref[...]
    g_out[...] = dis * h


def _last_body(sa_ref, sb_ref, dis_ref, acc_ref, wk_ref, b_ref, wn_ref,
               acc2_out, g_out):
    dis = dis_ref[...]
    h = dis * (sa_ref[...] + sb_ref[...])
    c = jnp.maximum(acc_ref[...] + h @ wk_ref[...] + b_ref[...], 0.0)
    acc2_out[...] = c @ wn_ref[...]
    g_out[...] = dis * c


def _tail_body(sa_ref, sb_ref, dis_ref, acc_ref, wk_ref, b_ref,
               l1w_ref, l1b_ref, l2w_ref, l2b_ref, l3w_ref, l3b_ref, y_out):
    dis = dis_ref[...]
    h = dis * (sa_ref[...] + sb_ref[...])
    c = jnp.maximum(acc_ref[...] + h @ wk_ref[...] + b_ref[...], 0.0)
    t = jnp.maximum(c @ l1w_ref[...] + l1b_ref[...], 0.0)
    t = jnp.maximum(t @ l2w_ref[...] + l2b_ref[...], 0.0)
    y_out[...] = jnp.maximum(t @ l3w_ref[...] + l3b_ref[...], 0.0)


def kernel(x, edge_index, batch, lin0_W, lin0_b, conv1_Ws, conv1_b,
           conv2_Ws, conv2_b, lin1_W, lin1_b, lin2_W, lin2_b, lin3_W, lin3_b):
    E = edge_index.shape[1]
    G = -(-E // (NW * C))
    G = ((G + 7) // 8) * 8
    EP = G * NW * C
    pad = EP - E
    row_f = jnp.concatenate([edge_index[0], jnp.zeros((pad,), jnp.int32)])
    pad_cols = N + (jnp.arange(pad, dtype=jnp.int32) % (NP - N))
    col_f = jnp.concatenate([edge_index[1], pad_cols])
    row = row_f.reshape(NW, G, C)
    col = col_f.reshape(NW, G, C)

    prop = _make_prop(G)
    degk = _make_deg(G)

    degp = degk(col)

    b2 = lambda v: v.reshape(1, F)

    acc, g, dis_b = _tc_call(_pre_body, 3)(
        [_row_spec, _w_spec, _b_spec, _w_spec, _row_spec, _row_spec],
        x, lin0_W, b2(lin0_b), conv1_Ws[0], degp[0], degp[1])

    def hop(acc, g, wk):
        s = prop(row, col, g)
        return _tc_call(_step_body, 2)(
            [_row_spec, _row_spec, _row_spec, _row_spec, _w_spec],
            s[0], s[1], dis_b, acc, wk)

    acc, g = hop(acc, g, conv1_Ws[1])
    acc, g = hop(acc, g, conv1_Ws[2])
    s = prop(row, col, g)
    acc, g = _tc_call(_last_body, 2)(
        [_row_spec, _row_spec, _row_spec, _row_spec, _w_spec, _b_spec, _w_spec],
        s[0], s[1], dis_b, acc, conv1_Ws[3], b2(conv1_b), conv2_Ws[0])

    acc, g = hop(acc, g, conv2_Ws[1])
    acc, g = hop(acc, g, conv2_Ws[2])
    s = prop(row, col, g)

    y = pl.pallas_call(
        _tail_body,
        grid=(_GRID,),
        in_specs=[_row_spec, _row_spec, _row_spec, _row_spec, _w_spec, _b_spec,
                  _w_spec, _b_spec, _w_spec, _b_spec,
                  pl.BlockSpec((F, 1), lambda i: (0, 0)),
                  pl.BlockSpec((1, 1), lambda i: (0, 0))],
        out_specs=pl.BlockSpec((BN, 1), lambda i: (i, 0)),
        out_shape=jax.ShapeDtypeStruct((N, 1), jnp.float32),
    )(s[0], s[1], dis_b, acc, conv2_Ws[3], b2(conv2_b),
      lin1_W, b2(lin1_b), lin2_W, b2(lin2_b), lin3_W, lin3_b.reshape(1, 1))
    return y

# --- scband reference (transcript-rebuilt; emitter-appended) ---
"""Pipeline reference for scband-tagconv-net-34342558499547 (READ-ONLY COPY).

The authoritative reference and input builder live on the scoring server;
editing this copy changes nothing except your own understanding.
"""

import jax, jax.numpy as jnp
import numpy as np

N = 10000
E = 320000
D = 128
F = 128
K = 3


def setup_inputs(seed: int = 0) -> dict:
    key = jax.random.key(seed)
    ks = jax.random.split(key, 20)
    s = 1.0 / np.sqrt(F)
    inp = {}
    inp["x"] = jax.random.normal(ks[0], (N, D), dtype=jnp.float32)
    inp["edge_index"] = jax.random.randint(ks[1], (2, E), 0, N, dtype=jnp.int32)
    inp["batch"] = jnp.zeros((N,), dtype=jnp.int32)
    inp["lin0_W"] = jax.random.normal(ks[2], (D, F), dtype=jnp.float32) * (1.0 / np.sqrt(D))
    inp["lin0_b"] = jnp.zeros((F,), dtype=jnp.float32)
    inp["conv1_Ws"] = jax.random.normal(ks[3], (K + 1, F, F), dtype=jnp.float32) * s
    inp["conv1_b"] = jnp.zeros((F,), dtype=jnp.float32)
    inp["conv2_Ws"] = jax.random.normal(ks[4], (K + 1, F, F), dtype=jnp.float32) * s
    inp["conv2_b"] = jnp.zeros((F,), dtype=jnp.float32)
    inp["lin1_W"] = jax.random.normal(ks[5], (F, F), dtype=jnp.float32) * s
    inp["lin1_b"] = jnp.zeros((F,), dtype=jnp.float32)
    inp["lin2_W"] = jax.random.normal(ks[6], (F, F), dtype=jnp.float32) * s
    inp["lin2_b"] = jnp.zeros((F,), dtype=jnp.float32)
    inp["lin3_W"] = jax.random.normal(ks[7], (F, 1), dtype=jnp.float32) * s
    inp["lin3_b"] = jnp.zeros((1,), dtype=jnp.float32)
    return inp


def _tagconv(x, row, col, norm, Ws, b):
    # PyG TAGConv: out = sum_{k=0..K} (norm-propagated^k x) @ W_k + bias
    out = x @ Ws[0]
    h = x
    for k in range(1, K + 1):
        h = jax.ops.segment_sum(norm[:, None] * h[row], col, num_segments=N)
        out = out + h @ Ws[k]
    return out + b


def reference(x, edge_index, batch, lin0_W, lin0_b, conv1_Ws, conv1_b,
              conv2_Ws, conv2_b, lin1_W, lin1_b, lin2_W, lin2_b, lin3_W, lin3_b):
    row = edge_index[0]
    col = edge_index[1]
    # gcn_norm (symmetric, add_self_loops=False): deg over dst (col)
    ew = jnp.ones((row.shape[0],), dtype=jnp.float32)
    deg = jax.ops.segment_sum(ew, col, num_segments=N)
    dis = jnp.where(deg > 0, deg ** -0.5, 0.0)
    norm = dis[row] * dis[col]

    h = jax.nn.relu(x @ lin0_W + lin0_b)
    h = jax.nn.relu(_tagconv(h, row, col, norm, conv1_Ws, conv1_b))
    h = jax.nn.relu(_tagconv(h, row, col, norm, conv2_Ws, conv2_b))
    h = jax.nn.relu(h @ lin1_W + lin1_b)
    h = jax.nn.relu(h @ lin2_W + lin2_b)
    h = jax.nn.relu(h @ lin3_W + lin3_b)
    return h

if __name__ == "__main__":
    import jax
    _d = setup_inputs()
    print(jax.jit(kernel)(*tuple(_d.values())))

</pallas_src>

<mosaic_0001>
#map = affine_map<(d0, d1) -> (0, 0, 0)>
#map1 = affine_map<(d0, d1) -> (0, 0)>
module attributes {stable_mosaic.version = 14 : i64} {
  func.func @_prop(%arg0: i32, %arg1: i32, %arg2: memref<32x80x128xi32, #tpu.memory_space<hbm>>, %arg3: memref<32x80x128xi32, #tpu.memory_space<hbm>>, %arg4: memref<10000x128xf32, #tpu.memory_space<hbm>>, %arg5: memref<2x10240x128xf32, #tpu.memory_space<hbm>>, %arg6: memref<128xi32, #tpu.memory_space<vmem>>, %arg7: memref<128xi32, #tpu.memory_space<vmem>>, %arg8: memref<128xi32, #tpu.memory_space<vmem>>, %arg9: memref<128xi32, #tpu.memory_space<vmem>>, %arg10: memref<128x128xf32, #tpu.memory_space<vmem>>, %arg11: memref<128x128xf32, #tpu.memory_space<vmem>>, %arg12: memref<10240x128xf32, #tpu.memory_space<vmem_shared>>, %arg13: memref<!tpu.dma_semaphore, #tpu.memory_space<semaphore_mem>>, %arg14: memref<!tpu.dma_semaphore, #tpu.memory_space<semaphore_mem>>, %arg15: memref<!tpu.dma_semaphore, #tpu.memory_space<semaphore_mem>>, %arg16: memref<!tpu.dma_semaphore, #tpu.memory_space<semaphore_mem>>) attributes {dimension_semantics = [#tpu.dimension_semantics<core_parallel>, #tpu.dimension_semantics<subcore_parallel>], iteration_bounds = array<i64: 2, 16>, scalar_prefetch = 0 : i64, scratch_operands = 11 : i64, tpu.core_type = #tpu.core_type<sc_vector_subcore>, window_params = [{transform_indices = #map}, {transform_indices = #map}, {transform_indices = #map1}, {transform_indices = #map}]} {
    %mul3A = arith.constant 2 : i32
    %mul3A_0 = arith.muli %arg1, %mul3A : i32
    %add3A = arith.addi %mul3A_0, %arg0 : i32
    %scan3A = arith.constant 0 : i32
    %scan3A_1 = arith.constant 0 : i32
    %scan3A_2 = arith.constant 1024 : i32
    %scan3A_3 = arith.addi %scan3A_1, %scan3A_2 : i32
    %scan3A_4 = arith.constant 1 : i32
    scf.for %scan3A_81 = %scan3A_1 to %scan3A_3 step %scan3A_4  : i32 {
      %jit3A = arith.constant 8 : i32
      %div3A = arith.divsi %scan3A_81, %jit3A : i32
      %sign3A = arith.constant 0 : i32
      %sign3A_82 = arith.cmpi sgt, %scan3A_81, %sign3A : i32
      %sign3A_83 = arith.extui %sign3A_82 : i1 to i32
      %sign3A_84 = arith.constant 0 : i32
      %sign3A_85 = arith.cmpi slt, %scan3A_81, %sign3A_84 : i32
      %sign3A_86 = arith.extui %sign3A_85 : i1 to i32
      %sign3A_87 = arith.subi %sign3A_83, %sign3A_86 : i32
      %sign3A_88 = arith.constant 0 : i32
      %sign3A_89 = arith.cmpi sgt, %jit3A, %sign3A_88 : i32
      %sign3A_90 = arith.extui %sign3A_89 : i1 to i32
      %sign3A_91 = arith.constant 0 : i32
      %sign3A_92 = arith.cmpi slt, %jit3A, %sign3A_91 : i32
      %sign3A_93 = arith.extui %sign3A_92 : i1 to i32
      %sign3A_94 = arith.subi %sign3A_90, %sign3A_93 : i32
      %ne3A = arith.cmpi ne, %sign3A_87, %sign3A_94 : i32
      %rem3A = arith.remsi %scan3A_81, %jit3A : i32
      %ne3A_95 = arith.constant 0 : i32
      %ne3A_96 = arith.cmpi ne, %rem3A, %ne3A_95 : i32
      %and3A = arith.andi %ne3A, %ne3A_96 : i1
      %sub3A = arith.constant 1 : i32
      %sub3A_97 = arith.subi %div3A, %sub3A : i32
      %select_n3A = arith.select %and3A, %sub3A_97, %div3A : i32
      %mul3A_98 = arith.constant 8 : i32
      %mul3A_99 = arith.muli %select_n3A, %mul3A_98 : i32
      %sub3A_100 = arith.subi %scan3A_81, %mul3A_99 : i32
      %broadcast_in_dim3A = arith.constant 0.000000e+00 : f32
      %broadcast_in_dim3A_101 = vector.broadcast %broadcast_in_dim3A : f32 to vector<16xf32>
      %mul3A_102 = arith.constant 16 : i32
      %mul3A_103 = arith.muli %sub3A_100, %mul3A_102 : i32
      %swap3A = arith.index_cast %select_n3A : i32 to index
      %swap3A_104 = arith.index_cast %mul3A_103 : i32 to index
      %swap3A_105 = tpu.vector_load %arg10[%swap3A, %swap3A_104] {strides = array<i32>} : memref<128x128xf32, #tpu.memory_space<vmem>>, vector<1x16xf32>,
      %swap3A_106 = vector.shape_cast %swap3A_105 : vector<1x16xf32> to vector<16xf32>
      %swap3A_107 = vector.shape_cast %broadcast_in_dim3A_101 : vector<16xf32> to vector<1x16xf32>
      tpu.vector_store %arg10[%swap3A, %swap3A_104], %swap3A_107 {strides = array<i32>} : memref<128x128xf32, #tpu.memory_space<vmem>>, vector<1x16xf32>,
    }
    %scan3A_5 = arith.constant 1024 : i32
    %mul3A_6 = arith.constant 640 : i32
    %mul3A_7 = arith.muli %arg1, %mul3A_6 : i32
    %add3A_8 = arith.constant 0 : i32
    %add3A_9 = arith.addi %mul3A_7, %add3A_8 : i32
    "tpu.region"() ({
      %run_scoped3A = tpu.sem_alloc : memref<!tpu.dma_semaphore, #tpu.memory_space<semaphore_mem>>
      %dma_start3A_81 = arith.constant 0 : i32
      %dma_start3A_82 = tpu.memref_slice %arg12[%add3A_9, %dma_start3A_81] : memref<10240x128xf32, #tpu.memory_space<vmem_shared>> -> memref<128x128xf32, #tpu.memory_space<vmem_shared>>
      %dma_start3A_83 = arith.constant 0 : i32
      %dma_start3A_84 = tpu.memref_slice %arg12[%add3A_9, %dma_start3A_83] : memref<10240x128xf32, #tpu.memory_space<vmem_shared>> -> memref<128x128xf32, #tpu.memory_space<vmem_shared>>
      tpu.enqueue_dma source(%arg10 : memref<128x128xf32, #tpu.memory_space<vmem>>) target(%dma_start3A_84 : memref<128x128xf32, #tpu.memory_space<vmem_shared>>) target_semaphore(%run_scoped3A : memref<!tpu.dma_semaphore, #tpu.memory_space<semaphore_mem>>)
      %dma_wait3A_85 = arith.constant 0 : i32
      %dma_wait3A_86 = tpu.memref_slice %arg12[%add3A_9, %dma_wait3A_85] : memref<10240x128xf32, #tpu.memory_space<vmem_shared>> -> memref<128x128xf32, #tpu.memory_space<vmem_shared>>
      %dma_wait3A_87 = arith.constant 0 : i32
      %dma_wait3A_88 = tpu.memref_slice %arg12[%add3A_9, %dma_wait3A_87] : memref<10240x128xf32, #tpu.memory_space<vmem_shared>> -> memref<128x128xf32, #tpu.memory_space<vmem_shared>>
      tpu.wait_dma2 semaphore(%run_scoped3A : memref<!tpu.dma_semaphore, #tpu.memory_space<semaphore_mem>>) src(%arg10 : memref<128x128xf32, #tpu.memory_space<vmem>>) dst(%dma_wait3A_88 : memref<128x128xf32, #tpu.memory_space<vmem_shared>>)
      tpu.yield
    }) : () -> ()
    %add3A_10 = arith.constant 128 : i32
    %add3A_11 = arith.addi %mul3A_7, %add3A_10 : i32
    "tpu.region"() ({
      %run_scoped3A = tpu.sem_alloc : memref<!tpu.dma_semaphore, #tpu.memory_space<semaphore_mem>>
      %dma_start3A_81 = arith.constant 0 : i32
      %dma_start3A_82 = tpu.memref_slice %arg12[%add3A_11, %dma_start3A_81] : memref<10240x128xf32, #tpu.memory_space<vmem_shared>> -> memref<128x128xf32, #tpu.memory_space<vmem_shared>>
      %dma_start3A_83 = arith.constant 0 : i32
      %dma_start3A_84 = tpu.memref_slice %arg12[%add3A_11, %dma_start3A_83] : memref<10240x128xf32, #tpu.memory_space<vmem_shared>> -> memref<128x128xf32, #tpu.memory_space<vmem_shared>>
      tpu.enqueue_dma source(%arg10 : memref<128x128xf32, #tpu.memory_space<vmem>>) target(%dma_start3A_84 : memref<128x128xf32, #tpu.memory_space<vmem_shared>>) target_semaphore(%run_scoped3A : memref<!tpu.dma_semaphore, #tpu.memory_space<semaphore_mem>>)
      %dma_wait3A_85 = arith.constant 0 : i32
      %dma_wait3A_86 = tpu.memref_slice %arg12[%add3A_11, %dma_wait3A_85] : memref<10240x128xf32, #tpu.memory_space<vmem_shared>> -> memref<128x128xf32, #tpu.memory_space<vmem_shared>>
      %dma_wait3A_87 = arith.constant 0 : i32
      %dma_wait3A_88 = tpu.memref_slice %arg12[%add3A_11, %dma_wait3A_87] : memref<10240x128xf32, #tpu.memory_space<vmem_shared>> -> memref<128x128xf32, #tpu.memory_space<vmem_shared>>
      tpu.wait_dma2 semaphore(%run_scoped3A : memref<!tpu.dma_semaphore, #tpu.memory_space<semaphore_mem>>) src(%arg10 : memref<128x128xf32, #tpu.memory_space<vmem>>) dst(%dma_wait3A_88 : memref<128x128xf32, #tpu.memory_space<vmem_shared>>)
      tpu.yield
    }) : () -> ()
    %add3A_12 = arith.constant 256 : i32
    %add3A_13 = arith.addi %mul3A_7, %add3A_12 : i32
    "tpu.region"() ({
      %run_scoped3A = tpu.sem_alloc : memref<!tpu.dma_semaphore, #tpu.memory_space<semaphore_mem>>
      %dma_start3A_81 = arith.constant 0 : i32
      %dma_start3A_82 = tpu.memref_slice %arg12[%add3A_13, %dma_start3A_81] : memref<10240x128xf32, #tpu.memory_space<vmem_shared>> -> memref<128x128xf32, #tpu.memory_space<vmem_shared>>
      %dma_start3A_83 = arith.constant 0 : i32
      %dma_start3A_84 = tpu.memref_slice %arg12[%add3A_13, %dma_start3A_83] : memref<10240x128xf32, #tpu.memory_space<vmem_shared>> -> memref<128x128xf32, #tpu.memory_space<vmem_shared>>
      tpu.enqueue_dma source(%arg10 : memref<128x128xf32, #tpu.memory_space<vmem>>) target(%dma_start3A_84 : memref<128x128xf32, #tpu.memory_space<vmem_shared>>) target_semaphore(%run_scoped3A : memref<!tpu.dma_semaphore, #tpu.memory_space<semaphore_mem>>)
      %dma_wait3A_85 = arith.constant 0 : i32
      %dma_wait3A_86 = tpu.memref_slice %arg12[%add3A_13, %dma_wait3A_85] : memref<10240x128xf32, #tpu.memory_space<vmem_shared>> -> memref<128x128xf32, #tpu.memory_space<vmem_shared>>
      %dma_wait3A_87 = arith.constant 0 : i32
      %dma_wait3A_88 = tpu.memref_slice %arg12[%add3A_13, %dma_wait3A_87] : memref<10240x128xf32, #tpu.memory_space<vmem_shared>> -> memref<128x128xf32, #tpu.memory_space<vmem_shared>>
      tpu.wait_dma2 semaphore(%run_scoped3A : memref<!tpu.dma_semaphore, #tpu.memory_space<semaphore_mem>>) src(%arg10 : memref<128x128xf32, #tpu.memory_space<vmem>>) dst(%dma_wait3A_88 : memref<128x128xf32, #tpu.memory_space<vmem_shared>>)
      tpu.yield
    }) : () -> ()
    %add3A_14 = arith.constant 384 : i32
    %add3A_15 = arith.addi %mul3A_7, %add3A_14 : i32
    "tpu.region"() ({
      %run_scoped3A = tpu.sem_alloc : memref<!tpu.dma_semaphore, #tpu.memory_space<semaphore_mem>>
      %dma_start3A_81 = arith.constant 0 : i32
      %dma_start3A_82 = tpu.memref_slice %arg12[%add3A_15, %dma_start3A_81] : memref<10240x128xf32, #tpu.memory_space<vmem_shared>> -> memref<128x128xf32, #tpu.memory_space<vmem_shared>>
      %dma_start3A_83 = arith.constant 0 : i32
      %dma_start3A_84 = tpu.memref_slice %arg12[%add3A_15, %dma_start3A_83] : memref<10240x128xf32, #tpu.memory_space<vmem_shared>> -> memref<128x128xf32, #tpu.memory_space<vmem_shared>>
      tpu.enqueue_dma source(%arg10 : memref<128x128xf32, #tpu.memory_space<vmem>>) target(%dma_start3A_84 : memref<128x128xf32, #tpu.memory_space<vmem_shared>>) target_semaphore(%run_scoped3A : memref<!tpu.dma_semaphore, #tpu.memory_space<semaphore_mem>>)
      %dma_wait3A_85 = arith.constant 0 : i32
      %dma_wait3A_86 = tpu.memref_slice %arg12[%add3A_15, %dma_wait3A_85] : memref<10240x128xf32, #tpu.memory_space<vmem_shared>> -> memref<128x128xf32, #tpu.memory_space<vmem_shared>>
      %dma_wait3A_87 = arith.constant 0 : i32
      %dma_wait3A_88 = tpu.memref_slice %arg12[%add3A_15, %dma_wait3A_87] : memref<10240x128xf32, #tpu.memory_space<vmem_shared>> -> memref<128x128xf32, #tpu.memory_space<vmem_shared>>
      tpu.wait_dma2 semaphore(%run_scoped3A : memref<!tpu.dma_semaphore, #tpu.memory_space<semaphore_mem>>) src(%arg10 : memref<128x128xf32, #tpu.memory_space<vmem>>) dst(%dma_wait3A_88 : memref<128x128xf32, #tpu.memory_space<vmem_shared>>)
      tpu.yield
    }) : () -> ()
    %add3A_16 = arith.constant 512 : i32
    %add3A_17 = arith.addi %mul3A_7, %add3A_16 : i32
    "tpu.region"() ({
      %run_scoped3A = tpu.sem_alloc : memref<!tpu.dma_semaphore, #tpu.memory_space<semaphore_mem>>
      %dma_start3A_81 = arith.constant 0 : i32
      %dma_start3A_82 = tpu.memref_slice %arg12[%add3A_17, %dma_start3A_81] : memref<10240x128xf32, #tpu.memory_space<vmem_shared>> -> memref<128x128xf32, #tpu.memory_space<vmem_shared>>
      %dma_start3A_83 = arith.constant 0 : i32
      %dma_start3A_84 = tpu.memref_slice %arg12[%add3A_17, %dma_start3A_83] : memref<10240x128xf32, #tpu.memory_space<vmem_shared>> -> memref<128x128xf32, #tpu.memory_space<vmem_shared>>
      tpu.enqueue_dma source(%arg10 : memref<128x128xf32, #tpu.memory_space<vmem>>) target(%dma_start3A_84 : memref<128x128xf32, #tpu.memory_space<vmem_shared>>) target_semaphore(%run_scoped3A : memref<!tpu.dma_semaphore, #tpu.memory_space<semaphore_mem>>)
      %dma_wait3A_85 = arith.constant 0 : i32
      %dma_wait3A_86 = tpu.memref_slice %arg12[%add3A_17, %dma_wait3A_85] : memref<10240x128xf32, #tpu.memory_space<vmem_shared>> -> memref<128x128xf32, #tpu.memory_space<vmem_shared>>
      %dma_wait3A_87 = arith.constant 0 : i32
      %dma_wait3A_88 = tpu.memref_slice %arg12[%add3A_17, %dma_wait3A_87] : memref<10240x128xf32, #tpu.memory_space<vmem_shared>> -> memref<128x128xf32, #tpu.memory_space<vmem_shared>>
      tpu.wait_dma2 semaphore(%run_scoped3A : memref<!tpu.dma_semaphore, #tpu.memory_space<semaphore_mem>>) src(%arg10 : memref<128x128xf32, #tpu.memory_space<vmem>>) dst(%dma_wait3A_88 : memref<128x128xf32, #tpu.memory_space<vmem_shared>>)
      tpu.yield
    }) : () -> ()
    %barrier3A = arith.constant 0 : index
    tpu.barrier barrier_id(%barrier3A)
    %dma_start3A = arith.constant 0 : i32
    %dma_start3A_18 = arith.constant 0 : i32
    %dma_start3A_19 = tpu.memref_slice %arg2[%add3A, %dma_start3A, %dma_start3A_18] : memref<32x80x128xi32, #tpu.memory_space<hbm>> -> memref<1x1x128xi32, #tpu.memory_space<hbm>>
    %dma_start3A_20 = tpu.memref_squeeze %dma_start3A_19 : memref<1x1x128xi32, #tpu.memory_space<hbm>> -> memref<128xi32, #tpu.memory_space<hbm>>
    %dma_start3A_21 = arith.constant 0 : i32
    %dma_start3A_22 = tpu.memref_slice %arg2[%add3A, %dma_start3A, %dma_start3A_21] : memref<32x80x128xi32, #tpu.memory_space<hbm>> -> memref<1x1x128xi32, #tpu.memory_space<hbm>>
    %dma_start3A_23 = tpu.memref_squeeze %dma_start3A_22 : memref<1x1x128xi32, #tpu.memory_space<hbm>> -> memref<128xi32, #tpu.memory_space<hbm>>
    tpu.enqueue_dma source(%dma_start3A_23 : memref<128xi32, #tpu.memory_space<hbm>>) target(%arg6 : memref<128xi32, #tpu.memory_space<vmem>>) target_semaphore(%arg13 : memref<!tpu.dma_semaphore, #tpu.memory_space<semaphore_mem>>)
    %dma_start3A_24 = arith.constant 0 : i32
    %dma_start3A_25 = arith.constant 0 : i32
    %dma_start3A_26 = tpu.memref_slice %arg3[%add3A, %dma_start3A_24, %dma_start3A_25] : memref<32x80x128xi32, #tpu.memory_space<hbm>> -> memref<1x1x128xi32, #tpu.memory_space<hbm>>
    %dma_start3A_27 = tpu.memref_squeeze %dma_start3A_26 : memref<1x1x128xi32, #tpu.memory_space<hbm>> -> memref<128xi32, #tpu.memory_space<hbm>>
    %dma_start3A_28 = arith.constant 0 : i32
    %dma_start3A_29 = tpu.memref_slice %arg3[%add3A, %dma_start3A_24, %dma_start3A_28] : memref<32x80x128xi32, #tpu.memory_space<hbm>> -> memref<1x1x128xi32, #tpu.memory_space<hbm>>
    %dma_start3A_30 = tpu.memref_squeeze %dma_start3A_29 : memref<1x1x128xi32, #tpu.memory_space<hbm>> -> memref<128xi32, #tpu.memory_space<hbm>>
    tpu.enqueue_dma source(%dma_start3A_30 : memref<128xi32, #tpu.memory_space<hbm>>) target(%arg7 : memref<128xi32, #tpu.memory_space<vmem>>) target_semaphore(%arg13 : memref<!tpu.dma_semaphore, #tpu.memory_space<semaphore_mem>>)
    %dma_start3A_31 = arith.constant 1 : i32
    %dma_start3A_32 = arith.constant 0 : i32
    %dma_start3A_33 = tpu.memref_slice %arg2[%add3A, %dma_start3A_31, %dma_start3A_32] : memref<32x80x128xi32, #tpu.memory_space<hbm>> -> memref<1x1x128xi32, #tpu.memory_space<hbm>>
    %dma_start3A_34 = tpu.memref_squeeze %dma_start3A_33 : memref<1x1x128xi32, #tpu.memory_space<hbm>> -> memref<128xi32, #tpu.memory_space<hbm>>
    %dma_start3A_35 = arith.constant 0 : i32
    %dma_start3A_36 = tpu.memref_slice %arg2[%add3A, %dma_start3A_31, %dma_start3A_35] : memref<32x80x128xi32, #tpu.memory_space<hbm>> -> memref<1x1x128xi32, #tpu.memory_space<hbm>>
    %dma_start3A_37 = tpu.memref_squeeze %dma_start3A_36 : memref<1x1x128xi32, #tpu.memory_space<hbm>> -> memref<128xi32, #tpu.memory_space<hbm>>
    tpu.enqueue_dma source(%dma_start3A_37 : memref<128xi32, #tpu.memory_space<hbm>>) target(%arg8 : memref<128xi32, #tpu.memory_space<vmem>>) target_semaphore(%arg14 : memref<!tpu.dma_semaphore, #tpu.memory_space<semaphore_mem>>)
    %dma_start3A_38 = arith.constant 1 : i32
    %dma_start3A_39 = arith.constant 0 : i32
    %dma_start3A_40 = tpu.memref_slice %arg3[%add3A, %dma_start3A_38, %dma_start3A_39] : memref<32x80x128xi32, #tpu.memory_space<hbm>> -> memref<1x1x128xi32, #tpu.memory_space<hbm>>
    %dma_start3A_41 = tpu.memref_squeeze %dma_start3A_40 : memref<1x1x128xi32, #tpu.memory_space<hbm>> -> memref<128xi32, #tpu.memory_space<hbm>>
    %dma_start3A_42 = arith.constant 0 : i32
    %dma_start3A_43 = tpu.memref_slice %arg3[%add3A, %dma_start3A_38, %dma_start3A_42] : memref<32x80x128xi32, #tpu.memory_space<hbm>> -> memref<1x1x128xi32, #tpu.memory_space<hbm>>
    %dma_start3A_44 = tpu.memref_squeeze %dma_start3A_43 : memref<1x1x128xi32, #tpu.memory_space<hbm>> -> memref<128xi32, #tpu.memory_space<hbm>>
    tpu.enqueue_dma source(%dma_start3A_44 : memref<128xi32, #tpu.memory_space<hbm>>) target(%arg9 : memref<128xi32, #tpu.memory_space<vmem>>) target_semaphore(%arg14 : memref<!tpu.dma_semaphore, #tpu.memory_space<semaphore_mem>>)
    %scan3A_45 = arith.constant 0 : i32
    %scan3A_46 = arith.constant 0 : i32
    %scan3A_47 = arith.constant 40 : i32
    %scan3A_48 = arith.addi %scan3A_46, %scan3A_47 : i32
    %scan3A_49 = arith.constant 1 : i32
    scf.for %scan3A_81 = %scan3A_46 to %scan3A_48 step %scan3A_49  : i32 {
      %mul3A_82 = arith.constant 2 : i32
      %mul3A_83 = arith.muli %scan3A_81, %mul3A_82 : i32
      %add3A_84 = arith.constant 1 : i32
      %add3A_85 = arith.addi %mul3A_83, %add3A_84 : i32
      %add3A_86 = arith.constant 2 : i32
      %add3A_87 = arith.addi %mul3A_83, %add3A_86 : i32
      %min3A = arith.constant 78 : i32
      %min3A_88 = arith.minsi %add3A_87, %min3A : i32
      %add3A_89 = arith.constant 2 : i32
      %add3A_90 = arith.addi %add3A_85, %add3A_89 : i32
      %min3A_91 = arith.constant 79 : i32
      %min3A_92 = arith.minsi %add3A_90, %min3A_91 : i32
      %dma_wait3A_93 = arith.constant 0 : i32
      %dma_wait3A_94 = tpu.memref_slice %arg2[%add3A, %mul3A_83, %dma_wait3A_93] : memref<32x80x128xi32, #tpu.memory_space<hbm>> -> memref<1x1x128xi32, #tpu.memory_space<hbm>>
      %dma_wait3A_95 = tpu.memref_squeeze %dma_wait3A_94 : memref<1x1x128xi32, #tpu.memory_space<hbm>> -> memref<128xi32, #tpu.memory_space<hbm>>
      %dma_wait3A_96 = arith.constant 0 : i32
      %dma_wait3A_97 = tpu.memref_slice %arg2[%add3A, %mul3A_83, %dma_wait3A_96] : memref<32x80x128xi32, #tpu.memory_space<hbm>> -> memref<1x1x128xi32, #tpu.memory_space<hbm>>
      %dma_wait3A_98 = tpu.memref_squeeze %dma_wait3A_97 : memref<1x1x128xi32, #tpu.memory_space<hbm>> -> memref<128xi32, #tpu.memory_space<hbm>>
      tpu.wait_dma2 semaphore(%arg13 : memref<!tpu.dma_semaphore, #tpu.memory_space<semaphore_mem>>) src(%dma_wait3A_98 : memref<128xi32, #tpu.memory_space<hbm>>) dst(%arg6 : memref<128xi32, #tpu.memory_space<vmem>>)
      %dma_wait3A_99 = arith.constant 0 : i32
      %dma_wait3A_100 = tpu.memref_slice %arg3[%add3A, %mul3A_83, %dma_wait3A_99] : memref<32x80x128xi32, #tpu.memory_space<hbm>> -> memref<1x1x128xi32, #tpu.memory_space<hbm>>
      %dma_wait3A_101 = tpu.memref_squeeze %dma_wait3A_100 : memref<1x1x128xi32, #tpu.memory_space<hbm>> -> memref<128xi32, #tpu.memory_space<hbm>>
      %dma_wait3A_102 = arith.constant 0 : i32
      %dma_wait3A_103 = tpu.memref_slice %arg3[%add3A, %mul3A_83, %dma_wait3A_102] : memref<32x80x128xi32, #tpu.memory_space<hbm>> -> memref<1x1x128xi32, #tpu.memory_space<hbm>>
      %dma_wait3A_104 = tpu.memref_squeeze %dma_wait3A_103 : memref<1x1x128xi32, #tpu.memory_space<hbm>> -> memref<128xi32, #tpu.memory_space<hbm>>
      tpu.wait_dma2 semaphore(%arg13 : memref<!tpu.dma_semaphore, #tpu.memory_space<semaphore_mem>>) src(%dma_wait3A_104 : memref<128xi32, #tpu.memory_space<hbm>>) dst(%arg7 : memref<128xi32, #tpu.memory_space<vmem>>)
      %dma_start3A_105 = arith.constant 0 : i32
      %dma_start3A_106 = arith.constant 0 : i32
      %dma_start3A_107 = tpu.memref_slice %arg4[%dma_start3A_105, %dma_start3A_106] : memref<10000x128xf32, #tpu.memory_space<hbm>> -> memref<10000x128xf32, #tpu.memory_space<hbm>>
      tpu.enqueue_indirect_dma source(%dma_start3A_107 : memref<10000x128xf32, #tpu.memory_space<hbm>>) target(%arg10 : memref<128x128xf32, #tpu.memory_space<vmem>>) offsets(%arg6 : memref<128xi32, #tpu.memory_space<vmem>>) semaphore(%arg15 : memref<!tpu.dma_semaphore, #tpu.memory_space<semaphore_mem>>)
      %dma_wait3A_108 = arith.constant 0 : i32
      %dma_wait3A_109 = tpu.memref_slice %arg2[%add3A, %add3A_85, %dma_wait3A_108] : memref<32x80x128xi32, #tpu.memory_space<hbm>> -> memref<1x1x128xi32, #tpu.memory_space<hbm>>
      %dma_wait3A_110 = tpu.memref_squeeze %dma_wait3A_109 : memref<1x1x128xi32, #tpu.memory_space<hbm>> -> memref<128xi32, #tpu.memory_space<hbm>>
      %dma_wait3A_111 = arith.constant 0 : i32
      %dma_wait3A_112 = tpu.memref_slice %arg2[%add3A, %add3A_85, %dma_wait3A_111] : memref<32x80x128xi32, #tpu.memory_space<hbm>> -> memref<1x1x128xi32, #tpu.memory_space<hbm>>
      %dma_wait3A_113 = tpu.memref_squeeze %dma_wait3A_112 : memref<1x1x128xi32, #tpu.memory_space<hbm>> -> memref<128xi32, #tpu.memory_space<hbm>>
      tpu.wait_dma2 semaphore(%arg14 : memref<!tpu.dma_semaphore, #tpu.memory_space<semaphore_mem>>) src(%dma_wait3A_113 : memref<128xi32, #tpu.memory_space<hbm>>) dst(%arg8 : memref<128xi32, #tpu.memory_space<vmem>>)
      %dma_wait3A_114 = arith.constant 0 : i32
      %dma_wait3A_115 = tpu.memref_slice %arg3[%add3A, %add3A_85, %dma_wait3A_114] : memref<32x80x128xi32, #tpu.memory_space<hbm>> -> memref<1x1x128xi32, #tpu.memory_space<hbm>>
      %dma_wait3A_116 = tpu.memref_squeeze %dma_wait3A_115 : memref<1x1x128xi32, #tpu.memory_space<hbm>> -> memref<128xi32, #tpu.memory_space<hbm>>
      %dma_wait3A_117 = arith.constant 0 : i32
      %dma_wait3A_118 = tpu.memref_slice %arg3[%add3A, %add3A_85, %dma_wait3A_117] : memref<32x80x128xi32, #tpu.memory_space<hbm>> -> memref<1x1x128xi32, #tpu.memory_space<hbm>>
      %dma_wait3A_119 = tpu.memref_squeeze %dma_wait3A_118 : memref<1x1x128xi32, #tpu.memory_space<hbm>> -> memref<128xi32, #tpu.memory_space<hbm>>
      tpu.wait_dma2 semaphore(%arg14 : memref<!tpu.dma_semaphore, #tpu.memory_space<semaphore_mem>>) src(%dma_wait3A_119 : memref<128xi32, #tpu.memory_space<hbm>>) dst(%arg9 : memref<128xi32, #tpu.memory_space<vmem>>)
      %dma_start3A_120 = arith.constant 0 : i32
      %dma_start3A_121 = arith.constant 0 : i32
      %dma_start3A_122 = tpu.memref_slice %arg4[%dma_start3A_120, %dma_start3A_121] : memref<10000x128xf32, #tpu.memory_space<hbm>> -> memref<10000x128xf32, #tpu.memory_space<hbm>>
      tpu.enqueue_indirect_dma source(%dma_start3A_122 : memref<10000x128xf32, #tpu.memory_space<hbm>>) target(%arg11 : memref<128x128xf32, #tpu.memory_space<vmem>>) offsets(%arg8 : memref<128xi32, #tpu.memory_space<vmem>>) semaphore(%arg16 : memref<!tpu.dma_semaphore, #tpu.memory_space<semaphore_mem>>)
      %dma_wait3A_123 = arith.constant 0 : i32
      %dma_wait3A_124 = arith.constant 0 : i32
      %dma_wait3A_125 = tpu.memref_slice %arg4[%dma_wait3A_123, %dma_wait3A_124] : memref<10000x128xf32, #tpu.memory_space<hbm>> -> memref<10000x128xf32, #tpu.memory_space<hbm>>
      tpu.wait_indirect_dma semaphore(%arg15 : memref<!tpu.dma_semaphore, #tpu.memory_space<semaphore_mem>>) src(%dma_wait3A_125 : memref<10000x128xf32, #tpu.memory_space<hbm>>) dst(%arg10 : memref<128x128xf32, #tpu.memory_space<vmem>>)
      "tpu.region"() ({
        %run_scoped3A = tpu.sem_alloc : memref<!tpu.dma_semaphore, #tpu.memory_space<semaphore_mem>>
        %dma_start3A_153 = arith.constant 0 : i32
        %dma_start3A_154 = arith.constant 0 : i32
        %dma_start3A_155 = tpu.memref_slice %arg12[%dma_start3A_153, %dma_start3A_154] : memref<10240x128xf32, #tpu.memory_space<vmem_shared>> -> memref<10240x128xf32, #tpu.memory_space<vmem_shared>>
        tpu.enqueue_indirect_dma source(%arg10 : memref<128x128xf32, #tpu.memory_space<vmem>>) target(%dma_start3A_155 : memref<10240x128xf32, #tpu.memory_space<vmem_shared>>) offsets(%arg7 : memref<128xi32, #tpu.memory_space<vmem>>) semaphore(%run_scoped3A : memref<!tpu.dma_semaphore, #tpu.memory_space<semaphore_mem>>) {add = true}
        %dma_wait3A_156 = arith.constant 0 : i32
        %dma_wait3A_157 = arith.constant 0 : i32
        %dma_wait3A_158 = tpu.memref_slice %arg12[%dma_wait3A_156, %dma_wait3A_157] : memref<10240x128xf32, #tpu.memory_space<vmem_shared>> -> memref<10240x128xf32, #tpu.memory_space<vmem_shared>>
        tpu.wait_indirect_dma semaphore(%run_scoped3A : memref<!tpu.dma_semaphore, #tpu.memory_space<semaphore_mem>>) src(%arg10 : memref<128x128xf32, #tpu.memory_space<vmem>>) dst(%dma_wait3A_158 : memref<10240x128xf32, #tpu.memory_space<vmem_shared>>)
        tpu.yield
      }) : () -> ()
      %dma_start3A_126 = arith.constant 0 : i32
      %dma_start3A_127 = tpu.memref_slice %arg2[%add3A, %min3A_88, %dma_start3A_126] : memref<32x80x128xi32, #tpu.memory_space<hbm>> -> memref<1x1x128xi32, #tpu.memory_space<hbm>>
      %dma_start3A_128 = tpu.memref_squeeze %dma_start3A_127 : memref<1x1x128xi32, #tpu.memory_space<hbm>> -> memref<128xi32, #tpu.memory_space<hbm>>
      %dma_start3A_129 = arith.constant 0 : i32
      %dma_start3A_130 = tpu.memref_slice %arg2[%add3A, %min3A_88, %dma_start3A_129] : memref<32x80x128xi32, #tpu.memory_space<hbm>> -> memref<1x1x128xi32, #tpu.memory_space<hbm>>
      %dma_start3A_131 = tpu.memref_squeeze %dma_start3A_130 : memref<1x1x128xi32, #tpu.memory_space<hbm>> -> memref<128xi32, #tpu.memory_space<hbm>>
      tpu.enqueue_dma source(%dma_start3A_131 : memref<128xi32, #tpu.memory_space<hbm>>) target(%arg6 : memref<128xi32, #tpu.memory_space<vmem>>) target_semaphore(%arg13 : memref<!tpu.dma_semaphore, #tpu.memory_space<semaphore_mem>>)
      %dma_start3A_132 = arith.constant 0 : i32
      %dma_start3A_133 = tpu.memref_slice %arg3[%add3A, %min3A_88, %dma_start3A_132] : memref<32x80x128xi32, #tpu.memory_space<hbm>> -> memref<1x1x128xi32, #tpu.memory_space<hbm>>
      %dma_start3A_134 = tpu.memref_squeeze %dma_start3A_133 : memref<1x1x128xi32, #tpu.memory_space<hbm>> -> memref<128xi32, #tpu.memory_space<hbm>>
      %dma_start3A_135 = arith.constant 0 : i32
      %dma_start3A_136 = tpu.memref_slice %arg3[%add3A, %min3A_88, %dma_start3A_135] : memref<32x80x128xi32, #tpu.memory_space<hbm>> -> memref<1x1x128xi32, #tpu.memory_space<hbm>>
      %dma_start3A_137 = tpu.memref_squeeze %dma_start3A_136 : memref<1x1x128xi32, #tpu.memory_space<hbm>> -> memref<128xi32, #tpu.memory_space<hbm>>
      tpu.enqueue_dma source(%dma_start3A_137 : memref<128xi32, #tpu.memory_space<hbm>>) target(%arg7 : memref<128xi32, #tpu.memory_space<vmem>>) target_semaphore(%arg13 : memref<!tpu.dma_semaphore, #tpu.memory_space<semaphore_mem>>)
      %dma_wait3A_138 = arith.constant 0 : i32
      %dma_wait3A_139 = arith.constant 0 : i32
      %dma_wait3A_140 = tpu.memref_slice %arg4[%dma_wait3A_138, %dma_wait3A_139] : memref<10000x128xf32, #tpu.memory_space<hbm>> -> memref<10000x128xf32, #tpu.memory_space<hbm>>
      tpu.wait_indirect_dma semaphore(%arg16 : memref<!tpu.dma_semaphore, #tpu.memory_space<semaphore_mem>>) src(%dma_wait3A_140 : memref<10000x128xf32, #tpu.memory_space<hbm>>) dst(%arg11 : memref<128x128xf32, #tpu.memory_space<vmem>>)
      "tpu.region"() ({
        %run_scoped3A = tpu.sem_alloc : memref<!tpu.dma_semaphore, #tpu.memory_space<semaphore_mem>>
        %dma_start3A_153 = arith.constant 0 : i32
        %dma_start3A_154 = arith.constant 0 : i32
        %dma_start3A_155 = tpu.memref_slice %arg12[%dma_start3A_153, %dma_start3A_154] : memref<10240x128xf32, #tpu.memory_space<vmem_shared>> -> memref<10240x128xf32, #tpu.memory_space<vmem_shared>>
        tpu.enqueue_indirect_dma source(%arg11 : memref<128x128xf32, #tpu.memory_space<vmem>>) target(%dma_start3A_155 : memref<10240x128xf32, #tpu.memory_space<vmem_shared>>) offsets(%arg9 : memref<128xi32, #tpu.memory_space<vmem>>) semaphore(%run_scoped3A : memref<!tpu.dma_semaphore, #tpu.memory_space<semaphore_mem>>) {add = true}
        %dma_wait3A_156 = arith.constant 0 : i32
        %dma_wait3A_157 = arith.constant 0 : i32
        %dma_wait3A_158 = tpu.memref_slice %arg12[%dma_wait3A_156, %dma_wait3A_157] : memref<10240x128xf32, #tpu.memory_space<vmem_shared>> -> memref<10240x128xf32, #tpu.memory_space<vmem_shared>>
        tpu.wait_indirect_dma semaphore(%run_scoped3A : memref<!tpu.dma_semaphore, #tpu.memory_space<semaphore_mem>>) src(%arg11 : memref<128x128xf32, #tpu.memory_space<vmem>>) dst(%dma_wait3A_158 : memref<10240x128xf32, #tpu.memory_space<vmem_shared>>)
        tpu.yield
      }) : () -> ()
      %dma_start3A_141 = arith.constant 0 : i32
      %dma_start3A_142 = tpu.memref_slice %arg2[%add3A, %min3A_92, %dma_start3A_141] : memref<32x80x128xi32, #tpu.memory_space<hbm>> -> memref<1x1x128xi32, #tpu.memory_space<hbm>>
      %dma_start3A_143 = tpu.memref_squeeze %dma_start3A_142 : memref<1x1x128xi32, #tpu.memory_space<hbm>> -> memref<128xi32, #tpu.memory_space<hbm>>
      %dma_start3A_144 = arith.constant 0 : i32
      %dma_start3A_145 = tpu.memref_slice %arg2[%add3A, %min3A_92, %dma_start3A_144] : memref<32x80x128xi32, #tpu.memory_space<hbm>> -> memref<1x1x128xi32, #tpu.memory_space<hbm>>
      %dma_start3A_146 = tpu.memref_squeeze %dma_start3A_145 : memref<1x1x128xi32, #tpu.memory_space<hbm>> -> memref<128xi32, #tpu.memory_space<hbm>>
      tpu.enqueue_dma source(%dma_start3A_146 : memref<128xi32, #tpu.memory_space<hbm>>) target(%arg8 : memref<128xi32, #tpu.memory_space<vmem>>) target_semaphore(%arg14 : memref<!tpu.dma_semaphore, #tpu.memory_space<semaphore_mem>>)
      %dma_start3A_147 = arith.constant 0 : i32
      %dma_start3A_148 = tpu.memref_slice %arg3[%add3A, %min3A_92, %dma_start3A_147] : memref<32x80x128xi32, #tpu.memory_space<hbm>> -> memref<1x1x128xi32, #tpu.memory_space<hbm>>
      %dma_start3A_149 = tpu.memref_squeeze %dma_start3A_148 : memref<1x1x128xi32, #tpu.memory_space<hbm>> -> memref<128xi32, #tpu.memory_space<hbm>>
      %dma_start3A_150 = arith.constant 0 : i32
      %dma_start3A_151 = tpu.memref_slice %arg3[%add3A, %min3A_92, %dma_start3A_150] : memref<32x80x128xi32, #tpu.memory_space<hbm>> -> memref<1x1x128xi32, #tpu.memory_space<hbm>>
      %dma_start3A_152 = tpu.memref_squeeze %dma_start3A_151 : memref<1x1x128xi32, #tpu.memory_space<hbm>> -> memref<128xi32, #tpu.memory_space<hbm>>
      tpu.enqueue_dma source(%dma_start3A_152 : memref<128xi32, #tpu.memory_space<hbm>>) target(%arg9 : memref<128xi32, #tpu.memory_space<vmem>>) target_semaphore(%arg14 : memref<!tpu.dma_semaphore, #tpu.memory_space<semaphore_mem>>)
    }
    %scan3A_50 = arith.constant 40 : i32
    %dma_wait3A = arith.constant 0 : i32
    %dma_wait3A_51 = arith.constant 0 : i32
    %dma_wait3A_52 = tpu.memref_slice %arg2[%add3A, %dma_wait3A, %dma_wait3A_51] : memref<32x80x128xi32, #tpu.memory_space<hbm>> -> memref<1x1x128xi32, #tpu.memory_space<hbm>>
    %dma_wait3A_53 = tpu.memref_squeeze %dma_wait3A_52 : memref<1x1x128xi32, #tpu.memory_space<hbm>> -> memref<128xi32, #tpu.memory_space<hbm>>
    %dma_wait3A_54 = arith.constant 0 : i32
    %dma_wait3A_55 = tpu.memref_slice %arg2[%add3A, %dma_wait3A, %dma_wait3A_54] : memref<32x80x128xi32, #tpu.memory_space<hbm>> -> memref<1x1x128xi32, #tpu.memory_space<hbm>>
    %dma_wait3A_56 = tpu.memref_squeeze %dma_wait3A_55 : memref<1x1x128xi32, #tpu.memory_space<hbm>> -> memref<128xi32, #tpu.memory_space<hbm>>
    tpu.wait_dma2 semaphore(%arg13 : memref<!tpu.dma_semaphore, #tpu.memory_space<semaphore_mem>>) src(%dma_wait3A_56 : memref<128xi32, #tpu.memory_space<hbm>>) dst(%arg6 : memref<128xi32, #tpu.memory_space<vmem>>)
    %dma_wait3A_57 = arith.constant 0 : i32
    %dma_wait3A_58 = arith.constant 0 : i32
    %dma_wait3A_59 = tpu.memref_slice %arg3[%add3A, %dma_wait3A_57, %dma_wait3A_58] : memref<32x80x128xi32, #tpu.memory_space<hbm>> -> memref<1x1x128xi32, #tpu.memory_space<hbm>>
    %dma_wait3A_60 = tpu.memref_squeeze %dma_wait3A_59 : memref<1x1x128xi32, #tpu.memory_space<hbm>> -> memref<128xi32, #tpu.memory_space<hbm>>
    %dma_wait3A_61 = arith.constant 0 : i32
    %dma_wait3A_62 = tpu.memref_slice %arg3[%add3A, %dma_wait3A_57, %dma_wait3A_61] : memref<32x80x128xi32, #tpu.memory_space<hbm>> -> memref<1x1x128xi32, #tpu.memory_space<hbm>>
    %dma_wait3A_63 = tpu.memref_squeeze %dma_wait3A_62 : memref<1x1x128xi32, #tpu.memory_space<hbm>> -> memref<128xi32, #tpu.memory_space<hbm>>
    tpu.wait_dma2 semaphore(%arg13 : memref<!tpu.dma_semaphore, #tpu.memory_space<semaphore_mem>>) src(%dma_wait3A_63 : memref<128xi32, #tpu.memory_space<hbm>>) dst(%arg7 : memref<128xi32, #tpu.memory_space<vmem>>)
    %dma_wait3A_64 = arith.constant 0 : i32
    %dma_wait3A_65 = arith.constant 0 : i32
    %dma_wait3A_66 = tpu.memref_slice %arg2[%add3A, %dma_wait3A_64, %dma_wait3A_65] : memref<32x80x128xi32, #tpu.memory_space<hbm>> -> memref<1x1x128xi32, #tpu.memory_space<hbm>>
    %dma_wait3A_67 = tpu.memref_squeeze %dma_wait3A_66 : memref<1x1x128xi32, #tpu.memory_space<hbm>> -> memref<128xi32, #tpu.memory_space<hbm>>
    %dma_wait3A_68 = arith.constant 0 : i32
    %dma_wait3A_69 = tpu.memref_slice %arg2[%add3A, %dma_wait3A_64, %dma_wait3A_68] : memref<32x80x128xi32, #tpu.memory_space<hbm>> -> memref<1x1x128xi32, #tpu.memory_space<hbm>>
    %dma_wait3A_70 = tpu.memref_squeeze %dma_wait3A_69 : memref<1x1x128xi32, #tpu.memory_space<hbm>> -> memref<128xi32, #tpu.memory_space<hbm>>
    tpu.wait_dma2 semaphore(%arg14 : memref<!tpu.dma_semaphore, #tpu.memory_space<semaphore_mem>>) src(%dma_wait3A_70 : memref<128xi32, #tpu.memory_space<hbm>>) dst(%arg8 : memref<128xi32, #tpu.memory_space<vmem>>)
    %dma_wait3A_71 = arith.constant 0 : i32
    %dma_wait3A_72 = arith.constant 0 : i32
    %dma_wait3A_73 = tpu.memref_slice %arg3[%add3A, %dma_wait3A_71, %dma_wait3A_72] : memref<32x80x128xi32, #tpu.memory_space<hbm>> -> memref<1x1x128xi32, #tpu.memory_space<hbm>>
    %dma_wait3A_74 = tpu.memref_squeeze %dma_wait3A_73 : memref<1x1x128xi32, #tpu.memory_space<hbm>> -> memref<128xi32, #tpu.memory_space<hbm>>
    %dma_wait3A_75 = arith.constant 0 : i32
    %dma_wait3A_76 = tpu.memref_slice %arg3[%add3A, %dma_wait3A_71, %dma_wait3A_75] : memref<32x80x128xi32, #tpu.memory_space<hbm>> -> memref<1x1x128xi32, #tpu.memory_space<hbm>>
    %dma_wait3A_77 = tpu.memref_squeeze %dma_wait3A_76 : memref<1x1x128xi32, #tpu.memory_space<hbm>> -> memref<128xi32, #tpu.memory_space<hbm>>
    tpu.wait_dma2 semaphore(%arg14 : memref<!tpu.dma_semaphore, #tpu.memory_space<semaphore_mem>>) src(%dma_wait3A_77 : memref<128xi32, #tpu.memory_space<hbm>>) dst(%arg9 : memref<128xi32, #tpu.memory_space<vmem>>)
    %barrier3A_78 = arith.constant 0 : index
    tpu.barrier barrier_id(%barrier3A_78)
    %mul3A_79 = arith.constant 640 : i32
    %mul3A_80 = arith.muli %arg1, %mul3A_79 : i32
    "tpu.region"() ({
      %run_scoped3A = tpu.sem_alloc : memref<!tpu.dma_semaphore, #tpu.memory_space<semaphore_mem>>
      %dma_start3A_81 = arith.constant 0 : i32
      %dma_start3A_82 = tpu.memref_slice %arg5[%arg0, %mul3A_80, %dma_start3A_81] : memref<2x10240x128xf32, #tpu.memory_space<hbm>> -> memref<1x640x128xf32, #tpu.memory_space<hbm>>
      %dma_start3A_83 = tpu.memref_squeeze %dma_start3A_82 : memref<1x640x128xf32, #tpu.memory_space<hbm>> -> memref<640x128xf32, #tpu.memory_space<hbm>>
      %dma_start3A_84 = arith.constant 0 : i32
      %dma_start3A_85 = tpu.memref_slice %arg12[%mul3A_80, %dma_start3A_84] : memref<10240x128xf32, #tpu.memory_space<vmem_shared>> -> memref<640x128xf32, #tpu.memory_space<vmem_shared>>
      tpu.enqueue_dma source(%dma_start3A_85 : memref<640x128xf32, #tpu.memory_space<vmem_shared>>) target(%dma_start3A_83 : memref<640x128xf32, #tpu.memory_space<hbm>>) target_semaphore(%run_scoped3A : memref<!tpu.dma_semaphore, #tpu.memory_space<semaphore_mem>>)
      %dma_wait3A_86 = arith.constant 0 : i32
      %dma_wait3A_87 = tpu.memref_slice %arg5[%arg0, %mul3A_80, %dma_wait3A_86] : memref<2x10240x128xf32, #tpu.memory_space<hbm>> -> memref<1x640x128xf32, #tpu.memory_space<hbm>>
      %dma_wait3A_88 = tpu.memref_squeeze %dma_wait3A_87 : memref<1x640x128xf32, #tpu.memory_space<hbm>> -> memref<640x128xf32, #tpu.memory_space<hbm>>
      %dma_wait3A_89 = arith.constant 0 : i32
      %dma_wait3A_90 = tpu.memref_slice %arg12[%mul3A_80, %dma_wait3A_89] : memref<10240x128xf32, #tpu.memory_space<vmem_shared>> -> memref<640x128xf32, #tpu.memory_space<vmem_shared>>
      tpu.wait_dma2 semaphore(%run_scoped3A : memref<!tpu.dma_semaphore, #tpu.memory_space<semaphore_mem>>) src(%dma_wait3A_90 : memref<640x128xf32, #tpu.memory_space<vmem_shared>>) dst(%dma_wait3A_88 : memref<640x128xf32, #tpu.memory_space<hbm>>)
      tpu.yield
    }) : () -> ()
    return
  }
}

#map = affine_map<(d0, d1) -> (0, 0, 0)>
module attributes {stable_mosaic.version = 14 : i64} {
  func.func @_deg(%arg0: i32, %arg1: i32, %arg2: memref<32x80x128xi32, #tpu.memory_space<hbm>>, %arg3: memref<2x10240x128xf32, #tpu.memory_space<hbm>>, %arg4: memref<80x128xi32, #tpu.memory_space<vmem>>, %arg5: memref<128x128xf32, #tpu.memory_space<vmem>>, %arg6: memref<10240x128xf32, #tpu.memory_space<vmem_shared>>, %arg7: memref<!tpu.dma_semaphore, #tpu.memory_space<semaphore_mem>>) attributes {dimension_semantics = [#tpu.dimension_semantics<core_parallel>, #tpu.dimension_semantics<subcore_parallel>], iteration_bounds = array<i64: 2, 16>, scalar_prefetch = 0 : i64, scratch_operands = 4 : i64, tpu.core_type = #tpu.core_type<sc_vector_subcore>, window_params = [{transform_indices = #map}, {transform_indices = #map}]} {
    %mul3A = arith.constant 2 : i32
    %mul3A_0 = arith.muli %arg1, %mul3A : i32
    %add3A = arith.addi %mul3A_0, %arg0 : i32
    %scan3A = arith.constant 0 : i32
    %scan3A_1 = arith.constant 0 : i32
    %scan3A_2 = arith.constant 1024 : i32
    %scan3A_3 = arith.addi %scan3A_1, %scan3A_2 : i32
    %scan3A_4 = arith.constant 1 : i32
    scf.for %scan3A_33 = %scan3A_1 to %scan3A_3 step %scan3A_4  : i32 {
      %jit3A = arith.constant 8 : i32
      %div3A = arith.divsi %scan3A_33, %jit3A : i32
      %sign3A = arith.constant 0 : i32
      %sign3A_34 = arith.cmpi sgt, %scan3A_33, %sign3A : i32
      %sign3A_35 = arith.extui %sign3A_34 : i1 to i32
      %sign3A_36 = arith.constant 0 : i32
      %sign3A_37 = arith.cmpi slt, %scan3A_33, %sign3A_36 : i32
      %sign3A_38 = arith.extui %sign3A_37 : i1 to i32
      %sign3A_39 = arith.subi %sign3A_35, %sign3A_38 : i32
      %sign3A_40 = arith.constant 0 : i32
      %sign3A_41 = arith.cmpi sgt, %jit3A, %sign3A_40 : i32
      %sign3A_42 = arith.extui %sign3A_41 : i1 to i32
      %sign3A_43 = arith.constant 0 : i32
      %sign3A_44 = arith.cmpi slt, %jit3A, %sign3A_43 : i32
      %sign3A_45 = arith.extui %sign3A_44 : i1 to i32
      %sign3A_46 = arith.subi %sign3A_42, %sign3A_45 : i32
      %ne3A = arith.cmpi ne, %sign3A_39, %sign3A_46 : i32
      %rem3A = arith.remsi %scan3A_33, %jit3A : i32
      %ne3A_47 = arith.constant 0 : i32
      %ne3A_48 = arith.cmpi ne, %rem3A, %ne3A_47 : i32
      %and3A = arith.andi %ne3A, %ne3A_48 : i1
      %sub3A = arith.constant 1 : i32
      %sub3A_49 = arith.subi %div3A, %sub3A : i32
      %select_n3A = arith.select %and3A, %sub3A_49, %div3A : i32
      %mul3A_50 = arith.constant 8 : i32
      %mul3A_51 = arith.muli %select_n3A, %mul3A_50 : i32
      %sub3A_52 = arith.subi %scan3A_33, %mul3A_51 : i32
      %broadcast_in_dim3A = arith.constant 0.000000e+00 : f32
      %broadcast_in_dim3A_53 = vector.broadcast %broadcast_in_dim3A : f32 to vector<16xf32>
      %mul3A_54 = arith.constant 16 : i32
      %mul3A_55 = arith.muli %sub3A_52, %mul3A_54 : i32
      %swap3A = arith.index_cast %select_n3A : i32 to index
      %swap3A_56 = arith.index_cast %mul3A_55 : i32 to index
      %swap3A_57 = tpu.vector_load %arg5[%swap3A, %swap3A_56] {strides = array<i32>} : memref<128x128xf32, #tpu.memory_space<vmem>>, vector<1x16xf32>,
      %swap3A_58 = vector.shape_cast %swap3A_57 : vector<1x16xf32> to vector<16xf32>
      %swap3A_59 = vector.shape_cast %broadcast_in_dim3A_53 : vector<16xf32> to vector<1x16xf32>
      tpu.vector_store %arg5[%swap3A, %swap3A_56], %swap3A_59 {strides = array<i32>} : memref<128x128xf32, #tpu.memory_space<vmem>>, vector<1x16xf32>,
    }
    %scan3A_5 = arith.constant 1024 : i32
    %mul3A_6 = arith.constant 640 : i32
    %mul3A_7 = arith.muli %arg1, %mul3A_6 : i32
    %add3A_8 = arith.constant 0 : i32
    %add3A_9 = arith.addi %mul3A_7, %add3A_8 : i32
    "tpu.region"() ({
      %run_scoped3A = tpu.sem_alloc : memref<!tpu.dma_semaphore, #tpu.memory_space<semaphore_mem>>
      %dma_start3A = arith.constant 0 : i32
      %dma_start3A_33 = tpu.memref_slice %arg6[%add3A_9, %dma_start3A] : memref<10240x128xf32, #tpu.memory_space<vmem_shared>> -> memref<128x128xf32, #tpu.memory_space<vmem_shared>>
      %dma_start3A_34 = arith.constant 0 : i32
      %dma_start3A_35 = tpu.memref_slice %arg6[%add3A_9, %dma_start3A_34] : memref<10240x128xf32, #tpu.memory_space<vmem_shared>> -> memref<128x128xf32, #tpu.memory_space<vmem_shared>>
      tpu.enqueue_dma source(%arg5 : memref<128x128xf32, #tpu.memory_space<vmem>>) target(%dma_start3A_35 : memref<128x128xf32, #tpu.memory_space<vmem_shared>>) target_semaphore(%run_scoped3A : memref<!tpu.dma_semaphore, #tpu.memory_space<semaphore_mem>>)
      %dma_wait3A = arith.constant 0 : i32
      %dma_wait3A_36 = tpu.memref_slice %arg6[%add3A_9, %dma_wait3A] : memref<10240x128xf32, #tpu.memory_space<vmem_shared>> -> memref<128x128xf32, #tpu.memory_space<vmem_shared>>
      %dma_wait3A_37 = arith.constant 0 : i32
      %dma_wait3A_38 = tpu.memref_slice %arg6[%add3A_9, %dma_wait3A_37] : memref<10240x128xf32, #tpu.memory_space<vmem_shared>> -> memref<128x128xf32, #tpu.memory_space<vmem_shared>>
      tpu.wait_dma2 semaphore(%run_scoped3A : memref<!tpu.dma_semaphore, #tpu.memory_space<semaphore_mem>>) src(%arg5 : memref<128x128xf32, #tpu.memory_space<vmem>>) dst(%dma_wait3A_38 : memref<128x128xf32, #tpu.memory_space<vmem_shared>>)
      tpu.yield
    }) : () -> ()
    %add3A_10 = arith.constant 128 : i32
    %add3A_11 = arith.addi %mul3A_7, %add3A_10 : i32
    "tpu.region"() ({
      %run_scoped3A = tpu.sem_alloc : memref<!tpu.dma_semaphore, #tpu.memory_space<semaphore_mem>>
      %dma_start3A = arith.constant 0 : i32
      %dma_start3A_33 = tpu.memref_slice %arg6[%add3A_11, %dma_start3A] : memref<10240x128xf32, #tpu.memory_space<vmem_shared>> -> memref<128x128xf32, #tpu.memory_space<vmem_shared>>
      %dma_start3A_34 = arith.constant 0 : i32
      %dma_start3A_35 = tpu.memref_slice %arg6[%add3A_11, %dma_start3A_34] : memref<10240x128xf32, #tpu.memory_space<vmem_shared>> -> memref<128x128xf32, #tpu.memory_space<vmem_shared>>
      tpu.enqueue_dma source(%arg5 : memref<128x128xf32, #tpu.memory_space<vmem>>) target(%dma_start3A_35 : memref<128x128xf32, #tpu.memory_space<vmem_shared>>) target_semaphore(%run_scoped3A : memref<!tpu.dma_semaphore, #tpu.memory_space<semaphore_mem>>)
      %dma_wait3A = arith.constant 0 : i32
      %dma_wait3A_36 = tpu.memref_slice %arg6[%add3A_11, %dma_wait3A] : memref<10240x128xf32, #tpu.memory_space<vmem_shared>> -> memref<128x128xf32, #tpu.memory_space<vmem_shared>>
      %dma_wait3A_37 = arith.constant 0 : i32
      %dma_wait3A_38 = tpu.memref_slice %arg6[%add3A_11, %dma_wait3A_37] : memref<10240x128xf32, #tpu.memory_space<vmem_shared>> -> memref<128x128xf32, #tpu.memory_space<vmem_shared>>
      tpu.wait_dma2 semaphore(%run_scoped3A : memref<!tpu.dma_semaphore, #tpu.memory_space<semaphore_mem>>) src(%arg5 : memref<128x128xf32, #tpu.memory_space<vmem>>) dst(%dma_wait3A_38 : memref<128x128xf32, #tpu.memory_space<vmem_shared>>)
      tpu.yield
    }) : () -> ()
    %add3A_12 = arith.constant 256 : i32
    %add3A_13 = arith.addi %mul3A_7, %add3A_12 : i32
    "tpu.region"() ({
      %run_scoped3A = tpu.sem_alloc : memref<!tpu.dma_semaphore, #tpu.memory_space<semaphore_mem>>
      %dma_start3A = arith.constant 0 : i32
      %dma_start3A_33 = tpu.memref_slice %arg6[%add3A_13, %dma_start3A] : memref<10240x128xf32, #tpu.memory_space<vmem_shared>> -> memref<128x128xf32, #tpu.memory_space<vmem_shared>>
      %dma_start3A_34 = arith.constant 0 : i32
      %dma_start3A_35 = tpu.memref_slice %arg6[%add3A_13, %dma_start3A_34] : memref<10240x128xf32, #tpu.memory_space<vmem_shared>> -> memref<128x128xf32, #tpu.memory_space<vmem_shared>>
      tpu.enqueue_dma source(%arg5 : memref<128x128xf32, #tpu.memory_space<vmem>>) target(%dma_start3A_35 : memref<128x128xf32, #tpu.memory_space<vmem_shared>>) target_semaphore(%run_scoped3A : memref<!tpu.dma_semaphore, #tpu.memory_space<semaphore_mem>>)
      %dma_wait3A = arith.constant 0 : i32
      %dma_wait3A_36 = tpu.memref_slice %arg6[%add3A_13, %dma_wait3A] : memref<10240x128xf32, #tpu.memory_space<vmem_shared>> -> memref<128x128xf32, #tpu.memory_space<vmem_shared>>
      %dma_wait3A_37 = arith.constant 0 : i32
      %dma_wait3A_38 = tpu.memref_slice %arg6[%add3A_13, %dma_wait3A_37] : memref<10240x128xf32, #tpu.memory_space<vmem_shared>> -> memref<128x128xf32, #tpu.memory_space<vmem_shared>>
      tpu.wait_dma2 semaphore(%run_scoped3A : memref<!tpu.dma_semaphore, #tpu.memory_space<semaphore_mem>>) src(%arg5 : memref<128x128xf32, #tpu.memory_space<vmem>>) dst(%dma_wait3A_38 : memref<128x128xf32, #tpu.memory_space<vmem_shared>>)
      tpu.yield
    }) : () -> ()
    %add3A_14 = arith.constant 384 : i32
    %add3A_15 = arith.addi %mul3A_7, %add3A_14 : i32
    "tpu.region"() ({
      %run_scoped3A = tpu.sem_alloc : memref<!tpu.dma_semaphore, #tpu.memory_space<semaphore_mem>>
      %dma_start3A = arith.constant 0 : i32
      %dma_start3A_33 = tpu.memref_slice %arg6[%add3A_15, %dma_start3A] : memref<10240x128xf32, #tpu.memory_space<vmem_shared>> -> memref<128x128xf32, #tpu.memory_space<vmem_shared>>
      %dma_start3A_34 = arith.constant 0 : i32
      %dma_start3A_35 = tpu.memref_slice %arg6[%add3A_15, %dma_start3A_34] : memref<10240x128xf32, #tpu.memory_space<vmem_shared>> -> memref<128x128xf32, #tpu.memory_space<vmem_shared>>
      tpu.enqueue_dma source(%arg5 : memref<128x128xf32, #tpu.memory_space<vmem>>) target(%dma_start3A_35 : memref<128x128xf32, #tpu.memory_space<vmem_shared>>) target_semaphore(%run_scoped3A : memref<!tpu.dma_semaphore, #tpu.memory_space<semaphore_mem>>)
      %dma_wait3A = arith.constant 0 : i32
      %dma_wait3A_36 = tpu.memref_slice %arg6[%add3A_15, %dma_wait3A] : memref<10240x128xf32, #tpu.memory_space<vmem_shared>> -> memref<128x128xf32, #tpu.memory_space<vmem_shared>>
      %dma_wait3A_37 = arith.constant 0 : i32
      %dma_wait3A_38 = tpu.memref_slice %arg6[%add3A_15, %dma_wait3A_37] : memref<10240x128xf32, #tpu.memory_space<vmem_shared>> -> memref<128x128xf32, #tpu.memory_space<vmem_shared>>
      tpu.wait_dma2 semaphore(%run_scoped3A : memref<!tpu.dma_semaphore, #tpu.memory_space<semaphore_mem>>) src(%arg5 : memref<128x128xf32, #tpu.memory_space<vmem>>) dst(%dma_wait3A_38 : memref<128x128xf32, #tpu.memory_space<vmem_shared>>)
      tpu.yield
    }) : () -> ()
    %add3A_16 = arith.constant 512 : i32
    %add3A_17 = arith.addi %mul3A_7, %add3A_16 : i32
    "tpu.region"() ({
      %run_scoped3A = tpu.sem_alloc : memref<!tpu.dma_semaphore, #tpu.memory_space<semaphore_mem>>
      %dma_start3A = arith.constant 0 : i32
      %dma_start3A_33 = tpu.memref_slice %arg6[%add3A_17, %dma_start3A] : memref<10240x128xf32, #tpu.memory_space<vmem_shared>> -> memref<128x128xf32, #tpu.memory_space<vmem_shared>>
      %dma_start3A_34 = arith.constant 0 : i32
      %dma_start3A_35 = tpu.memref_slice %arg6[%add3A_17, %dma_start3A_34] : memref<10240x128xf32, #tpu.memory_space<vmem_shared>> -> memref<128x128xf32, #tpu.memory_space<vmem_shared>>
      tpu.enqueue_dma source(%arg5 : memref<128x128xf32, #tpu.memory_space<vmem>>) target(%dma_start3A_35 : memref<128x128xf32, #tpu.memory_space<vmem_shared>>) target_semaphore(%run_scoped3A : memref<!tpu.dma_semaphore, #tpu.memory_space<semaphore_mem>>)
      %dma_wait3A = arith.constant 0 : i32
      %dma_wait3A_36 = tpu.memref_slice %arg6[%add3A_17, %dma_wait3A] : memref<10240x128xf32, #tpu.memory_space<vmem_shared>> -> memref<128x128xf32, #tpu.memory_space<vmem_shared>>
      %dma_wait3A_37 = arith.constant 0 : i32
      %dma_wait3A_38 = tpu.memref_slice %arg6[%add3A_17, %dma_wait3A_37] : memref<10240x128xf32, #tpu.memory_space<vmem_shared>> -> memref<128x128xf32, #tpu.memory_space<vmem_shared>>
      tpu.wait_dma2 semaphore(%run_scoped3A : memref<!tpu.dma_semaphore, #tpu.memory_space<semaphore_mem>>) src(%arg5 : memref<128x128xf32, #tpu.memory_space<vmem>>) dst(%dma_wait3A_38 : memref<128x128xf32, #tpu.memory_space<vmem_shared>>)
      tpu.yield
    }) : () -> ()
    %scan3A_18 = arith.constant 0 : i32
    %scan3A_19 = arith.constant 0 : i32
    %scan3A_20 = arith.constant 1024 : i32
    %scan3A_21 = arith.addi %scan3A_19, %scan3A_20 : i32
    %scan3A_22 = arith.constant 1 : i32
    scf.for %scan3A_33 = %scan3A_19 to %scan3A_21 step %scan3A_22  : i32 {
      %jit3A = arith.constant 8 : i32
      %div3A = arith.divsi %scan3A_33, %jit3A : i32
      %sign3A = arith.constant 0 : i32
      %sign3A_34 = arith.cmpi sgt, %scan3A_33, %sign3A : i32
      %sign3A_35 = arith.extui %sign3A_34 : i1 to i32
      %sign3A_36 = arith.constant 0 : i32
      %sign3A_37 = arith.cmpi slt, %scan3A_33, %sign3A_36 : i32
      %sign3A_38 = arith.extui %sign3A_37 : i1 to i32
      %sign3A_39 = arith.subi %sign3A_35, %sign3A_38 : i32
      %sign3A_40 = arith.constant 0 : i32
      %sign3A_41 = arith.cmpi sgt, %jit3A, %sign3A_40 : i32
      %sign3A_42 = arith.extui %sign3A_41 : i1 to i32
      %sign3A_43 = arith.constant 0 : i32
      %sign3A_44 = arith.cmpi slt, %jit3A, %sign3A_43 : i32
      %sign3A_45 = arith.extui %sign3A_44 : i1 to i32
      %sign3A_46 = arith.subi %sign3A_42, %sign3A_45 : i32
      %ne3A = arith.cmpi ne, %sign3A_39, %sign3A_46 : i32
      %rem3A = arith.remsi %scan3A_33, %jit3A : i32
      %ne3A_47 = arith.constant 0 : i32
      %ne3A_48 = arith.cmpi ne, %rem3A, %ne3A_47 : i32
      %and3A = arith.andi %ne3A, %ne3A_48 : i1
      %sub3A = arith.constant 1 : i32
      %sub3A_49 = arith.subi %div3A, %sub3A : i32
      %select_n3A = arith.select %and3A, %sub3A_49, %div3A : i32
      %mul3A_50 = arith.constant 8 : i32
      %mul3A_51 = arith.muli %select_n3A, %mul3A_50 : i32
      %sub3A_52 = arith.subi %scan3A_33, %mul3A_51 : i32
      %broadcast_in_dim3A = arith.constant 1.000000e+00 : f32
      %broadcast_in_dim3A_53 = vector.broadcast %broadcast_in_dim3A : f32 to vector<16xf32>
      %mul3A_54 = arith.constant 16 : i32
      %mul3A_55 = arith.muli %sub3A_52, %mul3A_54 : i32
      %swap3A = arith.index_cast %select_n3A : i32 to index
      %swap3A_56 = arith.index_cast %mul3A_55 : i32 to index
      %swap3A_57 = tpu.vector_load %arg5[%swap3A, %swap3A_56] {strides = array<i32>} : memref<128x128xf32, #tpu.memory_space<vmem>>, vector<1x16xf32>,
      %swap3A_58 = vector.shape_cast %swap3A_57 : vector<1x16xf32> to vector<16xf32>
      %swap3A_59 = vector.shape_cast %broadcast_in_dim3A_53 : vector<16xf32> to vector<1x16xf32>
      tpu.vector_store %arg5[%swap3A, %swap3A_56], %swap3A_59 {strides = array<i32>} : memref<128x128xf32, #tpu.memory_space<vmem>>, vector<1x16xf32>,
    }
    %scan3A_23 = arith.constant 1024 : i32
    "tpu.region"() ({
      %run_scoped3A = tpu.sem_alloc : memref<!tpu.dma_semaphore, #tpu.memory_space<semaphore_mem>>
      %dma_start3A = arith.constant 0 : i32
      %dma_start3A_33 = arith.constant 0 : i32
      %dma_start3A_34 = tpu.memref_slice %arg2[%add3A, %dma_start3A, %dma_start3A_33] : memref<32x80x128xi32, #tpu.memory_space<hbm>> -> memref<1x80x128xi32, #tpu.memory_space<hbm>>
      %dma_start3A_35 = tpu.memref_squeeze %dma_start3A_34 : memref<1x80x128xi32, #tpu.memory_space<hbm>> -> memref<80x128xi32, #tpu.memory_space<hbm>>
      %dma_start3A_36 = arith.constant 0 : i32
      %dma_start3A_37 = arith.constant 0 : i32
      %dma_start3A_38 = tpu.memref_slice %arg2[%add3A, %dma_start3A_36, %dma_start3A_37] : memref<32x80x128xi32, #tpu.memory_space<hbm>> -> memref<1x80x128xi32, #tpu.memory_space<hbm>>
      %dma_start3A_39 = tpu.memref_squeeze %dma_start3A_38 : memref<1x80x128xi32, #tpu.memory_space<hbm>> -> memref<80x128xi32, #tpu.memory_space<hbm>>
      tpu.enqueue_dma source(%dma_start3A_39 : memref<80x128xi32, #tpu.memory_space<hbm>>) target(%arg4 : memref<80x128xi32, #tpu.memory_space<vmem>>) target_semaphore(%run_scoped3A : memref<!tpu.dma_semaphore, #tpu.memory_space<semaphore_mem>>)
      %dma_wait3A = arith.constant 0 : i32
      %dma_wait3A_40 = arith.constant 0 : i32
      %dma_wait3A_41 = tpu.memref_slice %arg2[%add3A, %dma_wait3A, %dma_wait3A_40] : memref<32x80x128xi32, #tpu.memory_space<hbm>> -> memref<1x80x128xi32, #tpu.memory_space<hbm>>
      %dma_wait3A_42 = tpu.memref_squeeze %dma_wait3A_41 : memref<1x80x128xi32, #tpu.memory_space<hbm>> -> memref<80x128xi32, #tpu.memory_space<hbm>>
      %dma_wait3A_43 = arith.constant 0 : i32
      %dma_wait3A_44 = arith.constant 0 : i32
      %dma_wait3A_45 = tpu.memref_slice %arg2[%add3A, %dma_wait3A_43, %dma_wait3A_44] : memref<32x80x128xi32, #tpu.memory_space<hbm>> -> memref<1x80x128xi32, #tpu.memory_space<hbm>>
      %dma_wait3A_46 = tpu.memref_squeeze %dma_wait3A_45 : memref<1x80x128xi32, #tpu.memory_space<hbm>> -> memref<80x128xi32, #tpu.memory_space<hbm>>
      tpu.wait_dma2 semaphore(%run_scoped3A : memref<!tpu.dma_semaphore, #tpu.memory_space<semaphore_mem>>) src(%dma_wait3A_46 : memref<80x128xi32, #tpu.memory_space<hbm>>) dst(%arg4 : memref<80x128xi32, #tpu.memory_space<vmem>>)
      tpu.yield
    }) : () -> ()
    %barrier3A = arith.constant 0 : index
    tpu.barrier barrier_id(%barrier3A)
    %scan3A_24 = arith.constant 0 : i32
    %scan3A_25 = arith.constant 0 : i32
    %scan3A_26 = arith.constant 10 : i32
    %scan3A_27 = arith.addi %scan3A_25, %scan3A_26 : i32
    %scan3A_28 = arith.constant 1 : i32
    scf.for %scan3A_33 = %scan3A_25 to %scan3A_27 step %scan3A_28  : i32 {
      %mul3A_34 = arith.constant 8 : i32
      %mul3A_35 = arith.muli %scan3A_33, %mul3A_34 : i32
      %add3A_36 = arith.constant 0 : i32
      %add3A_37 = arith.addi %mul3A_35, %add3A_36 : i32
      %dma_start3A = arith.constant 0 : i32
      %dma_start3A_38 = tpu.memref_slice %arg4[%add3A_37, %dma_start3A] : memref<80x128xi32, #tpu.memory_space<vmem>> -> memref<1x128xi32, #tpu.memory_space<vmem>>
      %dma_start3A_39 = tpu.memref_squeeze %dma_start3A_38 : memref<1x128xi32, #tpu.memory_space<vmem>> -> memref<128xi32, #tpu.memory_space<vmem>>
      %dma_start3A_40 = arith.constant 0 : i32
      %dma_start3A_41 = arith.constant 0 : i32
      %dma_start3A_42 = tpu.memref_slice %arg6[%dma_start3A_40, %dma_start3A_41] : memref<10240x128xf32, #tpu.memory_space<vmem_shared>> -> memref<10240x128xf32, #tpu.memory_space<vmem_shared>>
      tpu.enqueue_indirect_dma source(%arg5 : memref<128x128xf32, #tpu.memory_space<vmem>>) target(%dma_start3A_42 : memref<10240x128xf32, #tpu.memory_space<vmem_shared>>) offsets(%dma_start3A_39 : memref<128xi32, #tpu.memory_space<vmem>>) semaphore(%arg7 : memref<!tpu.dma_semaphore, #tpu.memory_space<semaphore_mem>>) {add = true}
      %mul3A_43 = arith.constant 8 : i32
      %mul3A_44 = arith.muli %scan3A_33, %mul3A_43 : i32
      %add3A_45 = arith.constant 1 : i32
      %add3A_46 = arith.addi %mul3A_44, %add3A_45 : i32
      %dma_start3A_47 = arith.constant 0 : i32
      %dma_start3A_48 = tpu.memref_slice %arg4[%add3A_46, %dma_start3A_47] : memref<80x128xi32, #tpu.memory_space<vmem>> -> memref<1x128xi32, #tpu.memory_space<vmem>>
      %dma_start3A_49 = tpu.memref_squeeze %dma_start3A_48 : memref<1x128xi32, #tpu.memory_space<vmem>> -> memref<128xi32, #tpu.memory_space<vmem>>
      %dma_start3A_50 = arith.constant 0 : i32
      %dma_start3A_51 = arith.constant 0 : i32
      %dma_start3A_52 = tpu.memref_slice %arg6[%dma_start3A_50, %dma_start3A_51] : memref<10240x128xf32, #tpu.memory_space<vmem_shared>> -> memref<10240x128xf32, #tpu.memory_space<vmem_shared>>
      tpu.enqueue_indirect_dma source(%arg5 : memref<128x128xf32, #tpu.memory_space<vmem>>) target(%dma_start3A_52 : memref<10240x128xf32, #tpu.memory_space<vmem_shared>>) offsets(%dma_start3A_49 : memref<128xi32, #tpu.memory_space<vmem>>) semaphore(%arg7 : memref<!tpu.dma_semaphore, #tpu.memory_space<semaphore_mem>>) {add = true}
      %mul3A_53 = arith.constant 8 : i32
      %mul3A_54 = arith.muli %scan3A_33, %mul3A_53 : i32
      %add3A_55 = arith.constant 2 : i32
      %add3A_56 = arith.addi %mul3A_54, %add3A_55 : i32
      %dma_start3A_57 = arith.constant 0 : i32
      %dma_start3A_58 = tpu.memref_slice %arg4[%add3A_56, %dma_start3A_57] : memref<80x128xi32, #tpu.memory_space<vmem>> -> memref<1x128xi32, #tpu.memory_space<vmem>>
      %dma_start3A_59 = tpu.memref_squeeze %dma_start3A_58 : memref<1x128xi32, #tpu.memory_space<vmem>> -> memref<128xi32, #tpu.memory_space<vmem>>
      %dma_start3A_60 = arith.constant 0 : i32
      %dma_start3A_61 = arith.constant 0 : i32
      %dma_start3A_62 = tpu.memref_slice %arg6[%dma_start3A_60, %dma_start3A_61] : memref<10240x128xf32, #tpu.memory_space<vmem_shared>> -> memref<10240x128xf32, #tpu.memory_space<vmem_shared>>
      tpu.enqueue_indirect_dma source(%arg5 : memref<128x128xf32, #tpu.memory_space<vmem>>) target(%dma_start3A_62 : memref<10240x128xf32, #tpu.memory_space<vmem_shared>>) offsets(%dma_start3A_59 : memref<128xi32, #tpu.memory_space<vmem>>) semaphore(%arg7 : memref<!tpu.dma_semaphore, #tpu.memory_space<semaphore_mem>>) {add = true}
      %mul3A_63 = arith.constant 8 : i32
      %mul3A_64 = arith.muli %scan3A_33, %mul3A_63 : i32
      %add3A_65 = arith.constant 3 : i32
      %add3A_66 = arith.addi %mul3A_64, %add3A_65 : i32
      %dma_start3A_67 = arith.constant 0 : i32
      %dma_start3A_68 = tpu.memref_slice %arg4[%add3A_66, %dma_start3A_67] : memref<80x128xi32, #tpu.memory_space<vmem>> -> memref<1x128xi32, #tpu.memory_space<vmem>>
      %dma_start3A_69 = tpu.memref_squeeze %dma_start3A_68 : memref<1x128xi32, #tpu.memory_space<vmem>> -> memref<128xi32, #tpu.memory_space<vmem>>
      %dma_start3A_70 = arith.constant 0 : i32
      %dma_start3A_71 = arith.constant 0 : i32
      %dma_start3A_72 = tpu.memref_slice %arg6[%dma_start3A_70, %dma_start3A_71] : memref<10240x128xf32, #tpu.memory_space<vmem_shared>> -> memref<10240x128xf32, #tpu.memory_space<vmem_shared>>
      tpu.enqueue_indirect_dma source(%arg5 : memref<128x128xf32, #tpu.memory_space<vmem>>) target(%dma_start3A_72 : memref<10240x128xf32, #tpu.memory_space<vmem_shared>>) offsets(%dma_start3A_69 : memref<128xi32, #tpu.memory_space<vmem>>) semaphore(%arg7 : memref<!tpu.dma_semaphore, #tpu.memory_space<semaphore_mem>>) {add = true}
      %mul3A_73 = arith.constant 8 : i32
      %mul3A_74 = arith.muli %scan3A_33, %mul3A_73 : i32
      %add3A_75 = arith.constant 4 : i32
      %add3A_76 = arith.addi %mul3A_74, %add3A_75 : i32
      %dma_start3A_77 = arith.constant 0 : i32
      %dma_start3A_78 = tpu.memref_slice %arg4[%add3A_76, %dma_start3A_77] : memref<80x128xi32, #tpu.memory_space<vmem>> -> memref<1x128xi32, #tpu.memory_space<vmem>>
      %dma_start3A_79 = tpu.memref_squeeze %dma_start3A_78 : memref<1x128xi32, #tpu.memory_space<vmem>> -> memref<128xi32, #tpu.memory_space<vmem>>
      %dma_start3A_80 = arith.constant 0 : i32
      %dma_start3A_81 = arith.constant 0 : i32
      %dma_start3A_82 = tpu.memref_slice %arg6[%dma_start3A_80, %dma_start3A_81] : memref<10240x128xf32, #tpu.memory_space<vmem_shared>> -> memref<10240x128xf32, #tpu.memory_space<vmem_shared>>
      tpu.enqueue_indirect_dma source(%arg5 : memref<128x128xf32, #tpu.memory_space<vmem>>) target(%dma_start3A_82 : memref<10240x128xf32, #tpu.memory_space<vmem_shared>>) offsets(%dma_start3A_79 : memref<128xi32, #tpu.memory_space<vmem>>) semaphore(%arg7 : memref<!tpu.dma_semaphore, #tpu.memory_space<semaphore_mem>>) {add = true}
      %mul3A_83 = arith.constant 8 : i32
      %mul3A_84 = arith.muli %scan3A_33, %mul3A_83 : i32
      %add3A_85 = arith.constant 5 : i32
      %add3A_86 = arith.addi %mul3A_84, %add3A_85 : i32
      %dma_start3A_87 = arith.constant 0 : i32
      %dma_start3A_88 = tpu.memref_slice %arg4[%add3A_86, %dma_start3A_87] : memref<80x128xi32, #tpu.memory_space<vmem>> -> memref<1x128xi32, #tpu.memory_space<vmem>>
      %dma_start3A_89 = tpu.memref_squeeze %dma_start3A_88 : memref<1x128xi32, #tpu.memory_space<vmem>> -> memref<128xi32, #tpu.memory_space<vmem>>
      %dma_start3A_90 = arith.constant 0 : i32
      %dma_start3A_91 = arith.constant 0 : i32
      %dma_start3A_92 = tpu.memref_slice %arg6[%dma_start3A_90, %dma_start3A_91] : memref<10240x128xf32, #tpu.memory_space<vmem_shared>> -> memref<10240x128xf32, #tpu.memory_space<vmem_shared>>
      tpu.enqueue_indirect_dma source(%arg5 : memref<128x128xf32, #tpu.memory_space<vmem>>) target(%dma_start3A_92 : memref<10240x128xf32, #tpu.memory_space<vmem_shared>>) offsets(%dma_start3A_89 : memref<128xi32, #tpu.memory_space<vmem>>) semaphore(%arg7 : memref<!tpu.dma_semaphore, #tpu.memory_space<semaphore_mem>>) {add = true}
      %mul3A_93 = arith.constant 8 : i32
      %mul3A_94 = arith.muli %scan3A_33, %mul3A_93 : i32
      %add3A_95 = arith.constant 6 : i32
      %add3A_96 = arith.addi %mul3A_94, %add3A_95 : i32
      %dma_start3A_97 = arith.constant 0 : i32
      %dma_start3A_98 = tpu.memref_slice %arg4[%add3A_96, %dma_start3A_97] : memref<80x128xi32, #tpu.memory_space<vmem>> -> memref<1x128xi32, #tpu.memory_space<vmem>>
      %dma_start3A_99 = tpu.memref_squeeze %dma_start3A_98 : memref<1x128xi32, #tpu.memory_space<vmem>> -> memref<128xi32, #tpu.memory_space<vmem>>
      %dma_start3A_100 = arith.constant 0 : i32
      %dma_start3A_101 = arith.constant 0 : i32
      %dma_start3A_102 = tpu.memref_slice %arg6[%dma_start3A_100, %dma_start3A_101] : memref<10240x128xf32, #tpu.memory_space<vmem_shared>> -> memref<10240x128xf32, #tpu.memory_space<vmem_shared>>
      tpu.enqueue_indirect_dma source(%arg5 : memref<128x128xf32, #tpu.memory_space<vmem>>) target(%dma_start3A_102 : memref<10240x128xf32, #tpu.memory_space<vmem_shared>>) offsets(%dma_start3A_99 : memref<128xi32, #tpu.memory_space<vmem>>) semaphore(%arg7 : memref<!tpu.dma_semaphore, #tpu.memory_space<semaphore_mem>>) {add = true}
      %mul3A_103 = arith.constant 8 : i32
      %mul3A_104 = arith.muli %scan3A_33, %mul3A_103 : i32
      %add3A_105 = arith.constant 7 : i32
      %add3A_106 = arith.addi %mul3A_104, %add3A_105 : i32
      %dma_start3A_107 = arith.constant 0 : i32
      %dma_start3A_108 = tpu.memref_slice %arg4[%add3A_106, %dma_start3A_107] : memref<80x128xi32, #tpu.memory_space<vmem>> -> memref<1x128xi32, #tpu.memory_space<vmem>>
      %dma_start3A_109 = tpu.memref_squeeze %dma_start3A_108 : memref<1x128xi32, #tpu.memory_space<vmem>> -> memref<128xi32, #tpu.memory_space<vmem>>
      %dma_start3A_110 = arith.constant 0 : i32
      %dma_start3A_111 = arith.constant 0 : i32
      %dma_start3A_112 = tpu.memref_slice %arg6[%dma_start3A_110, %dma_start3A_111] : memref<10240x128xf32, #tpu.memory_space<vmem_shared>> -> memref<10240x128xf32, #tpu.memory_space<vmem_shared>>
      tpu.enqueue_indirect_dma source(%arg5 : memref<128x128xf32, #tpu.memory_space<vmem>>) target(%dma_start3A_112 : memref<10240x128xf32, #tpu.memory_space<vmem_shared>>) offsets(%dma_start3A_109 : memref<128xi32, #tpu.memory_space<vmem>>) semaphore(%arg7 : memref<!tpu.dma_semaphore, #tpu.memory_space<semaphore_mem>>) {add = true}
      %mul3A_113 = arith.constant 8 : i32
      %mul3A_114 = arith.muli %scan3A_33, %mul3A_113 : i32
      %add3A_115 = arith.constant 0 : i32
      %add3A_116 = arith.addi %mul3A_114, %add3A_115 : i32
      %dma_wait3A = arith.constant 0 : i32
      %dma_wait3A_117 = tpu.memref_slice %arg4[%add3A_116, %dma_wait3A] : memref<80x128xi32, #tpu.memory_space<vmem>> -> memref<1x128xi32, #tpu.memory_space<vmem>>
      %dma_wait3A_118 = tpu.memref_squeeze %dma_wait3A_117 : memref<1x128xi32, #tpu.memory_space<vmem>> -> memref<128xi32, #tpu.memory_space<vmem>>
      %dma_wait3A_119 = arith.constant 0 : i32
      %dma_wait3A_120 = arith.constant 0 : i32
      %dma_wait3A_121 = tpu.memref_slice %arg6[%dma_wait3A_119, %dma_wait3A_120] : memref<10240x128xf32, #tpu.memory_space<vmem_shared>> -> memref<10240x128xf32, #tpu.memory_space<vmem_shared>>
      tpu.wait_indirect_dma semaphore(%arg7 : memref<!tpu.dma_semaphore, #tpu.memory_space<semaphore_mem>>) src(%arg5 : memref<128x128xf32, #tpu.memory_space<vmem>>) dst(%dma_wait3A_121 : memref<10240x128xf32, #tpu.memory_space<vmem_shared>>)
      %mul3A_122 = arith.constant 8 : i32
      %mul3A_123 = arith.muli %scan3A_33, %mul3A_122 : i32
      %add3A_124 = arith.constant 1 : i32
      %add3A_125 = arith.addi %mul3A_123, %add3A_124 : i32
      %dma_wait3A_126 = arith.constant 0 : i32
      %dma_wait3A_127 = tpu.memref_slice %arg4[%add3A_125, %dma_wait3A_126] : memref<80x128xi32, #tpu.memory_space<vmem>> -> memref<1x128xi32, #tpu.memory_space<vmem>>
      %dma_wait3A_128 = tpu.memref_squeeze %dma_wait3A_127 : memref<1x128xi32, #tpu.memory_space<vmem>> -> memref<128xi32, #tpu.memory_space<vmem>>
      %dma_wait3A_129 = arith.constant 0 : i32
      %dma_wait3A_130 = arith.constant 0 : i32
      %dma_wait3A_131 = tpu.memref_slice %arg6[%dma_wait3A_129, %dma_wait3A_130] : memref<10240x128xf32, #tpu.memory_space<vmem_shared>> -> memref<10240x128xf32, #tpu.memory_space<vmem_shared>>
      tpu.wait_indirect_dma semaphore(%arg7 : memref<!tpu.dma_semaphore, #tpu.memory_space<semaphore_mem>>) src(%arg5 : memref<128x128xf32, #tpu.memory_space<vmem>>) dst(%dma_wait3A_131 : memref<10240x128xf32, #tpu.memory_space<vmem_shared>>)
      %mul3A_132 = arith.constant 8 : i32
      %mul3A_133 = arith.muli %scan3A_33, %mul3A_132 : i32
      %add3A_134 = arith.constant 2 : i32
      %add3A_135 = arith.addi %mul3A_133, %add3A_134 : i32
      %dma_wait3A_136 = arith.constant 0 : i32
      %dma_wait3A_137 = tpu.memref_slice %arg4[%add3A_135, %dma_wait3A_136] : memref<80x128xi32, #tpu.memory_space<vmem>> -> memref<1x128xi32, #tpu.memory_space<vmem>>
      %dma_wait3A_138 = tpu.memref_squeeze %dma_wait3A_137 : memref<1x128xi32, #tpu.memory_space<vmem>> -> memref<128xi32, #tpu.memory_space<vmem>>
      %dma_wait3A_139 = arith.constant 0 : i32
      %dma_wait3A_140 = arith.constant 0 : i32
      %dma_wait3A_141 = tpu.memref_slice %arg6[%dma_wait3A_139, %dma_wait3A_140] : memref<10240x128xf32, #tpu.memory_space<vmem_shared>> -> memref<10240x128xf32, #tpu.memory_space<vmem_shared>>
      tpu.wait_indirect_dma semaphore(%arg7 : memref<!tpu.dma_semaphore, #tpu.memory_space<semaphore_mem>>) src(%arg5 : memref<128x128xf32, #tpu.memory_space<vmem>>) dst(%dma_wait3A_141 : memref<10240x128xf32, #tpu.memory_space<vmem_shared>>)
      %mul3A_142 = arith.constant 8 : i32
      %mul3A_143 = arith.muli %scan3A_33, %mul3A_142 : i32
      %add3A_144 = arith.constant 3 : i32
      %add3A_145 = arith.addi %mul3A_143, %add3A_144 : i32
      %dma_wait3A_146 = arith.constant 0 : i32
      %dma_wait3A_147 = tpu.memref_slice %arg4[%add3A_145, %dma_wait3A_146] : memref<80x128xi32, #tpu.memory_space<vmem>> -> memref<1x128xi32, #tpu.memory_space<vmem>>
      %dma_wait3A_148 = tpu.memref_squeeze %dma_wait3A_147 : memref<1x128xi32, #tpu.memory_space<vmem>> -> memref<128xi32, #tpu.memory_space<vmem>>
      %dma_wait3A_149 = arith.constant 0 : i32
      %dma_wait3A_150 = arith.constant 0 : i32
      %dma_wait3A_151 = tpu.memref_slice %arg6[%dma_wait3A_149, %dma_wait3A_150] : memref<10240x128xf32, #tpu.memory_space<vmem_shared>> -> memref<10240x128xf32, #tpu.memory_space<vmem_shared>>
      tpu.wait_indirect_dma semaphore(%arg7 : memref<!tpu.dma_semaphore, #tpu.memory_space<semaphore_mem>>) src(%arg5 : memref<128x128xf32, #tpu.memory_space<vmem>>) dst(%dma_wait3A_151 : memref<10240x128xf32, #tpu.memory_space<vmem_shared>>)
      %mul3A_152 = arith.constant 8 : i32
      %mul3A_153 = arith.muli %scan3A_33, %mul3A_152 : i32
      %add3A_154 = arith.constant 4 : i32
      %add3A_155 = arith.addi %mul3A_153, %add3A_154 : i32
      %dma_wait3A_156 = arith.constant 0 : i32
      %dma_wait3A_157 = tpu.memref_slice %arg4[%add3A_155, %dma_wait3A_156] : memref<80x128xi32, #tpu.memory_space<vmem>> -> memref<1x128xi32, #tpu.memory_space<vmem>>
      %dma_wait3A_158 = tpu.memref_squeeze %dma_wait3A_157 : memref<1x128xi32, #tpu.memory_space<vmem>> -> memref<128xi32, #tpu.memory_space<vmem>>
      %dma_wait3A_159 = arith.constant 0 : i32
      %dma_wait3A_160 = arith.constant 0 : i32
      %dma_wait3A_161 = tpu.memref_slice %arg6[%dma_wait3A_159, %dma_wait3A_160] : memref<10240x128xf32, #tpu.memory_space<vmem_shared>> -> memref<10240x128xf32, #tpu.memory_space<vmem_shared>>
      tpu.wait_indirect_dma semaphore(%arg7 : memref<!tpu.dma_semaphore, #tpu.memory_space<semaphore_mem>>) src(%arg5 : memref<128x128xf32, #tpu.memory_space<vmem>>) dst(%dma_wait3A_161 : memref<10240x128xf32, #tpu.memory_space<vmem_shared>>)
      %mul3A_162 = arith.constant 8 : i32
      %mul3A_163 = arith.muli %scan3A_33, %mul3A_162 : i32
      %add3A_164 = arith.constant 5 : i32
      %add3A_165 = arith.addi %mul3A_163, %add3A_164 : i32
      %dma_wait3A_166 = arith.constant 0 : i32
      %dma_wait3A_167 = tpu.memref_slice %arg4[%add3A_165, %dma_wait3A_166] : memref<80x128xi32, #tpu.memory_space<vmem>> -> memref<1x128xi32, #tpu.memory_space<vmem>>
      %dma_wait3A_168 = tpu.memref_squeeze %dma_wait3A_167 : memref<1x128xi32, #tpu.memory_space<vmem>> -> memref<128xi32, #tpu.memory_space<vmem>>
      %dma_wait3A_169 = arith.constant 0 : i32
      %dma_wait3A_170 = arith.constant 0 : i32
      %dma_wait3A_171 = tpu.memref_slice %arg6[%dma_wait3A_169, %dma_wait3A_170] : memref<10240x128xf32, #tpu.memory_space<vmem_shared>> -> memref<10240x128xf32, #tpu.memory_space<vmem_shared>>
      tpu.wait_indirect_dma semaphore(%arg7 : memref<!tpu.dma_semaphore, #tpu.memory_space<semaphore_mem>>) src(%arg5 : memref<128x128xf32, #tpu.memory_space<vmem>>) dst(%dma_wait3A_171 : memref<10240x128xf32, #tpu.memory_space<vmem_shared>>)
      %mul3A_172 = arith.constant 8 : i32
      %mul3A_173 = arith.muli %scan3A_33, %mul3A_172 : i32
      %add3A_174 = arith.constant 6 : i32
      %add3A_175 = arith.addi %mul3A_173, %add3A_174 : i32
      %dma_wait3A_176 = arith.constant 0 : i32
      %dma_wait3A_177 = tpu.memref_slice %arg4[%add3A_175, %dma_wait3A_176] : memref<80x128xi32, #tpu.memory_space<vmem>> -> memref<1x128xi32, #tpu.memory_space<vmem>>
      %dma_wait3A_178 = tpu.memref_squeeze %dma_wait3A_177 : memref<1x128xi32, #tpu.memory_space<vmem>> -> memref<128xi32, #tpu.memory_space<vmem>>
      %dma_wait3A_179 = arith.constant 0 : i32
      %dma_wait3A_180 = arith.constant 0 : i32
      %dma_wait3A_181 = tpu.memref_slice %arg6[%dma_wait3A_179, %dma_wait3A_180] : memref<10240x128xf32, #tpu.memory_space<vmem_shared>> -> memref<10240x128xf32, #tpu.memory_space<vmem_shared>>
      tpu.wait_indirect_dma semaphore(%arg7 : memref<!tpu.dma_semaphore, #tpu.memory_space<semaphore_mem>>) src(%arg5 : memref<128x128xf32, #tpu.memory_space<vmem>>) dst(%dma_wait3A_181 : memref<10240x128xf32, #tpu.memory_space<vmem_shared>>)
      %mul3A_182 = arith.constant 8 : i32
      %mul3A_183 = arith.muli %scan3A_33, %mul3A_182 : i32
      %add3A_184 = arith.constant 7 : i32
      %add3A_185 = arith.addi %mul3A_183, %add3A_184 : i32
      %dma_wait3A_186 = arith.constant 0 : i32
      %dma_wait3A_187 = tpu.memref_slice %arg4[%add3A_185, %dma_wait3A_186] : memref<80x128xi32, #tpu.memory_space<vmem>> -> memref<1x128xi32, #tpu.memory_space<vmem>>
      %dma_wait3A_188 = tpu.memref_squeeze %dma_wait3A_187 : memref<1x128xi32, #tpu.memory_space<vmem>> -> memref<128xi32, #tpu.memory_space<vmem>>
      %dma_wait3A_189 = arith.constant 0 : i32
      %dma_wait3A_190 = arith.constant 0 : i32
      %dma_wait3A_191 = tpu.memref_slice %arg6[%dma_wait3A_189, %dma_wait3A_190] : memref<10240x128xf32, #tpu.memory_space<vmem_shared>> -> memref<10240x128xf32, #tpu.memory_space<vmem_shared>>
      tpu.wait_indirect_dma semaphore(%arg7 : memref<!tpu.dma_semaphore, #tpu.memory_space<semaphore_mem>>) src(%arg5 : memref<128x128xf32, #tpu.memory_space<vmem>>) dst(%dma_wait3A_191 : memref<10240x128xf32, #tpu.memory_space<vmem_shared>>)
    }
    %scan3A_29 = arith.constant 10 : i32
    %barrier3A_30 = arith.constant 0 : index
    tpu.barrier barrier_id(%barrier3A_30)
    %mul3A_31 = arith.constant 640 : i32
    %mul3A_32 = arith.muli %arg1, %mul3A_31 : i32
    "tpu.region"() ({
      %run_scoped3A = tpu.sem_alloc : memref<!tpu.dma_semaphore, #tpu.memory_space<semaphore_mem>>
      %dma_start3A = arith.constant 0 : i32
      %dma_start3A_33 = tpu.memref_slice %arg3[%arg0, %mul3A_32, %dma_start3A] : memref<2x10240x128xf32, #tpu.memory_space<hbm>> -> memref<1x640x128xf32, #tpu.memory_space<hbm>>
      %dma_start3A_34 = tpu.memref_squeeze %dma_start3A_33 : memref<1x640x128xf32, #tpu.memory_space<hbm>> -> memref<640x128xf32, #tpu.memory_space<hbm>>
      %dma_start3A_35 = arith.constant 0 : i32
      %dma_start3A_36 = tpu.memref_slice %arg6[%mul3A_32, %dma_start3A_35] : memref<10240x128xf32, #tpu.memory_space<vmem_shared>> -> memref<640x128xf32, #tpu.memory_space<vmem_shared>>
      tpu.enqueue_dma source(%dma_start3A_36 : memref<640x128xf32, #tpu.memory_space<vmem_shared>>) target(%dma_start3A_34 : memref<640x128xf32, #tpu.memory_space<hbm>>) target_semaphore(%run_scoped3A : memref<!tpu.dma_semaphore, #tpu.memory_space<semaphore_mem>>)
      %dma_wait3A = arith.constant 0 : i32
      %dma_wait3A_37 = tpu.memref_slice %arg3[%arg0, %mul3A_32, %dma_wait3A] : memref<2x10240x128xf32, #tpu.memory_space<hbm>> -> memref<1x640x128xf32, #tpu.memory_space<hbm>>
      %dma_wait3A_38 = tpu.memref_squeeze %dma_wait3A_37 : memref<1x640x128xf32, #tpu.memory_space<hbm>> -> memref<640x128xf32, #tpu.memory_space<hbm>>
      %dma_wait3A_39 = arith.constant 0 : i32
      %dma_wait3A_40 = tpu.memref_slice %arg6[%mul3A_32, %dma_wait3A_39] : memref<10240x128xf32, #tpu.memory_space<vmem_shared>> -> memref<640x128xf32, #tpu.memory_space<vmem_shared>>
      tpu.wait_dma2 semaphore(%run_scoped3A : memref<!tpu.dma_semaphore, #tpu.memory_space<semaphore_mem>>) src(%dma_wait3A_40 : memref<640x128xf32, #tpu.memory_space<vmem_shared>>) dst(%dma_wait3A_38 : memref<640x128xf32, #tpu.memory_space<hbm>>)
      tpu.yield
    }) : () -> ()
    return
  }
}

#map = affine_map<(d0, d1) -> (0, 0, 0)>
#map1 = affine_map<(d0, d1) -> (0, 0)>
module attributes {stable_mosaic.version = 14 : i64} {
  func.func @_prop(%arg0: i32, %arg1: i32, %arg2: memref<32x80x128xi32, #tpu.memory_space<hbm>>, %arg3: memref<32x80x128xi32, #tpu.memory_space<hbm>>, %arg4: memref<10000x128xf32, #tpu.memory_space<hbm>>, %arg5: memref<2x10240x128xf32, #tpu.memory_space<hbm>>, %arg6: memref<128xi32, #tpu.memory_space<vmem>>, %arg7: memref<128xi32, #tpu.memory_space<vmem>>, %arg8: memref<128xi32, #tpu.memory_space<vmem>>, %arg9: memref<128xi32, #tpu.memory_space<vmem>>, %arg10: memref<128x128xf32, #tpu.memory_space<vmem>>, %arg11: memref<128x128xf32, #tpu.memory_space<vmem>>, %arg12: memref<10240x128xf32, #tpu.memory_space<vmem_shared>>, %arg13: memref<!tpu.dma_semaphore, #tpu.memory_space<semaphore_mem>>, %arg14: memref<!tpu.dma_semaphore, #tpu.memory_space<semaphore_mem>>, %arg15: memref<!tpu.dma_semaphore, #tpu.memory_space<semaphore_mem>>, %arg16: memref<!tpu.dma_semaphore, #tpu.memory_space<semaphore_mem>>) attributes {dimension_semantics = [#tpu.dimension_semantics<core_parallel>, #tpu.dimension_semantics<subcore_parallel>], iteration_bounds = array<i64: 2, 16>, scalar_prefetch = 0 : i64, scratch_operands = 11 : i64, tpu.core_type = #tpu.core_type<sc_vector_subcore>, window_params = [{transform_indices = #map}, {transform_indices = #map}, {transform_indices = #map1}, {transform_indices = #map}]} {
    %mul3A = arith.constant 2 : i32
    %mul3A_0 = arith.muli %arg1, %mul3A : i32
    %add3A = arith.addi %mul3A_0, %arg0 : i32
    %scan3A = arith.constant 0 : i32
    %scan3A_1 = arith.constant 0 : i32
    %scan3A_2 = arith.constant 1024 : i32
    %scan3A_3 = arith.addi %scan3A_1, %scan3A_2 : i32
    %scan3A_4 = arith.constant 1 : i32
    scf.for %scan3A_81 = %scan3A_1 to %scan3A_3 step %scan3A_4  : i32 {
      %jit3A = arith.constant 8 : i32
      %div3A = arith.divsi %scan3A_81, %jit3A : i32
      %sign3A = arith.constant 0 : i32
      %sign3A_82 = arith.cmpi sgt, %scan3A_81, %sign3A : i32
      %sign3A_83 = arith.extui %sign3A_82 : i1 to i32
      %sign3A_84 = arith.constant 0 : i32
      %sign3A_85 = arith.cmpi slt, %scan3A_81, %sign3A_84 : i32
      %sign3A_86 = arith.extui %sign3A_85 : i1 to i32
      %sign3A_87 = arith.subi %sign3A_83, %sign3A_86 : i32
      %sign3A_88 = arith.constant 0 : i32
      %sign3A_89 = arith.cmpi sgt, %jit3A, %sign3A_88 : i32
      %sign3A_90 = arith.extui %sign3A_89 : i1 to i32
      %sign3A_91 = arith.constant 0 : i32
      %sign3A_92 = arith.cmpi slt, %jit3A, %sign3A_91 : i32
      %sign3A_93 = arith.extui %sign3A_92 : i1 to i32
      %sign3A_94 = arith.subi %sign3A_90, %sign3A_93 : i32
      %ne3A = arith.cmpi ne, %sign3A_87, %sign3A_94 : i32
      %rem3A = arith.remsi %scan3A_81, %jit3A : i32
      %ne3A_95 = arith.constant 0 : i32
      %ne3A_96 = arith.cmpi ne, %rem3A, %ne3A_95 : i32
      %and3A = arith.andi %ne3A, %ne3A_96 : i1
      %sub3A = arith.constant 1 : i32
      %sub3A_97 = arith.subi %div3A, %sub3A : i32
      %select_n3A = arith.select %and3A, %sub3A_97, %div3A : i32
      %mul3A_98 = arith.constant 8 : i32
      %mul3A_99 = arith.muli %select_n3A, %mul3A_98 : i32
      %sub3A_100 = arith.subi %scan3A_81, %mul3A_99 : i32
      %broadcast_in_dim3A = arith.constant 0.000000e+00 : f32
      %broadcast_in_dim3A_101 = vector.broadcast %broadcast_in_dim3A : f32 to vector<16xf32>
      %mul3A_102 = arith.constant 16 : i32
      %mul3A_103 = arith.muli %sub3A_100, %mul3A_102 : i32
      %swap3A = arith.index_cast %select_n3A : i32 to index
      %swap3A_104 = arith.index_cast %mul3A_103 : i32 to index
      %swap3A_105 = tpu.vector_load %arg10[%swap3A, %swap3A_104] {strides = array<i32>} : memref<128x128xf32, #tpu.memory_space<vmem>>, vector<1x16xf32>,
      %swap3A_106 = vector.shape_cast %swap3A_105 : vector<1x16xf32> to vector<16xf32>
      %swap3A_107 = vector.shape_cast %broadcast_in_dim3A_101 : vector<16xf32> to vector<1x16xf32>
      tpu.vector_store %arg10[%swap3A, %swap3A_104], %swap3A_107 {strides = array<i32>} : memref<128x128xf32, #tpu.memory_space<vmem>>, vector<1x16xf32>,
    }
    %scan3A_5 = arith.constant 1024 : i32
    %mul3A_6 = arith.constant 640 : i32
    %mul3A_7 = arith.muli %arg1, %mul3A_6 : i32
    %add3A_8 = arith.constant 0 : i32
    %add3A_9 = arith.addi %mul3A_7, %add3A_8 : i32
    "tpu.region"() ({
      %run_scoped3A = tpu.sem_alloc : memref<!tpu.dma_semaphore, #tpu.memory_space<semaphore_mem>>
      %dma_start3A_81 = arith.constant 0 : i32
      %dma_start3A_82 = tpu.memref_slice %arg12[%add3A_9, %dma_start3A_81] : memref<10240x128xf32, #tpu.memory_space<vmem_shared>> -> memref<128x128xf32, #tpu.memory_space<vmem_shared>>
      %dma_start3A_83 = arith.constant 0 : i32
      %dma_start3A_84 = tpu.memref_slice %arg12[%add3A_9, %dma_start3A_83] : memref<10240x128xf32, #tpu.memory_space<vmem_shared>> -> memref<128x128xf32, #tpu.memory_space<vmem_shared>>
      tpu.enqueue_dma source(%arg10 : memref<128x128xf32, #tpu.memory_space<vmem>>) target(%dma_start3A_84 : memref<128x128xf32, #tpu.memory_space<vmem_shared>>) target_semaphore(%run_scoped3A : memref<!tpu.dma_semaphore, #tpu.memory_space<semaphore_mem>>)
      %dma_wait3A_85 = arith.constant 0 : i32
      %dma_wait3A_86 = tpu.memref_slice %arg12[%add3A_9, %dma_wait3A_85] : memref<10240x128xf32, #tpu.memory_space<vmem_shared>> -> memref<128x128xf32, #tpu.memory_space<vmem_shared>>
      %dma_wait3A_87 = arith.constant 0 : i32
      %dma_wait3A_88 = tpu.memref_slice %arg12[%add3A_9, %dma_wait3A_87] : memref<10240x128xf32, #tpu.memory_space<vmem_shared>> -> memref<128x128xf32, #tpu.memory_space<vmem_shared>>
      tpu.wait_dma2 semaphore(%run_scoped3A : memref<!tpu.dma_semaphore, #tpu.memory_space<semaphore_mem>>) src(%arg10 : memref<128x128xf32, #tpu.memory_space<vmem>>) dst(%dma_wait3A_88 : memref<128x128xf32, #tpu.memory_space<vmem_shared>>)
      tpu.yield
    }) : () -> ()
    %add3A_10 = arith.constant 128 : i32
    %add3A_11 = arith.addi %mul3A_7, %add3A_10 : i32
    "tpu.region"() ({
      %run_scoped3A = tpu.sem_alloc : memref<!tpu.dma_semaphore, #tpu.memory_space<semaphore_mem>>
      %dma_start3A_81 = arith.constant 0 : i32
      %dma_start3A_82 = tpu.memref_slice %arg12[%add3A_11, %dma_start3A_81] : memref<10240x128xf32, #tpu.memory_space<vmem_shared>> -> memref<128x128xf32, #tpu.memory_space<vmem_shared>>
      %dma_start3A_83 = arith.constant 0 : i32
      %dma_start3A_84 = tpu.memref_slice %arg12[%add3A_11, %dma_start3A_83] : memref<10240x128xf32, #tpu.memory_space<vmem_shared>> -> memref<128x128xf32, #tpu.memory_space<vmem_shared>>
      tpu.enqueue_dma source(%arg10 : memref<128x128xf32, #tpu.memory_space<vmem>>) target(%dma_start3A_84 : memref<128x128xf32, #tpu.memory_space<vmem_shared>>) target_semaphore(%run_scoped3A : memref<!tpu.dma_semaphore, #tpu.memory_space<semaphore_mem>>)
      %dma_wait3A_85 = arith.constant 0 : i32
      %dma_wait3A_86 = tpu.memref_slice %arg12[%add3A_11, %dma_wait3A_85] : memref<10240x128xf32, #tpu.memory_space<vmem_shared>> -> memref<128x128xf32, #tpu.memory_space<vmem_shared>>
      %dma_wait3A_87 = arith.constant 0 : i32
      %dma_wait3A_88 = tpu.memref_slice %arg12[%add3A_11, %dma_wait3A_87] : memref<10240x128xf32, #tpu.memory_space<vmem_shared>> -> memref<128x128xf32, #tpu.memory_space<vmem_shared>>
      tpu.wait_dma2 semaphore(%run_scoped3A : memref<!tpu.dma_semaphore, #tpu.memory_space<semaphore_mem>>) src(%arg10 : memref<128x128xf32, #tpu.memory_space<vmem>>) dst(%dma_wait3A_88 : memref<128x128xf32, #tpu.memory_space<vmem_shared>>)
      tpu.yield
    }) : () -> ()
    %add3A_12 = arith.constant 256 : i32
    %add3A_13 = arith.addi %mul3A_7, %add3A_12 : i32
    "tpu.region"() ({
      %run_scoped3A = tpu.sem_alloc : memref<!tpu.dma_semaphore, #tpu.memory_space<semaphore_mem>>
      %dma_start3A_81 = arith.constant 0 : i32
      %dma_start3A_82 = tpu.memref_slice %arg12[%add3A_13, %dma_start3A_81] : memref<10240x128xf32, #tpu.memory_space<vmem_shared>> -> memref<128x128xf32, #tpu.memory_space<vmem_shared>>
      %dma_start3A_83 = arith.constant 0 : i32
      %dma_start3A_84 = tpu.memref_slice %arg12[%add3A_13, %dma_start3A_83] : memref<10240x128xf32, #tpu.memory_space<vmem_shared>> -> memref<128x128xf32, #tpu.memory_space<vmem_shared>>
      tpu.enqueue_dma source(%arg10 : memref<128x128xf32, #tpu.memory_space<vmem>>) target(%dma_start3A_84 : memref<128x128xf32, #tpu.memory_space<vmem_shared>>) target_semaphore(%run_scoped3A : memref<!tpu.dma_semaphore, #tpu.memory_space<semaphore_mem>>)
      %dma_wait3A_85 = arith.constant 0 : i32
      %dma_wait3A_86 = tpu.memref_slice %arg12[%add3A_13, %dma_wait3A_85] : memref<10240x128xf32, #tpu.memory_space<vmem_shared>> -> memref<128x128xf32, #tpu.memory_space<vmem_shared>>
      %dma_wait3A_87 = arith.constant 0 : i32
      %dma_wait3A_88 = tpu.memref_slice %arg12[%add3A_13, %dma_wait3A_87] : memref<10240x128xf32, #tpu.memory_space<vmem_shared>> -> memref<128x128xf32, #tpu.memory_space<vmem_shared>>
      tpu.wait_dma2 semaphore(%run_scoped3A : memref<!tpu.dma_semaphore, #tpu.memory_space<semaphore_mem>>) src(%arg10 : memref<128x128xf32, #tpu.memory_space<vmem>>) dst(%dma_wait3A_88 : memref<128x128xf32, #tpu.memory_space<vmem_shared>>)
      tpu.yield
    }) : () -> ()
    %add3A_14 = arith.constant 384 : i32
    %add3A_15 = arith.addi %mul3A_7, %add3A_14 : i32
    "tpu.region"() ({
      %run_scoped3A = tpu.sem_alloc : memref<!tpu.dma_semaphore, #tpu.memory_space<semaphore_mem>>
      %dma_start3A_81 = arith.constant 0 : i32
      %dma_start3A_82 = tpu.memref_slice %arg12[%add3A_15, %dma_start3A_81] : memref<10240x128xf32, #tpu.memory_space<vmem_shared>> -> memref<128x128xf32, #tpu.memory_space<vmem_shared>>
      %dma_start3A_83 = arith.constant 0 : i32
      %dma_start3A_84 = tpu.memref_slice %arg12[%add3A_15, %dma_start3A_83] : memref<10240x128xf32, #tpu.memory_space<vmem_shared>> -> memref<128x128xf32, #tpu.memory_space<vmem_shared>>
      tpu.enqueue_dma source(%arg10 : memref<128x128xf32, #tpu.memory_space<vmem>>) target(%dma_start3A_84 : memref<128x128xf32, #tpu.memory_space<vmem_shared>>) target_semaphore(%run_scoped3A : memref<!tpu.dma_semaphore, #tpu.memory_space<semaphore_mem>>)
      %dma_wait3A_85 = arith.constant 0 : i32
      %dma_wait3A_86 = tpu.memref_slice %arg12[%add3A_15, %dma_wait3A_85] : memref<10240x128xf32, #tpu.memory_space<vmem_shared>> -> memref<128x128xf32, #tpu.memory_space<vmem_shared>>
      %dma_wait3A_87 = arith.constant 0 : i32
      %dma_wait3A_88 = tpu.memref_slice %arg12[%add3A_15, %dma_wait3A_87] : memref<10240x128xf32, #tpu.memory_space<vmem_shared>> -> memref<128x128xf32, #tpu.memory_space<vmem_shared>>
      tpu.wait_dma2 semaphore(%run_scoped3A : memref<!tpu.dma_semaphore, #tpu.memory_space<semaphore_mem>>) src(%arg10 : memref<128x128xf32, #tpu.memory_space<vmem>>) dst(%dma_wait3A_88 : memref<128x128xf32, #tpu.memory_space<vmem_shared>>)
      tpu.yield
    }) : () -> ()
    %add3A_16 = arith.constant 512 : i32
    %add3A_17 = arith.addi %mul3A_7, %add3A_16 : i32
    "tpu.region"() ({
      %run_scoped3A = tpu.sem_alloc : memref<!tpu.dma_semaphore, #tpu.memory_space<semaphore_mem>>
      %dma_start3A_81 = arith.constant 0 : i32
      %dma_start3A_82 = tpu.memref_slice %arg12[%add3A_17, %dma_start3A_81] : memref<10240x128xf32, #tpu.memory_space<vmem_shared>> -> memref<128x128xf32, #tpu.memory_space<vmem_shared>>
      %dma_start3A_83 = arith.constant 0 : i32
      %dma_start3A_84 = tpu.memref_slice %arg12[%add3A_17, %dma_start3A_83] : memref<10240x128xf32, #tpu.memory_space<vmem_shared>> -> memref<128x128xf32, #tpu.memory_space<vmem_shared>>
      tpu.enqueue_dma source(%arg10 : memref<128x128xf32, #tpu.memory_space<vmem>>) target(%dma_start3A_84 : memref<128x128xf32, #tpu.memory_space<vmem_shared>>) target_semaphore(%run_scoped3A : memref<!tpu.dma_semaphore, #tpu.memory_space<semaphore_mem>>)
      %dma_wait3A_85 = arith.constant 0 : i32
      %dma_wait3A_86 = tpu.memref_slice %arg12[%add3A_17, %dma_wait3A_85] : memref<10240x128xf32, #tpu.memory_space<vmem_shared>> -> memref<128x128xf32, #tpu.memory_space<vmem_shared>>
      %dma_wait3A_87 = arith.constant 0 : i32
      %dma_wait3A_88 = tpu.memref_slice %arg12[%add3A_17, %dma_wait3A_87] : memref<10240x128xf32, #tpu.memory_space<vmem_shared>> -> memref<128x128xf32, #tpu.memory_space<vmem_shared>>
      tpu.wait_dma2 semaphore(%run_scoped3A : memref<!tpu.dma_semaphore, #tpu.memory_space<semaphore_mem>>) src(%arg10 : memref<128x128xf32, #tpu.memory_space<vmem>>) dst(%dma_wait3A_88 : memref<128x128xf32, #tpu.memory_space<vmem_shared>>)
      tpu.yield
    }) : () -> ()
    %barrier3A = arith.constant 0 : index
    tpu.barrier barrier_id(%barrier3A)
    %dma_start3A = arith.constant 0 : i32
    %dma_start3A_18 = arith.constant 0 : i32
    %dma_start3A_19 = tpu.memref_slice %arg2[%add3A, %dma_start3A, %dma_start3A_18] : memref<32x80x128xi32, #tpu.memory_space<hbm>> -> memref<1x1x128xi32, #tpu.memory_space<hbm>>
    %dma_start3A_20 = tpu.memref_squeeze %dma_start3A_19 : memref<1x1x128xi32, #tpu.memory_space<hbm>> -> memref<128xi32, #tpu.memory_space<hbm>>
    %dma_start3A_21 = arith.constant 0 : i32
    %dma_start3A_22 = tpu.memref_slice %arg2[%add3A, %dma_start3A, %dma_start3A_21] : memref<32x80x128xi32, #tpu.memory_space<hbm>> -> memref<1x1x128xi32, #tpu.memory_space<hbm>>
    %dma_start3A_23 = tpu.memref_squeeze %dma_start3A_22 : memref<1x1x128xi32, #tpu.memory_space<hbm>> -> memref<128xi32, #tpu.memory_space<hbm>>
    tpu.enqueue_dma source(%dma_start3A_23 : memref<128xi32, #tpu.memory_space<hbm>>) target(%arg6 : memref<128xi32, #tpu.memory_space<vmem>>) target_semaphore(%arg13 : memref<!tpu.dma_semaphore, #tpu.memory_space<semaphore_mem>>)
    %dma_start3A_24 = arith.constant 0 : i32
    %dma_start3A_25 = arith.constant 0 : i32
    %dma_start3A_26 = tpu.memref_slice %arg3[%add3A, %dma_start3A_24, %dma_start3A_25] : memref<32x80x128xi32, #tpu.memory_space<hbm>> -> memref<1x1x128xi32, #tpu.memory_space<hbm>>
    %dma_start3A_27 = tpu.memref_squeeze %dma_start3A_26 : memref<1x1x128xi32, #tpu.memory_space<hbm>> -> memref<128xi32, #tpu.memory_space<hbm>>
    %dma_start3A_28 = arith.constant 0 : i32
    %dma_start3A_29 = tpu.memref_slice %arg3[%add3A, %dma_start3A_24, %dma_start3A_28] : memref<32x80x128xi32, #tpu.memory_space<hbm>> -> memref<1x1x128xi32, #tpu.memory_space<hbm>>
    %dma_start3A_30 = tpu.memref_squeeze %dma_start3A_29 : memref<1x1x128xi32, #tpu.memory_space<hbm>> -> memref<128xi32, #tpu.memory_space<hbm>>
    tpu.enqueue_dma source(%dma_start3A_30 : memref<128xi32, #tpu.memory_space<hbm>>) target(%arg7 : memref<128xi32, #tpu.memory_space<vmem>>) target_semaphore(%arg13 : memref<!tpu.dma_semaphore, #tpu.memory_space<semaphore_mem>>)
    %dma_start3A_31 = arith.constant 1 : i32
    %dma_start3A_32 = arith.constant 0 : i32
    %dma_start3A_33 = tpu.memref_slice %arg2[%add3A, %dma_start3A_31, %dma_start3A_32] : memref<32x80x128xi32, #tpu.memory_space<hbm>> -> memref<1x1x128xi32, #tpu.memory_space<hbm>>
    %dma_start3A_34 = tpu.memref_squeeze %dma_start3A_33 : memref<1x1x128xi32, #tpu.memory_space<hbm>> -> memref<128xi32, #tpu.memory_space<hbm>>
    %dma_start3A_35 = arith.constant 0 : i32
    %dma_start3A_36 = tpu.memref_slice %arg2[%add3A, %dma_start3A_31, %dma_start3A_35] : memref<32x80x128xi32, #tpu.memory_space<hbm>> -> memref<1x1x128xi32, #tpu.memory_space<hbm>>
    %dma_start3A_37 = tpu.memref_squeeze %dma_start3A_36 : memref<1x1x128xi32, #tpu.memory_space<hbm>> -> memref<128xi32, #tpu.memory_space<hbm>>
    tpu.enqueue_dma source(%dma_start3A_37 : memref<128xi32, #tpu.memory_space<hbm>>) target(%arg8 : memref<128xi32, #tpu.memory_space<vmem>>) target_semaphore(%arg14 : memref<!tpu.dma_semaphore, #tpu.memory_space<semaphore_mem>>)
    %dma_start3A_38 = arith.constant 1 : i32
    %dma_start3A_39 = arith.constant 0 : i32
    %dma_start3A_40 = tpu.memref_slice %arg3[%add3A, %dma_start3A_38, %dma_start3A_39] : memref<32x80x128xi32, #tpu.memory_space<hbm>> -> memref<1x1x128xi32, #tpu.memory_space<hbm>>
    %dma_start3A_41 = tpu.memref_squeeze %dma_start3A_40 : memref<1x1x128xi32, #tpu.memory_space<hbm>> -> memref<128xi32, #tpu.memory_space<hbm>>
    %dma_start3A_42 = arith.constant 0 : i32
    %dma_start3A_43 = tpu.memref_slice %arg3[%add3A, %dma_start3A_38, %dma_start3A_42] : memref<32x80x128xi32, #tpu.memory_space<hbm>> -> memref<1x1x128xi32, #tpu.memory_space<hbm>>
    %dma_start3A_44 = tpu.memref_squeeze %dma_start3A_43 : memref<1x1x128xi32, #tpu.memory_space<hbm>> -> memref<128xi32, #tpu.memory_space<hbm>>
    tpu.enqueue_dma source(%dma_start3A_44 : memref<128xi32, #tpu.memory_space<hbm>>) target(%arg9 : memref<128xi32, #tpu.memory_space<vmem>>) target_semaphore(%arg14 : memref<!tpu.dma_semaphore, #tpu.memory_space<semaphore_mem>>)
    %scan3A_45 = arith.constant 0 : i32
    %scan3A_46 = arith.constant 0 : i32
    %scan3A_47 = arith.constant 40 : i32
    %scan3A_48 = arith.addi %scan3A_46, %scan3A_47 : i32
    %scan3A_49 = arith.constant 1 : i32
    scf.for %scan3A_81 = %scan3A_46 to %scan3A_48 step %scan3A_49  : i32 {
      %mul3A_82 = arith.constant 2 : i32
      %mul3A_83 = arith.muli %scan3A_81, %mul3A_82 : i32
      %add3A_84 = arith.constant 1 : i32
      %add3A_85 = arith.addi %mul3A_83, %add3A_84 : i32
      %add3A_86 = arith.constant 2 : i32
      %add3A_87 = arith.addi %mul3A_83, %add3A_86 : i32
      %min3A = arith.constant 78 : i32
      %min3A_88 = arith.minsi %add3A_87, %min3A : i32
      %add3A_89 = arith.constant 2 : i32
      %add3A_90 = arith.addi %add3A_85, %add3A_89 : i32
      %min3A_91 = arith.constant 79 : i32
      %min3A_92 = arith.minsi %add3A_90, %min3A_91 : i32
      %dma_wait3A_93 = arith.constant 0 : i32
      %dma_wait3A_94 = tpu.memref_slice %arg2[%add3A, %mul3A_83, %dma_wait3A_93] : memref<32x80x128xi32, #tpu.memory_space<hbm>> -> memref<1x1x128xi32, #tpu.memory_space<hbm>>
      %dma_wait3A_95 = tpu.memref_squeeze %dma_wait3A_94 : memref<1x1x128xi32, #tpu.memory_space<hbm>> -> memref<128xi32, #tpu.memory_space<hbm>>
      %dma_wait3A_96 = arith.constant 0 : i32
      %dma_wait3A_97 = tpu.memref_slice %arg2[%add3A, %mul3A_83, %dma_wait3A_96] : memref<32x80x128xi32, #tpu.memory_space<hbm>> -> memref<1x1x128xi32, #tpu.memory_space<hbm>>
      %dma_wait3A_98 = tpu.memref_squeeze %dma_wait3A_97 : memref<1x1x128xi32, #tpu.memory_space<hbm>> -> memref<128xi32, #tpu.memory_space<hbm>>
      tpu.wait_dma2 semaphore(%arg13 : memref<!tpu.dma_semaphore, #tpu.memory_space<semaphore_mem>>) src(%dma_wait3A_98 : memref<128xi32, #tpu.memory_space<hbm>>) dst(%arg6 : memref<128xi32, #tpu.memory_space<vmem>>)
      %dma_wait3A_99 = arith.constant 0 : i32
      %dma_wait3A_100 = tpu.memref_slice %arg3[%add3A, %mul3A_83, %dma_wait3A_99] : memref<32x80x128xi32, #tpu.memory_space<hbm>> -> memref<1x1x128xi32, #tpu.memory_space<hbm>>
      %dma_wait3A_101 = tpu.memref_squeeze %dma_wait3A_100 : memref<1x1x128xi32, #tpu.memory_space<hbm>> -> memref<128xi32, #tpu.memory_space<hbm>>
      %dma_wait3A_102 = arith.constant 0 : i32
      %dma_wait3A_103 = tpu.memref_slice %arg3[%add3A, %mul3A_83, %dma_wait3A_102] : memref<32x80x128xi32, #tpu.memory_space<hbm>> -> memref<1x1x128xi32, #tpu.memory_space<hbm>>
      %dma_wait3A_104 = tpu.memref_squeeze %dma_wait3A_103 : memref<1x1x128xi32, #tpu.memory_space<hbm>> -> memref<128xi32, #tpu.memory_space<hbm>>
      tpu.wait_dma2 semaphore(%arg13 : memref<!tpu.dma_semaphore, #tpu.memory_space<semaphore_mem>>) src(%dma_wait3A_104 : memref<128xi32, #tpu.memory_space<hbm>>) dst(%arg7 : memref<128xi32, #tpu.memory_space<vmem>>)
      %dma_start3A_105 = arith.constant 0 : i32
      %dma_start3A_106 = arith.constant 0 : i32
      %dma_start3A_107 = tpu.memref_slice %arg4[%dma_start3A_105, %dma_start3A_106] : memref<10000x128xf32, #tpu.memory_space<hbm>> -> memref<10000x128xf32, #tpu.memory_space<hbm>>
      tpu.enqueue_indirect_dma source(%dma_start3A_107 : memref<10000x128xf32, #tpu.memory_space<hbm>>) target(%arg10 : memref<128x128xf32, #tpu.memory_space<vmem>>) offsets(%arg6 : memref<128xi32, #tpu.memory_space<vmem>>) semaphore(%arg15 : memref<!tpu.dma_semaphore, #tpu.memory_space<semaphore_mem>>)
      %dma_wait3A_108 = arith.constant 0 : i32
      %dma_wait3A_109 = tpu.memref_slice %arg2[%add3A, %add3A_85, %dma_wait3A_108] : memref<32x80x128xi32, #tpu.memory_space<hbm>> -> memref<1x1x128xi32, #tpu.memory_space<hbm>>
      %dma_wait3A_110 = tpu.memref_squeeze %dma_wait3A_109 : memref<1x1x128xi32, #tpu.memory_space<hbm>> -> memref<128xi32, #tpu.memory_space<hbm>>
      %dma_wait3A_111 = arith.constant 0 : i32
      %dma_wait3A_112 = tpu.memref_slice %arg2[%add3A, %add3A_85, %dma_wait3A_111] : memref<32x80x128xi32, #tpu.memory_space<hbm>> -> memref<1x1x128xi32, #tpu.memory_space<hbm>>
      %dma_wait3A_113 = tpu.memref_squeeze %dma_wait3A_112 : memref<1x1x128xi32, #tpu.memory_space<hbm>> -> memref<128xi32, #tpu.memory_space<hbm>>
      tpu.wait_dma2 semaphore(%arg14 : memref<!tpu.dma_semaphore, #tpu.memory_space<semaphore_mem>>) src(%dma_wait3A_113 : memref<128xi32, #tpu.memory_space<hbm>>) dst(%arg8 : memref<128xi32, #tpu.memory_space<vmem>>)
      %dma_wait3A_114 = arith.constant 0 : i32
      %dma_wait3A_115 = tpu.memref_slice %arg3[%add3A, %add3A_85, %dma_wait3A_114] : memref<32x80x128xi32, #tpu.memory_space<hbm>> -> memref<1x1x128xi32, #tpu.memory_space<hbm>>
      %dma_wait3A_116 = tpu.memref_squeeze %dma_wait3A_115 : memref<1x1x128xi32, #tpu.memory_space<hbm>> -> memref<128xi32, #tpu.memory_space<hbm>>
      %dma_wait3A_117 = arith.constant 0 : i32
      %dma_wait3A_118 = tpu.memref_slice %arg3[%add3A, %add3A_85, %dma_wait3A_117] : memref<32x80x128xi32, #tpu.memory_space<hbm>> -> memref<1x1x128xi32, #tpu.memory_space<hbm>>
      %dma_wait3A_119 = tpu.memref_squeeze %dma_wait3A_118 : memref<1x1x128xi32, #tpu.memory_space<hbm>> -> memref<128xi32, #tpu.memory_space<hbm>>
      tpu.wait_dma2 semaphore(%arg14 : memref<!tpu.dma_semaphore, #tpu.memory_space<semaphore_mem>>) src(%dma_wait3A_119 : memref<128xi32, #tpu.memory_space<hbm>>) dst(%arg9 : memref<128xi32, #tpu.memory_space<vmem>>)
      %dma_start3A_120 = arith.constant 0 : i32
      %dma_start3A_121 = arith.constant 0 : i32
      %dma_start3A_122 = tpu.memref_slice %arg4[%dma_start3A_120, %dma_start3A_121] : memref<10000x128xf32, #tpu.memory_space<hbm>> -> memref<10000x128xf32, #tpu.memory_space<hbm>>
      tpu.enqueue_indirect_dma source(%dma_start3A_122 : memref<10000x128xf32, #tpu.memory_space<hbm>>) target(%arg11 : memref<128x128xf32, #tpu.memory_space<vmem>>) offsets(%arg8 : memref<128xi32, #tpu.memory_space<vmem>>) semaphore(%arg16 : memref<!tpu.dma_semaphore, #tpu.memory_space<semaphore_mem>>)
      %dma_wait3A_123 = arith.constant 0 : i32
      %dma_wait3A_124 = arith.constant 0 : i32
      %dma_wait3A_125 = tpu.memref_slice %arg4[%dma_wait3A_123, %dma_wait3A_124] : memref<10000x128xf32, #tpu.memory_space<hbm>> -> memref<10000x128xf32, #tpu.memory_space<hbm>>
      tpu.wait_indirect_dma semaphore(%arg15 : memref<!tpu.dma_semaphore, #tpu.memory_space<semaphore_mem>>) src(%dma_wait3A_125 : memref<10000x128xf32, #tpu.memory_space<hbm>>) dst(%arg10 : memref<128x128xf32, #tpu.memory_space<vmem>>)
      "tpu.region"() ({
        %run_scoped3A = tpu.sem_alloc : memref<!tpu.dma_semaphore, #tpu.memory_space<semaphore_mem>>
        %dma_start3A_153 = arith.constant 0 : i32
        %dma_start3A_154 = arith.constant 0 : i32
        %dma_start3A_155 = tpu.memref_slice %arg12[%dma_start3A_153, %dma_start3A_154] : memref<10240x128xf32, #tpu.memory_space<vmem_shared>> -> memref<10240x128xf32, #tpu.memory_space<vmem_shared>>
        tpu.enqueue_indirect_dma source(%arg10 : memref<128x128xf32, #tpu.memory_space<vmem>>) target(%dma_start3A_155 : memref<10240x128xf32, #tpu.memory_space<vmem_shared>>) offsets(%arg7 : memref<128xi32, #tpu.memory_space<vmem>>) semaphore(%run_scoped3A : memref<!tpu.dma_semaphore, #tpu.memory_space<semaphore_mem>>) {add = true}
        %dma_wait3A_156 = arith.constant 0 : i32
        %dma_wait3A_157 = arith.constant 0 : i32
        %dma_wait3A_158 = tpu.memref_slice %arg12[%dma_wait3A_156, %dma_wait3A_157] : memref<10240x128xf32, #tpu.memory_space<vmem_shared>> -> memref<10240x128xf32, #tpu.memory_space<vmem_shared>>
        tpu.wait_indirect_dma semaphore(%run_scoped3A : memref<!tpu.dma_semaphore, #tpu.memory_space<semaphore_mem>>) src(%arg10 : memref<128x128xf32, #tpu.memory_space<vmem>>) dst(%dma_wait3A_158 : memref<10240x128xf32, #tpu.memory_space<vmem_shared>>)
        tpu.yield
      }) : () -> ()
      %dma_start3A_126 = arith.constant 0 : i32
      %dma_start3A_127 = tpu.memref_slice %arg2[%add3A, %min3A_88, %dma_start3A_126] : memref<32x80x128xi32, #tpu.memory_space<hbm>> -> memref<1x1x128xi32, #tpu.memory_space<hbm>>
      %dma_start3A_128 = tpu.memref_squeeze %dma_start3A_127 : memref<1x1x128xi32, #tpu.memory_space<hbm>> -> memref<128xi32, #tpu.memory_space<hbm>>
      %dma_start3A_129 = arith.constant 0 : i32
      %dma_start3A_130 = tpu.memref_slice %arg2[%add3A, %min3A_88, %dma_start3A_129] : memref<32x80x128xi32, #tpu.memory_space<hbm>> -> memref<1x1x128xi32, #tpu.memory_space<hbm>>
      %dma_start3A_131 = tpu.memref_squeeze %dma_start3A_130 : memref<1x1x128xi32, #tpu.memory_space<hbm>> -> memref<128xi32, #tpu.memory_space<hbm>>
      tpu.enqueue_dma source(%dma_start3A_131 : memref<128xi32, #tpu.memory_space<hbm>>) target(%arg6 : memref<128xi32, #tpu.memory_space<vmem>>) target_semaphore(%arg13 : memref<!tpu.dma_semaphore, #tpu.memory_space<semaphore_mem>>)
      %dma_start3A_132 = arith.constant 0 : i32
      %dma_start3A_133 = tpu.memref_slice %arg3[%add3A, %min3A_88, %dma_start3A_132] : memref<32x80x128xi32, #tpu.memory_space<hbm>> -> memref<1x1x128xi32, #tpu.memory_space<hbm>>
      %dma_start3A_134 = tpu.memref_squeeze %dma_start3A_133 : memref<1x1x128xi32, #tpu.memory_space<hbm>> -> memref<128xi32, #tpu.memory_space<hbm>>
      %dma_start3A_135 = arith.constant 0 : i32
      %dma_start3A_136 = tpu.memref_slice %arg3[%add3A, %min3A_88, %dma_start3A_135] : memref<32x80x128xi32, #tpu.memory_space<hbm>> -> memref<1x1x128xi32, #tpu.memory_space<hbm>>
      %dma_start3A_137 = tpu.memref_squeeze %dma_start3A_136 : memref<1x1x128xi32, #tpu.memory_space<hbm>> -> memref<128xi32, #tpu.memory_space<hbm>>
      tpu.enqueue_dma source(%dma_start3A_137 : memref<128xi32, #tpu.memory_space<hbm>>) target(%arg7 : memref<128xi32, #tpu.memory_space<vmem>>) target_semaphore(%arg13 : memref<!tpu.dma_semaphore, #tpu.memory_space<semaphore_mem>>)
      %dma_wait3A_138 = arith.constant 0 : i32
      %dma_wait3A_139 = arith.constant 0 : i32
      %dma_wait3A_140 = tpu.memref_slice %arg4[%dma_wait3A_138, %dma_wait3A_139] : memref<10000x128xf32, #tpu.memory_space<hbm>> -> memref<10000x128xf32, #tpu.memory_space<hbm>>
      tpu.wait_indirect_dma semaphore(%arg16 : memref<!tpu.dma_semaphore, #tpu.memory_space<semaphore_mem>>) src(%dma_wait3A_140 : memref<10000x128xf32, #tpu.memory_space<hbm>>) dst(%arg11 : memref<128x128xf32, #tpu.memory_space<vmem>>)
      "tpu.region"() ({
        %run_scoped3A = tpu.sem_alloc : memref<!tpu.dma_semaphore, #tpu.memory_space<semaphore_mem>>
        %dma_start3A_153 = arith.constant 0 : i32
        %dma_start3A_154 = arith.constant 0 : i32
        %dma_start3A_155 = tpu.memref_slice %arg12[%dma_start3A_153, %dma_start3A_154] : memref<10240x128xf32, #tpu.memory_space<vmem_shared>> -> memref<10240x128xf32, #tpu.memory_space<vmem_shared>>
        tpu.enqueue_indirect_dma source(%arg11 : memref<128x128xf32, #tpu.memory_space<vmem>>) target(%dma_start3A_155 : memref<10240x128xf32, #tpu.memory_space<vmem_shared>>) offsets(%arg9 : memref<128xi32, #tpu.memory_space<vmem>>) semaphore(%run_scoped3A : memref<!tpu.dma_semaphore, #tpu.memory_space<semaphore_mem>>) {add = true}
        %dma_wait3A_156 = arith.constant 0 : i32
        %dma_wait3A_157 = arith.constant 0 : i32
        %dma_wait3A_158 = tpu.memref_slice %arg12[%dma_wait3A_156, %dma_wait3A_157] : memref<10240x128xf32, #tpu.memory_space<vmem_shared>> -> memref<10240x128xf32, #tpu.memory_space<vmem_shared>>
        tpu.wait_indirect_dma semaphore(%run_scoped3A : memref<!tpu.dma_semaphore, #tpu.memory_space<semaphore_mem>>) src(%arg11 : memref<128x128xf32, #tpu.memory_space<vmem>>) dst(%dma_wait3A_158 : memref<10240x128xf32, #tpu.memory_space<vmem_shared>>)
        tpu.yield
      }) : () -> ()
      %dma_start3A_141 = arith.constant 0 : i32
      %dma_start3A_142 = tpu.memref_slice %arg2[%add3A, %min3A_92, %dma_start3A_141] : memref<32x80x128xi32, #tpu.memory_space<hbm>> -> memref<1x1x128xi32, #tpu.memory_space<hbm>>
      %dma_start3A_143 = tpu.memref_squeeze %dma_start3A_142 : memref<1x1x128xi32, #tpu.memory_space<hbm>> -> memref<128xi32, #tpu.memory_space<hbm>>
      %dma_start3A_144 = arith.constant 0 : i32
      %dma_start3A_145 = tpu.memref_slice %arg2[%add3A, %min3A_92, %dma_start3A_144] : memref<32x80x128xi32, #tpu.memory_space<hbm>> -> memref<1x1x128xi32, #tpu.memory_space<hbm>>
      %dma_start3A_146 = tpu.memref_squeeze %dma_start3A_145 : memref<1x1x128xi32, #tpu.memory_space<hbm>> -> memref<128xi32, #tpu.memory_space<hbm>>
      tpu.enqueue_dma source(%dma_start3A_146 : memref<128xi32, #tpu.memory_space<hbm>>) target(%arg8 : memref<128xi32, #tpu.memory_space<vmem>>) target_semaphore(%arg14 : memref<!tpu.dma_semaphore, #tpu.memory_space<semaphore_mem>>)
      %dma_start3A_147 = arith.constant 0 : i32
      %dma_start3A_148 = tpu.memref_slice %arg3[%add3A, %min3A_92, %dma_start3A_147] : memref<32x80x128xi32, #tpu.memory_space<hbm>> -> memref<1x1x128xi32, #tpu.memory_space<hbm>>
      %dma_start3A_149 = tpu.memref_squeeze %dma_start3A_148 : memref<1x1x128xi32, #tpu.memory_space<hbm>> -> memref<128xi32, #tpu.memory_space<hbm>>
      %dma_start3A_150 = arith.constant 0 : i32
      %dma_start3A_151 = tpu.memref_slice %arg3[%add3A, %min3A_92, %dma_start3A_150] : memref<32x80x128xi32, #tpu.memory_space<hbm>> -> memref<1x1x128xi32, #tpu.memory_space<hbm>>
      %dma_start3A_152 = tpu.memref_squeeze %dma_start3A_151 : memref<1x1x128xi32, #tpu.memory_space<hbm>> -> memref<128xi32, #tpu.memory_space<hbm>>
      tpu.enqueue_dma source(%dma_start3A_152 : memref<128xi32, #tpu.memory_space<hbm>>) target(%arg9 : memref<128xi32, #tpu.memory_space<vmem>>) target_semaphore(%arg14 : memref<!tpu.dma_semaphore, #tpu.memory_space<semaphore_mem>>)
    }
    %scan3A_50 = arith.constant 40 : i32
    %dma_wait3A = arith.constant 0 : i32
    %dma_wait3A_51 = arith.constant 0 : i32
    %dma_wait3A_52 = tpu.memref_slice %arg2[%add3A, %dma_wait3A, %dma_wait3A_51] : memref<32x80x128xi32, #tpu.memory_space<hbm>> -> memref<1x1x128xi32, #tpu.memory_space<hbm>>
    %dma_wait3A_53 = tpu.memref_squeeze %dma_wait3A_52 : memref<1x1x128xi32, #tpu.memory_space<hbm>> -> memref<128xi32, #tpu.memory_space<hbm>>
    %dma_wait3A_54 = arith.constant 0 : i32
    %dma_wait3A_55 = tpu.memref_slice %arg2[%add3A, %dma_wait3A, %dma_wait3A_54] : memref<32x80x128xi32, #tpu.memory_space<hbm>> -> memref<1x1x128xi32, #tpu.memory_space<hbm>>
    %dma_wait3A_56 = tpu.memref_squeeze %dma_wait3A_55 : memref<1x1x128xi32, #tpu.memory_space<hbm>> -> memref<128xi32, #tpu.memory_space<hbm>>
    tpu.wait_dma2 semaphore(%arg13 : memref<!tpu.dma_semaphore, #tpu.memory_space<semaphore_mem>>) src(%dma_wait3A_56 : memref<128xi32, #tpu.memory_space<hbm>>) dst(%arg6 : memref<128xi32, #tpu.memory_space<vmem>>)
    %dma_wait3A_57 = arith.constant 0 : i32
    %dma_wait3A_58 = arith.constant 0 : i32
    %dma_wait3A_59 = tpu.memref_slice %arg3[%add3A, %dma_wait3A_57, %dma_wait3A_58] : memref<32x80x128xi32, #tpu.memory_space<hbm>> -> memref<1x1x128xi32, #tpu.memory_space<hbm>>
    %dma_wait3A_60 = tpu.memref_squeeze %dma_wait3A_59 : memref<1x1x128xi32, #tpu.memory_space<hbm>> -> memref<128xi32, #tpu.memory_space<hbm>>
    %dma_wait3A_61 = arith.constant 0 : i32
    %dma_wait3A_62 = tpu.memref_slice %arg3[%add3A, %dma_wait3A_57, %dma_wait3A_61] : memref<32x80x128xi32, #tpu.memory_space<hbm>> -> memref<1x1x128xi32, #tpu.memory_space<hbm>>
    %dma_wait3A_63 = tpu.memref_squeeze %dma_wait3A_62 : memref<1x1x128xi32, #tpu.memory_space<hbm>> -> memref<128xi32, #tpu.memory_space<hbm>>
    tpu.wait_dma2 semaphore(%arg13 : memref<!tpu.dma_semaphore, #tpu.memory_space<semaphore_mem>>) src(%dma_wait3A_63 : memref<128xi32, #tpu.memory_space<hbm>>) dst(%arg7 : memref<128xi32, #tpu.memory_space<vmem>>)
    %dma_wait3A_64 = arith.constant 0 : i32
    %dma_wait3A_65 = arith.constant 0 : i32
    %dma_wait3A_66 = tpu.memref_slice %arg2[%add3A, %dma_wait3A_64, %dma_wait3A_65] : memref<32x80x128xi32, #tpu.memory_space<hbm>> -> memref<1x1x128xi32, #tpu.memory_space<hbm>>
    %dma_wait3A_67 = tpu.memref_squeeze %dma_wait3A_66 : memref<1x1x128xi32, #tpu.memory_space<hbm>> -> memref<128xi32, #tpu.memory_space<hbm>>
    %dma_wait3A_68 = arith.constant 0 : i32
    %dma_wait3A_69 = tpu.memref_slice %arg2[%add3A, %dma_wait3A_64, %dma_wait3A_68] : memref<32x80x128xi32, #tpu.memory_space<hbm>> -> memref<1x1x128xi32, #tpu.memory_space<hbm>>
    %dma_wait3A_70 = tpu.memref_squeeze %dma_wait3A_69 : memref<1x1x128xi32, #tpu.memory_space<hbm>> -> memref<128xi32, #tpu.memory_space<hbm>>
    tpu.wait_dma2 semaphore(%arg14 : memref<!tpu.dma_semaphore, #tpu.memory_space<semaphore_mem>>) src(%dma_wait3A_70 : memref<128xi32, #tpu.memory_space<hbm>>) dst(%arg8 : memref<128xi32, #tpu.memory_space<vmem>>)
    %dma_wait3A_71 = arith.constant 0 : i32
    %dma_wait3A_72 = arith.constant 0 : i32
    %dma_wait3A_73 = tpu.memref_slice %arg3[%add3A, %dma_wait3A_71, %dma_wait3A_72] : memref<32x80x128xi32, #tpu.memory_space<hbm>> -> memref<1x1x128xi32, #tpu.memory_space<hbm>>
    %dma_wait3A_74 = tpu.memref_squeeze %dma_wait3A_73 : memref<1x1x128xi32, #tpu.memory_space<hbm>> -> memref<128xi32, #tpu.memory_space<hbm>>
    %dma_wait3A_75 = arith.constant 0 : i32
    %dma_wait3A_76 = tpu.memref_slice %arg3[%add3A, %dma_wait3A_71, %dma_wait3A_75] : memref<32x80x128xi32, #tpu.memory_space<hbm>> -> memref<1x1x128xi32, #tpu.memory_space<hbm>>
    %dma_wait3A_77 = tpu.memref_squeeze %dma_wait3A_76 : memref<1x1x128xi32, #tpu.memory_space<hbm>> -> memref<128xi32, #tpu.memory_space<hbm>>
    tpu.wait_dma2 semaphore(%arg14 : memref<!tpu.dma_semaphore, #tpu.memory_space<semaphore_mem>>) src(%dma_wait3A_77 : memref<128xi32, #tpu.memory_space<hbm>>) dst(%arg9 : memref<128xi32, #tpu.memory_space<vmem>>)
    %barrier3A_78 = arith.constant 0 : index
    tpu.barrier barrier_id(%barrier3A_78)
    %mul3A_79 = arith.constant 640 : i32
    %mul3A_80 = arith.muli %arg1, %mul3A_79 : i32
    "tpu.region"() ({
      %run_scoped3A = tpu.sem_alloc : memref<!tpu.dma_semaphore, #tpu.memory_space<semaphore_mem>>
      %dma_start3A_81 = arith.constant 0 : i32
      %dma_start3A_82 = tpu.memref_slice %arg5[%arg0, %mul3A_80, %dma_start3A_81] : memref<2x10240x128xf32, #tpu.memory_space<hbm>> -> memref<1x640x128xf32, #tpu.memory_space<hbm>>
      %dma_start3A_83 = tpu.memref_squeeze %dma_start3A_82 : memref<1x640x128xf32, #tpu.memory_space<hbm>> -> memref<640x128xf32, #tpu.memory_space<hbm>>
      %dma_start3A_84 = arith.constant 0 : i32
      %dma_start3A_85 = tpu.memref_slice %arg12[%mul3A_80, %dma_start3A_84] : memref<10240x128xf32, #tpu.memory_space<vmem_shared>> -> memref<640x128xf32, #tpu.memory_space<vmem_shared>>
      tpu.enqueue_dma source(%dma_start3A_85 : memref<640x128xf32, #tpu.memory_space<vmem_shared>>) target(%dma_start3A_83 : memref<640x128xf32, #tpu.memory_space<hbm>>) target_semaphore(%run_scoped3A : memref<!tpu.dma_semaphore, #tpu.memory_space<semaphore_mem>>)
      %dma_wait3A_86 = arith.constant 0 : i32
      %dma_wait3A_87 = tpu.memref_slice %arg5[%arg0, %mul3A_80, %dma_wait3A_86] : memref<2x10240x128xf32, #tpu.memory_space<hbm>> -> memref<1x640x128xf32, #tpu.memory_space<hbm>>
      %dma_wait3A_88 = tpu.memref_squeeze %dma_wait3A_87 : memref<1x640x128xf32, #tpu.memory_space<hbm>> -> memref<640x128xf32, #tpu.memory_space<hbm>>
      %dma_wait3A_89 = arith.constant 0 : i32
      %dma_wait3A_90 = tpu.memref_slice %arg12[%mul3A_80, %dma_wait3A_89] : memref<10240x128xf32, #tpu.memory_space<vmem_shared>> -> memref<640x128xf32, #tpu.memory_space<vmem_shared>>
      tpu.wait_dma2 semaphore(%run_scoped3A : memref<!tpu.dma_semaphore, #tpu.memory_space<semaphore_mem>>) src(%dma_wait3A_90 : memref<640x128xf32, #tpu.memory_space<vmem_shared>>) dst(%dma_wait3A_88 : memref<640x128xf32, #tpu.memory_space<hbm>>)
      tpu.yield
    }) : () -> ()
    return
  }
}

#map = affine_map<(d0, d1) -> (0, 0, 0)>
#map1 = affine_map<(d0, d1) -> (0, 0)>
module attributes {stable_mosaic.version = 14 : i64} {
  func.func @_prop(%arg0: i32, %arg1: i32, %arg2: memref<32x80x128xi32, #tpu.memory_space<hbm>>, %arg3: memref<32x80x128xi32, #tpu.memory_space<hbm>>, %arg4: memref<10000x128xf32, #tpu.memory_space<hbm>>, %arg5: memref<2x10240x128xf32, #tpu.memory_space<hbm>>, %arg6: memref<128xi32, #tpu.memory_space<vmem>>, %arg7: memref<128xi32, #tpu.memory_space<vmem>>, %arg8: memref<128xi32, #tpu.memory_space<vmem>>, %arg9: memref<128xi32, #tpu.memory_space<vmem>>, %arg10: memref<128x128xf32, #tpu.memory_space<vmem>>, %arg11: memref<128x128xf32, #tpu.memory_space<vmem>>, %arg12: memref<10240x128xf32, #tpu.memory_space<vmem_shared>>, %arg13: memref<!tpu.dma_semaphore, #tpu.memory_space<semaphore_mem>>, %arg14: memref<!tpu.dma_semaphore, #tpu.memory_space<semaphore_mem>>, %arg15: memref<!tpu.dma_semaphore, #tpu.memory_space<semaphore_mem>>, %arg16: memref<!tpu.dma_semaphore, #tpu.memory_space<semaphore_mem>>) attributes {dimension_semantics = [#tpu.dimension_semantics<core_parallel>, #tpu.dimension_semantics<subcore_parallel>], iteration_bounds = array<i64: 2, 16>, scalar_prefetch = 0 : i64, scratch_operands = 11 : i64, tpu.core_type = #tpu.core_type<sc_vector_subcore>, window_params = [{transform_indices = #map}, {transform_indices = #map}, {transform_indices = #map1}, {transform_indices = #map}]} {
    %mul3A = arith.constant 2 : i32
    %mul3A_0 = arith.muli %arg1, %mul3A : i32
    %add3A = arith.addi %mul3A_0, %arg0 : i32
    %scan3A = arith.constant 0 : i32
    %scan3A_1 = arith.constant 0 : i32
    %scan3A_2 = arith.constant 1024 : i32
    %scan3A_3 = arith.addi %scan3A_1, %scan3A_2 : i32
    %scan3A_4 = arith.constant 1 : i32
    scf.for %scan3A_81 = %scan3A_1 to %scan3A_3 step %scan3A_4  : i32 {
      %jit3A = arith.constant 8 : i32
      %div3A = arith.divsi %scan3A_81, %jit3A : i32
      %sign3A = arith.constant 0 : i32
      %sign3A_82 = arith.cmpi sgt, %scan3A_81, %sign3A : i32
      %sign3A_83 = arith.extui %sign3A_82 : i1 to i32
      %sign3A_84 = arith.constant 0 : i32
      %sign3A_85 = arith.cmpi slt, %scan3A_81, %sign3A_84 : i32
      %sign3A_86 = arith.extui %sign3A_85 : i1 to i32
      %sign3A_87 = arith.subi %sign3A_83, %sign3A_86 : i32
      %sign3A_88 = arith.constant 0 : i32
      %sign3A_89 = arith.cmpi sgt, %jit3A, %sign3A_88 : i32
      %sign3A_90 = arith.extui %sign3A_89 : i1 to i32
      %sign3A_91 = arith.constant 0 : i32
      %sign3A_92 = arith.cmpi slt, %jit3A, %sign3A_91 : i32
      %sign3A_93 = arith.extui %sign3A_92 : i1 to i32
      %sign3A_94 = arith.subi %sign3A_90, %sign3A_93 : i32
      %ne3A = arith.cmpi ne, %sign3A_87, %sign3A_94 : i32
      %rem3A = arith.remsi %scan3A_81, %jit3A : i32
      %ne3A_95 = arith.constant 0 : i32
      %ne3A_96 = arith.cmpi ne, %rem3A, %ne3A_95 : i32
      %and3A = arith.andi %ne3A, %ne3A_96 : i1
      %sub3A = arith.constant 1 : i32
      %sub3A_97 = arith.subi %div3A, %sub3A : i32
      %select_n3A = arith.select %and3A, %sub3A_97, %div3A : i32
      %mul3A_98 = arith.constant 8 : i32
      %mul3A_99 = arith.muli %select_n3A, %mul3A_98 : i32
      %sub3A_100 = arith.subi %scan3A_81, %mul3A_99 : i32
      %broadcast_in_dim3A = arith.constant 0.000000e+00 : f32
      %broadcast_in_dim3A_101 = vector.broadcast %broadcast_in_dim3A : f32 to vector<16xf32>
      %mul3A_102 = arith.constant 16 : i32
      %mul3A_103 = arith.muli %sub3A_100, %mul3A_102 : i32
      %swap3A = arith.index_cast %select_n3A : i32 to index
      %swap3A_104 = arith.index_cast %mul3A_103 : i32 to index
      %swap3A_105 = tpu.vector_load %arg10[%swap3A, %swap3A_104] {strides = array<i32>} : memref<128x128xf32, #tpu.memory_space<vmem>>, vector<1x16xf32>,
      %swap3A_106 = vector.shape_cast %swap3A_105 : vector<1x16xf32> to vector<16xf32>
      %swap3A_107 = vector.shape_cast %broadcast_in_dim3A_101 : vector<16xf32> to vector<1x16xf32>
      tpu.vector_store %arg10[%swap3A, %swap3A_104], %swap3A_107 {strides = array<i32>} : memref<128x128xf32, #tpu.memory_space<vmem>>, vector<1x16xf32>,
    }
    %scan3A_5 = arith.constant 1024 : i32
    %mul3A_6 = arith.constant 640 : i32
    %mul3A_7 = arith.muli %arg1, %mul3A_6 : i32
    %add3A_8 = arith.constant 0 : i32
    %add3A_9 = arith.addi %mul3A_7, %add3A_8 : i32
    "tpu.region"() ({
      %run_scoped3A = tpu.sem_alloc : memref<!tpu.dma_semaphore, #tpu.memory_space<semaphore_mem>>
      %dma_start3A_81 = arith.constant 0 : i32
      %dma_start3A_82 = tpu.memref_slice %arg12[%add3A_9, %dma_start3A_81] : memref<10240x128xf32, #tpu.memory_space<vmem_shared>> -> memref<128x128xf32, #tpu.memory_space<vmem_shared>>
      %dma_start3A_83 = arith.constant 0 : i32
      %dma_start3A_84 = tpu.memref_slice %arg12[%add3A_9, %dma_start3A_83] : memref<10240x128xf32, #tpu.memory_space<vmem_shared>> -> memref<128x128xf32, #tpu.memory_space<vmem_shared>>
      tpu.enqueue_dma source(%arg10 : memref<128x128xf32, #tpu.memory_space<vmem>>) target(%dma_start3A_84 : memref<128x128xf32, #tpu.memory_space<vmem_shared>>) target_semaphore(%run_scoped3A : memref<!tpu.dma_semaphore, #tpu.memory_space<semaphore_mem>>)
      %dma_wait3A_85 = arith.constant 0 : i32
      %dma_wait3A_86 = tpu.memref_slice %arg12[%add3A_9, %dma_wait3A_85] : memref<10240x128xf32, #tpu.memory_space<vmem_shared>> -> memref<128x128xf32, #tpu.memory_space<vmem_shared>>
      %dma_wait3A_87 = arith.constant 0 : i32
      %dma_wait3A_88 = tpu.memref_slice %arg12[%add3A_9, %dma_wait3A_87] : memref<10240x128xf32, #tpu.memory_space<vmem_shared>> -> memref<128x128xf32, #tpu.memory_space<vmem_shared>>
      tpu.wait_dma2 semaphore(%run_scoped3A : memref<!tpu.dma_semaphore, #tpu.memory_space<semaphore_mem>>) src(%arg10 : memref<128x128xf32, #tpu.memory_space<vmem>>) dst(%dma_wait3A_88 : memref<128x128xf32, #tpu.memory_space<vmem_shared>>)
      tpu.yield
    }) : () -> ()
    %add3A_10 = arith.constant 128 : i32
    %add3A_11 = arith.addi %mul3A_7, %add3A_10 : i32
    "tpu.region"() ({
      %run_scoped3A = tpu.sem_alloc : memref<!tpu.dma_semaphore, #tpu.memory_space<semaphore_mem>>
      %dma_start3A_81 = arith.constant 0 : i32
      %dma_start3A_82 = tpu.memref_slice %arg12[%add3A_11, %dma_start3A_81] : memref<10240x128xf32, #tpu.memory_space<vmem_shared>> -> memref<128x128xf32, #tpu.memory_space<vmem_shared>>
      %dma_start3A_83 = arith.constant 0 : i32
      %dma_start3A_84 = tpu.memref_slice %arg12[%add3A_11, %dma_start3A_83] : memref<10240x128xf32, #tpu.memory_space<vmem_shared>> -> memref<128x128xf32, #tpu.memory_space<vmem_shared>>
      tpu.enqueue_dma source(%arg10 : memref<128x128xf32, #tpu.memory_space<vmem>>) target(%dma_start3A_84 : memref<128x128xf32, #tpu.memory_space<vmem_shared>>) target_semaphore(%run_scoped3A : memref<!tpu.dma_semaphore, #tpu.memory_space<semaphore_mem>>)
      %dma_wait3A_85 = arith.constant 0 : i32
      %dma_wait3A_86 = tpu.memref_slice %arg12[%add3A_11, %dma_wait3A_85] : memref<10240x128xf32, #tpu.memory_space<vmem_shared>> -> memref<128x128xf32, #tpu.memory_space<vmem_shared>>
      %dma_wait3A_87 = arith.constant 0 : i32
      %dma_wait3A_88 = tpu.memref_slice %arg12[%add3A_11, %dma_wait3A_87] : memref<10240x128xf32, #tpu.memory_space<vmem_shared>> -> memref<128x128xf32, #tpu.memory_space<vmem_shared>>
      tpu.wait_dma2 semaphore(%run_scoped3A : memref<!tpu.dma_semaphore, #tpu.memory_space<semaphore_mem>>) src(%arg10 : memref<128x128xf32, #tpu.memory_space<vmem>>) dst(%dma_wait3A_88 : memref<128x128xf32, #tpu.memory_space<vmem_shared>>)
      tpu.yield
    }) : () -> ()
    %add3A_12 = arith.constant 256 : i32
    %add3A_13 = arith.addi %mul3A_7, %add3A_12 : i32
    "tpu.region"() ({
      %run_scoped3A = tpu.sem_alloc : memref<!tpu.dma_semaphore, #tpu.memory_space<semaphore_mem>>
      %dma_start3A_81 = arith.constant 0 : i32
      %dma_start3A_82 = tpu.memref_slice %arg12[%add3A_13, %dma_start3A_81] : memref<10240x128xf32, #tpu.memory_space<vmem_shared>> -> memref<128x128xf32, #tpu.memory_space<vmem_shared>>
      %dma_start3A_83 = arith.constant 0 : i32
      %dma_start3A_84 = tpu.memref_slice %arg12[%add3A_13, %dma_start3A_83] : memref<10240x128xf32, #tpu.memory_space<vmem_shared>> -> memref<128x128xf32, #tpu.memory_space<vmem_shared>>
      tpu.enqueue_dma source(%arg10 : memref<128x128xf32, #tpu.memory_space<vmem>>) target(%dma_start3A_84 : memref<128x128xf32, #tpu.memory_space<vmem_shared>>) target_semaphore(%run_scoped3A : memref<!tpu.dma_semaphore, #tpu.memory_space<semaphore_mem>>)
      %dma_wait3A_85 = arith.constant 0 : i32
      %dma_wait3A_86 = tpu.memref_slice %arg12[%add3A_13, %dma_wait3A_85] : memref<10240x128xf32, #tpu.memory_space<vmem_shared>> -> memref<128x128xf32, #tpu.memory_space<vmem_shared>>
      %dma_wait3A_87 = arith.constant 0 : i32
      %dma_wait3A_88 = tpu.memref_slice %arg12[%add3A_13, %dma_wait3A_87] : memref<10240x128xf32, #tpu.memory_space<vmem_shared>> -> memref<128x128xf32, #tpu.memory_space<vmem_shared>>
      tpu.wait_dma2 semaphore(%run_scoped3A : memref<!tpu.dma_semaphore, #tpu.memory_space<semaphore_mem>>) src(%arg10 : memref<128x128xf32, #tpu.memory_space<vmem>>) dst(%dma_wait3A_88 : memref<128x128xf32, #tpu.memory_space<vmem_shared>>)
      tpu.yield
    }) : () -> ()
    %add3A_14 = arith.constant 384 : i32
    %add3A_15 = arith.addi %mul3A_7, %add3A_14 : i32
    "tpu.region"() ({
      %run_scoped3A = tpu.sem_alloc : memref<!tpu.dma_semaphore, #tpu.memory_space<semaphore_mem>>
      %dma_start3A_81 = arith.constant 0 : i32
      %dma_start3A_82 = tpu.memref_slice %arg12[%add3A_15, %dma_start3A_81] : memref<10240x128xf32, #tpu.memory_space<vmem_shared>> -> memref<128x128xf32, #tpu.memory_space<vmem_shared>>
      %dma_start3A_83 = arith.constant 0 : i32
      %dma_start3A_84 = tpu.memref_slice %arg12[%add3A_15, %dma_start3A_83] : memref<10240x128xf32, #tpu.memory_space<vmem_shared>> -> memref<128x128xf32, #tpu.memory_space<vmem_shared>>
      tpu.enqueue_dma source(%arg10 : memref<128x128xf32, #tpu.memory_space<vmem>>) target(%dma_start3A_84 : memref<128x128xf32, #tpu.memory_space<vmem_shared>>) target_semaphore(%run_scoped3A : memref<!tpu.dma_semaphore, #tpu.memory_space<semaphore_mem>>)
      %dma_wait3A_85 = arith.constant 0 : i32
      %dma_wait3A_86 = tpu.memref_slice %arg12[%add3A_15, %dma_wait3A_85] : memref<10240x128xf32, #tpu.memory_space<vmem_shared>> -> memref<128x128xf32, #tpu.memory_space<vmem_shared>>
      %dma_wait3A_87 = arith.constant 0 : i32
      %dma_wait3A_88 = tpu.memref_slice %arg12[%add3A_15, %dma_wait3A_87] : memref<10240x128xf32, #tpu.memory_space<vmem_shared>> -> memref<128x128xf32, #tpu.memory_space<vmem_shared>>
      tpu.wait_dma2 semaphore(%run_scoped3A : memref<!tpu.dma_semaphore, #tpu.memory_space<semaphore_mem>>) src(%arg10 : memref<128x128xf32, #tpu.memory_space<vmem>>) dst(%dma_wait3A_88 : memref<128x128xf32, #tpu.memory_space<vmem_shared>>)
      tpu.yield
    }) : () -> ()
    %add3A_16 = arith.constant 512 : i32
    %add3A_17 = arith.addi %mul3A_7, %add3A_16 : i32
    "tpu.region"() ({
      %run_scoped3A = tpu.sem_alloc : memref<!tpu.dma_semaphore, #tpu.memory_space<semaphore_mem>>
      %dma_start3A_81 = arith.constant 0 : i32
      %dma_start3A_82 = tpu.memref_slice %arg12[%add3A_17, %dma_start3A_81] : memref<10240x128xf32, #tpu.memory_space<vmem_shared>> -> memref<128x128xf32, #tpu.memory_space<vmem_shared>>
      %dma_start3A_83 = arith.constant 0 : i32
      %dma_start3A_84 = tpu.memref_slice %arg12[%add3A_17, %dma_start3A_83] : memref<10240x128xf32, #tpu.memory_space<vmem_shared>> -> memref<128x128xf32, #tpu.memory_space<vmem_shared>>
      tpu.enqueue_dma source(%arg10 : memref<128x128xf32, #tpu.memory_space<vmem>>) target(%dma_start3A_84 : memref<128x128xf32, #tpu.memory_space<vmem_shared>>) target_semaphore(%run_scoped3A : memref<!tpu.dma_semaphore, #tpu.memory_space<semaphore_mem>>)
      %dma_wait3A_85 = arith.constant 0 : i32
      %dma_wait3A_86 = tpu.memref_slice %arg12[%add3A_17, %dma_wait3A_85] : memref<10240x128xf32, #tpu.memory_space<vmem_shared>> -> memref<128x128xf32, #tpu.memory_space<vmem_shared>>
      %dma_wait3A_87 = arith.constant 0 : i32
      %dma_wait3A_88 = tpu.memref_slice %arg12[%add3A_17, %dma_wait3A_87] : memref<10240x128xf32, #tpu.memory_space<vmem_shared>> -> memref<128x128xf32, #tpu.memory_space<vmem_shared>>
      tpu.wait_dma2 semaphore(%run_scoped3A : memref<!tpu.dma_semaphore, #tpu.memory_space<semaphore_mem>>) src(%arg10 : memref<128x128xf32, #tpu.memory_space<vmem>>) dst(%dma_wait3A_88 : memref<128x128xf32, #tpu.memory_space<vmem_shared>>)
      tpu.yield
    }) : () -> ()
    %barrier3A = arith.constant 0 : index
    tpu.barrier barrier_id(%barrier3A)
    %dma_start3A = arith.constant 0 : i32
    %dma_start3A_18 = arith.constant 0 : i32
    %dma_start3A_19 = tpu.memref_slice %arg2[%add3A, %dma_start3A, %dma_start3A_18] : memref<32x80x128xi32, #tpu.memory_space<hbm>> -> memref<1x1x128xi32, #tpu.memory_space<hbm>>
    %dma_start3A_20 = tpu.memref_squeeze %dma_start3A_19 : memref<1x1x128xi32, #tpu.memory_space<hbm>> -> memref<128xi32, #tpu.memory_space<hbm>>
    %dma_start3A_21 = arith.constant 0 : i32
    %dma_start3A_22 = tpu.memref_slice %arg2[%add3A, %dma_start3A, %dma_start3A_21] : memref<32x80x128xi32, #tpu.memory_space<hbm>> -> memref<1x1x128xi32, #tpu.memory_space<hbm>>
    %dma_start3A_23 = tpu.memref_squeeze %dma_start3A_22 : memref<1x1x128xi32, #tpu.memory_space<hbm>> -> memref<128xi32, #tpu.memory_space<hbm>>
    tpu.enqueue_dma source(%dma_start3A_23 : memref<128xi32, #tpu.memory_space<hbm>>) target(%arg6 : memref<128xi32, #tpu.memory_space<vmem>>) target_semaphore(%arg13 : memref<!tpu.dma_semaphore, #tpu.memory_space<semaphore_mem>>)
    %dma_start3A_24 = arith.constant 0 : i32
    %dma_start3A_25 = arith.constant 0 : i32
    %dma_start3A_26 = tpu.memref_slice %arg3[%add3A, %dma_start3A_24, %dma_start3A_25] : memref<32x80x128xi32, #tpu.memory_space<hbm>> -> memref<1x1x128xi32, #tpu.memory_space<hbm>>
    %dma_start3A_27 = tpu.memref_squeeze %dma_start3A_26 : memref<1x1x128xi32, #tpu.memory_space<hbm>> -> memref<128xi32, #tpu.memory_space<hbm>>
    %dma_start3A_28 = arith.constant 0 : i32
    %dma_start3A_29 = tpu.memref_slice %arg3[%add3A, %dma_start3A_24, %dma_start3A_28] : memref<32x80x128xi32, #tpu.memory_space<hbm>> -> memref<1x1x128xi32, #tpu.memory_space<hbm>>
    %dma_start3A_30 = tpu.memref_squeeze %dma_start3A_29 : memref<1x1x128xi32, #tpu.memory_space<hbm>> -> memref<128xi32, #tpu.memory_space<hbm>>
    tpu.enqueue_dma source(%dma_start3A_30 : memref<128xi32, #tpu.memory_space<hbm>>) target(%arg7 : memref<128xi32, #tpu.memory_space<vmem>>) target_semaphore(%arg13 : memref<!tpu.dma_semaphore, #tpu.memory_space<semaphore_mem>>)
    %dma_start3A_31 = arith.constant 1 : i32
    %dma_start3A_32 = arith.constant 0 : i32
    %dma_start3A_33 = tpu.memref_slice %arg2[%add3A, %dma_start3A_31, %dma_start3A_32] : memref<32x80x128xi32, #tpu.memory_space<hbm>> -> memref<1x1x128xi32, #tpu.memory_space<hbm>>
    %dma_start3A_34 = tpu.memref_squeeze %dma_start3A_33 : memref<1x1x128xi32, #tpu.memory_space<hbm>> -> memref<128xi32, #tpu.memory_space<hbm>>
    %dma_start3A_35 = arith.constant 0 : i32
    %dma_start3A_36 = tpu.memref_slice %arg2[%add3A, %dma_start3A_31, %dma_start3A_35] : memref<32x80x128xi32, #tpu.memory_space<hbm>> -> memref<1x1x128xi32, #tpu.memory_space<hbm>>
    %dma_start3A_37 = tpu.memref_squeeze %dma_start3A_36 : memref<1x1x128xi32, #tpu.memory_space<hbm>> -> memref<128xi32, #tpu.memory_space<hbm>>
    tpu.enqueue_dma source(%dma_start3A_37 : memref<128xi32, #tpu.memory_space<hbm>>) target(%arg8 : memref<128xi32, #tpu.memory_space<vmem>>) target_semaphore(%arg14 : memref<!tpu.dma_semaphore, #tpu.memory_space<semaphore_mem>>)
    %dma_start3A_38 = arith.constant 1 : i32
    %dma_start3A_39 = arith.constant 0 : i32
    %dma_start3A_40 = tpu.memref_slice %arg3[%add3A, %dma_start3A_38, %dma_start3A_39] : memref<32x80x128xi32, #tpu.memory_space<hbm>> -> memref<1x1x128xi32, #tpu.memory_space<hbm>>
    %dma_start3A_41 = tpu.memref_squeeze %dma_start3A_40 : memref<1x1x128xi32, #tpu.memory_space<hbm>> -> memref<128xi32, #tpu.memory_space<hbm>>
    %dma_start3A_42 = arith.constant 0 : i32
    %dma_start3A_43 = tpu.memref_slice %arg3[%add3A, %dma_start3A_38, %dma_start3A_42] : memref<32x80x128xi32, #tpu.memory_space<hbm>> -> memref<1x1x128xi32, #tpu.memory_space<hbm>>
    %dma_start3A_44 = tpu.memref_squeeze %dma_start3A_43 : memref<1x1x128xi32, #tpu.memory_space<hbm>> -> memref<128xi32, #tpu.memory_space<hbm>>
    tpu.enqueue_dma source(%dma_start3A_44 : memref<128xi32, #tpu.memory_space<hbm>>) target(%arg9 : memref<128xi32, #tpu.memory_space<vmem>>) target_semaphore(%arg14 : memref<!tpu.dma_semaphore, #tpu.memory_space<semaphore_mem>>)
    %scan3A_45 = arith.constant 0 : i32
    %scan3A_46 = arith.constant 0 : i32
    %scan3A_47 = arith.constant 40 : i32
    %scan3A_48 = arith.addi %scan3A_46, %scan3A_47 : i32
    %scan3A_49 = arith.constant 1 : i32
    scf.for %scan3A_81 = %scan3A_46 to %scan3A_48 step %scan3A_49  : i32 {
      %mul3A_82 = arith.constant 2 : i32
      %mul3A_83 = arith.muli %scan3A_81, %mul3A_82 : i32
      %add3A_84 = arith.constant 1 : i32
      %add3A_85 = arith.addi %mul3A_83, %add3A_84 : i32
      %add3A_86 = arith.constant 2 : i32
      %add3A_87 = arith.addi %mul3A_83, %add3A_86 : i32
      %min3A = arith.constant 78 : i32
      %min3A_88 = arith.minsi %add3A_87, %min3A : i32
      %add3A_89 = arith.constant 2 : i32
      %add3A_90 = arith.addi %add3A_85, %add3A_89 : i32
      %min3A_91 = arith.constant 79 : i32
      %min3A_92 = arith.minsi %add3A_90, %min3A_91 : i32
      %dma_wait3A_93 = arith.constant 0 : i32
      %dma_wait3A_94 = tpu.memref_slice %arg2[%add3A, %mul3A_83, %dma_wait3A_93] : memref<32x80x128xi32, #tpu.memory_space<hbm>> -> memref<1x1x128xi32, #tpu.memory_space<hbm>>
      %dma_wait3A_95 = tpu.memref_squeeze %dma_wait3A_94 : memref<1x1x128xi32, #tpu.memory_space<hbm>> -> memref<128xi32, #tpu.memory_space<hbm>>
      %dma_wait3A_96 = arith.constant 0 : i32
      %dma_wait3A_97 = tpu.memref_slice %arg2[%add3A, %mul3A_83, %dma_wait3A_96] : memref<32x80x128xi32, #tpu.memory_space<hbm>> -> memref<1x1x128xi32, #tpu.memory_space<hbm>>
      %dma_wait3A_98 = tpu.memref_squeeze %dma_wait3A_97 : memref<1x1x128xi32, #tpu.memory_space<hbm>> -> memref<128xi32, #tpu.memory_space<hbm>>
      tpu.wait_dma2 semaphore(%arg13 : memref<!tpu.dma_semaphore, #tpu.memory_space<semaphore_mem>>) src(%dma_wait3A_98 : memref<128xi32, #tpu.memory_space<hbm>>) dst(%arg6 : memref<128xi32, #tpu.memory_space<vmem>>)
      %dma_wait3A_99 = arith.constant 0 : i32
      %dma_wait3A_100 = tpu.memref_slice %arg3[%add3A, %mul3A_83, %dma_wait3A_99] : memref<32x80x128xi32, #tpu.memory_space<hbm>> -> memref<1x1x128xi32, #tpu.memory_space<hbm>>
      %dma_wait3A_101 = tpu.memref_squeeze %dma_wait3A_100 : memref<1x1x128xi32, #tpu.memory_space<hbm>> -> memref<128xi32, #tpu.memory_space<hbm>>
      %dma_wait3A_102 = arith.constant 0 : i32
      %dma_wait3A_103 = tpu.memref_slice %arg3[%add3A, %mul3A_83, %dma_wait3A_102] : memref<32x80x128xi32, #tpu.memory_space<hbm>> -> memref<1x1x128xi32, #tpu.memory_space<hbm>>
      %dma_wait3A_104 = tpu.memref_squeeze %dma_wait3A_103 : memref<1x1x128xi32, #tpu.memory_space<hbm>> -> memref<128xi32, #tpu.memory_space<hbm>>
      tpu.wait_dma2 semaphore(%arg13 : memref<!tpu.dma_semaphore, #tpu.memory_space<semaphore_mem>>) src(%dma_wait3A_104 : memref<128xi32, #tpu.memory_space<hbm>>) dst(%arg7 : memref<128xi32, #tpu.memory_space<vmem>>)
      %dma_start3A_105 = arith.constant 0 : i32
      %dma_start3A_106 = arith.constant 0 : i32
      %dma_start3A_107 = tpu.memref_slice %arg4[%dma_start3A_105, %dma_start3A_106] : memref<10000x128xf32, #tpu.memory_space<hbm>> -> memref<10000x128xf32, #tpu.memory_space<hbm>>
      tpu.enqueue_indirect_dma source(%dma_start3A_107 : memref<10000x128xf32, #tpu.memory_space<hbm>>) target(%arg10 : memref<128x128xf32, #tpu.memory_space<vmem>>) offsets(%arg6 : memref<128xi32, #tpu.memory_space<vmem>>) semaphore(%arg15 : memref<!tpu.dma_semaphore, #tpu.memory_space<semaphore_mem>>)
      %dma_wait3A_108 = arith.constant 0 : i32
      %dma_wait3A_109 = tpu.memref_slice %arg2[%add3A, %add3A_85, %dma_wait3A_108] : memref<32x80x128xi32, #tpu.memory_space<hbm>> -> memref<1x1x128xi32, #tpu.memory_space<hbm>>
      %dma_wait3A_110 = tpu.memref_squeeze %dma_wait3A_109 : memref<1x1x128xi32, #tpu.memory_space<hbm>> -> memref<128xi32, #tpu.memory_space<hbm>>
      %dma_wait3A_111 = arith.constant 0 : i32
      %dma_wait3A_112 = tpu.memref_slice %arg2[%add3A, %add3A_85, %dma_wait3A_111] : memref<32x80x128xi32, #tpu.memory_space<hbm>> -> memref<1x1x128xi32, #tpu.memory_space<hbm>>
      %dma_wait3A_113 = tpu.memref_squeeze %dma_wait3A_112 : memref<1x1x128xi32, #tpu.memory_space<hbm>> -> memref<128xi32, #tpu.memory_space<hbm>>
      tpu.wait_dma2 semaphore(%arg14 : memref<!tpu.dma_semaphore, #tpu.memory_space<semaphore_mem>>) src(%dma_wait3A_113 : memref<128xi32, #tpu.memory_space<hbm>>) dst(%arg8 : memref<128xi32, #tpu.memory_space<vmem>>)
      %dma_wait3A_114 = arith.constant 0 : i32
      %dma_wait3A_115 = tpu.memref_slice %arg3[%add3A, %add3A_85, %dma_wait3A_114] : memref<32x80x128xi32, #tpu.memory_space<hbm>> -> memref<1x1x128xi32, #tpu.memory_space<hbm>>
      %dma_wait3A_116 = tpu.memref_squeeze %dma_wait3A_115 : memref<1x1x128xi32, #tpu.memory_space<hbm>> -> memref<128xi32, #tpu.memory_space<hbm>>
      %dma_wait3A_117 = arith.constant 0 : i32
      %dma_wait3A_118 = tpu.memref_slice %arg3[%add3A, %add3A_85, %dma_wait3A_117] : memref<32x80x128xi32, #tpu.memory_space<hbm>> -> memref<1x1x128xi32, #tpu.memory_space<hbm>>
      %dma_wait3A_119 = tpu.memref_squeeze %dma_wait3A_118 : memref<1x1x128xi32, #tpu.memory_space<hbm>> -> memref<128xi32, #tpu.memory_space<hbm>>
      tpu.wait_dma2 semaphore(%arg14 : memref<!tpu.dma_semaphore, #tpu.memory_space<semaphore_mem>>) src(%dma_wait3A_119 : memref<128xi32, #tpu.memory_space<hbm>>) dst(%arg9 : memref<128xi32, #tpu.memory_space<vmem>>)
      %dma_start3A_120 = arith.constant 0 : i32
      %dma_start3A_121 = arith.constant 0 : i32
      %dma_start3A_122 = tpu.memref_slice %arg4[%dma_start3A_120, %dma_start3A_121] : memref<10000x128xf32, #tpu.memory_space<hbm>> -> memref<10000x128xf32, #tpu.memory_space<hbm>>
      tpu.enqueue_indirect_dma source(%dma_start3A_122 : memref<10000x128xf32, #tpu.memory_space<hbm>>) target(%arg11 : memref<128x128xf32, #tpu.memory_space<vmem>>) offsets(%arg8 : memref<128xi32, #tpu.memory_space<vmem>>) semaphore(%arg16 : memref<!tpu.dma_semaphore, #tpu.memory_space<semaphore_mem>>)
      %dma_wait3A_123 = arith.constant 0 : i32
      %dma_wait3A_124 = arith.constant 0 : i32
      %dma_wait3A_125 = tpu.memref_slice %arg4[%dma_wait3A_123, %dma_wait3A_124] : memref<10000x128xf32, #tpu.memory_space<hbm>> -> memref<10000x128xf32, #tpu.memory_space<hbm>>
      tpu.wait_indirect_dma semaphore(%arg15 : memref<!tpu.dma_semaphore, #tpu.memory_space<semaphore_mem>>) src(%dma_wait3A_125 : memref<10000x128xf32, #tpu.memory_space<hbm>>) dst(%arg10 : memref<128x128xf32, #tpu.memory_space<vmem>>)
      "tpu.region"() ({
        %run_scoped3A = tpu.sem_alloc : memref<!tpu.dma_semaphore, #tpu.memory_space<semaphore_mem>>
        %dma_start3A_153 = arith.constant 0 : i32
        %dma_start3A_154 = arith.constant 0 : i32
        %dma_start3A_155 = tpu.memref_slice %arg12[%dma_start3A_153, %dma_start3A_154] : memref<10240x128xf32, #tpu.memory_space<vmem_shared>> -> memref<10240x128xf32, #tpu.memory_space<vmem_shared>>
        tpu.enqueue_indirect_dma source(%arg10 : memref<128x128xf32, #tpu.memory_space<vmem>>) target(%dma_start3A_155 : memref<10240x128xf32, #tpu.memory_space<vmem_shared>>) offsets(%arg7 : memref<128xi32, #tpu.memory_space<vmem>>) semaphore(%run_scoped3A : memref<!tpu.dma_semaphore, #tpu.memory_space<semaphore_mem>>) {add = true}
        %dma_wait3A_156 = arith.constant 0 : i32
        %dma_wait3A_157 = arith.constant 0 : i32
        %dma_wait3A_158 = tpu.memref_slice %arg12[%dma_wait3A_156, %dma_wait3A_157] : memref<10240x128xf32, #tpu.memory_space<vmem_shared>> -> memref<10240x128xf32, #tpu.memory_space<vmem_shared>>
        tpu.wait_indirect_dma semaphore(%run_scoped3A : memref<!tpu.dma_semaphore, #tpu.memory_space<semaphore_mem>>) src(%arg10 : memref<128x128xf32, #tpu.memory_space<vmem>>) dst(%dma_wait3A_158 : memref<10240x128xf32, #tpu.memory_space<vmem_shared>>)
        tpu.yield
      }) : () -> ()
      %dma_start3A_126 = arith.constant 0 : i32
      %dma_start3A_127 = tpu.memref_slice %arg2[%add3A, %min3A_88, %dma_start3A_126] : memref<32x80x128xi32, #tpu.memory_space<hbm>> -> memref<1x1x128xi32, #tpu.memory_space<hbm>>
      %dma_start3A_128 = tpu.memref_squeeze %dma_start3A_127 : memref<1x1x128xi32, #tpu.memory_space<hbm>> -> memref<128xi32, #tpu.memory_space<hbm>>
      %dma_start3A_129 = arith.constant 0 : i32
      %dma_start3A_130 = tpu.memref_slice %arg2[%add3A, %min3A_88, %dma_start3A_129] : memref<32x80x128xi32, #tpu.memory_space<hbm>> -> memref<1x1x128xi32, #tpu.memory_space<hbm>>
      %dma_start3A_131 = tpu.memref_squeeze %dma_start3A_130 : memref<1x1x128xi32, #tpu.memory_space<hbm>> -> memref<128xi32, #tpu.memory_space<hbm>>
      tpu.enqueue_dma source(%dma_start3A_131 : memref<128xi32, #tpu.memory_space<hbm>>) target(%arg6 : memref<128xi32, #tpu.memory_space<vmem>>) target_semaphore(%arg13 : memref<!tpu.dma_semaphore, #tpu.memory_space<semaphore_mem>>)
      %dma_start3A_132 = arith.constant 0 : i32
      %dma_start3A_133 = tpu.memref_slice %arg3[%add3A, %min3A_88, %dma_start3A_132] : memref<32x80x128xi32, #tpu.memory_space<hbm>> -> memref<1x1x128xi32, #tpu.memory_space<hbm>>
      %dma_start3A_134 = tpu.memref_squeeze %dma_start3A_133 : memref<1x1x128xi32, #tpu.memory_space<hbm>> -> memref<128xi32, #tpu.memory_space<hbm>>
      %dma_start3A_135 = arith.constant 0 : i32
      %dma_start3A_136 = tpu.memref_slice %arg3[%add3A, %min3A_88, %dma_start3A_135] : memref<32x80x128xi32, #tpu.memory_space<hbm>> -> memref<1x1x128xi32, #tpu.memory_space<hbm>>
      %dma_start3A_137 = tpu.memref_squeeze %dma_start3A_136 : memref<1x1x128xi32, #tpu.memory_space<hbm>> -> memref<128xi32, #tpu.memory_space<hbm>>
      tpu.enqueue_dma source(%dma_start3A_137 : memref<128xi32, #tpu.memory_space<hbm>>) target(%arg7 : memref<128xi32, #tpu.memory_space<vmem>>) target_semaphore(%arg13 : memref<!tpu.dma_semaphore, #tpu.memory_space<semaphore_mem>>)
      %dma_wait3A_138 = arith.constant 0 : i32
      %dma_wait3A_139 = arith.constant 0 : i32
      %dma_wait3A_140 = tpu.memref_slice %arg4[%dma_wait3A_138, %dma_wait3A_139] : memref<10000x128xf32, #tpu.memory_space<hbm>> -> memref<10000x128xf32, #tpu.memory_space<hbm>>
      tpu.wait_indirect_dma semaphore(%arg16 : memref<!tpu.dma_semaphore, #tpu.memory_space<semaphore_mem>>) src(%dma_wait3A_140 : memref<10000x128xf32, #tpu.memory_space<hbm>>) dst(%arg11 : memref<128x128xf32, #tpu.memory_space<vmem>>)
      "tpu.region"() ({
        %run_scoped3A = tpu.sem_alloc : memref<!tpu.dma_semaphore, #tpu.memory_space<semaphore_mem>>
        %dma_start3A_153 = arith.constant 0 : i32
        %dma_start3A_154 = arith.constant 0 : i32
        %dma_start3A_155 = tpu.memref_slice %arg12[%dma_start3A_153, %dma_start3A_154] : memref<10240x128xf32, #tpu.memory_space<vmem_shared>> -> memref<10240x128xf32, #tpu.memory_space<vmem_shared>>
        tpu.enqueue_indirect_dma source(%arg11 : memref<128x128xf32, #tpu.memory_space<vmem>>) target(%dma_start3A_155 : memref<10240x128xf32, #tpu.memory_space<vmem_shared>>) offsets(%arg9 : memref<128xi32, #tpu.memory_space<vmem>>) semaphore(%run_scoped3A : memref<!tpu.dma_semaphore, #tpu.memory_space<semaphore_mem>>) {add = true}
        %dma_wait3A_156 = arith.constant 0 : i32
        %dma_wait3A_157 = arith.constant 0 : i32
        %dma_wait3A_158 = tpu.memref_slice %arg12[%dma_wait3A_156, %dma_wait3A_157] : memref<10240x128xf32, #tpu.memory_space<vmem_shared>> -> memref<10240x128xf32, #tpu.memory_space<vmem_shared>>
        tpu.wait_indirect_dma semaphore(%run_scoped3A : memref<!tpu.dma_semaphore, #tpu.memory_space<semaphore_mem>>) src(%arg11 : memref<128x128xf32, #tpu.memory_space<vmem>>) dst(%dma_wait3A_158 : memref<10240x128xf32, #tpu.memory_space<vmem_shared>>)
        tpu.yield
      }) : () -> ()
      %dma_start3A_141 = arith.constant 0 : i32
      %dma_start3A_142 = tpu.memref_slice %arg2[%add3A, %min3A_92, %dma_start3A_141] : memref<32x80x128xi32, #tpu.memory_space<hbm>> -> memref<1x1x128xi32, #tpu.memory_space<hbm>>
      %dma_start3A_143 = tpu.memref_squeeze %dma_start3A_142 : memref<1x1x128xi32, #tpu.memory_space<hbm>> -> memref<128xi32, #tpu.memory_space<hbm>>
      %dma_start3A_144 = arith.constant 0 : i32
      %dma_start3A_145 = tpu.memref_slice %arg2[%add3A, %min3A_92, %dma_start3A_144] : memref<32x80x128xi32, #tpu.memory_space<hbm>> -> memref<1x1x128xi32, #tpu.memory_space<hbm>>
      %dma_start3A_146 = tpu.memref_squeeze %dma_start3A_145 : memref<1x1x128xi32, #tpu.memory_space<hbm>> -> memref<128xi32, #tpu.memory_space<hbm>>
      tpu.enqueue_dma source(%dma_start3A_146 : memref<128xi32, #tpu.memory_space<hbm>>) target(%arg8 : memref<128xi32, #tpu.memory_space<vmem>>) target_semaphore(%arg14 : memref<!tpu.dma_semaphore, #tpu.memory_space<semaphore_mem>>)
      %dma_start3A_147 = arith.constant 0 : i32
      %dma_start3A_148 = tpu.memref_slice %arg3[%add3A, %min3A_92, %dma_start3A_147] : memref<32x80x128xi32, #tpu.memory_space<hbm>> -> memref<1x1x128xi32, #tpu.memory_space<hbm>>
      %dma_start3A_149 = tpu.memref_squeeze %dma_start3A_148 : memref<1x1x128xi32, #tpu.memory_space<hbm>> -> memref<128xi32, #tpu.memory_space<hbm>>
      %dma_start3A_150 = arith.constant 0 : i32
      %dma_start3A_151 = tpu.memref_slice %arg3[%add3A, %min3A_92, %dma_start3A_150] : memref<32x80x128xi32, #tpu.memory_space<hbm>> -> memref<1x1x128xi32, #tpu.memory_space<hbm>>
      %dma_start3A_152 = tpu.memref_squeeze %dma_start3A_151 : memref<1x1x128xi32, #tpu.memory_space<hbm>> -> memref<128xi32, #tpu.memory_space<hbm>>
      tpu.enqueue_dma source(%dma_start3A_152 : memref<128xi32, #tpu.memory_space<hbm>>) target(%arg9 : memref<128xi32, #tpu.memory_space<vmem>>) target_semaphore(%arg14 : memref<!tpu.dma_semaphore, #tpu.memory_space<semaphore_mem>>)
    }
    %scan3A_50 = arith.constant 40 : i32
    %dma_wait3A = arith.constant 0 : i32
    %dma_wait3A_51 = arith.constant 0 : i32
    %dma_wait3A_52 = tpu.memref_slice %arg2[%add3A, %dma_wait3A, %dma_wait3A_51] : memref<32x80x128xi32, #tpu.memory_space<hbm>> -> memref<1x1x128xi32, #tpu.memory_space<hbm>>
    %dma_wait3A_53 = tpu.memref_squeeze %dma_wait3A_52 : memref<1x1x128xi32, #tpu.memory_space<hbm>> -> memref<128xi32, #tpu.memory_space<hbm>>
    %dma_wait3A_54 = arith.constant 0 : i32
    %dma_wait3A_55 = tpu.memref_slice %arg2[%add3A, %dma_wait3A, %dma_wait3A_54] : memref<32x80x128xi32, #tpu.memory_space<hbm>> -> memref<1x1x128xi32, #tpu.memory_space<hbm>>
    %dma_wait3A_56 = tpu.memref_squeeze %dma_wait3A_55 : memref<1x1x128xi32, #tpu.memory_space<hbm>> -> memref<128xi32, #tpu.memory_space<hbm>>
    tpu.wait_dma2 semaphore(%arg13 : memref<!tpu.dma_semaphore, #tpu.memory_space<semaphore_mem>>) src(%dma_wait3A_56 : memref<128xi32, #tpu.memory_space<hbm>>) dst(%arg6 : memref<128xi32, #tpu.memory_space<vmem>>)
    %dma_wait3A_57 = arith.constant 0 : i32
    %dma_wait3A_58 = arith.constant 0 : i32
    %dma_wait3A_59 = tpu.memref_slice %arg3[%add3A, %dma_wait3A_57, %dma_wait3A_58] : memref<32x80x128xi32, #tpu.memory_space<hbm>> -> memref<1x1x128xi32, #tpu.memory_space<hbm>>
    %dma_wait3A_60 = tpu.memref_squeeze %dma_wait3A_59 : memref<1x1x128xi32, #tpu.memory_space<hbm>> -> memref<128xi32, #tpu.memory_space<hbm>>
    %dma_wait3A_61 = arith.constant 0 : i32
    %dma_wait3A_62 = tpu.memref_slice %arg3[%add3A, %dma_wait3A_57, %dma_wait3A_61] : memref<32x80x128xi32, #tpu.memory_space<hbm>> -> memref<1x1x128xi32, #tpu.memory_space<hbm>>
    %dma_wait3A_63 = tpu.memref_squeeze %dma_wait3A_62 : memref<1x1x128xi32, #tpu.memory_space<hbm>> -> memref<128xi32, #tpu.memory_space<hbm>>
    tpu.wait_dma2 semaphore(%arg13 : memref<!tpu.dma_semaphore, #tpu.memory_space<semaphore_mem>>) src(%dma_wait3A_63 : memref<128xi32, #tpu.memory_space<hbm>>) dst(%arg7 : memref<128xi32, #tpu.memory_space<vmem>>)
    %dma_wait3A_64 = arith.constant 0 : i32
    %dma_wait3A_65 = arith.constant 0 : i32
    %dma_wait3A_66 = tpu.memref_slice %arg2[%add3A, %dma_wait3A_64, %dma_wait3A_65] : memref<32x80x128xi32, #tpu.memory_space<hbm>> -> memref<1x1x128xi32, #tpu.memory_space<hbm>>
    %dma_wait3A_67 = tpu.memref_squeeze %dma_wait3A_66 : memref<1x1x128xi32, #tpu.memory_space<hbm>> -> memref<128xi32, #tpu.memory_space<hbm>>
    %dma_wait3A_68 = arith.constant 0 : i32
    %dma_wait3A_69 = tpu.memref_slice %arg2[%add3A, %dma_wait3A_64, %dma_wait3A_68] : memref<32x80x128xi32, #tpu.memory_space<hbm>> -> memref<1x1x128xi32, #tpu.memory_space<hbm>>
    %dma_wait3A_70 = tpu.memref_squeeze %dma_wait3A_69 : memref<1x1x128xi32, #tpu.memory_space<hbm>> -> memref<128xi32, #tpu.memory_space<hbm>>
    tpu.wait_dma2 semaphore(%arg14 : memref<!tpu.dma_semaphore, #tpu.memory_space<semaphore_mem>>) src(%dma_wait3A_70 : memref<128xi32, #tpu.memory_space<hbm>>) dst(%arg8 : memref<128xi32, #tpu.memory_space<vmem>>)
    %dma_wait3A_71 = arith.constant 0 : i32
    %dma_wait3A_72 = arith.constant 0 : i32
    %dma_wait3A_73 = tpu.memref_slice %arg3[%add3A, %dma_wait3A_71, %dma_wait3A_72] : memref<32x80x128xi32, #tpu.memory_space<hbm>> -> memref<1x1x128xi32, #tpu.memory_space<hbm>>
    %dma_wait3A_74 = tpu.memref_squeeze %dma_wait3A_73 : memref<1x1x128xi32, #tpu.memory_space<hbm>> -> memref<128xi32, #tpu.memory_space<hbm>>
    %dma_wait3A_75 = arith.constant 0 : i32
    %dma_wait3A_76 = tpu.memref_slice %arg3[%add3A, %dma_wait3A_71, %dma_wait3A_75] : memref<32x80x128xi32, #tpu.memory_space<hbm>> -> memref<1x1x128xi32, #tpu.memory_space<hbm>>
    %dma_wait3A_77 = tpu.memref_squeeze %dma_wait3A_76 : memref<1x1x128xi32, #tpu.memory_space<hbm>> -> memref<128xi32, #tpu.memory_space<hbm>>
    tpu.wait_dma2 semaphore(%arg14 : memref<!tpu.dma_semaphore, #tpu.memory_space<semaphore_mem>>) src(%dma_wait3A_77 : memref<128xi32, #tpu.memory_space<hbm>>) dst(%arg9 : memref<128xi32, #tpu.memory_space<vmem>>)
    %barrier3A_78 = arith.constant 0 : index
    tpu.barrier barrier_id(%barrier3A_78)
    %mul3A_79 = arith.constant 640 : i32
    %mul3A_80 = arith.muli %arg1, %mul3A_79 : i32
    "tpu.region"() ({
      %run_scoped3A = tpu.sem_alloc : memref<!tpu.dma_semaphore, #tpu.memory_space<semaphore_mem>>
      %dma_start3A_81 = arith.constant 0 : i32
      %dma_start3A_82 = tpu.memref_slice %arg5[%arg0, %mul3A_80, %dma_start3A_81] : memref<2x10240x128xf32, #tpu.memory_space<hbm>> -> memref<1x640x128xf32, #tpu.memory_space<hbm>>
      %dma_start3A_83 = tpu.memref_squeeze %dma_start3A_82 : memref<1x640x128xf32, #tpu.memory_space<hbm>> -> memref<640x128xf32, #tpu.memory_space<hbm>>
      %dma_start3A_84 = arith.constant 0 : i32
      %dma_start3A_85 = tpu.memref_slice %arg12[%mul3A_80, %dma_start3A_84] : memref<10240x128xf32, #tpu.memory_space<vmem_shared>> -> memref<640x128xf32, #tpu.memory_space<vmem_shared>>
      tpu.enqueue_dma source(%dma_start3A_85 : memref<640x128xf32, #tpu.memory_space<vmem_shared>>) target(%dma_start3A_83 : memref<640x128xf32, #tpu.memory_space<hbm>>) target_semaphore(%run_scoped3A : memref<!tpu.dma_semaphore, #tpu.memory_space<semaphore_mem>>)
      %dma_wait3A_86 = arith.constant 0 : i32
      %dma_wait3A_87 = tpu.memref_slice %arg5[%arg0, %mul3A_80, %dma_wait3A_86] : memref<2x10240x128xf32, #tpu.memory_space<hbm>> -> memref<1x640x128xf32, #tpu.memory_space<hbm>>
      %dma_wait3A_88 = tpu.memref_squeeze %dma_wait3A_87 : memref<1x640x128xf32, #tpu.memory_space<hbm>> -> memref<640x128xf32, #tpu.memory_space<hbm>>
      %dma_wait3A_89 = arith.constant 0 : i32
      %dma_wait3A_90 = tpu.memref_slice %arg12[%mul3A_80, %dma_wait3A_89] : memref<10240x128xf32, #tpu.memory_space<vmem_shared>> -> memref<640x128xf32, #tpu.memory_space<vmem_shared>>
      tpu.wait_dma2 semaphore(%run_scoped3A : memref<!tpu.dma_semaphore, #tpu.memory_space<semaphore_mem>>) src(%dma_wait3A_90 : memref<640x128xf32, #tpu.memory_space<vmem_shared>>) dst(%dma_wait3A_88 : memref<640x128xf32, #tpu.memory_space<hbm>>)
      tpu.yield
    }) : () -> ()
    return
  }
}

#map = affine_map<(d0, d1) -> (0, 0, 0)>
#map1 = affine_map<(d0, d1) -> (0, 0)>
module attributes {stable_mosaic.version = 14 : i64} {
  func.func @_prop(%arg0: i32, %arg1: i32, %arg2: memref<32x80x128xi32, #tpu.memory_space<hbm>>, %arg3: memref<32x80x128xi32, #tpu.memory_space<hbm>>, %arg4: memref<10000x128xf32, #tpu.memory_space<hbm>>, %arg5: memref<2x10240x128xf32, #tpu.memory_space<hbm>>, %arg6: memref<128xi32, #tpu.memory_space<vmem>>, %arg7: memref<128xi32, #tpu.memory_space<vmem>>, %arg8: memref<128xi32, #tpu.memory_space<vmem>>, %arg9: memref<128xi32, #tpu.memory_space<vmem>>, %arg10: memref<128x128xf32, #tpu.memory_space<vmem>>, %arg11: memref<128x128xf32, #tpu.memory_space<vmem>>, %arg12: memref<10240x128xf32, #tpu.memory_space<vmem_shared>>, %arg13: memref<!tpu.dma_semaphore, #tpu.memory_space<semaphore_mem>>, %arg14: memref<!tpu.dma_semaphore, #tpu.memory_space<semaphore_mem>>, %arg15: memref<!tpu.dma_semaphore, #tpu.memory_space<semaphore_mem>>, %arg16: memref<!tpu.dma_semaphore, #tpu.memory_space<semaphore_mem>>) attributes {dimension_semantics = [#tpu.dimension_semantics<core_parallel>, #tpu.dimension_semantics<subcore_parallel>], iteration_bounds = array<i64: 2, 16>, scalar_prefetch = 0 : i64, scratch_operands = 11 : i64, tpu.core_type = #tpu.core_type<sc_vector_subcore>, window_params = [{transform_indices = #map}, {transform_indices = #map}, {transform_indices = #map1}, {transform_indices = #map}]} {
    %mul3A = arith.constant 2 : i32
    %mul3A_0 = arith.muli %arg1, %mul3A : i32
    %add3A = arith.addi %mul3A_0, %arg0 : i32
    %scan3A = arith.constant 0 : i32
    %scan3A_1 = arith.constant 0 : i32
    %scan3A_2 = arith.constant 1024 : i32
    %scan3A_3 = arith.addi %scan3A_1, %scan3A_2 : i32
    %scan3A_4 = arith.constant 1 : i32
    scf.for %scan3A_81 = %scan3A_1 to %scan3A_3 step %scan3A_4  : i32 {
      %jit3A = arith.constant 8 : i32
      %div3A = arith.divsi %scan3A_81, %jit3A : i32
      %sign3A = arith.constant 0 : i32
      %sign3A_82 = arith.cmpi sgt, %scan3A_81, %sign3A : i32
      %sign3A_83 = arith.extui %sign3A_82 : i1 to i32
      %sign3A_84 = arith.constant 0 : i32
      %sign3A_85 = arith.cmpi slt, %scan3A_81, %sign3A_84 : i32
      %sign3A_86 = arith.extui %sign3A_85 : i1 to i32
      %sign3A_87 = arith.subi %sign3A_83, %sign3A_86 : i32
      %sign3A_88 = arith.constant 0 : i32
      %sign3A_89 = arith.cmpi sgt, %jit3A, %sign3A_88 : i32
      %sign3A_90 = arith.extui %sign3A_89 : i1 to i32
      %sign3A_91 = arith.constant 0 : i32
      %sign3A_92 = arith.cmpi slt, %jit3A, %sign3A_91 : i32
      %sign3A_93 = arith.extui %sign3A_92 : i1 to i32
      %sign3A_94 = arith.subi %sign3A_90, %sign3A_93 : i32
      %ne3A = arith.cmpi ne, %sign3A_87, %sign3A_94 : i32
      %rem3A = arith.remsi %scan3A_81, %jit3A : i32
      %ne3A_95 = arith.constant 0 : i32
      %ne3A_96 = arith.cmpi ne, %rem3A, %ne3A_95 : i32
      %and3A = arith.andi %ne3A, %ne3A_96 : i1
      %sub3A = arith.constant 1 : i32
      %sub3A_97 = arith.subi %div3A, %sub3A : i32
      %select_n3A = arith.select %and3A, %sub3A_97, %div3A : i32
      %mul3A_98 = arith.constant 8 : i32
      %mul3A_99 = arith.muli %select_n3A, %mul3A_98 : i32
      %sub3A_100 = arith.subi %scan3A_81, %mul3A_99 : i32
      %broadcast_in_dim3A = arith.constant 0.000000e+00 : f32
      %broadcast_in_dim3A_101 = vector.broadcast %broadcast_in_dim3A : f32 to vector<16xf32>
      %mul3A_102 = arith.constant 16 : i32
      %mul3A_103 = arith.muli %sub3A_100, %mul3A_102 : i32
      %swap3A = arith.index_cast %select_n3A : i32 to index
      %swap3A_104 = arith.index_cast %mul3A_103 : i32 to index
      %swap3A_105 = tpu.vector_load %arg10[%swap3A, %swap3A_104] {strides = array<i32>} : memref<128x128xf32, #tpu.memory_space<vmem>>, vector<1x16xf32>,
      %swap3A_106 = vector.shape_cast %swap3A_105 : vector<1x16xf32> to vector<16xf32>
      %swap3A_107 = vector.shape_cast %broadcast_in_dim3A_101 : vector<16xf32> to vector<1x16xf32>
      tpu.vector_store %arg10[%swap3A, %swap3A_104], %swap3A_107 {strides = array<i32>} : memref<128x128xf32, #tpu.memory_space<vmem>>, vector<1x16xf32>,
    }
    %scan3A_5 = arith.constant 1024 : i32
    %mul3A_6 = arith.constant 640 : i32
    %mul3A_7 = arith.muli %arg1, %mul3A_6 : i32
    %add3A_8 = arith.constant 0 : i32
    %add3A_9 = arith.addi %mul3A_7, %add3A_8 : i32
    "tpu.region"() ({
      %run_scoped3A = tpu.sem_alloc : memref<!tpu.dma_semaphore, #tpu.memory_space<semaphore_mem>>
      %dma_start3A_81 = arith.constant 0 : i32
      %dma_start3A_82 = tpu.memref_slice %arg12[%add3A_9, %dma_start3A_81] : memref<10240x128xf32, #tpu.memory_space<vmem_shared>> -> memref<128x128xf32, #tpu.memory_space<vmem_shared>>
      %dma_start3A_83 = arith.constant 0 : i32
      %dma_start3A_84 = tpu.memref_slice %arg12[%add3A_9, %dma_start3A_83] : memref<10240x128xf32, #tpu.memory_space<vmem_shared>> -> memref<128x128xf32, #tpu.memory_space<vmem_shared>>
      tpu.enqueue_dma source(%arg10 : memref<128x128xf32, #tpu.memory_space<vmem>>) target(%dma_start3A_84 : memref<128x128xf32, #tpu.memory_space<vmem_shared>>) target_semaphore(%run_scoped3A : memref<!tpu.dma_semaphore, #tpu.memory_space<semaphore_mem>>)
      %dma_wait3A_85 = arith.constant 0 : i32
      %dma_wait3A_86 = tpu.memref_slice %arg12[%add3A_9, %dma_wait3A_85] : memref<10240x128xf32, #tpu.memory_space<vmem_shared>> -> memref<128x128xf32, #tpu.memory_space<vmem_shared>>
      %dma_wait3A_87 = arith.constant 0 : i32
      %dma_wait3A_88 = tpu.memref_slice %arg12[%add3A_9, %dma_wait3A_87] : memref<10240x128xf32, #tpu.memory_space<vmem_shared>> -> memref<128x128xf32, #tpu.memory_space<vmem_shared>>
      tpu.wait_dma2 semaphore(%run_scoped3A : memref<!tpu.dma_semaphore, #tpu.memory_space<semaphore_mem>>) src(%arg10 : memref<128x128xf32, #tpu.memory_space<vmem>>) dst(%dma_wait3A_88 : memref<128x128xf32, #tpu.memory_space<vmem_shared>>)
      tpu.yield
    }) : () -> ()
    %add3A_10 = arith.constant 128 : i32
    %add3A_11 = arith.addi %mul3A_7, %add3A_10 : i32
    "tpu.region"() ({
      %run_scoped3A = tpu.sem_alloc : memref<!tpu.dma_semaphore, #tpu.memory_space<semaphore_mem>>
      %dma_start3A_81 = arith.constant 0 : i32
      %dma_start3A_82 = tpu.memref_slice %arg12[%add3A_11, %dma_start3A_81] : memref<10240x128xf32, #tpu.memory_space<vmem_shared>> -> memref<128x128xf32, #tpu.memory_space<vmem_shared>>
      %dma_start3A_83 = arith.constant 0 : i32
      %dma_start3A_84 = tpu.memref_slice %arg12[%add3A_11, %dma_start3A_83] : memref<10240x128xf32, #tpu.memory_space<vmem_shared>> -> memref<128x128xf32, #tpu.memory_space<vmem_shared>>
      tpu.enqueue_dma source(%arg10 : memref<128x128xf32, #tpu.memory_space<vmem>>) target(%dma_start3A_84 : memref<128x128xf32, #tpu.memory_space<vmem_shared>>) target_semaphore(%run_scoped3A : memref<!tpu.dma_semaphore, #tpu.memory_space<semaphore_mem>>)
      %dma_wait3A_85 = arith.constant 0 : i32
      %dma_wait3A_86 = tpu.memref_slice %arg12[%add3A_11, %dma_wait3A_85] : memref<10240x128xf32, #tpu.memory_space<vmem_shared>> -> memref<128x128xf32, #tpu.memory_space<vmem_shared>>
      %dma_wait3A_87 = arith.constant 0 : i32
      %dma_wait3A_88 = tpu.memref_slice %arg12[%add3A_11, %dma_wait3A_87] : memref<10240x128xf32, #tpu.memory_space<vmem_shared>> -> memref<128x128xf32, #tpu.memory_space<vmem_shared>>
      tpu.wait_dma2 semaphore(%run_scoped3A : memref<!tpu.dma_semaphore, #tpu.memory_space<semaphore_mem>>) src(%arg10 : memref<128x128xf32, #tpu.memory_space<vmem>>) dst(%dma_wait3A_88 : memref<128x128xf32, #tpu.memory_space<vmem_shared>>)
      tpu.yield
    }) : () -> ()
    %add3A_12 = arith.constant 256 : i32
    %add3A_13 = arith.addi %mul3A_7, %add3A_12 : i32
    "tpu.region"() ({
      %run_scoped3A = tpu.sem_alloc : memref<!tpu.dma_semaphore, #tpu.memory_space<semaphore_mem>>
      %dma_start3A_81 = arith.constant 0 : i32
      %dma_start3A_82 = tpu.memref_slice %arg12[%add3A_13, %dma_start3A_81] : memref<10240x128xf32, #tpu.memory_space<vmem_shared>> -> memref<128x128xf32, #tpu.memory_space<vmem_shared>>
      %dma_start3A_83 = arith.constant 0 : i32
      %dma_start3A_84 = tpu.memref_slice %arg12[%add3A_13, %dma_start3A_83] : memref<10240x128xf32, #tpu.memory_space<vmem_shared>> -> memref<128x128xf32, #tpu.memory_space<vmem_shared>>
      tpu.enqueue_dma source(%arg10 : memref<128x128xf32, #tpu.memory_space<vmem>>) target(%dma_start3A_84 : memref<128x128xf32, #tpu.memory_space<vmem_shared>>) target_semaphore(%run_scoped3A : memref<!tpu.dma_semaphore, #tpu.memory_space<semaphore_mem>>)
      %dma_wait3A_85 = arith.constant 0 : i32
      %dma_wait3A_86 = tpu.memref_slice %arg12[%add3A_13, %dma_wait3A_85] : memref<10240x128xf32, #tpu.memory_space<vmem_shared>> -> memref<128x128xf32, #tpu.memory_space<vmem_shared>>
      %dma_wait3A_87 = arith.constant 0 : i32
      %dma_wait3A_88 = tpu.memref_slice %arg12[%add3A_13, %dma_wait3A_87] : memref<10240x128xf32, #tpu.memory_space<vmem_shared>> -> memref<128x128xf32, #tpu.memory_space<vmem_shared>>
      tpu.wait_dma2 semaphore(%run_scoped3A : memref<!tpu.dma_semaphore, #tpu.memory_space<semaphore_mem>>) src(%arg10 : memref<128x128xf32, #tpu.memory_space<vmem>>) dst(%dma_wait3A_88 : memref<128x128xf32, #tpu.memory_space<vmem_shared>>)
      tpu.yield
    }) : () -> ()
    %add3A_14 = arith.constant 384 : i32
    %add3A_15 = arith.addi %mul3A_7, %add3A_14 : i32
    "tpu.region"() ({
      %run_scoped3A = tpu.sem_alloc : memref<!tpu.dma_semaphore, #tpu.memory_space<semaphore_mem>>
      %dma_start3A_81 = arith.constant 0 : i32
      %dma_start3A_82 = tpu.memref_slice %arg12[%add3A_15, %dma_start3A_81] : memref<10240x128xf32, #tpu.memory_space<vmem_shared>> -> memref<128x128xf32, #tpu.memory_space<vmem_shared>>
      %dma_start3A_83 = arith.constant 0 : i32
      %dma_start3A_84 = tpu.memref_slice %arg12[%add3A_15, %dma_start3A_83] : memref<10240x128xf32, #tpu.memory_space<vmem_shared>> -> memref<128x128xf32, #tpu.memory_space<vmem_shared>>
      tpu.enqueue_dma source(%arg10 : memref<128x128xf32, #tpu.memory_space<vmem>>) target(%dma_start3A_84 : memref<128x128xf32, #tpu.memory_space<vmem_shared>>) target_semaphore(%run_scoped3A : memref<!tpu.dma_semaphore, #tpu.memory_space<semaphore_mem>>)
      %dma_wait3A_85 = arith.constant 0 : i32
      %dma_wait3A_86 = tpu.memref_slice %arg12[%add3A_15, %dma_wait3A_85] : memref<10240x128xf32, #tpu.memory_space<vmem_shared>> -> memref<128x128xf32, #tpu.memory_space<vmem_shared>>
      %dma_wait3A_87 = arith.constant 0 : i32
      %dma_wait3A_88 = tpu.memref_slice %arg12[%add3A_15, %dma_wait3A_87] : memref<10240x128xf32, #tpu.memory_space<vmem_shared>> -> memref<128x128xf32, #tpu.memory_space<vmem_shared>>
      tpu.wait_dma2 semaphore(%run_scoped3A : memref<!tpu.dma_semaphore, #tpu.memory_space<semaphore_mem>>) src(%arg10 : memref<128x128xf32, #tpu.memory_space<vmem>>) dst(%dma_wait3A_88 : memref<128x128xf32, #tpu.memory_space<vmem_shared>>)
      tpu.yield
    }) : () -> ()
    %add3A_16 = arith.constant 512 : i32
    %add3A_17 = arith.addi %mul3A_7, %add3A_16 : i32
    "tpu.region"() ({
      %run_scoped3A = tpu.sem_alloc : memref<!tpu.dma_semaphore, #tpu.memory_space<semaphore_mem>>
      %dma_start3A_81 = arith.constant 0 : i32
      %dma_start3A_82 = tpu.memref_slice %arg12[%add3A_17, %dma_start3A_81] : memref<10240x128xf32, #tpu.memory_space<vmem_shared>> -> memref<128x128xf32, #tpu.memory_space<vmem_shared>>
      %dma_start3A_83 = arith.constant 0 : i32
      %dma_start3A_84 = tpu.memref_slice %arg12[%add3A_17, %dma_start3A_83] : memref<10240x128xf32, #tpu.memory_space<vmem_shared>> -> memref<128x128xf32, #tpu.memory_space<vmem_shared>>
      tpu.enqueue_dma source(%arg10 : memref<128x128xf32, #tpu.memory_space<vmem>>) target(%dma_start3A_84 : memref<128x128xf32, #tpu.memory_space<vmem_shared>>) target_semaphore(%run_scoped3A : memref<!tpu.dma_semaphore, #tpu.memory_space<semaphore_mem>>)
      %dma_wait3A_85 = arith.constant 0 : i32
      %dma_wait3A_86 = tpu.memref_slice %arg12[%add3A_17, %dma_wait3A_85] : memref<10240x128xf32, #tpu.memory_space<vmem_shared>> -> memref<128x128xf32, #tpu.memory_space<vmem_shared>>
      %dma_wait3A_87 = arith.constant 0 : i32
      %dma_wait3A_88 = tpu.memref_slice %arg12[%add3A_17, %dma_wait3A_87] : memref<10240x128xf32, #tpu.memory_space<vmem_shared>> -> memref<128x128xf32, #tpu.memory_space<vmem_shared>>
      tpu.wait_dma2 semaphore(%run_scoped3A : memref<!tpu.dma_semaphore, #tpu.memory_space<semaphore_mem>>) src(%arg10 : memref<128x128xf32, #tpu.memory_space<vmem>>) dst(%dma_wait3A_88 : memref<128x128xf32, #tpu.memory_space<vmem_shared>>)
      tpu.yield
    }) : () -> ()
    %barrier3A = arith.constant 0 : index
    tpu.barrier barrier_id(%barrier3A)
    %dma_start3A = arith.constant 0 : i32
    %dma_start3A_18 = arith.constant 0 : i32
    %dma_start3A_19 = tpu.memref_slice %arg2[%add3A, %dma_start3A, %dma_start3A_18] : memref<32x80x128xi32, #tpu.memory_space<hbm>> -> memref<1x1x128xi32, #tpu.memory_space<hbm>>
    %dma_start3A_20 = tpu.memref_squeeze %dma_start3A_19 : memref<1x1x128xi32, #tpu.memory_space<hbm>> -> memref<128xi32, #tpu.memory_space<hbm>>
    %dma_start3A_21 = arith.constant 0 : i32
    %dma_start3A_22 = tpu.memref_slice %arg2[%add3A, %dma_start3A, %dma_start3A_21] : memref<32x80x128xi32, #tpu.memory_space<hbm>> -> memref<1x1x128xi32, #tpu.memory_space<hbm>>
    %dma_start3A_23 = tpu.memref_squeeze %dma_start3A_22 : memref<1x1x128xi32, #tpu.memory_space<hbm>> -> memref<128xi32, #tpu.memory_space<hbm>>
    tpu.enqueue_dma source(%dma_start3A_23 : memref<128xi32, #tpu.memory_space<hbm>>) target(%arg6 : memref<128xi32, #tpu.memory_space<vmem>>) target_semaphore(%arg13 : memref<!tpu.dma_semaphore, #tpu.memory_space<semaphore_mem>>)
    %dma_start3A_24 = arith.constant 0 : i32
    %dma_start3A_25 = arith.constant 0 : i32
    %dma_start3A_26 = tpu.memref_slice %arg3[%add3A, %dma_start3A_24, %dma_start3A_25] : memref<32x80x128xi32, #tpu.memory_space<hbm>> -> memref<1x1x128xi32, #tpu.memory_space<hbm>>
    %dma_start3A_27 = tpu.memref_squeeze %dma_start3A_26 : memref<1x1x128xi32, #tpu.memory_space<hbm>> -> memref<128xi32, #tpu.memory_space<hbm>>
    %dma_start3A_28 = arith.constant 0 : i32
    %dma_start3A_29 = tpu.memref_slice %arg3[%add3A, %dma_start3A_24, %dma_start3A_28] : memref<32x80x128xi32, #tpu.memory_space<hbm>> -> memref<1x1x128xi32, #tpu.memory_space<hbm>>
    %dma_start3A_30 = tpu.memref_squeeze %dma_start3A_29 : memref<1x1x128xi32, #tpu.memory_space<hbm>> -> memref<128xi32, #tpu.memory_space<hbm>>
    tpu.enqueue_dma source(%dma_start3A_30 : memref<128xi32, #tpu.memory_space<hbm>>) target(%arg7 : memref<128xi32, #tpu.memory_space<vmem>>) target_semaphore(%arg13 : memref<!tpu.dma_semaphore, #tpu.memory_space<semaphore_mem>>)
    %dma_start3A_31 = arith.constant 1 : i32
    %dma_start3A_32 = arith.constant 0 : i32
    %dma_start3A_33 = tpu.memref_slice %arg2[%add3A, %dma_start3A_31, %dma_start3A_32] : memref<32x80x128xi32, #tpu.memory_space<hbm>> -> memref<1x1x128xi32, #tpu.memory_space<hbm>>
    %dma_start3A_34 = tpu.memref_squeeze %dma_start3A_33 : memref<1x1x128xi32, #tpu.memory_space<hbm>> -> memref<128xi32, #tpu.memory_space<hbm>>
    %dma_start3A_35 = arith.constant 0 : i32
    %dma_start3A_36 = tpu.memref_slice %arg2[%add3A, %dma_start3A_31, %dma_start3A_35] : memref<32x80x128xi32, #tpu.memory_space<hbm>> -> memref<1x1x128xi32, #tpu.memory_space<hbm>>
    %dma_start3A_37 = tpu.memref_squeeze %dma_start3A_36 : memref<1x1x128xi32, #tpu.memory_space<hbm>> -> memref<128xi32, #tpu.memory_space<hbm>>
    tpu.enqueue_dma source(%dma_start3A_37 : memref<128xi32, #tpu.memory_space<hbm>>) target(%arg8 : memref<128xi32, #tpu.memory_space<vmem>>) target_semaphore(%arg14 : memref<!tpu.dma_semaphore, #tpu.memory_space<semaphore_mem>>)
    %dma_start3A_38 = arith.constant 1 : i32
    %dma_start3A_39 = arith.constant 0 : i32
    %dma_start3A_40 = tpu.memref_slice %arg3[%add3A, %dma_start3A_38, %dma_start3A_39] : memref<32x80x128xi32, #tpu.memory_space<hbm>> -> memref<1x1x128xi32, #tpu.memory_space<hbm>>
    %dma_start3A_41 = tpu.memref_squeeze %dma_start3A_40 : memref<1x1x128xi32, #tpu.memory_space<hbm>> -> memref<128xi32, #tpu.memory_space<hbm>>
    %dma_start3A_42 = arith.constant 0 : i32
    %dma_start3A_43 = tpu.memref_slice %arg3[%add3A, %dma_start3A_38, %dma_start3A_42] : memref<32x80x128xi32, #tpu.memory_space<hbm>> -> memref<1x1x128xi32, #tpu.memory_space<hbm>>
    %dma_start3A_44 = tpu.memref_squeeze %dma_start3A_43 : memref<1x1x128xi32, #tpu.memory_space<hbm>> -> memref<128xi32, #tpu.memory_space<hbm>>
    tpu.enqueue_dma source(%dma_start3A_44 : memref<128xi32, #tpu.memory_space<hbm>>) target(%arg9 : memref<128xi32, #tpu.memory_space<vmem>>) target_semaphore(%arg14 : memref<!tpu.dma_semaphore, #tpu.memory_space<semaphore_mem>>)
    %scan3A_45 = arith.constant 0 : i32
    %scan3A_46 = arith.constant 0 : i32
    %scan3A_47 = arith.constant 40 : i32
    %scan3A_48 = arith.addi %scan3A_46, %scan3A_47 : i32
    %scan3A_49 = arith.constant 1 : i32
    scf.for %scan3A_81 = %scan3A_46 to %scan3A_48 step %scan3A_49  : i32 {
      %mul3A_82 = arith.constant 2 : i32
      %mul3A_83 = arith.muli %scan3A_81, %mul3A_82 : i32
      %add3A_84 = arith.constant 1 : i32
      %add3A_85 = arith.addi %mul3A_83, %add3A_84 : i32
      %add3A_86 = arith.constant 2 : i32
      %add3A_87 = arith.addi %mul3A_83, %add3A_86 : i32
      %min3A = arith.constant 78 : i32
      %min3A_88 = arith.minsi %add3A_87, %min3A : i32
      %add3A_89 = arith.constant 2 : i32
      %add3A_90 = arith.addi %add3A_85, %add3A_89 : i32
      %min3A_91 = arith.constant 79 : i32
      %min3A_92 = arith.minsi %add3A_90, %min3A_91 : i32
      %dma_wait3A_93 = arith.constant 0 : i32
      %dma_wait3A_94 = tpu.memref_slice %arg2[%add3A, %mul3A_83, %dma_wait3A_93] : memref<32x80x128xi32, #tpu.memory_space<hbm>> -> memref<1x1x128xi32, #tpu.memory_space<hbm>>
      %dma_wait3A_95 = tpu.memref_squeeze %dma_wait3A_94 : memref<1x1x128xi32, #tpu.memory_space<hbm>> -> memref<128xi32, #tpu.memory_space<hbm>>
      %dma_wait3A_96 = arith.constant 0 : i32
      %dma_wait3A_97 = tpu.memref_slice %arg2[%add3A, %mul3A_83, %dma_wait3A_96] : memref<32x80x128xi32, #tpu.memory_space<hbm>> -> memref<1x1x128xi32, #tpu.memory_space<hbm>>
      %dma_wait3A_98 = tpu.memref_squeeze %dma_wait3A_97 : memref<1x1x128xi32, #tpu.memory_space<hbm>> -> memref<128xi32, #tpu.memory_space<hbm>>
      tpu.wait_dma2 semaphore(%arg13 : memref<!tpu.dma_semaphore, #tpu.memory_space<semaphore_mem>>) src(%dma_wait3A_98 : memref<128xi32, #tpu.memory_space<hbm>>) dst(%arg6 : memref<128xi32, #tpu.memory_space<vmem>>)
      %dma_wait3A_99 = arith.constant 0 : i32
      %dma_wait3A_100 = tpu.memref_slice %arg3[%add3A, %mul3A_83, %dma_wait3A_99] : memref<32x80x128xi32, #tpu.memory_space<hbm>> -> memref<1x1x128xi32, #tpu.memory_space<hbm>>
      %dma_wait3A_101 = tpu.memref_squeeze %dma_wait3A_100 : memref<1x1x128xi32, #tpu.memory_space<hbm>> -> memref<128xi32, #tpu.memory_space<hbm>>
      %dma_wait3A_102 = arith.constant 0 : i32
      %dma_wait3A_103 = tpu.memref_slice %arg3[%add3A, %mul3A_83, %dma_wait3A_102] : memref<32x80x128xi32, #tpu.memory_space<hbm>> -> memref<1x1x128xi32, #tpu.memory_space<hbm>>
      %dma_wait3A_104 = tpu.memref_squeeze %dma_wait3A_103 : memref<1x1x128xi32, #tpu.memory_space<hbm>> -> memref<128xi32, #tpu.memory_space<hbm>>
      tpu.wait_dma2 semaphore(%arg13 : memref<!tpu.dma_semaphore, #tpu.memory_space<semaphore_mem>>) src(%dma_wait3A_104 : memref<128xi32, #tpu.memory_space<hbm>>) dst(%arg7 : memref<128xi32, #tpu.memory_space<vmem>>)
      %dma_start3A_105 = arith.constant 0 : i32
      %dma_start3A_106 = arith.constant 0 : i32
      %dma_start3A_107 = tpu.memref_slice %arg4[%dma_start3A_105, %dma_start3A_106] : memref<10000x128xf32, #tpu.memory_space<hbm>> -> memref<10000x128xf32, #tpu.memory_space<hbm>>
      tpu.enqueue_indirect_dma source(%dma_start3A_107 : memref<10000x128xf32, #tpu.memory_space<hbm>>) target(%arg10 : memref<128x128xf32, #tpu.memory_space<vmem>>) offsets(%arg6 : memref<128xi32, #tpu.memory_space<vmem>>) semaphore(%arg15 : memref<!tpu.dma_semaphore, #tpu.memory_space<semaphore_mem>>)
      %dma_wait3A_108 = arith.constant 0 : i32
      %dma_wait3A_109 = tpu.memref_slice %arg2[%add3A, %add3A_85, %dma_wait3A_108] : memref<32x80x128xi32, #tpu.memory_space<hbm>> -> memref<1x1x128xi32, #tpu.memory_space<hbm>>
      %dma_wait3A_110 = tpu.memref_squeeze %dma_wait3A_109 : memref<1x1x128xi32, #tpu.memory_space<hbm>> -> memref<128xi32, #tpu.memory_space<hbm>>
      %dma_wait3A_111 = arith.constant 0 : i32
      %dma_wait3A_112 = tpu.memref_slice %arg2[%add3A, %add3A_85, %dma_wait3A_111] : memref<32x80x128xi32, #tpu.memory_space<hbm>> -> memref<1x1x128xi32, #tpu.memory_space<hbm>>
      %dma_wait3A_113 = tpu.memref_squeeze %dma_wait3A_112 : memref<1x1x128xi32, #tpu.memory_space<hbm>> -> memref<128xi32, #tpu.memory_space<hbm>>
      tpu.wait_dma2 semaphore(%arg14 : memref<!tpu.dma_semaphore, #tpu.memory_space<semaphore_mem>>) src(%dma_wait3A_113 : memref<128xi32, #tpu.memory_space<hbm>>) dst(%arg8 : memref<128xi32, #tpu.memory_space<vmem>>)
      %dma_wait3A_114 = arith.constant 0 : i32
      %dma_wait3A_115 = tpu.memref_slice %arg3[%add3A, %add3A_85, %dma_wait3A_114] : memref<32x80x128xi32, #tpu.memory_space<hbm>> -> memref<1x1x128xi32, #tpu.memory_space<hbm>>
      %dma_wait3A_116 = tpu.memref_squeeze %dma_wait3A_115 : memref<1x1x128xi32, #tpu.memory_space<hbm>> -> memref<128xi32, #tpu.memory_space<hbm>>
      %dma_wait3A_117 = arith.constant 0 : i32
      %dma_wait3A_118 = tpu.memref_slice %arg3[%add3A, %add3A_85, %dma_wait3A_117] : memref<32x80x128xi32, #tpu.memory_space<hbm>> -> memref<1x1x128xi32, #tpu.memory_space<hbm>>
      %dma_wait3A_119 = tpu.memref_squeeze %dma_wait3A_118 : memref<1x1x128xi32, #tpu.memory_space<hbm>> -> memref<128xi32, #tpu.memory_space<hbm>>
      tpu.wait_dma2 semaphore(%arg14 : memref<!tpu.dma_semaphore, #tpu.memory_space<semaphore_mem>>) src(%dma_wait3A_119 : memref<128xi32, #tpu.memory_space<hbm>>) dst(%arg9 : memref<128xi32, #tpu.memory_space<vmem>>)
      %dma_start3A_120 = arith.constant 0 : i32
      %dma_start3A_121 = arith.constant 0 : i32
      %dma_start3A_122 = tpu.memref_slice %arg4[%dma_start3A_120, %dma_start3A_121] : memref<10000x128xf32, #tpu.memory_space<hbm>> -> memref<10000x128xf32, #tpu.memory_space<hbm>>
      tpu.enqueue_indirect_dma source(%dma_start3A_122 : memref<10000x128xf32, #tpu.memory_space<hbm>>) target(%arg11 : memref<128x128xf32, #tpu.memory_space<vmem>>) offsets(%arg8 : memref<128xi32, #tpu.memory_space<vmem>>) semaphore(%arg16 : memref<!tpu.dma_semaphore, #tpu.memory_space<semaphore_mem>>)
      %dma_wait3A_123 = arith.constant 0 : i32
      %dma_wait3A_124 = arith.constant 0 : i32
      %dma_wait3A_125 = tpu.memref_slice %arg4[%dma_wait3A_123, %dma_wait3A_124] : memref<10000x128xf32, #tpu.memory_space<hbm>> -> memref<10000x128xf32, #tpu.memory_space<hbm>>
      tpu.wait_indirect_dma semaphore(%arg15 : memref<!tpu.dma_semaphore, #tpu.memory_space<semaphore_mem>>) src(%dma_wait3A_125 : memref<10000x128xf32, #tpu.memory_space<hbm>>) dst(%arg10 : memref<128x128xf32, #tpu.memory_space<vmem>>)
      "tpu.region"() ({
        %run_scoped3A = tpu.sem_alloc : memref<!tpu.dma_semaphore, #tpu.memory_space<semaphore_mem>>
        %dma_start3A_153 = arith.constant 0 : i32
        %dma_start3A_154 = arith.constant 0 : i32
        %dma_start3A_155 = tpu.memref_slice %arg12[%dma_start3A_153, %dma_start3A_154] : memref<10240x128xf32, #tpu.memory_space<vmem_shared>> -> memref<10240x128xf32, #tpu.memory_space<vmem_shared>>
        tpu.enqueue_indirect_dma source(%arg10 : memref<128x128xf32, #tpu.memory_space<vmem>>) target(%dma_start3A_155 : memref<10240x128xf32, #tpu.memory_space<vmem_shared>>) offsets(%arg7 : memref<128xi32, #tpu.memory_space<vmem>>) semaphore(%run_scoped3A : memref<!tpu.dma_semaphore, #tpu.memory_space<semaphore_mem>>) {add = true}
        %dma_wait3A_156 = arith.constant 0 : i32
        %dma_wait3A_157 = arith.constant 0 : i32
        %dma_wait3A_158 = tpu.memref_slice %arg12[%dma_wait3A_156, %dma_wait3A_157] : memref<10240x128xf32, #tpu.memory_space<vmem_shared>> -> memref<10240x128xf32, #tpu.memory_space<vmem_shared>>
        tpu.wait_indirect_dma semaphore(%run_scoped3A : memref<!tpu.dma_semaphore, #tpu.memory_space<semaphore_mem>>) src(%arg10 : memref<128x128xf32, #tpu.memory_space<vmem>>) dst(%dma_wait3A_158 : memref<10240x128xf32, #tpu.memory_space<vmem_shared>>)
        tpu.yield
      }) : () -> ()
      %dma_start3A_126 = arith.constant 0 : i32
      %dma_start3A_127 = tpu.memref_slice %arg2[%add3A, %min3A_88, %dma_start3A_126] : memref<32x80x128xi32, #tpu.memory_space<hbm>> -> memref<1x1x128xi32, #tpu.memory_space<hbm>>
      %dma_start3A_128 = tpu.memref_squeeze %dma_start3A_127 : memref<1x1x128xi32, #tpu.memory_space<hbm>> -> memref<128xi32, #tpu.memory_space<hbm>>
      %dma_start3A_129 = arith.constant 0 : i32
      %dma_start3A_130 = tpu.memref_slice %arg2[%add3A, %min3A_88, %dma_start3A_129] : memref<32x80x128xi32, #tpu.memory_space<hbm>> -> memref<1x1x128xi32, #tpu.memory_space<hbm>>
      %dma_start3A_131 = tpu.memref_squeeze %dma_start3A_130 : memref<1x1x128xi32, #tpu.memory_space<hbm>> -> memref<128xi32, #tpu.memory_space<hbm>>
      tpu.enqueue_dma source(%dma_start3A_131 : memref<128xi32, #tpu.memory_space<hbm>>) target(%arg6 : memref<128xi32, #tpu.memory_space<vmem>>) target_semaphore(%arg13 : memref<!tpu.dma_semaphore, #tpu.memory_space<semaphore_mem>>)
      %dma_start3A_132 = arith.constant 0 : i32
      %dma_start3A_133 = tpu.memref_slice %arg3[%add3A, %min3A_88, %dma_start3A_132] : memref<32x80x128xi32, #tpu.memory_space<hbm>> -> memref<1x1x128xi32, #tpu.memory_space<hbm>>
      %dma_start3A_134 = tpu.memref_squeeze %dma_start3A_133 : memref<1x1x128xi32, #tpu.memory_space<hbm>> -> memref<128xi32, #tpu.memory_space<hbm>>
      %dma_start3A_135 = arith.constant 0 : i32
      %dma_start3A_136 = tpu.memref_slice %arg3[%add3A, %min3A_88, %dma_start3A_135] : memref<32x80x128xi32, #tpu.memory_space<hbm>> -> memref<1x1x128xi32, #tpu.memory_space<hbm>>
      %dma_start3A_137 = tpu.memref_squeeze %dma_start3A_136 : memref<1x1x128xi32, #tpu.memory_space<hbm>> -> memref<128xi32, #tpu.memory_space<hbm>>
      tpu.enqueue_dma source(%dma_start3A_137 : memref<128xi32, #tpu.memory_space<hbm>>) target(%arg7 : memref<128xi32, #tpu.memory_space<vmem>>) target_semaphore(%arg13 : memref<!tpu.dma_semaphore, #tpu.memory_space<semaphore_mem>>)
      %dma_wait3A_138 = arith.constant 0 : i32
      %dma_wait3A_139 = arith.constant 0 : i32
      %dma_wait3A_140 = tpu.memref_slice %arg4[%dma_wait3A_138, %dma_wait3A_139] : memref<10000x128xf32, #tpu.memory_space<hbm>> -> memref<10000x128xf32, #tpu.memory_space<hbm>>
      tpu.wait_indirect_dma semaphore(%arg16 : memref<!tpu.dma_semaphore, #tpu.memory_space<semaphore_mem>>) src(%dma_wait3A_140 : memref<10000x128xf32, #tpu.memory_space<hbm>>) dst(%arg11 : memref<128x128xf32, #tpu.memory_space<vmem>>)
      "tpu.region"() ({
        %run_scoped3A = tpu.sem_alloc : memref<!tpu.dma_semaphore, #tpu.memory_space<semaphore_mem>>
        %dma_start3A_153 = arith.constant 0 : i32
        %dma_start3A_154 = arith.constant 0 : i32
        %dma_start3A_155 = tpu.memref_slice %arg12[%dma_start3A_153, %dma_start3A_154] : memref<10240x128xf32, #tpu.memory_space<vmem_shared>> -> memref<10240x128xf32, #tpu.memory_space<vmem_shared>>
        tpu.enqueue_indirect_dma source(%arg11 : memref<128x128xf32, #tpu.memory_space<vmem>>) target(%dma_start3A_155 : memref<10240x128xf32, #tpu.memory_space<vmem_shared>>) offsets(%arg9 : memref<128xi32, #tpu.memory_space<vmem>>) semaphore(%run_scoped3A : memref<!tpu.dma_semaphore, #tpu.memory_space<semaphore_mem>>) {add = true}
        %dma_wait3A_156 = arith.constant 0 : i32
        %dma_wait3A_157 = arith.constant 0 : i32
        %dma_wait3A_158 = tpu.memref_slice %arg12[%dma_wait3A_156, %dma_wait3A_157] : memref<10240x128xf32, #tpu.memory_space<vmem_shared>> -> memref<10240x128xf32, #tpu.memory_space<vmem_shared>>
        tpu.wait_indirect_dma semaphore(%run_scoped3A : memref<!tpu.dma_semaphore, #tpu.memory_space<semaphore_mem>>) src(%arg11 : memref<128x128xf32, #tpu.memory_space<vmem>>) dst(%dma_wait3A_158 : memref<10240x128xf32, #tpu.memory_space<vmem_shared>>)
        tpu.yield
      }) : () -> ()
      %dma_start3A_141 = arith.constant 0 : i32
      %dma_start3A_142 = tpu.memref_slice %arg2[%add3A, %min3A_92, %dma_start3A_141] : memref<32x80x128xi32, #tpu.memory_space<hbm>> -> memref<1x1x128xi32, #tpu.memory_space<hbm>>
      %dma_start3A_143 = tpu.memref_squeeze %dma_start3A_142 : memref<1x1x128xi32, #tpu.memory_space<hbm>> -> memref<128xi32, #tpu.memory_space<hbm>>
      %dma_start3A_144 = arith.constant 0 : i32
      %dma_start3A_145 = tpu.memref_slice %arg2[%add3A, %min3A_92, %dma_start3A_144] : memref<32x80x128xi32, #tpu.memory_space<hbm>> -> memref<1x1x128xi32, #tpu.memory_space<hbm>>
      %dma_start3A_146 = tpu.memref_squeeze %dma_start3A_145 : memref<1x1x128xi32, #tpu.memory_space<hbm>> -> memref<128xi32, #tpu.memory_space<hbm>>
      tpu.enqueue_dma source(%dma_start3A_146 : memref<128xi32, #tpu.memory_space<hbm>>) target(%arg8 : memref<128xi32, #tpu.memory_space<vmem>>) target_semaphore(%arg14 : memref<!tpu.dma_semaphore, #tpu.memory_space<semaphore_mem>>)
      %dma_start3A_147 = arith.constant 0 : i32
      %dma_start3A_148 = tpu.memref_slice %arg3[%add3A, %min3A_92, %dma_start3A_147] : memref<32x80x128xi32, #tpu.memory_space<hbm>> -> memref<1x1x128xi32, #tpu.memory_space<hbm>>
      %dma_start3A_149 = tpu.memref_squeeze %dma_start3A_148 : memref<1x1x128xi32, #tpu.memory_space<hbm>> -> memref<128xi32, #tpu.memory_space<hbm>>
      %dma_start3A_150 = arith.constant 0 : i32
      %dma_start3A_151 = tpu.memref_slice %arg3[%add3A, %min3A_92, %dma_start3A_150] : memref<32x80x128xi32, #tpu.memory_space<hbm>> -> memref<1x1x128xi32, #tpu.memory_space<hbm>>
      %dma_start3A_152 = tpu.memref_squeeze %dma_start3A_151 : memref<1x1x128xi32, #tpu.memory_space<hbm>> -> memref<128xi32, #tpu.memory_space<hbm>>
      tpu.enqueue_dma source(%dma_start3A_152 : memref<128xi32, #tpu.memory_space<hbm>>) target(%arg9 : memref<128xi32, #tpu.memory_space<vmem>>) target_semaphore(%arg14 : memref<!tpu.dma_semaphore, #tpu.memory_space<semaphore_mem>>)
    }
    %scan3A_50 = arith.constant 40 : i32
    %dma_wait3A = arith.constant 0 : i32
    %dma_wait3A_51 = arith.constant 0 : i32
    %dma_wait3A_52 = tpu.memref_slice %arg2[%add3A, %dma_wait3A, %dma_wait3A_51] : memref<32x80x128xi32, #tpu.memory_space<hbm>> -> memref<1x1x128xi32, #tpu.memory_space<hbm>>
    %dma_wait3A_53 = tpu.memref_squeeze %dma_wait3A_52 : memref<1x1x128xi32, #tpu.memory_space<hbm>> -> memref<128xi32, #tpu.memory_space<hbm>>
    %dma_wait3A_54 = arith.constant 0 : i32
    %dma_wait3A_55 = tpu.memref_slice %arg2[%add3A, %dma_wait3A, %dma_wait3A_54] : memref<32x80x128xi32, #tpu.memory_space<hbm>> -> memref<1x1x128xi32, #tpu.memory_space<hbm>>
    %dma_wait3A_56 = tpu.memref_squeeze %dma_wait3A_55 : memref<1x1x128xi32, #tpu.memory_space<hbm>> -> memref<128xi32, #tpu.memory_space<hbm>>
    tpu.wait_dma2 semaphore(%arg13 : memref<!tpu.dma_semaphore, #tpu.memory_space<semaphore_mem>>) src(%dma_wait3A_56 : memref<128xi32, #tpu.memory_space<hbm>>) dst(%arg6 : memref<128xi32, #tpu.memory_space<vmem>>)
    %dma_wait3A_57 = arith.constant 0 : i32
    %dma_wait3A_58 = arith.constant 0 : i32
    %dma_wait3A_59 = tpu.memref_slice %arg3[%add3A, %dma_wait3A_57, %dma_wait3A_58] : memref<32x80x128xi32, #tpu.memory_space<hbm>> -> memref<1x1x128xi32, #tpu.memory_space<hbm>>
    %dma_wait3A_60 = tpu.memref_squeeze %dma_wait3A_59 : memref<1x1x128xi32, #tpu.memory_space<hbm>> -> memref<128xi32, #tpu.memory_space<hbm>>
    %dma_wait3A_61 = arith.constant 0 : i32
    %dma_wait3A_62 = tpu.memref_slice %arg3[%add3A, %dma_wait3A_57, %dma_wait3A_61] : memref<32x80x128xi32, #tpu.memory_space<hbm>> -> memref<1x1x128xi32, #tpu.memory_space<hbm>>
    %dma_wait3A_63 = tpu.memref_squeeze %dma_wait3A_62 : memref<1x1x128xi32, #tpu.memory_space<hbm>> -> memref<128xi32, #tpu.memory_space<hbm>>
    tpu.wait_dma2 semaphore(%arg13 : memref<!tpu.dma_semaphore, #tpu.memory_space<semaphore_mem>>) src(%dma_wait3A_63 : memref<128xi32, #tpu.memory_space<hbm>>) dst(%arg7 : memref<128xi32, #tpu.memory_space<vmem>>)
    %dma_wait3A_64 = arith.constant 0 : i32
    %dma_wait3A_65 = arith.constant 0 : i32
    %dma_wait3A_66 = tpu.memref_slice %arg2[%add3A, %dma_wait3A_64, %dma_wait3A_65] : memref<32x80x128xi32, #tpu.memory_space<hbm>> -> memref<1x1x128xi32, #tpu.memory_space<hbm>>
    %dma_wait3A_67 = tpu.memref_squeeze %dma_wait3A_66 : memref<1x1x128xi32, #tpu.memory_space<hbm>> -> memref<128xi32, #tpu.memory_space<hbm>>
    %dma_wait3A_68 = arith.constant 0 : i32
    %dma_wait3A_69 = tpu.memref_slice %arg2[%add3A, %dma_wait3A_64, %dma_wait3A_68] : memref<32x80x128xi32, #tpu.memory_space<hbm>> -> memref<1x1x128xi32, #tpu.memory_space<hbm>>
    %dma_wait3A_70 = tpu.memref_squeeze %dma_wait3A_69 : memref<1x1x128xi32, #tpu.memory_space<hbm>> -> memref<128xi32, #tpu.memory_space<hbm>>
    tpu.wait_dma2 semaphore(%arg14 : memref<!tpu.dma_semaphore, #tpu.memory_space<semaphore_mem>>) src(%dma_wait3A_70 : memref<128xi32, #tpu.memory_space<hbm>>) dst(%arg8 : memref<128xi32, #tpu.memory_space<vmem>>)
    %dma_wait3A_71 = arith.constant 0 : i32
    %dma_wait3A_72 = arith.constant 0 : i32
    %dma_wait3A_73 = tpu.memref_slice %arg3[%add3A, %dma_wait3A_71, %dma_wait3A_72] : memref<32x80x128xi32, #tpu.memory_space<hbm>> -> memref<1x1x128xi32, #tpu.memory_space<hbm>>
    %dma_wait3A_74 = tpu.memref_squeeze %dma_wait3A_73 : memref<1x1x128xi32, #tpu.memory_space<hbm>> -> memref<128xi32, #tpu.memory_space<hbm>>
    %dma_wait3A_75 = arith.constant 0 : i32
    %dma_wait3A_76 = tpu.memref_slice %arg3[%add3A, %dma_wait3A_71, %dma_wait3A_75] : memref<32x80x128xi32, #tpu.memory_space<hbm>> -> memref<1x1x128xi32, #tpu.memory_space<hbm>>
    %dma_wait3A_77 = tpu.memref_squeeze %dma_wait3A_76 : memref<1x1x128xi32, #tpu.memory_space<hbm>> -> memref<128xi32, #tpu.memory_space<hbm>>
    tpu.wait_dma2 semaphore(%arg14 : memref<!tpu.dma_semaphore, #tpu.memory_space<semaphore_mem>>) src(%dma_wait3A_77 : memref<128xi32, #tpu.memory_space<hbm>>) dst(%arg9 : memref<128xi32, #tpu.memory_space<vmem>>)
    %barrier3A_78 = arith.constant 0 : index
    tpu.barrier barrier_id(%barrier3A_78)
    %mul3A_79 = arith.constant 640 : i32
    %mul3A_80 = arith.muli %arg1, %mul3A_79 : i32
    "tpu.region"() ({
      %run_scoped3A = tpu.sem_alloc : memref<!tpu.dma_semaphore, #tpu.memory_space<semaphore_mem>>
      %dma_start3A_81 = arith.constant 0 : i32
      %dma_start3A_82 = tpu.memref_slice %arg5[%arg0, %mul3A_80, %dma_start3A_81] : memref<2x10240x128xf32, #tpu.memory_space<hbm>> -> memref<1x640x128xf32, #tpu.memory_space<hbm>>
      %dma_start3A_83 = tpu.memref_squeeze %dma_start3A_82 : memref<1x640x128xf32, #tpu.memory_space<hbm>> -> memref<640x128xf32, #tpu.memory_space<hbm>>
      %dma_start3A_84 = arith.constant 0 : i32
      %dma_start3A_85 = tpu.memref_slice %arg12[%mul3A_80, %dma_start3A_84] : memref<10240x128xf32, #tpu.memory_space<vmem_shared>> -> memref<640x128xf32, #tpu.memory_space<vmem_shared>>
      tpu.enqueue_dma source(%dma_start3A_85 : memref<640x128xf32, #tpu.memory_space<vmem_shared>>) target(%dma_start3A_83 : memref<640x128xf32, #tpu.memory_space<hbm>>) target_semaphore(%run_scoped3A : memref<!tpu.dma_semaphore, #tpu.memory_space<semaphore_mem>>)
      %dma_wait3A_86 = arith.constant 0 : i32
      %dma_wait3A_87 = tpu.memref_slice %arg5[%arg0, %mul3A_80, %dma_wait3A_86] : memref<2x10240x128xf32, #tpu.memory_space<hbm>> -> memref<1x640x128xf32, #tpu.memory_space<hbm>>
      %dma_wait3A_88 = tpu.memref_squeeze %dma_wait3A_87 : memref<1x640x128xf32, #tpu.memory_space<hbm>> -> memref<640x128xf32, #tpu.memory_space<hbm>>
      %dma_wait3A_89 = arith.constant 0 : i32
      %dma_wait3A_90 = tpu.memref_slice %arg12[%mul3A_80, %dma_wait3A_89] : memref<10240x128xf32, #tpu.memory_space<vmem_shared>> -> memref<640x128xf32, #tpu.memory_space<vmem_shared>>
      tpu.wait_dma2 semaphore(%run_scoped3A : memref<!tpu.dma_semaphore, #tpu.memory_space<semaphore_mem>>) src(%dma_wait3A_90 : memref<640x128xf32, #tpu.memory_space<vmem_shared>>) dst(%dma_wait3A_88 : memref<640x128xf32, #tpu.memory_space<hbm>>)
      tpu.yield
    }) : () -> ()
    return
  }
}

#map = affine_map<(d0, d1) -> (0, 0, 0)>
#map1 = affine_map<(d0, d1) -> (0, 0)>
module attributes {stable_mosaic.version = 14 : i64} {
  func.func @_prop(%arg0: i32, %arg1: i32, %arg2: memref<32x80x128xi32, #tpu.memory_space<hbm>>, %arg3: memref<32x80x128xi32, #tpu.memory_space<hbm>>, %arg4: memref<10000x128xf32, #tpu.memory_space<hbm>>, %arg5: memref<2x10240x128xf32, #tpu.memory_space<hbm>>, %arg6: memref<128xi32, #tpu.memory_space<vmem>>, %arg7: memref<128xi32, #tpu.memory_space<vmem>>, %arg8: memref<128xi32, #tpu.memory_space<vmem>>, %arg9: memref<128xi32, #tpu.memory_space<vmem>>, %arg10: memref<128x128xf32, #tpu.memory_space<vmem>>, %arg11: memref<128x128xf32, #tpu.memory_space<vmem>>, %arg12: memref<10240x128xf32, #tpu.memory_space<vmem_shared>>, %arg13: memref<!tpu.dma_semaphore, #tpu.memory_space<semaphore_mem>>, %arg14: memref<!tpu.dma_semaphore, #tpu.memory_space<semaphore_mem>>, %arg15: memref<!tpu.dma_semaphore, #tpu.memory_space<semaphore_mem>>, %arg16: memref<!tpu.dma_semaphore, #tpu.memory_space<semaphore_mem>>) attributes {dimension_semantics = [#tpu.dimension_semantics<core_parallel>, #tpu.dimension_semantics<subcore_parallel>], iteration_bounds = array<i64: 2, 16>, scalar_prefetch = 0 : i64, scratch_operands = 11 : i64, tpu.core_type = #tpu.core_type<sc_vector_subcore>, window_params = [{transform_indices = #map}, {transform_indices = #map}, {transform_indices = #map1}, {transform_indices = #map}]} {
    %mul3A = arith.constant 2 : i32
    %mul3A_0 = arith.muli %arg1, %mul3A : i32
    %add3A = arith.addi %mul3A_0, %arg0 : i32
    %scan3A = arith.constant 0 : i32
    %scan3A_1 = arith.constant 0 : i32
    %scan3A_2 = arith.constant 1024 : i32
    %scan3A_3 = arith.addi %scan3A_1, %scan3A_2 : i32
    %scan3A_4 = arith.constant 1 : i32
    scf.for %scan3A_81 = %scan3A_1 to %scan3A_3 step %scan3A_4  : i32 {
      %jit3A = arith.constant 8 : i32
      %div3A = arith.divsi %scan3A_81, %jit3A : i32
      %sign3A = arith.constant 0 : i32
      %sign3A_82 = arith.cmpi sgt, %scan3A_81, %sign3A : i32
      %sign3A_83 = arith.extui %sign3A_82 : i1 to i32
      %sign3A_84 = arith.constant 0 : i32
      %sign3A_85 = arith.cmpi slt, %scan3A_81, %sign3A_84 : i32
      %sign3A_86 = arith.extui %sign3A_85 : i1 to i32
      %sign3A_87 = arith.subi %sign3A_83, %sign3A_86 : i32
      %sign3A_88 = arith.constant 0 : i32
      %sign3A_89 = arith.cmpi sgt, %jit3A, %sign3A_88 : i32
      %sign3A_90 = arith.extui %sign3A_89 : i1 to i32
      %sign3A_91 = arith.constant 0 : i32
      %sign3A_92 = arith.cmpi slt, %jit3A, %sign3A_91 : i32
      %sign3A_93 = arith.extui %sign3A_92 : i1 to i32
      %sign3A_94 = arith.subi %sign3A_90, %sign3A_93 : i32
      %ne3A = arith.cmpi ne, %sign3A_87, %sign3A_94 : i32
      %rem3A = arith.remsi %scan3A_81, %jit3A : i32
      %ne3A_95 = arith.constant 0 : i32
      %ne3A_96 = arith.cmpi ne, %rem3A, %ne3A_95 : i32
      %and3A = arith.andi %ne3A, %ne3A_96 : i1
      %sub3A = arith.constant 1 : i32
      %sub3A_97 = arith.subi %div3A, %sub3A : i32
      %select_n3A = arith.select %and3A, %sub3A_97, %div3A : i32
      %mul3A_98 = arith.constant 8 : i32
      %mul3A_99 = arith.muli %select_n3A, %mul3A_98 : i32
      %sub3A_100 = arith.subi %scan3A_81, %mul3A_99 : i32
      %broadcast_in_dim3A = arith.constant 0.000000e+00 : f32
      %broadcast_in_dim3A_101 = vector.broadcast %broadcast_in_dim3A : f32 to vector<16xf32>
      %mul3A_102 = arith.constant 16 : i32
      %mul3A_103 = arith.muli %sub3A_100, %mul3A_102 : i32
      %swap3A = arith.index_cast %select_n3A : i32 to index
      %swap3A_104 = arith.index_cast %mul3A_103 : i32 to index
      %swap3A_105 = tpu.vector_load %arg10[%swap3A, %swap3A_104] {strides = array<i32>} : memref<128x128xf32, #tpu.memory_space<vmem>>, vector<1x16xf32>,
      %swap3A_106 = vector.shape_cast %swap3A_105 : vector<1x16xf32> to vector<16xf32>
      %swap3A_107 = vector.shape_cast %broadcast_in_dim3A_101 : vector<16xf32> to vector<1x16xf32>
      tpu.vector_store %arg10[%swap3A, %swap3A_104], %swap3A_107 {strides = array<i32>} : memref<128x128xf32, #tpu.memory_space<vmem>>, vector<1x16xf32>,
    }
    %scan3A_5 = arith.constant 1024 : i32
    %mul3A_6 = arith.constant 640 : i32
    %mul3A_7 = arith.muli %arg1, %mul3A_6 : i32
    %add3A_8 = arith.constant 0 : i32
    %add3A_9 = arith.addi %mul3A_7, %add3A_8 : i32
    "tpu.region"() ({
      %run_scoped3A = tpu.sem_alloc : memref<!tpu.dma_semaphore, #tpu.memory_space<semaphore_mem>>
      %dma_start3A_81 = arith.constant 0 : i32
      %dma_start3A_82 = tpu.memref_slice %arg12[%add3A_9, %dma_start3A_81] : memref<10240x128xf32, #tpu.memory_space<vmem_shared>> -> memref<128x128xf32, #tpu.memory_space<vmem_shared>>
      %dma_start3A_83 = arith.constant 0 : i32
      %dma_start3A_84 = tpu.memref_slice %arg12[%add3A_9, %dma_start3A_83] : memref<10240x128xf32, #tpu.memory_space<vmem_shared>> -> memref<128x128xf32, #tpu.memory_space<vmem_shared>>
      tpu.enqueue_dma source(%arg10 : memref<128x128xf32, #tpu.memory_space<vmem>>) target(%dma_start3A_84 : memref<128x128xf32, #tpu.memory_space<vmem_shared>>) target_semaphore(%run_scoped3A : memref<!tpu.dma_semaphore, #tpu.memory_space<semaphore_mem>>)
      %dma_wait3A_85 = arith.constant 0 : i32
      %dma_wait3A_86 = tpu.memref_slice %arg12[%add3A_9, %dma_wait3A_85] : memref<10240x128xf32, #tpu.memory_space<vmem_shared>> -> memref<128x128xf32, #tpu.memory_space<vmem_shared>>
      %dma_wait3A_87 = arith.constant 0 : i32
      %dma_wait3A_88 = tpu.memref_slice %arg12[%add3A_9, %dma_wait3A_87] : memref<10240x128xf32, #tpu.memory_space<vmem_shared>> -> memref<128x128xf32, #tpu.memory_space<vmem_shared>>
      tpu.wait_dma2 semaphore(%run_scoped3A : memref<!tpu.dma_semaphore, #tpu.memory_space<semaphore_mem>>) src(%arg10 : memref<128x128xf32, #tpu.memory_space<vmem>>) dst(%dma_wait3A_88 : memref<128x128xf32, #tpu.memory_space<vmem_shared>>)
      tpu.yield
    }) : () -> ()
    %add3A_10 = arith.constant 128 : i32
    %add3A_11 = arith.addi %mul3A_7, %add3A_10 : i32
    "tpu.region"() ({
      %run_scoped3A = tpu.sem_alloc : memref<!tpu.dma_semaphore, #tpu.memory_space<semaphore_mem>>
      %dma_start3A_81 = arith.constant 0 : i32
      %dma_start3A_82 = tpu.memref_slice %arg12[%add3A_11, %dma_start3A_81] : memref<10240x128xf32, #tpu.memory_space<vmem_shared>> -> memref<128x128xf32, #tpu.memory_space<vmem_shared>>
      %dma_start3A_83 = arith.constant 0 : i32
      %dma_start3A_84 = tpu.memref_slice %arg12[%add3A_11, %dma_start3A_83] : memref<10240x128xf32, #tpu.memory_space<vmem_shared>> -> memref<128x128xf32, #tpu.memory_space<vmem_shared>>
      tpu.enqueue_dma source(%arg10 : memref<128x128xf32, #tpu.memory_space<vmem>>) target(%dma_start3A_84 : memref<128x128xf32, #tpu.memory_space<vmem_shared>>) target_semaphore(%run_scoped3A : memref<!tpu.dma_semaphore, #tpu.memory_space<semaphore_mem>>)
      %dma_wait3A_85 = arith.constant 0 : i32
      %dma_wait3A_86 = tpu.memref_slice %arg12[%add3A_11, %dma_wait3A_85] : memref<10240x128xf32, #tpu.memory_space<vmem_shared>> -> memref<128x128xf32, #tpu.memory_space<vmem_shared>>
      %dma_wait3A_87 = arith.constant 0 : i32
      %dma_wait3A_88 = tpu.memref_slice %arg12[%add3A_11, %dma_wait3A_87] : memref<10240x128xf32, #tpu.memory_space<vmem_shared>> -> memref<128x128xf32, #tpu.memory_space<vmem_shared>>
      tpu.wait_dma2 semaphore(%run_scoped3A : memref<!tpu.dma_semaphore, #tpu.memory_space<semaphore_mem>>) src(%arg10 : memref<128x128xf32, #tpu.memory_space<vmem>>) dst(%dma_wait3A_88 : memref<128x128xf32, #tpu.memory_space<vmem_shared>>)
      tpu.yield
    }) : () -> ()
    %add3A_12 = arith.constant 256 : i32
    %add3A_13 = arith.addi %mul3A_7, %add3A_12 : i32
    "tpu.region"() ({
      %run_scoped3A = tpu.sem_alloc : memref<!tpu.dma_semaphore, #tpu.memory_space<semaphore_mem>>
      %dma_start3A_81 = arith.constant 0 : i32
      %dma_start3A_82 = tpu.memref_slice %arg12[%add3A_13, %dma_start3A_81] : memref<10240x128xf32, #tpu.memory_space<vmem_shared>> -> memref<128x128xf32, #tpu.memory_space<vmem_shared>>
      %dma_start3A_83 = arith.constant 0 : i32
      %dma_start3A_84 = tpu.memref_slice %arg12[%add3A_13, %dma_start3A_83] : memref<10240x128xf32, #tpu.memory_space<vmem_shared>> -> memref<128x128xf32, #tpu.memory_space<vmem_shared>>
      tpu.enqueue_dma source(%arg10 : memref<128x128xf32, #tpu.memory_space<vmem>>) target(%dma_start3A_84 : memref<128x128xf32, #tpu.memory_space<vmem_shared>>) target_semaphore(%run_scoped3A : memref<!tpu.dma_semaphore, #tpu.memory_space<semaphore_mem>>)
      %dma_wait3A_85 = arith.constant 0 : i32
      %dma_wait3A_86 = tpu.memref_slice %arg12[%add3A_13, %dma_wait3A_85] : memref<10240x128xf32, #tpu.memory_space<vmem_shared>> -> memref<128x128xf32, #tpu.memory_space<vmem_shared>>
      %dma_wait3A_87 = arith.constant 0 : i32
      %dma_wait3A_88 = tpu.memref_slice %arg12[%add3A_13, %dma_wait3A_87] : memref<10240x128xf32, #tpu.memory_space<vmem_shared>> -> memref<128x128xf32, #tpu.memory_space<vmem_shared>>
      tpu.wait_dma2 semaphore(%run_scoped3A : memref<!tpu.dma_semaphore, #tpu.memory_space<semaphore_mem>>) src(%arg10 : memref<128x128xf32, #tpu.memory_space<vmem>>) dst(%dma_wait3A_88 : memref<128x128xf32, #tpu.memory_space<vmem_shared>>)
      tpu.yield
    }) : () -> ()
    %add3A_14 = arith.constant 384 : i32
    %add3A_15 = arith.addi %mul3A_7, %add3A_14 : i32
    "tpu.region"() ({
      %run_scoped3A = tpu.sem_alloc : memref<!tpu.dma_semaphore, #tpu.memory_space<semaphore_mem>>
      %dma_start3A_81 = arith.constant 0 : i32
      %dma_start3A_82 = tpu.memref_slice %arg12[%add3A_15, %dma_start3A_81] : memref<10240x128xf32, #tpu.memory_space<vmem_shared>> -> memref<128x128xf32, #tpu.memory_space<vmem_shared>>
      %dma_start3A_83 = arith.constant 0 : i32
      %dma_start3A_84 = tpu.memref_slice %arg12[%add3A_15, %dma_start3A_83] : memref<10240x128xf32, #tpu.memory_space<vmem_shared>> -> memref<128x128xf32, #tpu.memory_space<vmem_shared>>
      tpu.enqueue_dma source(%arg10 : memref<128x128xf32, #tpu.memory_space<vmem>>) target(%dma_start3A_84 : memref<128x128xf32, #tpu.memory_space<vmem_shared>>) target_semaphore(%run_scoped3A : memref<!tpu.dma_semaphore, #tpu.memory_space<semaphore_mem>>)
      %dma_wait3A_85 = arith.constant 0 : i32
      %dma_wait3A_86 = tpu.memref_slice %arg12[%add3A_15, %dma_wait3A_85] : memref<10240x128xf32, #tpu.memory_space<vmem_shared>> -> memref<128x128xf32, #tpu.memory_space<vmem_shared>>
      %dma_wait3A_87 = arith.constant 0 : i32
      %dma_wait3A_88 = tpu.memref_slice %arg12[%add3A_15, %dma_wait3A_87] : memref<10240x128xf32, #tpu.memory_space<vmem_shared>> -> memref<128x128xf32, #tpu.memory_space<vmem_shared>>
      tpu.wait_dma2 semaphore(%run_scoped3A : memref<!tpu.dma_semaphore, #tpu.memory_space<semaphore_mem>>) src(%arg10 : memref<128x128xf32, #tpu.memory_space<vmem>>) dst(%dma_wait3A_88 : memref<128x128xf32, #tpu.memory_space<vmem_shared>>)
      tpu.yield
    }) : () -> ()
    %add3A_16 = arith.constant 512 : i32
    %add3A_17 = arith.addi %mul3A_7, %add3A_16 : i32
    "tpu.region"() ({
      %run_scoped3A = tpu.sem_alloc : memref<!tpu.dma_semaphore, #tpu.memory_space<semaphore_mem>>
      %dma_start3A_81 = arith.constant 0 : i32
      %dma_start3A_82 = tpu.memref_slice %arg12[%add3A_17, %dma_start3A_81] : memref<10240x128xf32, #tpu.memory_space<vmem_shared>> -> memref<128x128xf32, #tpu.memory_space<vmem_shared>>
      %dma_start3A_83 = arith.constant 0 : i32
      %dma_start3A_84 = tpu.memref_slice %arg12[%add3A_17, %dma_start3A_83] : memref<10240x128xf32, #tpu.memory_space<vmem_shared>> -> memref<128x128xf32, #tpu.memory_space<vmem_shared>>
      tpu.enqueue_dma source(%arg10 : memref<128x128xf32, #tpu.memory_space<vmem>>) target(%dma_start3A_84 : memref<128x128xf32, #tpu.memory_space<vmem_shared>>) target_semaphore(%run_scoped3A : memref<!tpu.dma_semaphore, #tpu.memory_space<semaphore_mem>>)
      %dma_wait3A_85 = arith.constant 0 : i32
      %dma_wait3A_86 = tpu.memref_slice %arg12[%add3A_17, %dma_wait3A_85] : memref<10240x128xf32, #tpu.memory_space<vmem_shared>> -> memref<128x128xf32, #tpu.memory_space<vmem_shared>>
      %dma_wait3A_87 = arith.constant 0 : i32
      %dma_wait3A_88 = tpu.memref_slice %arg12[%add3A_17, %dma_wait3A_87] : memref<10240x128xf32, #tpu.memory_space<vmem_shared>> -> memref<128x128xf32, #tpu.memory_space<vmem_shared>>
      tpu.wait_dma2 semaphore(%run_scoped3A : memref<!tpu.dma_semaphore, #tpu.memory_space<semaphore_mem>>) src(%arg10 : memref<128x128xf32, #tpu.memory_space<vmem>>) dst(%dma_wait3A_88 : memref<128x128xf32, #tpu.memory_space<vmem_shared>>)
      tpu.yield
    }) : () -> ()
    %barrier3A = arith.constant 0 : index
    tpu.barrier barrier_id(%barrier3A)
    %dma_start3A = arith.constant 0 : i32
    %dma_start3A_18 = arith.constant 0 : i32
    %dma_start3A_19 = tpu.memref_slice %arg2[%add3A, %dma_start3A, %dma_start3A_18] : memref<32x80x128xi32, #tpu.memory_space<hbm>> -> memref<1x1x128xi32, #tpu.memory_space<hbm>>
    %dma_start3A_20 = tpu.memref_squeeze %dma_start3A_19 : memref<1x1x128xi32, #tpu.memory_space<hbm>> -> memref<128xi32, #tpu.memory_space<hbm>>
    %dma_start3A_21 = arith.constant 0 : i32
    %dma_start3A_22 = tpu.memref_slice %arg2[%add3A, %dma_start3A, %dma_start3A_21] : memref<32x80x128xi32, #tpu.memory_space<hbm>> -> memref<1x1x128xi32, #tpu.memory_space<hbm>>
    %dma_start3A_23 = tpu.memref_squeeze %dma_start3A_22 : memref<1x1x128xi32, #tpu.memory_space<hbm>> -> memref<128xi32, #tpu.memory_space<hbm>>
    tpu.enqueue_dma source(%dma_start3A_23 : memref<128xi32, #tpu.memory_space<hbm>>) target(%arg6 : memref<128xi32, #tpu.memory_space<vmem>>) target_semaphore(%arg13 : memref<!tpu.dma_semaphore, #tpu.memory_space<semaphore_mem>>)
    %dma_start3A_24 = arith.constant 0 : i32
    %dma_start3A_25 = arith.constant 0 : i32
    %dma_start3A_26 = tpu.memref_slice %arg3[%add3A, %dma_start3A_24, %dma_start3A_25] : memref<32x80x128xi32, #tpu.memory_space<hbm>> -> memref<1x1x128xi32, #tpu.memory_space<hbm>>
    %dma_start3A_27 = tpu.memref_squeeze %dma_start3A_26 : memref<1x1x128xi32, #tpu.memory_space<hbm>> -> memref<128xi32, #tpu.memory_space<hbm>>
    %dma_start3A_28 = arith.constant 0 : i32
    %dma_start3A_29 = tpu.memref_slice %arg3[%add3A, %dma_start3A_24, %dma_start3A_28] : memref<32x80x128xi32, #tpu.memory_space<hbm>> -> memref<1x1x128xi32, #tpu.memory_space<hbm>>
    %dma_start3A_30 = tpu.memref_squeeze %dma_start3A_29 : memref<1x1x128xi32, #tpu.memory_space<hbm>> -> memref<128xi32, #tpu.memory_space<hbm>>
    tpu.enqueue_dma source(%dma_start3A_30 : memref<128xi32, #tpu.memory_space<hbm>>) target(%arg7 : memref<128xi32, #tpu.memory_space<vmem>>) target_semaphore(%arg13 : memref<!tpu.dma_semaphore, #tpu.memory_space<semaphore_mem>>)
    %dma_start3A_31 = arith.constant 1 : i32
    %dma_start3A_32 = arith.constant 0 : i32
    %dma_start3A_33 = tpu.memref_slice %arg2[%add3A, %dma_start3A_31, %dma_start3A_32] : memref<32x80x128xi32, #tpu.memory_space<hbm>> -> memref<1x1x128xi32, #tpu.memory_space<hbm>>
    %dma_start3A_34 = tpu.memref_squeeze %dma_start3A_33 : memref<1x1x128xi32, #tpu.memory_space<hbm>> -> memref<128xi32, #tpu.memory_space<hbm>>
    %dma_start3A_35 = arith.constant 0 : i32
    %dma_start3A_36 = tpu.memref_slice %arg2[%add3A, %dma_start3A_31, %dma_start3A_35] : memref<32x80x128xi32, #tpu.memory_space<hbm>> -> memref<1x1x128xi32, #tpu.memory_space<hbm>>
    %dma_start3A_37 = tpu.memref_squeeze %dma_start3A_36 : memref<1x1x128xi32, #tpu.memory_space<hbm>> -> memref<128xi32, #tpu.memory_space<hbm>>
    tpu.enqueue_dma source(%dma_start3A_37 : memref<128xi32, #tpu.memory_space<hbm>>) target(%arg8 : memref<128xi32, #tpu.memory_space<vmem>>) target_semaphore(%arg14 : memref<!tpu.dma_semaphore, #tpu.memory_space<semaphore_mem>>)
    %dma_start3A_38 = arith.constant 1 : i32
    %dma_start3A_39 = arith.constant 0 : i32
    %dma_start3A_40 = tpu.memref_slice %arg3[%add3A, %dma_start3A_38, %dma_start3A_39] : memref<32x80x128xi32, #tpu.memory_space<hbm>> -> memref<1x1x128xi32, #tpu.memory_space<hbm>>
    %dma_start3A_41 = tpu.memref_squeeze %dma_start3A_40 : memref<1x1x128xi32, #tpu.memory_space<hbm>> -> memref<128xi32, #tpu.memory_space<hbm>>
    %dma_start3A_42 = arith.constant 0 : i32
    %dma_start3A_43 = tpu.memref_slice %arg3[%add3A, %dma_start3A_38, %dma_start3A_42] : memref<32x80x128xi32, #tpu.memory_space<hbm>> -> memref<1x1x128xi32, #tpu.memory_space<hbm>>
    %dma_start3A_44 = tpu.memref_squeeze %dma_start3A_43 : memref<1x1x128xi32, #tpu.memory_space<hbm>> -> memref<128xi32, #tpu.memory_space<hbm>>
    tpu.enqueue_dma source(%dma_start3A_44 : memref<128xi32, #tpu.memory_space<hbm>>) target(%arg9 : memref<128xi32, #tpu.memory_space<vmem>>) target_semaphore(%arg14 : memref<!tpu.dma_semaphore, #tpu.memory_space<semaphore_mem>>)
    %scan3A_45 = arith.constant 0 : i32
    %scan3A_46 = arith.constant 0 : i32
    %scan3A_47 = arith.constant 40 : i32
    %scan3A_48 = arith.addi %scan3A_46, %scan3A_47 : i32
    %scan3A_49 = arith.constant 1 : i32
    scf.for %scan3A_81 = %scan3A_46 to %scan3A_48 step %scan3A_49  : i32 {
      %mul3A_82 = arith.constant 2 : i32
      %mul3A_83 = arith.muli %scan3A_81, %mul3A_82 : i32
      %add3A_84 = arith.constant 1 : i32
      %add3A_85 = arith.addi %mul3A_83, %add3A_84 : i32
      %add3A_86 = arith.constant 2 : i32
      %add3A_87 = arith.addi %mul3A_83, %add3A_86 : i32
      %min3A = arith.constant 78 : i32
      %min3A_88 = arith.minsi %add3A_87, %min3A : i32
      %add3A_89 = arith.constant 2 : i32
      %add3A_90 = arith.addi %add3A_85, %add3A_89 : i32
      %min3A_91 = arith.constant 79 : i32
      %min3A_92 = arith.minsi %add3A_90, %min3A_91 : i32
      %dma_wait3A_93 = arith.constant 0 : i32
      %dma_wait3A_94 = tpu.memref_slice %arg2[%add3A, %mul3A_83, %dma_wait3A_93] : memref<32x80x128xi32, #tpu.memory_space<hbm>> -> memref<1x1x128xi32, #tpu.memory_space<hbm>>
      %dma_wait3A_95 = tpu.memref_squeeze %dma_wait3A_94 : memref<1x1x128xi32, #tpu.memory_space<hbm>> -> memref<128xi32, #tpu.memory_space<hbm>>
      %dma_wait3A_96 = arith.constant 0 : i32
      %dma_wait3A_97 = tpu.memref_slice %arg2[%add3A, %mul3A_83, %dma_wait3A_96] : memref<32x80x128xi32, #tpu.memory_space<hbm>> -> memref<1x1x128xi32, #tpu.memory_space<hbm>>
      %dma_wait3A_98 = tpu.memref_squeeze %dma_wait3A_97 : memref<1x1x128xi32, #tpu.memory_space<hbm>> -> memref<128xi32, #tpu.memory_space<hbm>>
      tpu.wait_dma2 semaphore(%arg13 : memref<!tpu.dma_semaphore, #tpu.memory_space<semaphore_mem>>) src(%dma_wait3A_98 : memref<128xi32, #tpu.memory_space<hbm>>) dst(%arg6 : memref<128xi32, #tpu.memory_space<vmem>>)
      %dma_wait3A_99 = arith.constant 0 : i32
      %dma_wait3A_100 = tpu.memref_slice %arg3[%add3A, %mul3A_83, %dma_wait3A_99] : memref<32x80x128xi32, #tpu.memory_space<hbm>> -> memref<1x1x128xi32, #tpu.memory_space<hbm>>
      %dma_wait3A_101 = tpu.memref_squeeze %dma_wait3A_100 : memref<1x1x128xi32, #tpu.memory_space<hbm>> -> memref<128xi32, #tpu.memory_space<hbm>>
      %dma_wait3A_102 = arith.constant 0 : i32
      %dma_wait3A_103 = tpu.memref_slice %arg3[%add3A, %mul3A_83, %dma_wait3A_102] : memref<32x80x128xi32, #tpu.memory_space<hbm>> -> memref<1x1x128xi32, #tpu.memory_space<hbm>>
      %dma_wait3A_104 = tpu.memref_squeeze %dma_wait3A_103 : memref<1x1x128xi32, #tpu.memory_space<hbm>> -> memref<128xi32, #tpu.memory_space<hbm>>
      tpu.wait_dma2 semaphore(%arg13 : memref<!tpu.dma_semaphore, #tpu.memory_space<semaphore_mem>>) src(%dma_wait3A_104 : memref<128xi32, #tpu.memory_space<hbm>>) dst(%arg7 : memref<128xi32, #tpu.memory_space<vmem>>)
      %dma_start3A_105 = arith.constant 0 : i32
      %dma_start3A_106 = arith.constant 0 : i32
      %dma_start3A_107 = tpu.memref_slice %arg4[%dma_start3A_105, %dma_start3A_106] : memref<10000x128xf32, #tpu.memory_space<hbm>> -> memref<10000x128xf32, #tpu.memory_space<hbm>>
      tpu.enqueue_indirect_dma source(%dma_start3A_107 : memref<10000x128xf32, #tpu.memory_space<hbm>>) target(%arg10 : memref<128x128xf32, #tpu.memory_space<vmem>>) offsets(%arg6 : memref<128xi32, #tpu.memory_space<vmem>>) semaphore(%arg15 : memref<!tpu.dma_semaphore, #tpu.memory_space<semaphore_mem>>)
      %dma_wait3A_108 = arith.constant 0 : i32
      %dma_wait3A_109 = tpu.memref_slice %arg2[%add3A, %add3A_85, %dma_wait3A_108] : memref<32x80x128xi32, #tpu.memory_space<hbm>> -> memref<1x1x128xi32, #tpu.memory_space<hbm>>
      %dma_wait3A_110 = tpu.memref_squeeze %dma_wait3A_109 : memref<1x1x128xi32, #tpu.memory_space<hbm>> -> memref<128xi32, #tpu.memory_space<hbm>>
      %dma_wait3A_111 = arith.constant 0 : i32
      %dma_wait3A_112 = tpu.memref_slice %arg2[%add3A, %add3A_85, %dma_wait3A_111] : memref<32x80x128xi32, #tpu.memory_space<hbm>> -> memref<1x1x128xi32, #tpu.memory_space<hbm>>
      %dma_wait3A_113 = tpu.memref_squeeze %dma_wait3A_112 : memref<1x1x128xi32, #tpu.memory_space<hbm>> -> memref<128xi32, #tpu.memory_space<hbm>>
      tpu.wait_dma2 semaphore(%arg14 : memref<!tpu.dma_semaphore, #tpu.memory_space<semaphore_mem>>) src(%dma_wait3A_113 : memref<128xi32, #tpu.memory_space<hbm>>) dst(%arg8 : memref<128xi32, #tpu.memory_space<vmem>>)
      %dma_wait3A_114 = arith.constant 0 : i32
      %dma_wait3A_115 = tpu.memref_slice %arg3[%add3A, %add3A_85, %dma_wait3A_114] : memref<32x80x128xi32, #tpu.memory_space<hbm>> -> memref<1x1x128xi32, #tpu.memory_space<hbm>>
      %dma_wait3A_116 = tpu.memref_squeeze %dma_wait3A_115 : memref<1x1x128xi32, #tpu.memory_space<hbm>> -> memref<128xi32, #tpu.memory_space<hbm>>
      %dma_wait3A_117 = arith.constant 0 : i32
      %dma_wait3A_118 = tpu.memref_slice %arg3[%add3A, %add3A_85, %dma_wait3A_117] : memref<32x80x128xi32, #tpu.memory_space<hbm>> -> memref<1x1x128xi32, #tpu.memory_space<hbm>>
      %dma_wait3A_119 = tpu.memref_squeeze %dma_wait3A_118 : memref<1x1x128xi32, #tpu.memory_space<hbm>> -> memref<128xi32, #tpu.memory_space<hbm>>
      tpu.wait_dma2 semaphore(%arg14 : memref<!tpu.dma_semaphore, #tpu.memory_space<semaphore_mem>>) src(%dma_wait3A_119 : memref<128xi32, #tpu.memory_space<hbm>>) dst(%arg9 : memref<128xi32, #tpu.memory_space<vmem>>)
      %dma_start3A_120 = arith.constant 0 : i32
      %dma_start3A_121 = arith.constant 0 : i32
      %dma_start3A_122 = tpu.memref_slice %arg4[%dma_start3A_120, %dma_start3A_121] : memref<10000x128xf32, #tpu.memory_space<hbm>> -> memref<10000x128xf32, #tpu.memory_space<hbm>>
      tpu.enqueue_indirect_dma source(%dma_start3A_122 : memref<10000x128xf32, #tpu.memory_space<hbm>>) target(%arg11 : memref<128x128xf32, #tpu.memory_space<vmem>>) offsets(%arg8 : memref<128xi32, #tpu.memory_space<vmem>>) semaphore(%arg16 : memref<!tpu.dma_semaphore, #tpu.memory_space<semaphore_mem>>)
      %dma_wait3A_123 = arith.constant 0 : i32
      %dma_wait3A_124 = arith.constant 0 : i32
      %dma_wait3A_125 = tpu.memref_slice %arg4[%dma_wait3A_123, %dma_wait3A_124] : memref<10000x128xf32, #tpu.memory_space<hbm>> -> memref<10000x128xf32, #tpu.memory_space<hbm>>
      tpu.wait_indirect_dma semaphore(%arg15 : memref<!tpu.dma_semaphore, #tpu.memory_space<semaphore_mem>>) src(%dma_wait3A_125 : memref<10000x128xf32, #tpu.memory_space<hbm>>) dst(%arg10 : memref<128x128xf32, #tpu.memory_space<vmem>>)
      "tpu.region"() ({
        %run_scoped3A = tpu.sem_alloc : memref<!tpu.dma_semaphore, #tpu.memory_space<semaphore_mem>>
        %dma_start3A_153 = arith.constant 0 : i32
        %dma_start3A_154 = arith.constant 0 : i32
        %dma_start3A_155 = tpu.memref_slice %arg12[%dma_start3A_153, %dma_start3A_154] : memref<10240x128xf32, #tpu.memory_space<vmem_shared>> -> memref<10240x128xf32, #tpu.memory_space<vmem_shared>>
        tpu.enqueue_indirect_dma source(%arg10 : memref<128x128xf32, #tpu.memory_space<vmem>>) target(%dma_start3A_155 : memref<10240x128xf32, #tpu.memory_space<vmem_shared>>) offsets(%arg7 : memref<128xi32, #tpu.memory_space<vmem>>) semaphore(%run_scoped3A : memref<!tpu.dma_semaphore, #tpu.memory_space<semaphore_mem>>) {add = true}
        %dma_wait3A_156 = arith.constant 0 : i32
        %dma_wait3A_157 = arith.constant 0 : i32
        %dma_wait3A_158 = tpu.memref_slice %arg12[%dma_wait3A_156, %dma_wait3A_157] : memref<10240x128xf32, #tpu.memory_space<vmem_shared>> -> memref<10240x128xf32, #tpu.memory_space<vmem_shared>>
        tpu.wait_indirect_dma semaphore(%run_scoped3A : memref<!tpu.dma_semaphore, #tpu.memory_space<semaphore_mem>>) src(%arg10 : memref<128x128xf32, #tpu.memory_space<vmem>>) dst(%dma_wait3A_158 : memref<10240x128xf32, #tpu.memory_space<vmem_shared>>)
        tpu.yield
      }) : () -> ()
      %dma_start3A_126 = arith.constant 0 : i32
      %dma_start3A_127 = tpu.memref_slice %arg2[%add3A, %min3A_88, %dma_start3A_126] : memref<32x80x128xi32, #tpu.memory_space<hbm>> -> memref<1x1x128xi32, #tpu.memory_space<hbm>>
      %dma_start3A_128 = tpu.memref_squeeze %dma_start3A_127 : memref<1x1x128xi32, #tpu.memory_space<hbm>> -> memref<128xi32, #tpu.memory_space<hbm>>
      %dma_start3A_129 = arith.constant 0 : i32
      %dma_start3A_130 = tpu.memref_slice %arg2[%add3A, %min3A_88, %dma_start3A_129] : memref<32x80x128xi32, #tpu.memory_space<hbm>> -> memref<1x1x128xi32, #tpu.memory_space<hbm>>
      %dma_start3A_131 = tpu.memref_squeeze %dma_start3A_130 : memref<1x1x128xi32, #tpu.memory_space<hbm>> -> memref<128xi32, #tpu.memory_space<hbm>>
      tpu.enqueue_dma source(%dma_start3A_131 : memref<128xi32, #tpu.memory_space<hbm>>) target(%arg6 : memref<128xi32, #tpu.memory_space<vmem>>) target_semaphore(%arg13 : memref<!tpu.dma_semaphore, #tpu.memory_space<semaphore_mem>>)
      %dma_start3A_132 = arith.constant 0 : i32
      %dma_start3A_133 = tpu.memref_slice %arg3[%add3A, %min3A_88, %dma_start3A_132] : memref<32x80x128xi32, #tpu.memory_space<hbm>> -> memref<1x1x128xi32, #tpu.memory_space<hbm>>
      %dma_start3A_134 = tpu.memref_squeeze %dma_start3A_133 : memref<1x1x128xi32, #tpu.memory_space<hbm>> -> memref<128xi32, #tpu.memory_space<hbm>>
      %dma_start3A_135 = arith.constant 0 : i32
      %dma_start3A_136 = tpu.memref_slice %arg3[%add3A, %min3A_88, %dma_start3A_135] : memref<32x80x128xi32, #tpu.memory_space<hbm>> -> memref<1x1x128xi32, #tpu.memory_space<hbm>>
      %dma_start3A_137 = tpu.memref_squeeze %dma_start3A_136 : memref<1x1x128xi32, #tpu.memory_space<hbm>> -> memref<128xi32, #tpu.memory_space<hbm>>
      tpu.enqueue_dma source(%dma_start3A_137 : memref<128xi32, #tpu.memory_space<hbm>>) target(%arg7 : memref<128xi32, #tpu.memory_space<vmem>>) target_semaphore(%arg13 : memref<!tpu.dma_semaphore, #tpu.memory_space<semaphore_mem>>)
      %dma_wait3A_138 = arith.constant 0 : i32
      %dma_wait3A_139 = arith.constant 0 : i32
      %dma_wait3A_140 = tpu.memref_slice %arg4[%dma_wait3A_138, %dma_wait3A_139] : memref<10000x128xf32, #tpu.memory_space<hbm>> -> memref<10000x128xf32, #tpu.memory_space<hbm>>
      tpu.wait_indirect_dma semaphore(%arg16 : memref<!tpu.dma_semaphore, #tpu.memory_space<semaphore_mem>>) src(%dma_wait3A_140 : memref<10000x128xf32, #tpu.memory_space<hbm>>) dst(%arg11 : memref<128x128xf32, #tpu.memory_space<vmem>>)
      "tpu.region"() ({
        %run_scoped3A = tpu.sem_alloc : memref<!tpu.dma_semaphore, #tpu.memory_space<semaphore_mem>>
        %dma_start3A_153 = arith.constant 0 : i32
        %dma_start3A_154 = arith.constant 0 : i32
        %dma_start3A_155 = tpu.memref_slice %arg12[%dma_start3A_153, %dma_start3A_154] : memref<10240x128xf32, #tpu.memory_space<vmem_shared>> -> memref<10240x128xf32, #tpu.memory_space<vmem_shared>>
        tpu.enqueue_indirect_dma source(%arg11 : memref<128x128xf32, #tpu.memory_space<vmem>>) target(%dma_start3A_155 : memref<10240x128xf32, #tpu.memory_space<vmem_shared>>) offsets(%arg9 : memref<128xi32, #tpu.memory_space<vmem>>) semaphore(%run_scoped3A : memref<!tpu.dma_semaphore, #tpu.memory_space<semaphore_mem>>) {add = true}
        %dma_wait3A_156 = arith.constant 0 : i32
        %dma_wait3A_157 = arith.constant 0 : i32
        %dma_wait3A_158 = tpu.memref_slice %arg12[%dma_wait3A_156, %dma_wait3A_157] : memref<10240x128xf32, #tpu.memory_space<vmem_shared>> -> memref<10240x128xf32, #tpu.memory_space<vmem_shared>>
        tpu.wait_indirect_dma semaphore(%run_scoped3A : memref<!tpu.dma_semaphore, #tpu.memory_space<semaphore_mem>>) src(%arg11 : memref<128x128xf32, #tpu.memory_space<vmem>>) dst(%dma_wait3A_158 : memref<10240x128xf32, #tpu.memory_space<vmem_shared>>)
        tpu.yield
      }) : () -> ()
      %dma_start3A_141 = arith.constant 0 : i32
      %dma_start3A_142 = tpu.memref_slice %arg2[%add3A, %min3A_92, %dma_start3A_141] : memref<32x80x128xi32, #tpu.memory_space<hbm>> -> memref<1x1x128xi32, #tpu.memory_space<hbm>>
      %dma_start3A_143 = tpu.memref_squeeze %dma_start3A_142 : memref<1x1x128xi32, #tpu.memory_space<hbm>> -> memref<128xi32, #tpu.memory_space<hbm>>
      %dma_start3A_144 = arith.constant 0 : i32
      %dma_start3A_145 = tpu.memref_slice %arg2[%add3A, %min3A_92, %dma_start3A_144] : memref<32x80x128xi32, #tpu.memory_space<hbm>> -> memref<1x1x128xi32, #tpu.memory_space<hbm>>
      %dma_start3A_146 = tpu.memref_squeeze %dma_start3A_145 : memref<1x1x128xi32, #tpu.memory_space<hbm>> -> memref<128xi32, #tpu.memory_space<hbm>>
      tpu.enqueue_dma source(%dma_start3A_146 : memref<128xi32, #tpu.memory_space<hbm>>) target(%arg8 : memref<128xi32, #tpu.memory_space<vmem>>) target_semaphore(%arg14 : memref<!tpu.dma_semaphore, #tpu.memory_space<semaphore_mem>>)
      %dma_start3A_147 = arith.constant 0 : i32
      %dma_start3A_148 = tpu.memref_slice %arg3[%add3A, %min3A_92, %dma_start3A_147] : memref<32x80x128xi32, #tpu.memory_space<hbm>> -> memref<1x1x128xi32, #tpu.memory_space<hbm>>
      %dma_start3A_149 = tpu.memref_squeeze %dma_start3A_148 : memref<1x1x128xi32, #tpu.memory_space<hbm>> -> memref<128xi32, #tpu.memory_space<hbm>>
      %dma_start3A_150 = arith.constant 0 : i32
      %dma_start3A_151 = tpu.memref_slice %arg3[%add3A, %min3A_92, %dma_start3A_150] : memref<32x80x128xi32, #tpu.memory_space<hbm>> -> memref<1x1x128xi32, #tpu.memory_space<hbm>>
      %dma_start3A_152 = tpu.memref_squeeze %dma_start3A_151 : memref<1x1x128xi32, #tpu.memory_space<hbm>> -> memref<128xi32, #tpu.memory_space<hbm>>
      tpu.enqueue_dma source(%dma_start3A_152 : memref<128xi32, #tpu.memory_space<hbm>>) target(%arg9 : memref<128xi32, #tpu.memory_space<vmem>>) target_semaphore(%arg14 : memref<!tpu.dma_semaphore, #tpu.memory_space<semaphore_mem>>)
    }
    %scan3A_50 = arith.constant 40 : i32
    %dma_wait3A = arith.constant 0 : i32
    %dma_wait3A_51 = arith.constant 0 : i32
    %dma_wait3A_52 = tpu.memref_slice %arg2[%add3A, %dma_wait3A, %dma_wait3A_51] : memref<32x80x128xi32, #tpu.memory_space<hbm>> -> memref<1x1x128xi32, #tpu.memory_space<hbm>>
    %dma_wait3A_53 = tpu.memref_squeeze %dma_wait3A_52 : memref<1x1x128xi32, #tpu.memory_space<hbm>> -> memref<128xi32, #tpu.memory_space<hbm>>
    %dma_wait3A_54 = arith.constant 0 : i32
    %dma_wait3A_55 = tpu.memref_slice %arg2[%add3A, %dma_wait3A, %dma_wait3A_54] : memref<32x80x128xi32, #tpu.memory_space<hbm>> -> memref<1x1x128xi32, #tpu.memory_space<hbm>>
    %dma_wait3A_56 = tpu.memref_squeeze %dma_wait3A_55 : memref<1x1x128xi32, #tpu.memory_space<hbm>> -> memref<128xi32, #tpu.memory_space<hbm>>
    tpu.wait_dma2 semaphore(%arg13 : memref<!tpu.dma_semaphore, #tpu.memory_space<semaphore_mem>>) src(%dma_wait3A_56 : memref<128xi32, #tpu.memory_space<hbm>>) dst(%arg6 : memref<128xi32, #tpu.memory_space<vmem>>)
    %dma_wait3A_57 = arith.constant 0 : i32
    %dma_wait3A_58 = arith.constant 0 : i32
    %dma_wait3A_59 = tpu.memref_slice %arg3[%add3A, %dma_wait3A_57, %dma_wait3A_58] : memref<32x80x128xi32, #tpu.memory_space<hbm>> -> memref<1x1x128xi32, #tpu.memory_space<hbm>>
    %dma_wait3A_60 = tpu.memref_squeeze %dma_wait3A_59 : memref<1x1x128xi32, #tpu.memory_space<hbm>> -> memref<128xi32, #tpu.memory_space<hbm>>
    %dma_wait3A_61 = arith.constant 0 : i32
    %dma_wait3A_62 = tpu.memref_slice %arg3[%add3A, %dma_wait3A_57, %dma_wait3A_61] : memref<32x80x128xi32, #tpu.memory_space<hbm>> -> memref<1x1x128xi32, #tpu.memory_space<hbm>>
    %dma_wait3A_63 = tpu.memref_squeeze %dma_wait3A_62 : memref<1x1x128xi32, #tpu.memory_space<hbm>> -> memref<128xi32, #tpu.memory_space<hbm>>
    tpu.wait_dma2 semaphore(%arg13 : memref<!tpu.dma_semaphore, #tpu.memory_space<semaphore_mem>>) src(%dma_wait3A_63 : memref<128xi32, #tpu.memory_space<hbm>>) dst(%arg7 : memref<128xi32, #tpu.memory_space<vmem>>)
    %dma_wait3A_64 = arith.constant 0 : i32
    %dma_wait3A_65 = arith.constant 0 : i32
    %dma_wait3A_66 = tpu.memref_slice %arg2[%add3A, %dma_wait3A_64, %dma_wait3A_65] : memref<32x80x128xi32, #tpu.memory_space<hbm>> -> memref<1x1x128xi32, #tpu.memory_space<hbm>>
    %dma_wait3A_67 = tpu.memref_squeeze %dma_wait3A_66 : memref<1x1x128xi32, #tpu.memory_space<hbm>> -> memref<128xi32, #tpu.memory_space<hbm>>
    %dma_wait3A_68 = arith.constant 0 : i32
    %dma_wait3A_69 = tpu.memref_slice %arg2[%add3A, %dma_wait3A_64, %dma_wait3A_68] : memref<32x80x128xi32, #tpu.memory_space<hbm>> -> memref<1x1x128xi32, #tpu.memory_space<hbm>>
    %dma_wait3A_70 = tpu.memref_squeeze %dma_wait3A_69 : memref<1x1x128xi32, #tpu.memory_space<hbm>> -> memref<128xi32, #tpu.memory_space<hbm>>
    tpu.wait_dma2 semaphore(%arg14 : memref<!tpu.dma_semaphore, #tpu.memory_space<semaphore_mem>>) src(%dma_wait3A_70 : memref<128xi32, #tpu.memory_space<hbm>>) dst(%arg8 : memref<128xi32, #tpu.memory_space<vmem>>)
    %dma_wait3A_71 = arith.constant 0 : i32
    %dma_wait3A_72 = arith.constant 0 : i32
    %dma_wait3A_73 = tpu.memref_slice %arg3[%add3A, %dma_wait3A_71, %dma_wait3A_72] : memref<32x80x128xi32, #tpu.memory_space<hbm>> -> memref<1x1x128xi32, #tpu.memory_space<hbm>>
    %dma_wait3A_74 = tpu.memref_squeeze %dma_wait3A_73 : memref<1x1x128xi32, #tpu.memory_space<hbm>> -> memref<128xi32, #tpu.memory_space<hbm>>
    %dma_wait3A_75 = arith.constant 0 : i32
    %dma_wait3A_76 = tpu.memref_slice %arg3[%add3A, %dma_wait3A_71, %dma_wait3A_75] : memref<32x80x128xi32, #tpu.memory_space<hbm>> -> memref<1x1x128xi32, #tpu.memory_space<hbm>>
    %dma_wait3A_77 = tpu.memref_squeeze %dma_wait3A_76 : memref<1x1x128xi32, #tpu.memory_space<hbm>> -> memref<128xi32, #tpu.memory_space<hbm>>
    tpu.wait_dma2 semaphore(%arg14 : memref<!tpu.dma_semaphore, #tpu.memory_space<semaphore_mem>>) src(%dma_wait3A_77 : memref<128xi32, #tpu.memory_space<hbm>>) dst(%arg9 : memref<128xi32, #tpu.memory_space<vmem>>)
    %barrier3A_78 = arith.constant 0 : index
    tpu.barrier barrier_id(%barrier3A_78)
    %mul3A_79 = arith.constant 640 : i32
    %mul3A_80 = arith.muli %arg1, %mul3A_79 : i32
    "tpu.region"() ({
      %run_scoped3A = tpu.sem_alloc : memref<!tpu.dma_semaphore, #tpu.memory_space<semaphore_mem>>
      %dma_start3A_81 = arith.constant 0 : i32
      %dma_start3A_82 = tpu.memref_slice %arg5[%arg0, %mul3A_80, %dma_start3A_81] : memref<2x10240x128xf32, #tpu.memory_space<hbm>> -> memref<1x640x128xf32, #tpu.memory_space<hbm>>
      %dma_start3A_83 = tpu.memref_squeeze %dma_start3A_82 : memref<1x640x128xf32, #tpu.memory_space<hbm>> -> memref<640x128xf32, #tpu.memory_space<hbm>>
      %dma_start3A_84 = arith.constant 0 : i32
      %dma_start3A_85 = tpu.memref_slice %arg12[%mul3A_80, %dma_start3A_84] : memref<10240x128xf32, #tpu.memory_space<vmem_shared>> -> memref<640x128xf32, #tpu.memory_space<vmem_shared>>
      tpu.enqueue_dma source(%dma_start3A_85 : memref<640x128xf32, #tpu.memory_space<vmem_shared>>) target(%dma_start3A_83 : memref<640x128xf32, #tpu.memory_space<hbm>>) target_semaphore(%run_scoped3A : memref<!tpu.dma_semaphore, #tpu.memory_space<semaphore_mem>>)
      %dma_wait3A_86 = arith.constant 0 : i32
      %dma_wait3A_87 = tpu.memref_slice %arg5[%arg0, %mul3A_80, %dma_wait3A_86] : memref<2x10240x128xf32, #tpu.memory_space<hbm>> -> memref<1x640x128xf32, #tpu.memory_space<hbm>>
      %dma_wait3A_88 = tpu.memref_squeeze %dma_wait3A_87 : memref<1x640x128xf32, #tpu.memory_space<hbm>> -> memref<640x128xf32, #tpu.memory_space<hbm>>
      %dma_wait3A_89 = arith.constant 0 : i32
      %dma_wait3A_90 = tpu.memref_slice %arg12[%mul3A_80, %dma_wait3A_89] : memref<10240x128xf32, #tpu.memory_space<vmem_shared>> -> memref<640x128xf32, #tpu.memory_space<vmem_shared>>
      tpu.wait_dma2 semaphore(%run_scoped3A : memref<!tpu.dma_semaphore, #tpu.memory_space<semaphore_mem>>) src(%dma_wait3A_90 : memref<640x128xf32, #tpu.memory_space<vmem_shared>>) dst(%dma_wait3A_88 : memref<640x128xf32, #tpu.memory_space<hbm>>)
      tpu.yield
    }) : () -> ()
    return
  }
}

#map = affine_map<(d0, d1) -> (0, 0, 0)>
#map1 = affine_map<(d0, d1) -> (0, 0)>
module attributes {stable_mosaic.version = 14 : i64} {
  func.func @_prop(%arg0: i32, %arg1: i32, %arg2: memref<32x80x128xi32, #tpu.memory_space<hbm>>, %arg3: memref<32x80x128xi32, #tpu.memory_space<hbm>>, %arg4: memref<10000x128xf32, #tpu.memory_space<hbm>>, %arg5: memref<2x10240x128xf32, #tpu.memory_space<hbm>>, %arg6: memref<128xi32, #tpu.memory_space<vmem>>, %arg7: memref<128xi32, #tpu.memory_space<vmem>>, %arg8: memref<128xi32, #tpu.memory_space<vmem>>, %arg9: memref<128xi32, #tpu.memory_space<vmem>>, %arg10: memref<128x128xf32, #tpu.memory_space<vmem>>, %arg11: memref<128x128xf32, #tpu.memory_space<vmem>>, %arg12: memref<10240x128xf32, #tpu.memory_space<vmem_shared>>, %arg13: memref<!tpu.dma_semaphore, #tpu.memory_space<semaphore_mem>>, %arg14: memref<!tpu.dma_semaphore, #tpu.memory_space<semaphore_mem>>, %arg15: memref<!tpu.dma_semaphore, #tpu.memory_space<semaphore_mem>>, %arg16: memref<!tpu.dma_semaphore, #tpu.memory_space<semaphore_mem>>) attributes {dimension_semantics = [#tpu.dimension_semantics<core_parallel>, #tpu.dimension_semantics<subcore_parallel>], iteration_bounds = array<i64: 2, 16>, scalar_prefetch = 0 : i64, scratch_operands = 11 : i64, tpu.core_type = #tpu.core_type<sc_vector_subcore>, window_params = [{transform_indices = #map}, {transform_indices = #map}, {transform_indices = #map1}, {transform_indices = #map}]} {
    %mul3A = arith.constant 2 : i32
    %mul3A_0 = arith.muli %arg1, %mul3A : i32
    %add3A = arith.addi %mul3A_0, %arg0 : i32
    %scan3A = arith.constant 0 : i32
    %scan3A_1 = arith.constant 0 : i32
    %scan3A_2 = arith.constant 1024 : i32
    %scan3A_3 = arith.addi %scan3A_1, %scan3A_2 : i32
    %scan3A_4 = arith.constant 1 : i32
    scf.for %scan3A_81 = %scan3A_1 to %scan3A_3 step %scan3A_4  : i32 {
      %jit3A = arith.constant 8 : i32
      %div3A = arith.divsi %scan3A_81, %jit3A : i32
      %sign3A = arith.constant 0 : i32
      %sign3A_82 = arith.cmpi sgt, %scan3A_81, %sign3A : i32
      %sign3A_83 = arith.extui %sign3A_82 : i1 to i32
      %sign3A_84 = arith.constant 0 : i32
      %sign3A_85 = arith.cmpi slt, %scan3A_81, %sign3A_84 : i32
      %sign3A_86 = arith.extui %sign3A_85 : i1 to i32
      %sign3A_87 = arith.subi %sign3A_83, %sign3A_86 : i32
      %sign3A_88 = arith.constant 0 : i32
      %sign3A_89 = arith.cmpi sgt, %jit3A, %sign3A_88 : i32
      %sign3A_90 = arith.extui %sign3A_89 : i1 to i32
      %sign3A_91 = arith.constant 0 : i32
      %sign3A_92 = arith.cmpi slt, %jit3A, %sign3A_91 : i32
      %sign3A_93 = arith.extui %sign3A_92 : i1 to i32
      %sign3A_94 = arith.subi %sign3A_90, %sign3A_93 : i32
      %ne3A = arith.cmpi ne, %sign3A_87, %sign3A_94 : i32
      %rem3A = arith.remsi %scan3A_81, %jit3A : i32
      %ne3A_95 = arith.constant 0 : i32
      %ne3A_96 = arith.cmpi ne, %rem3A, %ne3A_95 : i32
      %and3A = arith.andi %ne3A, %ne3A_96 : i1
      %sub3A = arith.constant 1 : i32
      %sub3A_97 = arith.subi %div3A, %sub3A : i32
      %select_n3A = arith.select %and3A, %sub3A_97, %div3A : i32
      %mul3A_98 = arith.constant 8 : i32
      %mul3A_99 = arith.muli %select_n3A, %mul3A_98 : i32
      %sub3A_100 = arith.subi %scan3A_81, %mul3A_99 : i32
      %broadcast_in_dim3A = arith.constant 0.000000e+00 : f32
      %broadcast_in_dim3A_101 = vector.broadcast %broadcast_in_dim3A : f32 to vector<16xf32>
      %mul3A_102 = arith.constant 16 : i32
      %mul3A_103 = arith.muli %sub3A_100, %mul3A_102 : i32
      %swap3A = arith.index_cast %select_n3A : i32 to index
      %swap3A_104 = arith.index_cast %mul3A_103 : i32 to index
      %swap3A_105 = tpu.vector_load %arg10[%swap3A, %swap3A_104] {strides = array<i32>} : memref<128x128xf32, #tpu.memory_space<vmem>>, vector<1x16xf32>,
      %swap3A_106 = vector.shape_cast %swap3A_105 : vector<1x16xf32> to vector<16xf32>
      %swap3A_107 = vector.shape_cast %broadcast_in_dim3A_101 : vector<16xf32> to vector<1x16xf32>
      tpu.vector_store %arg10[%swap3A, %swap3A_104], %swap3A_107 {strides = array<i32>} : memref<128x128xf32, #tpu.memory_space<vmem>>, vector<1x16xf32>,
    }
    %scan3A_5 = arith.constant 1024 : i32
    %mul3A_6 = arith.constant 640 : i32
    %mul3A_7 = arith.muli %arg1, %mul3A_6 : i32
    %add3A_8 = arith.constant 0 : i32
    %add3A_9 = arith.addi %mul3A_7, %add3A_8 : i32
    "tpu.region"() ({
      %run_scoped3A = tpu.sem_alloc : memref<!tpu.dma_semaphore, #tpu.memory_space<semaphore_mem>>
      %dma_start3A_81 = arith.constant 0 : i32
      %dma_start3A_82 = tpu.memref_slice %arg12[%add3A_9, %dma_start3A_81] : memref<10240x128xf32, #tpu.memory_space<vmem_shared>> -> memref<128x128xf32, #tpu.memory_space<vmem_shared>>
      %dma_start3A_83 = arith.constant 0 : i32
      %dma_start3A_84 = tpu.memref_slice %arg12[%add3A_9, %dma_start3A_83] : memref<10240x128xf32, #tpu.memory_space<vmem_shared>> -> memref<128x128xf32, #tpu.memory_space<vmem_shared>>
      tpu.enqueue_dma source(%arg10 : memref<128x128xf32, #tpu.memory_space<vmem>>) target(%dma_start3A_84 : memref<128x128xf32, #tpu.memory_space<vmem_shared>>) target_semaphore(%run_scoped3A : memref<!tpu.dma_semaphore, #tpu.memory_space<semaphore_mem>>)
      %dma_wait3A_85 = arith.constant 0 : i32
      %dma_wait3A_86 = tpu.memref_slice %arg12[%add3A_9, %dma_wait3A_85] : memref<10240x128xf32, #tpu.memory_space<vmem_shared>> -> memref<128x128xf32, #tpu.memory_space<vmem_shared>>
      %dma_wait3A_87 = arith.constant 0 : i32
      %dma_wait3A_88 = tpu.memref_slice %arg12[%add3A_9, %dma_wait3A_87] : memref<10240x128xf32, #tpu.memory_space<vmem_shared>> -> memref<128x128xf32, #tpu.memory_space<vmem_shared>>
      tpu.wait_dma2 semaphore(%run_scoped3A : memref<!tpu.dma_semaphore, #tpu.memory_space<semaphore_mem>>) src(%arg10 : memref<128x128xf32, #tpu.memory_space<vmem>>) dst(%dma_wait3A_88 : memref<128x128xf32, #tpu.memory_space<vmem_shared>>)
      tpu.yield
    }) : () -> ()
    %add3A_10 = arith.constant 128 : i32
    %add3A_11 = arith.addi %mul3A_7, %add3A_10 : i32
    "tpu.region"() ({
      %run_scoped3A = tpu.sem_alloc : memref<!tpu.dma_semaphore, #tpu.memory_space<semaphore_mem>>
      %dma_start3A_81 = arith.constant 0 : i32
      %dma_start3A_82 = tpu.memref_slice %arg12[%add3A_11, %dma_start3A_81] : memref<10240x128xf32, #tpu.memory_space<vmem_shared>> -> memref<128x128xf32, #tpu.memory_space<vmem_shared>>
      %dma_start3A_83 = arith.constant 0 : i32
      %dma_start3A_84 = tpu.memref_slice %arg12[%add3A_11, %dma_start3A_83] : memref<10240x128xf32, #tpu.memory_space<vmem_shared>> -> memref<128x128xf32, #tpu.memory_space<vmem_shared>>
      tpu.enqueue_dma source(%arg10 : memref<128x128xf32, #tpu.memory_space<vmem>>) target(%dma_start3A_84 : memref<128x128xf32, #tpu.memory_space<vmem_shared>>) target_semaphore(%run_scoped3A : memref<!tpu.dma_semaphore, #tpu.memory_space<semaphore_mem>>)
      %dma_wait3A_85 = arith.constant 0 : i32
      %dma_wait3A_86 = tpu.memref_slice %arg12[%add3A_11, %dma_wait3A_85] : memref<10240x128xf32, #tpu.memory_space<vmem_shared>> -> memref<128x128xf32, #tpu.memory_space<vmem_shared>>
      %dma_wait3A_87 = arith.constant 0 : i32
      %dma_wait3A_88 = tpu.memref_slice %arg12[%add3A_11, %dma_wait3A_87] : memref<10240x128xf32, #tpu.memory_space<vmem_shared>> -> memref<128x128xf32, #tpu.memory_space<vmem_shared>>
      tpu.wait_dma2 semaphore(%run_scoped3A : memref<!tpu.dma_semaphore, #tpu.memory_space<semaphore_mem>>) src(%arg10 : memref<128x128xf32, #tpu.memory_space<vmem>>) dst(%dma_wait3A_88 : memref<128x128xf32, #tpu.memory_space<vmem_shared>>)
      tpu.yield
    }) : () -> ()
    %add3A_12 = arith.constant 256 : i32
    %add3A_13 = arith.addi %mul3A_7, %add3A_12 : i32
    "tpu.region"() ({
      %run_scoped3A = tpu.sem_alloc : memref<!tpu.dma_semaphore, #tpu.memory_space<semaphore_mem>>
      %dma_start3A_81 = arith.constant 0 : i32
      %dma_start3A_82 = tpu.memref_slice %arg12[%add3A_13, %dma_start3A_81] : memref<10240x128xf32, #tpu.memory_space<vmem_shared>> -> memref<128x128xf32, #tpu.memory_space<vmem_shared>>
      %dma_start3A_83 = arith.constant 0 : i32
      %dma_start3A_84 = tpu.memref_slice %arg12[%add3A_13, %dma_start3A_83] : memref<10240x128xf32, #tpu.memory_space<vmem_shared>> -> memref<128x128xf32, #tpu.memory_space<vmem_shared>>
      tpu.enqueue_dma source(%arg10 : memref<128x128xf32, #tpu.memory_space<vmem>>) target(%dma_start3A_84 : memref<128x128xf32, #tpu.memory_space<vmem_shared>>) target_semaphore(%run_scoped3A : memref<!tpu.dma_semaphore, #tpu.memory_space<semaphore_mem>>)
      %dma_wait3A_85 = arith.constant 0 : i32
      %dma_wait3A_86 = tpu.memref_slice %arg12[%add3A_13, %dma_wait3A_85] : memref<10240x128xf32, #tpu.memory_space<vmem_shared>> -> memref<128x128xf32, #tpu.memory_space<vmem_shared>>
      %dma_wait3A_87 = arith.constant 0 : i32
      %dma_wait3A_88 = tpu.memref_slice %arg12[%add3A_13, %dma_wait3A_87] : memref<10240x128xf32, #tpu.memory_space<vmem_shared>> -> memref<128x128xf32, #tpu.memory_space<vmem_shared>>
      tpu.wait_dma2 semaphore(%run_scoped3A : memref<!tpu.dma_semaphore, #tpu.memory_space<semaphore_mem>>) src(%arg10 : memref<128x128xf32, #tpu.memory_space<vmem>>) dst(%dma_wait3A_88 : memref<128x128xf32, #tpu.memory_space<vmem_shared>>)
      tpu.yield
    }) : () -> ()
    %add3A_14 = arith.constant 384 : i32
    %add3A_15 = arith.addi %mul3A_7, %add3A_14 : i32
    "tpu.region"() ({
      %run_scoped3A = tpu.sem_alloc : memref<!tpu.dma_semaphore, #tpu.memory_space<semaphore_mem>>
      %dma_start3A_81 = arith.constant 0 : i32
      %dma_start3A_82 = tpu.memref_slice %arg12[%add3A_15, %dma_start3A_81] : memref<10240x128xf32, #tpu.memory_space<vmem_shared>> -> memref<128x128xf32, #tpu.memory_space<vmem_shared>>
      %dma_start3A_83 = arith.constant 0 : i32
      %dma_start3A_84 = tpu.memref_slice %arg12[%add3A_15, %dma_start3A_83] : memref<10240x128xf32, #tpu.memory_space<vmem_shared>> -> memref<128x128xf32, #tpu.memory_space<vmem_shared>>
      tpu.enqueue_dma source(%arg10 : memref<128x128xf32, #tpu.memory_space<vmem>>) target(%dma_start3A_84 : memref<128x128xf32, #tpu.memory_space<vmem_shared>>) target_semaphore(%run_scoped3A : memref<!tpu.dma_semaphore, #tpu.memory_space<semaphore_mem>>)
      %dma_wait3A_85 = arith.constant 0 : i32
      %dma_wait3A_86 = tpu.memref_slice %arg12[%add3A_15, %dma_wait3A_85] : memref<10240x128xf32, #tpu.memory_space<vmem_shared>> -> memref<128x128xf32, #tpu.memory_space<vmem_shared>>
      %dma_wait3A_87 = arith.constant 0 : i32
      %dma_wait3A_88 = tpu.memref_slice %arg12[%add3A_15, %dma_wait3A_87] : memref<10240x128xf32, #tpu.memory_space<vmem_shared>> -> memref<128x128xf32, #tpu.memory_space<vmem_shared>>
      tpu.wait_dma2 semaphore(%run_scoped3A : memref<!tpu.dma_semaphore, #tpu.memory_space<semaphore_mem>>) src(%arg10 : memref<128x128xf32, #tpu.memory_space<vmem>>) dst(%dma_wait3A_88 : memref<128x128xf32, #tpu.memory_space<vmem_shared>>)
      tpu.yield
    }) : () -> ()
    %add3A_16 = arith.constant 512 : i32
    %add3A_17 = arith.addi %mul3A_7, %add3A_16 : i32
    "tpu.region"() ({
      %run_scoped3A = tpu.sem_alloc : memref<!tpu.dma_semaphore, #tpu.memory_space<semaphore_mem>>
      %dma_start3A_81 = arith.constant 0 : i32
      %dma_start3A_82 = tpu.memref_slice %arg12[%add3A_17, %dma_start3A_81] : memref<10240x128xf32, #tpu.memory_space<vmem_shared>> -> memref<128x128xf32, #tpu.memory_space<vmem_shared>>
      %dma_start3A_83 = arith.constant 0 : i32
      %dma_start3A_84 = tpu.memref_slice %arg12[%add3A_17, %dma_start3A_83] : memref<10240x128xf32, #tpu.memory_space<vmem_shared>> -> memref<128x128xf32, #tpu.memory_space<vmem_shared>>
      tpu.enqueue_dma source(%arg10 : memref<128x128xf32, #tpu.memory_space<vmem>>) target(%dma_start3A_84 : memref<128x128xf32, #tpu.memory_space<vmem_shared>>) target_semaphore(%run_scoped3A : memref<!tpu.dma_semaphore, #tpu.memory_space<semaphore_mem>>)
      %dma_wait3A_85 = arith.constant 0 : i32
      %dma_wait3A_86 = tpu.memref_slice %arg12[%add3A_17, %dma_wait3A_85] : memref<10240x128xf32, #tpu.memory_space<vmem_shared>> -> memref<128x128xf32, #tpu.memory_space<vmem_shared>>
      %dma_wait3A_87 = arith.constant 0 : i32
      %dma_wait3A_88 = tpu.memref_slice %arg12[%add3A_17, %dma_wait3A_87] : memref<10240x128xf32, #tpu.memory_space<vmem_shared>> -> memref<128x128xf32, #tpu.memory_space<vmem_shared>>
      tpu.wait_dma2 semaphore(%run_scoped3A : memref<!tpu.dma_semaphore, #tpu.memory_space<semaphore_mem>>) src(%arg10 : memref<128x128xf32, #tpu.memory_space<vmem>>) dst(%dma_wait3A_88 : memref<128x128xf32, #tpu.memory_space<vmem_shared>>)
      tpu.yield
    }) : () -> ()
    %barrier3A = arith.constant 0 : index
    tpu.barrier barrier_id(%barrier3A)
    %dma_start3A = arith.constant 0 : i32
    %dma_start3A_18 = arith.constant 0 : i32
    %dma_start3A_19 = tpu.memref_slice %arg2[%add3A, %dma_start3A, %dma_start3A_18] : memref<32x80x128xi32, #tpu.memory_space<hbm>> -> memref<1x1x128xi32, #tpu.memory_space<hbm>>
    %dma_start3A_20 = tpu.memref_squeeze %dma_start3A_19 : memref<1x1x128xi32, #tpu.memory_space<hbm>> -> memref<128xi32, #tpu.memory_space<hbm>>
    %dma_start3A_21 = arith.constant 0 : i32
    %dma_start3A_22 = tpu.memref_slice %arg2[%add3A, %dma_start3A, %dma_start3A_21] : memref<32x80x128xi32, #tpu.memory_space<hbm>> -> memref<1x1x128xi32, #tpu.memory_space<hbm>>
    %dma_start3A_23 = tpu.memref_squeeze %dma_start3A_22 : memref<1x1x128xi32, #tpu.memory_space<hbm>> -> memref<128xi32, #tpu.memory_space<hbm>>
    tpu.enqueue_dma source(%dma_start3A_23 : memref<128xi32, #tpu.memory_space<hbm>>) target(%arg6 : memref<128xi32, #tpu.memory_space<vmem>>) target_semaphore(%arg13 : memref<!tpu.dma_semaphore, #tpu.memory_space<semaphore_mem>>)
    %dma_start3A_24 = arith.constant 0 : i32
    %dma_start3A_25 = arith.constant 0 : i32
    %dma_start3A_26 = tpu.memref_slice %arg3[%add3A, %dma_start3A_24, %dma_start3A_25] : memref<32x80x128xi32, #tpu.memory_space<hbm>> -> memref<1x1x128xi32, #tpu.memory_space<hbm>>
    %dma_start3A_27 = tpu.memref_squeeze %dma_start3A_26 : memref<1x1x128xi32, #tpu.memory_space<hbm>> -> memref<128xi32, #tpu.memory_space<hbm>>
    %dma_start3A_28 = arith.constant 0 : i32
    %dma_start3A_29 = tpu.memref_slice %arg3[%add3A, %dma_start3A_24, %dma_start3A_28] : memref<32x80x128xi32, #tpu.memory_space<hbm>> -> memref<1x1x128xi32, #tpu.memory_space<hbm>>
    %dma_start3A_30 = tpu.memref_squeeze %dma_start3A_29 : memref<1x1x128xi32, #tpu.memory_space<hbm>> -> memref<128xi32, #tpu.memory_space<hbm>>
    tpu.enqueue_dma source(%dma_start3A_30 : memref<128xi32, #tpu.memory_space<hbm>>) target(%arg7 : memref<128xi32, #tpu.memory_space<vmem>>) target_semaphore(%arg13 : memref<!tpu.dma_semaphore, #tpu.memory_space<semaphore_mem>>)
    %dma_start3A_31 = arith.constant 1 : i32
    %dma_start3A_32 = arith.constant 0 : i32
    %dma_start3A_33 = tpu.memref_slice %arg2[%add3A, %dma_start3A_31, %dma_start3A_32] : memref<32x80x128xi32, #tpu.memory_space<hbm>> -> memref<1x1x128xi32, #tpu.memory_space<hbm>>
    %dma_start3A_34 = tpu.memref_squeeze %dma_start3A_33 : memref<1x1x128xi32, #tpu.memory_space<hbm>> -> memref<128xi32, #tpu.memory_space<hbm>>
    %dma_start3A_35 = arith.constant 0 : i32
    %dma_start3A_36 = tpu.memref_slice %arg2[%add3A, %dma_start3A_31, %dma_start3A_35] : memref<32x80x128xi32, #tpu.memory_space<hbm>> -> memref<1x1x128xi32, #tpu.memory_space<hbm>>
    %dma_start3A_37 = tpu.memref_squeeze %dma_start3A_36 : memref<1x1x128xi32, #tpu.memory_space<hbm>> -> memref<128xi32, #tpu.memory_space<hbm>>
    tpu.enqueue_dma source(%dma_start3A_37 : memref<128xi32, #tpu.memory_space<hbm>>) target(%arg8 : memref<128xi32, #tpu.memory_space<vmem>>) target_semaphore(%arg14 : memref<!tpu.dma_semaphore, #tpu.memory_space<semaphore_mem>>)
    %dma_start3A_38 = arith.constant 1 : i32
    %dma_start3A_39 = arith.constant 0 : i32
    %dma_start3A_40 = tpu.memref_slice %arg3[%add3A, %dma_start3A_38, %dma_start3A_39] : memref<32x80x128xi32, #tpu.memory_space<hbm>> -> memref<1x1x128xi32, #tpu.memory_space<hbm>>
    %dma_start3A_41 = tpu.memref_squeeze %dma_start3A_40 : memref<1x1x128xi32, #tpu.memory_space<hbm>> -> memref<128xi32, #tpu.memory_space<hbm>>
    %dma_start3A_42 = arith.constant 0 : i32
    %dma_start3A_43 = tpu.memref_slice %arg3[%add3A, %dma_start3A_38, %dma_start3A_42] : memref<32x80x128xi32, #tpu.memory_space<hbm>> -> memref<1x1x128xi32, #tpu.memory_space<hbm>>
    %dma_start3A_44 = tpu.memref_squeeze %dma_start3A_43 : memref<1x1x128xi32, #tpu.memory_space<hbm>> -> memref<128xi32, #tpu.memory_space<hbm>>
    tpu.enqueue_dma source(%dma_start3A_44 : memref<128xi32, #tpu.memory_space<hbm>>) target(%arg9 : memref<128xi32, #tpu.memory_space<vmem>>) target_semaphore(%arg14 : memref<!tpu.dma_semaphore, #tpu.memory_space<semaphore_mem>>)
    %scan3A_45 = arith.constant 0 : i32
    %scan3A_46 = arith.constant 0 : i32
    %scan3A_47 = arith.constant 40 : i32
    %scan3A_48 = arith.addi %scan3A_46, %scan3A_47 : i32
    %scan3A_49 = arith.constant 1 : i32
    scf.for %scan3A_81 = %scan3A_46 to %scan3A_48 step %scan3A_49  : i32 {
      %mul3A_82 = arith.constant 2 : i32
      %mul3A_83 = arith.muli %scan3A_81, %mul3A_82 : i32
      %add3A_84 = arith.constant 1 : i32
      %add3A_85 = arith.addi %mul3A_83, %add3A_84 : i32
      %add3A_86 = arith.constant 2 : i32
      %add3A_87 = arith.addi %mul3A_83, %add3A_86 : i32
      %min3A = arith.constant 78 : i32
      %min3A_88 = arith.minsi %add3A_87, %min3A : i32
      %add3A_89 = arith.constant 2 : i32
      %add3A_90 = arith.addi %add3A_85, %add3A_89 : i32
      %min3A_91 = arith.constant 79 : i32
      %min3A_92 = arith.minsi %add3A_90, %min3A_91 : i32
      %dma_wait3A_93 = arith.constant 0 : i32
      %dma_wait3A_94 = tpu.memref_slice %arg2[%add3A, %mul3A_83, %dma_wait3A_93] : memref<32x80x128xi32, #tpu.memory_space<hbm>> -> memref<1x1x128xi32, #tpu.memory_space<hbm>>
      %dma_wait3A_95 = tpu.memref_squeeze %dma_wait3A_94 : memref<1x1x128xi32, #tpu.memory_space<hbm>> -> memref<128xi32, #tpu.memory_space<hbm>>
      %dma_wait3A_96 = arith.constant 0 : i32
      %dma_wait3A_97 = tpu.memref_slice %arg2[%add3A, %mul3A_83, %dma_wait3A_96] : memref<32x80x128xi32, #tpu.memory_space<hbm>> -> memref<1x1x128xi32, #tpu.memory_space<hbm>>
      %dma_wait3A_98 = tpu.memref_squeeze %dma_wait3A_97 : memref<1x1x128xi32, #tpu.memory_space<hbm>> -> memref<128xi32, #tpu.memory_space<hbm>>
      tpu.wait_dma2 semaphore(%arg13 : memref<!tpu.dma_semaphore, #tpu.memory_space<semaphore_mem>>) src(%dma_wait3A_98 : memref<128xi32, #tpu.memory_space<hbm>>) dst(%arg6 : memref<128xi32, #tpu.memory_space<vmem>>)
      %dma_wait3A_99 = arith.constant 0 : i32
      %dma_wait3A_100 = tpu.memref_slice %arg3[%add3A, %mul3A_83, %dma_wait3A_99] : memref<32x80x128xi32, #tpu.memory_space<hbm>> -> memref<1x1x128xi32, #tpu.memory_space<hbm>>
      %dma_wait3A_101 = tpu.memref_squeeze %dma_wait3A_100 : memref<1x1x128xi32, #tpu.memory_space<hbm>> -> memref<128xi32, #tpu.memory_space<hbm>>
      %dma_wait3A_102 = arith.constant 0 : i32
      %dma_wait3A_103 = tpu.memref_slice %arg3[%add3A, %mul3A_83, %dma_wait3A_102] : memref<32x80x128xi32, #tpu.memory_space<hbm>> -> memref<1x1x128xi32, #tpu.memory_space<hbm>>
      %dma_wait3A_104 = tpu.memref_squeeze %dma_wait3A_103 : memref<1x1x128xi32, #tpu.memory_space<hbm>> -> memref<128xi32, #tpu.memory_space<hbm>>
      tpu.wait_dma2 semaphore(%arg13 : memref<!tpu.dma_semaphore, #tpu.memory_space<semaphore_mem>>) src(%dma_wait3A_104 : memref<128xi32, #tpu.memory_space<hbm>>) dst(%arg7 : memref<128xi32, #tpu.memory_space<vmem>>)
      %dma_start3A_105 = arith.constant 0 : i32
      %dma_start3A_106 = arith.constant 0 : i32
      %dma_start3A_107 = tpu.memref_slice %arg4[%dma_start3A_105, %dma_start3A_106] : memref<10000x128xf32, #tpu.memory_space<hbm>> -> memref<10000x128xf32, #tpu.memory_space<hbm>>
      tpu.enqueue_indirect_dma source(%dma_start3A_107 : memref<10000x128xf32, #tpu.memory_space<hbm>>) target(%arg10 : memref<128x128xf32, #tpu.memory_space<vmem>>) offsets(%arg6 : memref<128xi32, #tpu.memory_space<vmem>>) semaphore(%arg15 : memref<!tpu.dma_semaphore, #tpu.memory_space<semaphore_mem>>)
      %dma_wait3A_108 = arith.constant 0 : i32
      %dma_wait3A_109 = tpu.memref_slice %arg2[%add3A, %add3A_85, %dma_wait3A_108] : memref<32x80x128xi32, #tpu.memory_space<hbm>> -> memref<1x1x128xi32, #tpu.memory_space<hbm>>
      %dma_wait3A_110 = tpu.memref_squeeze %dma_wait3A_109 : memref<1x1x128xi32, #tpu.memory_space<hbm>> -> memref<128xi32, #tpu.memory_space<hbm>>
      %dma_wait3A_111 = arith.constant 0 : i32
      %dma_wait3A_112 = tpu.memref_slice %arg2[%add3A, %add3A_85, %dma_wait3A_111] : memref<32x80x128xi32, #tpu.memory_space<hbm>> -> memref<1x1x128xi32, #tpu.memory_space<hbm>>
      %dma_wait3A_113 = tpu.memref_squeeze %dma_wait3A_112 : memref<1x1x128xi32, #tpu.memory_space<hbm>> -> memref<128xi32, #tpu.memory_space<hbm>>
      tpu.wait_dma2 semaphore(%arg14 : memref<!tpu.dma_semaphore, #tpu.memory_space<semaphore_mem>>) src(%dma_wait3A_113 : memref<128xi32, #tpu.memory_space<hbm>>) dst(%arg8 : memref<128xi32, #tpu.memory_space<vmem>>)
      %dma_wait3A_114 = arith.constant 0 : i32
      %dma_wait3A_115 = tpu.memref_slice %arg3[%add3A, %add3A_85, %dma_wait3A_114] : memref<32x80x128xi32, #tpu.memory_space<hbm>> -> memref<1x1x128xi32, #tpu.memory_space<hbm>>
      %dma_wait3A_116 = tpu.memref_squeeze %dma_wait3A_115 : memref<1x1x128xi32, #tpu.memory_space<hbm>> -> memref<128xi32, #tpu.memory_space<hbm>>
      %dma_wait3A_117 = arith.constant 0 : i32
      %dma_wait3A_118 = tpu.memref_slice %arg3[%add3A, %add3A_85, %dma_wait3A_117] : memref<32x80x128xi32, #tpu.memory_space<hbm>> -> memref<1x1x128xi32, #tpu.memory_space<hbm>>
      %dma_wait3A_119 = tpu.memref_squeeze %dma_wait3A_118 : memref<1x1x128xi32, #tpu.memory_space<hbm>> -> memref<128xi32, #tpu.memory_space<hbm>>
      tpu.wait_dma2 semaphore(%arg14 : memref<!tpu.dma_semaphore, #tpu.memory_space<semaphore_mem>>) src(%dma_wait3A_119 : memref<128xi32, #tpu.memory_space<hbm>>) dst(%arg9 : memref<128xi32, #tpu.memory_space<vmem>>)
      %dma_start3A_120 = arith.constant 0 : i32
      %dma_start3A_121 = arith.constant 0 : i32
      %dma_start3A_122 = tpu.memref_slice %arg4[%dma_start3A_120, %dma_start3A_121] : memref<10000x128xf32, #tpu.memory_space<hbm>> -> memref<10000x128xf32, #tpu.memory_space<hbm>>
      tpu.enqueue_indirect_dma source(%dma_start3A_122 : memref<10000x128xf32, #tpu.memory_space<hbm>>) target(%arg11 : memref<128x128xf32, #tpu.memory_space<vmem>>) offsets(%arg8 : memref<128xi32, #tpu.memory_space<vmem>>) semaphore(%arg16 : memref<!tpu.dma_semaphore, #tpu.memory_space<semaphore_mem>>)
      %dma_wait3A_123 = arith.constant 0 : i32
      %dma_wait3A_124 = arith.constant 0 : i32
      %dma_wait3A_125 = tpu.memref_slice %arg4[%dma_wait3A_123, %dma_wait3A_124] : memref<10000x128xf32, #tpu.memory_space<hbm>> -> memref<10000x128xf32, #tpu.memory_space<hbm>>
      tpu.wait_indirect_dma semaphore(%arg15 : memref<!tpu.dma_semaphore, #tpu.memory_space<semaphore_mem>>) src(%dma_wait3A_125 : memref<10000x128xf32, #tpu.memory_space<hbm>>) dst(%arg10 : memref<128x128xf32, #tpu.memory_space<vmem>>)
      "tpu.region"() ({
        %run_scoped3A = tpu.sem_alloc : memref<!tpu.dma_semaphore, #tpu.memory_space<semaphore_mem>>
        %dma_start3A_153 = arith.constant 0 : i32
        %dma_start3A_154 = arith.constant 0 : i32
        %dma_start3A_155 = tpu.memref_slice %arg12[%dma_start3A_153, %dma_start3A_154] : memref<10240x128xf32, #tpu.memory_space<vmem_shared>> -> memref<10240x128xf32, #tpu.memory_space<vmem_shared>>
        tpu.enqueue_indirect_dma source(%arg10 : memref<128x128xf32, #tpu.memory_space<vmem>>) target(%dma_start3A_155 : memref<10240x128xf32, #tpu.memory_space<vmem_shared>>) offsets(%arg7 : memref<128xi32, #tpu.memory_space<vmem>>) semaphore(%run_scoped3A : memref<!tpu.dma_semaphore, #tpu.memory_space<semaphore_mem>>) {add = true}
        %dma_wait3A_156 = arith.constant 0 : i32
        %dma_wait3A_157 = arith.constant 0 : i32
        %dma_wait3A_158 = tpu.memref_slice %arg12[%dma_wait3A_156, %dma_wait3A_157] : memref<10240x128xf32, #tpu.memory_space<vmem_shared>> -> memref<10240x128xf32, #tpu.memory_space<vmem_shared>>
        tpu.wait_indirect_dma semaphore(%run_scoped3A : memref<!tpu.dma_semaphore, #tpu.memory_space<semaphore_mem>>) src(%arg10 : memref<128x128xf32, #tpu.memory_space<vmem>>) dst(%dma_wait3A_158 : memref<10240x128xf32, #tpu.memory_space<vmem_shared>>)
        tpu.yield
      }) : () -> ()
      %dma_start3A_126 = arith.constant 0 : i32
      %dma_start3A_127 = tpu.memref_slice %arg2[%add3A, %min3A_88, %dma_start3A_126] : memref<32x80x128xi32, #tpu.memory_space<hbm>> -> memref<1x1x128xi32, #tpu.memory_space<hbm>>
      %dma_start3A_128 = tpu.memref_squeeze %dma_start3A_127 : memref<1x1x128xi32, #tpu.memory_space<hbm>> -> memref<128xi32, #tpu.memory_space<hbm>>
      %dma_start3A_129 = arith.constant 0 : i32
      %dma_start3A_130 = tpu.memref_slice %arg2[%add3A, %min3A_88, %dma_start3A_129] : memref<32x80x128xi32, #tpu.memory_space<hbm>> -> memref<1x1x128xi32, #tpu.memory_space<hbm>>
      %dma_start3A_131 = tpu.memref_squeeze %dma_start3A_130 : memref<1x1x128xi32, #tpu.memory_space<hbm>> -> memref<128xi32, #tpu.memory_space<hbm>>
      tpu.enqueue_dma source(%dma_start3A_131 : memref<128xi32, #tpu.memory_space<hbm>>) target(%arg6 : memref<128xi32, #tpu.memory_space<vmem>>) target_semaphore(%arg13 : memref<!tpu.dma_semaphore, #tpu.memory_space<semaphore_mem>>)
      %dma_start3A_132 = arith.constant 0 : i32
      %dma_start3A_133 = tpu.memref_slice %arg3[%add3A, %min3A_88, %dma_start3A_132] : memref<32x80x128xi32, #tpu.memory_space<hbm>> -> memref<1x1x128xi32, #tpu.memory_space<hbm>>
      %dma_start3A_134 = tpu.memref_squeeze %dma_start3A_133 : memref<1x1x128xi32, #tpu.memory_space<hbm>> -> memref<128xi32, #tpu.memory_space<hbm>>
      %dma_start3A_135 = arith.constant 0 : i32
      %dma_start3A_136 = tpu.memref_slice %arg3[%add3A, %min3A_88, %dma_start3A_135] : memref<32x80x128xi32, #tpu.memory_space<hbm>> -> memref<1x1x128xi32, #tpu.memory_space<hbm>>
      %dma_start3A_137 = tpu.memref_squeeze %dma_start3A_136 : memref<1x1x128xi32, #tpu.memory_space<hbm>> -> memref<128xi32, #tpu.memory_space<hbm>>
      tpu.enqueue_dma source(%dma_start3A_137 : memref<128xi32, #tpu.memory_space<hbm>>) target(%arg7 : memref<128xi32, #tpu.memory_space<vmem>>) target_semaphore(%arg13 : memref<!tpu.dma_semaphore, #tpu.memory_space<semaphore_mem>>)
      %dma_wait3A_138 = arith.constant 0 : i32
      %dma_wait3A_139 = arith.constant 0 : i32
      %dma_wait3A_140 = tpu.memref_slice %arg4[%dma_wait3A_138, %dma_wait3A_139] : memref<10000x128xf32, #tpu.memory_space<hbm>> -> memref<10000x128xf32, #tpu.memory_space<hbm>>
      tpu.wait_indirect_dma semaphore(%arg16 : memref<!tpu.dma_semaphore, #tpu.memory_space<semaphore_mem>>) src(%dma_wait3A_140 : memref<10000x128xf32, #tpu.memory_space<hbm>>) dst(%arg11 : memref<128x128xf32, #tpu.memory_space<vmem>>)
      "tpu.region"() ({
        %run_scoped3A = tpu.sem_alloc : memref<!tpu.dma_semaphore, #tpu.memory_space<semaphore_mem>>
        %dma_start3A_153 = arith.constant 0 : i32
        %dma_start3A_154 = arith.constant 0 : i32
        %dma_start3A_155 = tpu.memref_slice %arg12[%dma_start3A_153, %dma_start3A_154] : memref<10240x128xf32, #tpu.memory_space<vmem_shared>> -> memref<10240x128xf32, #tpu.memory_space<vmem_shared>>
        tpu.enqueue_indirect_dma source(%arg11 : memref<128x128xf32, #tpu.memory_space<vmem>>) target(%dma_start3A_155 : memref<10240x128xf32, #tpu.memory_space<vmem_shared>>) offsets(%arg9 : memref<128xi32, #tpu.memory_space<vmem>>) semaphore(%run_scoped3A : memref<!tpu.dma_semaphore, #tpu.memory_space<semaphore_mem>>) {add = true}
        %dma_wait3A_156 = arith.constant 0 : i32
        %dma_wait3A_157 = arith.constant 0 : i32
        %dma_wait3A_158 = tpu.memref_slice %arg12[%dma_wait3A_156, %dma_wait3A_157] : memref<10240x128xf32, #tpu.memory_space<vmem_shared>> -> memref<10240x128xf32, #tpu.memory_space<vmem_shared>>
        tpu.wait_indirect_dma semaphore(%run_scoped3A : memref<!tpu.dma_semaphore, #tpu.memory_space<semaphore_mem>>) src(%arg11 : memref<128x128xf32, #tpu.memory_space<vmem>>) dst(%dma_wait3A_158 : memref<10240x128xf32, #tpu.memory_space<vmem_shared>>)
        tpu.yield
      }) : () -> ()
      %dma_start3A_141 = arith.constant 0 : i32
      %dma_start3A_142 = tpu.memref_slice %arg2[%add3A, %min3A_92, %dma_start3A_141] : memref<32x80x128xi32, #tpu.memory_space<hbm>> -> memref<1x1x128xi32, #tpu.memory_space<hbm>>
      %dma_start3A_143 = tpu.memref_squeeze %dma_start3A_142 : memref<1x1x128xi32, #tpu.memory_space<hbm>> -> memref<128xi32, #tpu.memory_space<hbm>>
      %dma_start3A_144 = arith.constant 0 : i32
      %dma_start3A_145 = tpu.memref_slice %arg2[%add3A, %min3A_92, %dma_start3A_144] : memref<32x80x128xi32, #tpu.memory_space<hbm>> -> memref<1x1x128xi32, #tpu.memory_space<hbm>>
      %dma_start3A_146 = tpu.memref_squeeze %dma_start3A_145 : memref<1x1x128xi32, #tpu.memory_space<hbm>> -> memref<128xi32, #tpu.memory_space<hbm>>
      tpu.enqueue_dma source(%dma_start3A_146 : memref<128xi32, #tpu.memory_space<hbm>>) target(%arg8 : memref<128xi32, #tpu.memory_space<vmem>>) target_semaphore(%arg14 : memref<!tpu.dma_semaphore, #tpu.memory_space<semaphore_mem>>)
      %dma_start3A_147 = arith.constant 0 : i32
      %dma_start3A_148 = tpu.memref_slice %arg3[%add3A, %min3A_92, %dma_start3A_147] : memref<32x80x128xi32, #tpu.memory_space<hbm>> -> memref<1x1x128xi32, #tpu.memory_space<hbm>>
      %dma_start3A_149 = tpu.memref_squeeze %dma_start3A_148 : memref<1x1x128xi32, #tpu.memory_space<hbm>> -> memref<128xi32, #tpu.memory_space<hbm>>
      %dma_start3A_150 = arith.constant 0 : i32
      %dma_start3A_151 = tpu.memref_slice %arg3[%add3A, %min3A_92, %dma_start3A_150] : memref<32x80x128xi32, #tpu.memory_space<hbm>> -> memref<1x1x128xi32, #tpu.memory_space<hbm>>
      %dma_start3A_152 = tpu.memref_squeeze %dma_start3A_151 : memref<1x1x128xi32, #tpu.memory_space<hbm>> -> memref<128xi32, #tpu.memory_space<hbm>>
      tpu.enqueue_dma source(%dma_start3A_152 : memref<128xi32, #tpu.memory_space<hbm>>) target(%arg9 : memref<128xi32, #tpu.memory_space<vmem>>) target_semaphore(%arg14 : memref<!tpu.dma_semaphore, #tpu.memory_space<semaphore_mem>>)
    }
    %scan3A_50 = arith.constant 40 : i32
    %dma_wait3A = arith.constant 0 : i32
    %dma_wait3A_51 = arith.constant 0 : i32
    %dma_wait3A_52 = tpu.memref_slice %arg2[%add3A, %dma_wait3A, %dma_wait3A_51] : memref<32x80x128xi32, #tpu.memory_space<hbm>> -> memref<1x1x128xi32, #tpu.memory_space<hbm>>
    %dma_wait3A_53 = tpu.memref_squeeze %dma_wait3A_52 : memref<1x1x128xi32, #tpu.memory_space<hbm>> -> memref<128xi32, #tpu.memory_space<hbm>>
    %dma_wait3A_54 = arith.constant 0 : i32
    %dma_wait3A_55 = tpu.memref_slice %arg2[%add3A, %dma_wait3A, %dma_wait3A_54] : memref<32x80x128xi32, #tpu.memory_space<hbm>> -> memref<1x1x128xi32, #tpu.memory_space<hbm>>
    %dma_wait3A_56 = tpu.memref_squeeze %dma_wait3A_55 : memref<1x1x128xi32, #tpu.memory_space<hbm>> -> memref<128xi32, #tpu.memory_space<hbm>>
    tpu.wait_dma2 semaphore(%arg13 : memref<!tpu.dma_semaphore, #tpu.memory_space<semaphore_mem>>) src(%dma_wait3A_56 : memref<128xi32, #tpu.memory_space<hbm>>) dst(%arg6 : memref<128xi32, #tpu.memory_space<vmem>>)
    %dma_wait3A_57 = arith.constant 0 : i32
    %dma_wait3A_58 = arith.constant 0 : i32
    %dma_wait3A_59 = tpu.memref_slice %arg3[%add3A, %dma_wait3A_57, %dma_wait3A_58] : memref<32x80x128xi32, #tpu.memory_space<hbm>> -> memref<1x1x128xi32, #tpu.memory_space<hbm>>
    %dma_wait3A_60 = tpu.memref_squeeze %dma_wait3A_59 : memref<1x1x128xi32, #tpu.memory_space<hbm>> -> memref<128xi32, #tpu.memory_space<hbm>>
    %dma_wait3A_61 = arith.constant 0 : i32
    %dma_wait3A_62 = tpu.memref_slice %arg3[%add3A, %dma_wait3A_57, %dma_wait3A_61] : memref<32x80x128xi32, #tpu.memory_space<hbm>> -> memref<1x1x128xi32, #tpu.memory_space<hbm>>
    %dma_wait3A_63 = tpu.memref_squeeze %dma_wait3A_62 : memref<1x1x128xi32, #tpu.memory_space<hbm>> -> memref<128xi32, #tpu.memory_space<hbm>>
    tpu.wait_dma2 semaphore(%arg13 : memref<!tpu.dma_semaphore, #tpu.memory_space<semaphore_mem>>) src(%dma_wait3A_63 : memref<128xi32, #tpu.memory_space<hbm>>) dst(%arg7 : memref<128xi32, #tpu.memory_space<vmem>>)
    %dma_wait3A_64 = arith.constant 0 : i32
    %dma_wait3A_65 = arith.constant 0 : i32
    %dma_wait3A_66 = tpu.memref_slice %arg2[%add3A, %dma_wait3A_64, %dma_wait3A_65] : memref<32x80x128xi32, #tpu.memory_space<hbm>> -> memref<1x1x128xi32, #tpu.memory_space<hbm>>
    %dma_wait3A_67 = tpu.memref_squeeze %dma_wait3A_66 : memref<1x1x128xi32, #tpu.memory_space<hbm>> -> memref<128xi32, #tpu.memory_space<hbm>>
    %dma_wait3A_68 = arith.constant 0 : i32
    %dma_wait3A_69 = tpu.memref_slice %arg2[%add3A, %dma_wait3A_64, %dma_wait3A_68] : memref<32x80x128xi32, #tpu.memory_space<hbm>> -> memref<1x1x128xi32, #tpu.memory_space<hbm>>
    %dma_wait3A_70 = tpu.memref_squeeze %dma_wait3A_69 : memref<1x1x128xi32, #tpu.memory_space<hbm>> -> memref<128xi32, #tpu.memory_space<hbm>>
    tpu.wait_dma2 semaphore(%arg14 : memref<!tpu.dma_semaphore, #tpu.memory_space<semaphore_mem>>) src(%dma_wait3A_70 : memref<128xi32, #tpu.memory_space<hbm>>) dst(%arg8 : memref<128xi32, #tpu.memory_space<vmem>>)
    %dma_wait3A_71 = arith.constant 0 : i32
    %dma_wait3A_72 = arith.constant 0 : i32
    %dma_wait3A_73 = tpu.memref_slice %arg3[%add3A, %dma_wait3A_71, %dma_wait3A_72] : memref<32x80x128xi32, #tpu.memory_space<hbm>> -> memref<1x1x128xi32, #tpu.memory_space<hbm>>
    %dma_wait3A_74 = tpu.memref_squeeze %dma_wait3A_73 : memref<1x1x128xi32, #tpu.memory_space<hbm>> -> memref<128xi32, #tpu.memory_space<hbm>>
    %dma_wait3A_75 = arith.constant 0 : i32
    %dma_wait3A_76 = tpu.memref_slice %arg3[%add3A, %dma_wait3A_71, %dma_wait3A_75] : memref<32x80x128xi32, #tpu.memory_space<hbm>> -> memref<1x1x128xi32, #tpu.memory_space<hbm>>
    %dma_wait3A_77 = tpu.memref_squeeze %dma_wait3A_76 : memref<1x1x128xi32, #tpu.memory_space<hbm>> -> memref<128xi32, #tpu.memory_space<hbm>>
    tpu.wait_dma2 semaphore(%arg14 : memref<!tpu.dma_semaphore, #tpu.memory_space<semaphore_mem>>) src(%dma_wait3A_77 : memref<128xi32, #tpu.memory_space<hbm>>) dst(%arg9 : memref<128xi32, #tpu.memory_space<vmem>>)
    %barrier3A_78 = arith.constant 0 : index
    tpu.barrier barrier_id(%barrier3A_78)
    %mul3A_79 = arith.constant 640 : i32
    %mul3A_80 = arith.muli %arg1, %mul3A_79 : i32
    "tpu.region"() ({
      %run_scoped3A = tpu.sem_alloc : memref<!tpu.dma_semaphore, #tpu.memory_space<semaphore_mem>>
      %dma_start3A_81 = arith.constant 0 : i32
      %dma_start3A_82 = tpu.memref_slice %arg5[%arg0, %mul3A_80, %dma_start3A_81] : memref<2x10240x128xf32, #tpu.memory_space<hbm>> -> memref<1x640x128xf32, #tpu.memory_space<hbm>>
      %dma_start3A_83 = tpu.memref_squeeze %dma_start3A_82 : memref<1x640x128xf32, #tpu.memory_space<hbm>> -> memref<640x128xf32, #tpu.memory_space<hbm>>
      %dma_start3A_84 = arith.constant 0 : i32
      %dma_start3A_85 = tpu.memref_slice %arg12[%mul3A_80, %dma_start3A_84] : memref<10240x128xf32, #tpu.memory_space<vmem_shared>> -> memref<640x128xf32, #tpu.memory_space<vmem_shared>>
      tpu.enqueue_dma source(%dma_start3A_85 : memref<640x128xf32, #tpu.memory_space<vmem_shared>>) target(%dma_start3A_83 : memref<640x128xf32, #tpu.memory_space<hbm>>) target_semaphore(%run_scoped3A : memref<!tpu.dma_semaphore, #tpu.memory_space<semaphore_mem>>)
      %dma_wait3A_86 = arith.constant 0 : i32
      %dma_wait3A_87 = tpu.memref_slice %arg5[%arg0, %mul3A_80, %dma_wait3A_86] : memref<2x10240x128xf32, #tpu.memory_space<hbm>> -> memref<1x640x128xf32, #tpu.memory_space<hbm>>
      %dma_wait3A_88 = tpu.memref_squeeze %dma_wait3A_87 : memref<1x640x128xf32, #tpu.memory_space<hbm>> -> memref<640x128xf32, #tpu.memory_space<hbm>>
      %dma_wait3A_89 = arith.constant 0 : i32
      %dma_wait3A_90 = tpu.memref_slice %arg12[%mul3A_80, %dma_wait3A_89] : memref<10240x128xf32, #tpu.memory_space<vmem_shared>> -> memref<640x128xf32, #tpu.memory_space<vmem_shared>>
      tpu.wait_dma2 semaphore(%run_scoped3A : memref<!tpu.dma_semaphore, #tpu.memory_space<semaphore_mem>>) src(%dma_wait3A_90 : memref<640x128xf32, #tpu.memory_space<vmem_shared>>) dst(%dma_wait3A_88 : memref<640x128xf32, #tpu.memory_space<hbm>>)
      tpu.yield
    }) : () -> ()
    return
  }
}

module attributes {stable_mosaic.version = 14 : i64} {
  func.func @_pre_body(%arg0: i32, %arg1: memref<1000x128xf32, #tpu.memory_space<vmem>>, %arg2: memref<128x128xf32, #tpu.memory_space<vmem>>, %arg3: memref<1x128xf32, #tpu.memory_space<vmem>>, %arg4: memref<128x128xf32, #tpu.memory_space<vmem>>, %arg5: memref<1000x128xf32, #tpu.memory_space<vmem>>, %arg6: memref<1000x128xf32, #tpu.memory_space<vmem>>, %arg7: memref<1000x128xf32, #tpu.memory_space<vmem>>, %arg8: memref<1000x128xf32, #tpu.memory_space<vmem>>, %arg9: memref<1000x128xf32, #tpu.memory_space<vmem>>) attributes {dimension_semantics = [#tpu.dimension_semantics<arbitrary>], iteration_bounds = array<i64: 10>, scalar_prefetch = 0 : i64, scratch_operands = 0 : i64, tpu.core_type = #tpu.core_type<tc>, window_params = [{transform_indices = @transform_0, window_bounds = array<i64: 1000, 128>}, {pipeline_mode = #tpu.pipeline_mode<synchronous>, transform_indices = @transform_1, window_bounds = array<i64: 128, 128>}, {pipeline_mode = #tpu.pipeline_mode<synchronous>, transform_indices = @transform_2, window_bounds = array<i64: 1, 128>}, {pipeline_mode = #tpu.pipeline_mode<synchronous>, transform_indices = @transform_3, window_bounds = array<i64: 128, 128>}, {transform_indices = @transform_4, window_bounds = array<i64: 1000, 128>}, {transform_indices = @transform_5, window_bounds = array<i64: 1000, 128>}, {transform_indices = @transform_6, window_bounds = array<i64: 1000, 128>}, {transform_indices = @transform_7, window_bounds = array<i64: 1000, 128>}, {transform_indices = @transform_8, window_bounds = array<i64: 1000, 128>}]} {
    %get3A = arith.constant 0 : index
    %get3A_0 = arith.constant 0 : index
    %get3A_1 = vector.load %arg1[%get3A, %get3A_0] : memref<1000x128xf32, #tpu.memory_space<vmem>>, vector<1000x128xf32>
    %get3A_2 = arith.constant 0 : index
    %get3A_3 = arith.constant 0 : index
    %get3A_4 = vector.load %arg2[%get3A_2, %get3A_3] : memref<128x128xf32, #tpu.memory_space<vmem>>, vector<128x128xf32>
    %dot_general3A = arith.constant dense<0.000000e+00> : vector<1000x128xf32>
    %dot_general3A_5 = tpu.matmul %get3A_1, %get3A_4, %dot_general3A {dimension_numbers = #tpu.dot_dimension_numbers<[1], [0], [0], [1], [0, 0, 1, 1], [], []>, transpose_lhs_hint = false} : vector<1000x128xf32>, vector<128x128xf32>, vector<1000x128xf32> -> vector<1000x128xf32>
    %get3A_6 = arith.constant 0 : index
    %get3A_7 = arith.constant 0 : index
    %get3A_8 = vector.load %arg3[%get3A_6, %get3A_7] : memref<1x128xf32, #tpu.memory_space<vmem>>, vector<1x128xf32>
    %add3A = vector.broadcast %get3A_8 : vector<1x128xf32> to vector<1000x128xf32>
    %add3A_9 = arith.addf %dot_general3A_5, %add3A : vector<1000x128xf32>
    %max3A = arith.constant 0.000000e+00 : f32
    %max3A_10 = vector.broadcast %max3A : f32 to vector<1000x128xf32>
    %max3A_11 = arith.maximumf %add3A_9, %max3A_10 : vector<1000x128xf32>
    %get3A_12 = arith.constant 0 : index
    %get3A_13 = arith.constant 0 : index
    %get3A_14 = vector.load %arg5[%get3A_12, %get3A_13] : memref<1000x128xf32, #tpu.memory_space<vmem>>, vector<1000x1xf32>
    %get3A_15 = arith.constant 0 : index
    %get3A_16 = arith.constant 0 : index
    %get3A_17 = vector.load %arg6[%get3A_15, %get3A_16] : memref<1000x128xf32, #tpu.memory_space<vmem>>, vector<1000x1xf32>
    %add3A_18 = arith.addf %get3A_14, %get3A_17 : vector<1000x1xf32>
    %gt3A = arith.constant 0.000000e+00 : f32
    %gt3A_19 = vector.broadcast %gt3A : f32 to vector<1000x1xf32>
    %gt3A_20 = arith.cmpf ogt, %add3A_18, %gt3A_19 : vector<1000x1xf32>
    %rsqrt3A = math.rsqrt %add3A_18 : vector<1000x1xf32>
    %jit3A = arith.constant 0.000000e+00 : f32
    %broadcast_in_dim3A = vector.broadcast %jit3A : f32 to vector<1000x1xf32>
    %select_n3A = arith.select %gt3A_20, %rsqrt3A, %broadcast_in_dim3A : vector<1000x1xi1>, vector<1000x1xf32>
    %get3A_21 = arith.constant 0 : index
    %get3A_22 = arith.constant 0 : index
    %get3A_23 = vector.load %arg4[%get3A_21, %get3A_22] : memref<128x128xf32, #tpu.memory_space<vmem>>, vector<128x128xf32>
    %dot_general3A_24 = arith.constant dense<0.000000e+00> : vector<1000x128xf32>
    %dot_general3A_25 = tpu.matmul %max3A_11, %get3A_23, %dot_general3A_24 {dimension_numbers = #tpu.dot_dimension_numbers<[1], [0], [0], [1], [0, 0, 1, 1], [], []>, transpose_lhs_hint = false} : vector<1000x128xf32>, vector<128x128xf32>, vector<1000x128xf32> -> vector<1000x128xf32>
    %swap3A = arith.constant 0 : index
    %swap3A_26 = arith.constant 0 : index
    %swap3A_27 = vector.load %arg7[%swap3A, %swap3A_26] : memref<1000x128xf32, #tpu.memory_space<vmem>>, vector<1000x128xf32>
    tpu.vector_store %arg7[%swap3A, %swap3A_26], %dot_general3A_25 {strides = array<i32>} : memref<1000x128xf32, #tpu.memory_space<vmem>>, vector<1000x128xf32>,
    %mul3A = vector.broadcast %select_n3A : vector<1000x1xf32> to vector<1000x128xf32>
    %mul3A_28 = arith.mulf %mul3A, %max3A_11 : vector<1000x128xf32>
    %swap3A_29 = arith.constant 0 : index
    %swap3A_30 = arith.constant 0 : index
    %swap3A_31 = vector.load %arg8[%swap3A_29, %swap3A_30] : memref<1000x128xf32, #tpu.memory_space<vmem>>, vector<1000x128xf32>
    tpu.vector_store %arg8[%swap3A_29, %swap3A_30], %mul3A_28 {strides = array<i32>} : memref<1000x128xf32, #tpu.memory_space<vmem>>, vector<1000x128xf32>,
    %broadcast_in_dim3A_32 = vector.shape_cast %select_n3A : vector<1000x1xf32> to vector<1000x1xf32>
    %broadcast_in_dim3A_33 = vector.broadcast %broadcast_in_dim3A_32 : vector<1000x1xf32> to vector<1000x128xf32>
    %swap3A_34 = arith.constant 0 : index
    %swap3A_35 = arith.constant 0 : index
    %swap3A_36 = vector.load %arg9[%swap3A_34, %swap3A_35] : memref<1000x128xf32, #tpu.memory_space<vmem>>, vector<1000x128xf32>
    tpu.vector_store %arg9[%swap3A_34, %swap3A_35], %broadcast_in_dim3A_33 {strides = array<i32>} : memref<1000x128xf32, #tpu.memory_space<vmem>>, vector<1000x128xf32>,
    return
  }
  func.func @transform_0(%arg0: i32) -> (i32, i32) {
    %c0_i32 = arith.constant 0 : i32
    %c0_i32_0 = arith.constant 0 : i32
    return %arg0, %c0_i32 : i32, i32
  }
  func.func @transform_1(%arg0: i32) -> (i32, i32) {
    %c0_i32 = arith.constant 0 : i32
    %c0_i32_0 = arith.constant 0 : i32
    %c0_i32_1 = arith.constant 0 : i32
    return %c0_i32, %c0_i32_0 : i32, i32
  }
  func.func @transform_2(%arg0: i32) -> (i32, i32) {
    %c0_i32 = arith.constant 0 : i32
    %c0_i32_0 = arith.constant 0 : i32
    %c0_i32_1 = arith.constant 0 : i32
    return %c0_i32, %c0_i32_0 : i32, i32
  }
  func.func @transform_3(%arg0: i32) -> (i32, i32) {
    %c0_i32 = arith.constant 0 : i32
    %c0_i32_0 = arith.constant 0 : i32
    %c0_i32_1 = arith.constant 0 : i32
    return %c0_i32, %c0_i32_0 : i32, i32
  }
  func.func @transform_4(%arg0: i32) -> (i32, i32) {
    %c0_i32 = arith.constant 0 : i32
    %c0_i32_0 = arith.constant 0 : i32
    return %arg0, %c0_i32 : i32, i32
  }
  func.func @transform_5(%arg0: i32) -> (i32, i32) {
    %c0_i32 = arith.constant 0 : i32
    %c0_i32_0 = arith.constant 0 : i32
    return %arg0, %c0_i32 : i32, i32
  }
  func.func @transform_6(%arg0: i32) -> (i32, i32) {
    %c0_i32 = arith.constant 0 : i32
    %c0_i32_0 = arith.constant 0 : i32
    return %arg0, %c0_i32 : i32, i32
  }
  func.func @transform_7(%arg0: i32) -> (i32, i32) {
    %c0_i32 = arith.constant 0 : i32
    %c0_i32_0 = arith.constant 0 : i32
    return %arg0, %c0_i32 : i32, i32
  }
  func.func @transform_8(%arg0: i32) -> (i32, i32) {
    %c0_i32 = arith.constant 0 : i32
    %c0_i32_0 = arith.constant 0 : i32
    return %arg0, %c0_i32 : i32, i32
  }
}

module attributes {stable_mosaic.version = 14 : i64} {
  func.func @_step_body(%arg0: i32, %arg1: memref<1000x128xf32, #tpu.memory_space<vmem>>, %arg2: memref<1000x128xf32, #tpu.memory_space<vmem>>, %arg3: memref<1000x128xf32, #tpu.memory_space<vmem>>, %arg4: memref<1000x128xf32, #tpu.memory_space<vmem>>, %arg5: memref<128x128xf32, #tpu.memory_space<vmem>>, %arg6: memref<1000x128xf32, #tpu.memory_space<vmem>>, %arg7: memref<1000x128xf32, #tpu.memory_space<vmem>>) attributes {dimension_semantics = [#tpu.dimension_semantics<arbitrary>], iteration_bounds = array<i64: 10>, scalar_prefetch = 0 : i64, scratch_operands = 0 : i64, tpu.core_type = #tpu.core_type<tc>, window_params = [{transform_indices = @transform_0, window_bounds = array<i64: 1000, 128>}, {transform_indices = @transform_1, window_bounds = array<i64: 1000, 128>}, {transform_indices = @transform_2, window_bounds = array<i64: 1000, 128>}, {transform_indices = @transform_3, window_bounds = array<i64: 1000, 128>}, {pipeline_mode = #tpu.pipeline_mode<synchronous>, transform_indices = @transform_4, window_bounds = array<i64: 128, 128>}, {transform_indices = @transform_5, window_bounds = array<i64: 1000, 128>}, {transform_indices = @transform_6, window_bounds = array<i64: 1000, 128>}]} {
    %get3A = arith.constant 0 : index
    %get3A_0 = arith.constant 0 : index
    %get3A_1 = vector.load %arg3[%get3A, %get3A_0] : memref<1000x128xf32, #tpu.memory_space<vmem>>, vector<1000x128xf32>
    %get3A_2 = arith.constant 0 : index
    %get3A_3 = arith.constant 0 : index
    %get3A_4 = vector.load %arg1[%get3A_2, %get3A_3] : memref<1000x128xf32, #tpu.memory_space<vmem>>, vector<1000x128xf32>
    %get3A_5 = arith.constant 0 : index
    %get3A_6 = arith.constant 0 : index
    %get3A_7 = vector.load %arg2[%get3A_5, %get3A_6] : memref<1000x128xf32, #tpu.memory_space<vmem>>, vector<1000x128xf32>
    %add3A = arith.addf %get3A_4, %get3A_7 : vector<1000x128xf32>
    %mul3A = arith.mulf %get3A_1, %add3A : vector<1000x128xf32>
    %get3A_8 = arith.constant 0 : index
    %get3A_9 = arith.constant 0 : index
    %get3A_10 = vector.load %arg4[%get3A_8, %get3A_9] : memref<1000x128xf32, #tpu.memory_space<vmem>>, vector<1000x128xf32>
    %get3A_11 = arith.constant 0 : index
    %get3A_12 = arith.constant 0 : index
    %get3A_13 = vector.load %arg5[%get3A_11, %get3A_12] : memref<128x128xf32, #tpu.memory_space<vmem>>, vector<128x128xf32>
    %dot_general3A = arith.constant dense<0.000000e+00> : vector<1000x128xf32>
    %dot_general3A_14 = tpu.matmul %mul3A, %get3A_13, %dot_general3A {dimension_numbers = #tpu.dot_dimension_numbers<[1], [0], [0], [1], [0, 0, 1, 1], [], []>, transpose_lhs_hint = false} : vector<1000x128xf32>, vector<128x128xf32>, vector<1000x128xf32> -> vector<1000x128xf32>
    %add3A_15 = arith.addf %get3A_10, %dot_general3A_14 : vector<1000x128xf32>
    %swap3A = arith.constant 0 : index
    %swap3A_16 = arith.constant 0 : index
    %swap3A_17 = vector.load %arg6[%swap3A, %swap3A_16] : memref<1000x128xf32, #tpu.memory_space<vmem>>, vector<1000x128xf32>
    tpu.vector_store %arg6[%swap3A, %swap3A_16], %add3A_15 {strides = array<i32>} : memref<1000x128xf32, #tpu.memory_space<vmem>>, vector<1000x128xf32>,
    %mul3A_18 = arith.mulf %get3A_1, %mul3A : vector<1000x128xf32>
    %swap3A_19 = arith.constant 0 : index
    %swap3A_20 = arith.constant 0 : index
    %swap3A_21 = vector.load %arg7[%swap3A_19, %swap3A_20] : memref<1000x128xf32, #tpu.memory_space<vmem>>, vector<1000x128xf32>
    tpu.vector_store %arg7[%swap3A_19, %swap3A_20], %mul3A_18 {strides = array<i32>} : memref<1000x128xf32, #tpu.memory_space<vmem>>, vector<1000x128xf32>,
    return
  }
  func.func @transform_0(%arg0: i32) -> (i32, i32) {
    %c0_i32 = arith.constant 0 : i32
    %c0_i32_0 = arith.constant 0 : i32
    return %arg0, %c0_i32 : i32, i32
  }
  func.func @transform_1(%arg0: i32) -> (i32, i32) {
    %c0_i32 = arith.constant 0 : i32
    %c0_i32_0 = arith.constant 0 : i32
    return %arg0, %c0_i32 : i32, i32
  }
  func.func @transform_2(%arg0: i32) -> (i32, i32) {
    %c0_i32 = arith.constant 0 : i32
    %c0_i32_0 = arith.constant 0 : i32
    return %arg0, %c0_i32 : i32, i32
  }
  func.func @transform_3(%arg0: i32) -> (i32, i32) {
    %c0_i32 = arith.constant 0 : i32
    %c0_i32_0 = arith.constant 0 : i32
    return %arg0, %c0_i32 : i32, i32
  }
  func.func @transform_4(%arg0: i32) -> (i32, i32) {
    %c0_i32 = arith.constant 0 : i32
    %c0_i32_0 = arith.constant 0 : i32
    %c0_i32_1 = arith.constant 0 : i32
    return %c0_i32, %c0_i32_0 : i32, i32
  }
  func.func @transform_5(%arg0: i32) -> (i32, i32) {
    %c0_i32 = arith.constant 0 : i32
    %c0_i32_0 = arith.constant 0 : i32
    return %arg0, %c0_i32 : i32, i32
  }
  func.func @transform_6(%arg0: i32) -> (i32, i32) {
    %c0_i32 = arith.constant 0 : i32
    %c0_i32_0 = arith.constant 0 : i32
    return %arg0, %c0_i32 : i32, i32
  }
}

module attributes {stable_mosaic.version = 14 : i64} {
  func.func @_last_body(%arg0: i32, %arg1: memref<1000x128xf32, #tpu.memory_space<vmem>>, %arg2: memref<1000x128xf32, #tpu.memory_space<vmem>>, %arg3: memref<1000x128xf32, #tpu.memory_space<vmem>>, %arg4: memref<1000x128xf32, #tpu.memory_space<vmem>>, %arg5: memref<128x128xf32, #tpu.memory_space<vmem>>, %arg6: memref<1x128xf32, #tpu.memory_space<vmem>>, %arg7: memref<128x128xf32, #tpu.memory_space<vmem>>, %arg8: memref<1000x128xf32, #tpu.memory_space<vmem>>, %arg9: memref<1000x128xf32, #tpu.memory_space<vmem>>) attributes {dimension_semantics = [#tpu.dimension_semantics<arbitrary>], iteration_bounds = array<i64: 10>, scalar_prefetch = 0 : i64, scratch_operands = 0 : i64, tpu.core_type = #tpu.core_type<tc>, window_params = [{transform_indices = @transform_0, window_bounds = array<i64: 1000, 128>}, {transform_indices = @transform_1, window_bounds = array<i64: 1000, 128>}, {transform_indices = @transform_2, window_bounds = array<i64: 1000, 128>}, {transform_indices = @transform_3, window_bounds = array<i64: 1000, 128>}, {pipeline_mode = #tpu.pipeline_mode<synchronous>, transform_indices = @transform_4, window_bounds = array<i64: 128, 128>}, {pipeline_mode = #tpu.pipeline_mode<synchronous>, transform_indices = @transform_5, window_bounds = array<i64: 1, 128>}, {pipeline_mode = #tpu.pipeline_mode<synchronous>, transform_indices = @transform_6, window_bounds = array<i64: 128, 128>}, {transform_indices = @transform_7, window_bounds = array<i64: 1000, 128>}, {transform_indices = @transform_8, window_bounds = array<i64: 1000, 128>}]} {
    %get3A = arith.constant 0 : index
    %get3A_0 = arith.constant 0 : index
    %get3A_1 = vector.load %arg3[%get3A, %get3A_0] : memref<1000x128xf32, #tpu.memory_space<vmem>>, vector<1000x128xf32>
    %get3A_2 = arith.constant 0 : index
    %get3A_3 = arith.constant 0 : index
    %get3A_4 = vector.load %arg1[%get3A_2, %get3A_3] : memref<1000x128xf32, #tpu.memory_space<vmem>>, vector<1000x128xf32>
    %get3A_5 = arith.constant 0 : index
    %get3A_6 = arith.constant 0 : index
    %get3A_7 = vector.load %arg2[%get3A_5, %get3A_6] : memref<1000x128xf32, #tpu.memory_space<vmem>>, vector<1000x128xf32>
    %add3A = arith.addf %get3A_4, %get3A_7 : vector<1000x128xf32>
    %mul3A = arith.mulf %get3A_1, %add3A : vector<1000x128xf32>
    %get3A_8 = arith.constant 0 : index
    %get3A_9 = arith.constant 0 : index
    %get3A_10 = vector.load %arg4[%get3A_8, %get3A_9] : memref<1000x128xf32, #tpu.memory_space<vmem>>, vector<1000x128xf32>
    %get3A_11 = arith.constant 0 : index
    %get3A_12 = arith.constant 0 : index
    %get3A_13 = vector.load %arg5[%get3A_11, %get3A_12] : memref<128x128xf32, #tpu.memory_space<vmem>>, vector<128x128xf32>
    %dot_general3A = arith.constant dense<0.000000e+00> : vector<1000x128xf32>
    %dot_general3A_14 = tpu.matmul %mul3A, %get3A_13, %dot_general3A {dimension_numbers = #tpu.dot_dimension_numbers<[1], [0], [0], [1], [0, 0, 1, 1], [], []>, transpose_lhs_hint = false} : vector<1000x128xf32>, vector<128x128xf32>, vector<1000x128xf32> -> vector<1000x128xf32>
    %add3A_15 = arith.addf %get3A_10, %dot_general3A_14 : vector<1000x128xf32>
    %get3A_16 = arith.constant 0 : index
    %get3A_17 = arith.constant 0 : index
    %get3A_18 = vector.load %arg6[%get3A_16, %get3A_17] : memref<1x128xf32, #tpu.memory_space<vmem>>, vector<1x128xf32>
    %add3A_19 = vector.broadcast %get3A_18 : vector<1x128xf32> to vector<1000x128xf32>
    %add3A_20 = arith.addf %add3A_15, %add3A_19 : vector<1000x128xf32>
    %max3A = arith.constant 0.000000e+00 : f32
    %max3A_21 = vector.broadcast %max3A : f32 to vector<1000x128xf32>
    %max3A_22 = arith.maximumf %add3A_20, %max3A_21 : vector<1000x128xf32>
    %get3A_23 = arith.constant 0 : index
    %get3A_24 = arith.constant 0 : index
    %get3A_25 = vector.load %arg7[%get3A_23, %get3A_24] : memref<128x128xf32, #tpu.memory_space<vmem>>, vector<128x128xf32>
    %dot_general3A_26 = arith.constant dense<0.000000e+00> : vector<1000x128xf32>
    %dot_general3A_27 = tpu.matmul %max3A_22, %get3A_25, %dot_general3A_26 {dimension_numbers = #tpu.dot_dimension_numbers<[1], [0], [0], [1], [0, 0, 1, 1], [], []>, transpose_lhs_hint = false} : vector<1000x128xf32>, vector<128x128xf32>, vector<1000x128xf32> -> vector<1000x128xf32>
    %swap3A = arith.constant 0 : index
    %swap3A_28 = arith.constant 0 : index
    %swap3A_29 = vector.load %arg8[%swap3A, %swap3A_28] : memref<1000x128xf32, #tpu.memory_space<vmem>>, vector<1000x128xf32>
    tpu.vector_store %arg8[%swap3A, %swap3A_28], %dot_general3A_27 {strides = array<i32>} : memref<1000x128xf32, #tpu.memory_space<vmem>>, vector<1000x128xf32>,
    %mul3A_30 = arith.mulf %get3A_1, %max3A_22 : vector<1000x128xf32>
    %swap3A_31 = arith.constant 0 : index
    %swap3A_32 = arith.constant 0 : index
    %swap3A_33 = vector.load %arg9[%swap3A_31, %swap3A_32] : memref<1000x128xf32, #tpu.memory_space<vmem>>, vector<1000x128xf32>
    tpu.vector_store %arg9[%swap3A_31, %swap3A_32], %mul3A_30 {strides = array<i32>} : memref<1000x128xf32, #tpu.memory_space<vmem>>, vector<1000x128xf32>,
    return
  }
  func.func @transform_0(%arg0: i32) -> (i32, i32) {
    %c0_i32 = arith.constant 0 : i32
    %c0_i32_0 = arith.constant 0 : i32
    return %arg0, %c0_i32 : i32, i32
  }
  func.func @transform_1(%arg0: i32) -> (i32, i32) {
    %c0_i32 = arith.constant 0 : i32
    %c0_i32_0 = arith.constant 0 : i32
    return %arg0, %c0_i32 : i32, i32
  }
  func.func @transform_2(%arg0: i32) -> (i32, i32) {
    %c0_i32 = arith.constant 0 : i32
    %c0_i32_0 = arith.constant 0 : i32
    return %arg0, %c0_i32 : i32, i32
  }
  func.func @transform_3(%arg0: i32) -> (i32, i32) {
    %c0_i32 = arith.constant 0 : i32
    %c0_i32_0 = arith.constant 0 : i32
    return %arg0, %c0_i32 : i32, i32
  }
  func.func @transform_4(%arg0: i32) -> (i32, i32) {
    %c0_i32 = arith.constant 0 : i32
    %c0_i32_0 = arith.constant 0 : i32
    %c0_i32_1 = arith.constant 0 : i32
    return %c0_i32, %c0_i32_0 : i32, i32
  }
  func.func @transform_5(%arg0: i32) -> (i32, i32) {
    %c0_i32 = arith.constant 0 : i32
    %c0_i32_0 = arith.constant 0 : i32
    %c0_i32_1 = arith.constant 0 : i32
    return %c0_i32, %c0_i32_0 : i32, i32
  }
  func.func @transform_6(%arg0: i32) -> (i32, i32) {
    %c0_i32 = arith.constant 0 : i32
    %c0_i32_0 = arith.constant 0 : i32
    %c0_i32_1 = arith.constant 0 : i32
    return %c0_i32, %c0_i32_0 : i32, i32
  }
  func.func @transform_7(%arg0: i32) -> (i32, i32) {
    %c0_i32 = arith.constant 0 : i32
    %c0_i32_0 = arith.constant 0 : i32
    return %arg0, %c0_i32 : i32, i32
  }
  func.func @transform_8(%arg0: i32) -> (i32, i32) {
    %c0_i32 = arith.constant 0 : i32
    %c0_i32_0 = arith.constant 0 : i32
    return %arg0, %c0_i32 : i32, i32
  }
}

module attributes {stable_mosaic.version = 14 : i64} {
  func.func @_tail_body(%arg0: i32, %arg1: memref<1000x128xf32, #tpu.memory_space<vmem>>, %arg2: memref<1000x128xf32, #tpu.memory_space<vmem>>, %arg3: memref<1000x128xf32, #tpu.memory_space<vmem>>, %arg4: memref<1000x128xf32, #tpu.memory_space<vmem>>, %arg5: memref<128x128xf32, #tpu.memory_space<vmem>>, %arg6: memref<1x128xf32, #tpu.memory_space<vmem>>, %arg7: memref<128x128xf32, #tpu.memory_space<vmem>>, %arg8: memref<1x128xf32, #tpu.memory_space<vmem>>, %arg9: memref<128x128xf32, #tpu.memory_space<vmem>>, %arg10: memref<1x128xf32, #tpu.memory_space<vmem>>, %arg11: memref<128x1xf32, #tpu.memory_space<vmem>>, %arg12: memref<1x1xf32, #tpu.memory_space<vmem>>, %arg13: memref<1000x1xf32, #tpu.memory_space<vmem>>) attributes {dimension_semantics = [#tpu.dimension_semantics<arbitrary>], iteration_bounds = array<i64: 10>, scalar_prefetch = 0 : i64, scratch_operands = 0 : i64, tpu.core_type = #tpu.core_type<tc>, window_params = [{transform_indices = @transform_0, window_bounds = array<i64: 1000, 128>}, {transform_indices = @transform_1, window_bounds = array<i64: 1000, 128>}, {transform_indices = @transform_2, window_bounds = array<i64: 1000, 128>}, {transform_indices = @transform_3, window_bounds = array<i64: 1000, 128>}, {pipeline_mode = #tpu.pipeline_mode<synchronous>, transform_indices = @transform_4, window_bounds = array<i64: 128, 128>}, {pipeline_mode = #tpu.pipeline_mode<synchronous>, transform_indices = @transform_5, window_bounds = array<i64: 1, 128>}, {pipeline_mode = #tpu.pipeline_mode<synchronous>, transform_indices = @transform_6, window_bounds = array<i64: 128, 128>}, {pipeline_mode = #tpu.pipeline_mode<synchronous>, transform_indices = @transform_7, window_bounds = array<i64: 1, 128>}, {pipeline_mode = #tpu.pipeline_mode<synchronous>, transform_indices = @transform_8, window_bounds = array<i64: 128, 128>}, {pipeline_mode = #tpu.pipeline_mode<synchronous>, transform_indices = @transform_9, window_bounds = array<i64: 1, 128>}, {pipeline_mode = #tpu.pipeline_mode<synchronous>, transform_indices = @transform_10, window_bounds = array<i64: 128, 1>}, {pipeline_mode = #tpu.pipeline_mode<synchronous>, transform_indices = @transform_11, window_bounds = array<i64: 1, 1>}, {transform_indices = @transform_12, window_bounds = array<i64: 1000, 1>}]} {
    %get3A = arith.constant 0 : index
    %get3A_0 = arith.constant 0 : index
    %get3A_1 = vector.load %arg3[%get3A, %get3A_0] : memref<1000x128xf32, #tpu.memory_space<vmem>>, vector<1000x128xf32>
    %get3A_2 = arith.constant 0 : index
    %get3A_3 = arith.constant 0 : index
    %get3A_4 = vector.load %arg1[%get3A_2, %get3A_3] : memref<1000x128xf32, #tpu.memory_space<vmem>>, vector<1000x128xf32>
    %get3A_5 = arith.constant 0 : index
    %get3A_6 = arith.constant 0 : index
    %get3A_7 = vector.load %arg2[%get3A_5, %get3A_6] : memref<1000x128xf32, #tpu.memory_space<vmem>>, vector<1000x128xf32>
    %add3A = arith.addf %get3A_4, %get3A_7 : vector<1000x128xf32>
    %mul3A = arith.mulf %get3A_1, %add3A : vector<1000x128xf32>
    %get3A_8 = arith.constant 0 : index
    %get3A_9 = arith.constant 0 : index
    %get3A_10 = vector.load %arg4[%get3A_8, %get3A_9] : memref<1000x128xf32, #tpu.memory_space<vmem>>, vector<1000x128xf32>
    %get3A_11 = arith.constant 0 : index
    %get3A_12 = arith.constant 0 : index
    %get3A_13 = vector.load %arg5[%get3A_11, %get3A_12] : memref<128x128xf32, #tpu.memory_space<vmem>>, vector<128x128xf32>
    %dot_general3A = arith.constant dense<0.000000e+00> : vector<1000x128xf32>
    %dot_general3A_14 = tpu.matmul %mul3A, %get3A_13, %dot_general3A {dimension_numbers = #tpu.dot_dimension_numbers<[1], [0], [0], [1], [0, 0, 1, 1], [], []>, transpose_lhs_hint = false} : vector<1000x128xf32>, vector<128x128xf32>, vector<1000x128xf32> -> vector<1000x128xf32>
    %add3A_15 = arith.addf %get3A_10, %dot_general3A_14 : vector<1000x128xf32>
    %get3A_16 = arith.constant 0 : index
    %get3A_17 = arith.constant 0 : index
    %get3A_18 = vector.load %arg6[%get3A_16, %get3A_17] : memref<1x128xf32, #tpu.memory_space<vmem>>, vector<1x128xf32>
    %add3A_19 = vector.broadcast %get3A_18 : vector<1x128xf32> to vector<1000x128xf32>
    %add3A_20 = arith.addf %add3A_15, %add3A_19 : vector<1000x128xf32>
    %max3A = arith.constant 0.000000e+00 : f32
    %max3A_21 = vector.broadcast %max3A : f32 to vector<1000x128xf32>
    %max3A_22 = arith.maximumf %add3A_20, %max3A_21 : vector<1000x128xf32>
    %get3A_23 = arith.constant 0 : index
    %get3A_24 = arith.constant 0 : index
    %get3A_25 = vector.load %arg7[%get3A_23, %get3A_24] : memref<128x128xf32, #tpu.memory_space<vmem>>, vector<128x128xf32>
    %dot_general3A_26 = arith.constant dense<0.000000e+00> : vector<1000x128xf32>
    %dot_general3A_27 = tpu.matmul %max3A_22, %get3A_25, %dot_general3A_26 {dimension_numbers = #tpu.dot_dimension_numbers<[1], [0], [0], [1], [0, 0, 1, 1], [], []>, transpose_lhs_hint = false} : vector<1000x128xf32>, vector<128x128xf32>, vector<1000x128xf32> -> vector<1000x128xf32>
    %get3A_28 = arith.constant 0 : index
    %get3A_29 = arith.constant 0 : index
    %get3A_30 = vector.load %arg8[%get3A_28, %get3A_29] : memref<1x128xf32, #tpu.memory_space<vmem>>, vector<1x128xf32>
    %add3A_31 = vector.broadcast %get3A_30 : vector<1x128xf32> to vector<1000x128xf32>
    %add3A_32 = arith.addf %dot_general3A_27, %add3A_31 : vector<1000x128xf32>
    %max3A_33 = arith.constant 0.000000e+00 : f32
    %max3A_34 = vector.broadcast %max3A_33 : f32 to vector<1000x128xf32>
    %max3A_35 = arith.maximumf %add3A_32, %max3A_34 : vector<1000x128xf32>
    %get3A_36 = arith.constant 0 : index
    %get3A_37 = arith.constant 0 : index
    %get3A_38 = vector.load %arg9[%get3A_36, %get3A_37] : memref<128x128xf32, #tpu.memory_space<vmem>>, vector<128x128xf32>
    %dot_general3A_39 = arith.constant dense<0.000000e+00> : vector<1000x128xf32>
    %dot_general3A_40 = tpu.matmul %max3A_35, %get3A_38, %dot_general3A_39 {dimension_numbers = #tpu.dot_dimension_numbers<[1], [0], [0], [1], [0, 0, 1, 1], [], []>, transpose_lhs_hint = false} : vector<1000x128xf32>, vector<128x128xf32>, vector<1000x128xf32> -> vector<1000x128xf32>
    %get3A_41 = arith.constant 0 : index
    %get3A_42 = arith.constant 0 : index
    %get3A_43 = vector.load %arg10[%get3A_41, %get3A_42] : memref<1x128xf32, #tpu.memory_space<vmem>>, vector<1x128xf32>
    %add3A_44 = vector.broadcast %get3A_43 : vector<1x128xf32> to vector<1000x128xf32>
    %add3A_45 = arith.addf %dot_general3A_40, %add3A_44 : vector<1000x128xf32>
    %max3A_46 = arith.constant 0.000000e+00 : f32
    %max3A_47 = vector.broadcast %max3A_46 : f32 to vector<1000x128xf32>
    %max3A_48 = arith.maximumf %add3A_45, %max3A_47 : vector<1000x128xf32>
    %get3A_49 = arith.constant 0 : index
    %get3A_50 = arith.constant 0 : index
    %get3A_51 = vector.load %arg11[%get3A_49, %get3A_50] : memref<128x1xf32, #tpu.memory_space<vmem>>, vector<128x1xf32>
    %dot_general3A_52 = arith.constant dense<0.000000e+00> : vector<1000x1xf32>
    %dot_general3A_53 = tpu.matmul %max3A_48, %get3A_51, %dot_general3A_52 {dimension_numbers = #tpu.dot_dimension_numbers<[1], [0], [0], [1], [0, 0, 1, 1], [], []>, transpose_lhs_hint = false} : vector<1000x128xf32>, vector<128x1xf32>, vector<1000x1xf32> -> vector<1000x1xf32>
    %get3A_54 = arith.constant 0 : index
    %get3A_55 = arith.constant 0 : index
    %get3A_56 = vector.load %arg12[%get3A_54, %get3A_55] : memref<1x1xf32, #tpu.memory_space<vmem>>, vector<1x1xf32>
    %add3A_57 = vector.broadcast %get3A_56 : vector<1x1xf32> to vector<1000x1xf32>
    %add3A_58 = arith.addf %dot_general3A_53, %add3A_57 : vector<1000x1xf32>
    %max3A_59 = arith.constant 0.000000e+00 : f32
    %max3A_60 = vector.broadcast %max3A_59 : f32 to vector<1000x1xf32>
    %max3A_61 = arith.maximumf %add3A_58, %max3A_60 : vector<1000x1xf32>
    %swap3A = arith.constant 0 : index
    %swap3A_62 = arith.constant 0 : index
    %swap3A_63 = vector.load %arg13[%swap3A, %swap3A_62] : memref<1000x1xf32, #tpu.memory_space<vmem>>, vector<1000x1xf32>
    tpu.vector_store %arg13[%swap3A, %swap3A_62], %max3A_61 {strides = array<i32>} : memref<1000x1xf32, #tpu.memory_space<vmem>>, vector<1000x1xf32>,
    return
  }
  func.func @transform_0(%arg0: i32) -> (i32, i32) {
    %c0_i32 = arith.constant 0 : i32
    %c0_i32_0 = arith.constant 0 : i32
    return %arg0, %c0_i32 : i32, i32
  }
  func.func @transform_1(%arg0: i32) -> (i32, i32) {
    %c0_i32 = arith.constant 0 : i32
    %c0_i32_0 = arith.constant 0 : i32
    return %arg0, %c0_i32 : i32, i32
  }
  func.func @transform_2(%arg0: i32) -> (i32, i32) {
    %c0_i32 = arith.constant 0 : i32
    %c0_i32_0 = arith.constant 0 : i32
    return %arg0, %c0_i32 : i32, i32
  }
  func.func @transform_3(%arg0: i32) -> (i32, i32) {
    %c0_i32 = arith.constant 0 : i32
    %c0_i32_0 = arith.constant 0 : i32
    return %arg0, %c0_i32 : i32, i32
  }
  func.func @transform_4(%arg0: i32) -> (i32, i32) {
    %c0_i32 = arith.constant 0 : i32
    %c0_i32_0 = arith.constant 0 : i32
    %c0_i32_1 = arith.constant 0 : i32
    return %c0_i32, %c0_i32_0 : i32, i32
  }
  func.func @transform_5(%arg0: i32) -> (i32, i32) {
    %c0_i32 = arith.constant 0 : i32
    %c0_i32_0 = arith.constant 0 : i32
    %c0_i32_1 = arith.constant 0 : i32
    return %c0_i32, %c0_i32_0 : i32, i32
  }
  func.func @transform_6(%arg0: i32) -> (i32, i32) {
    %c0_i32 = arith.constant 0 : i32
    %c0_i32_0 = arith.constant 0 : i32
    %c0_i32_1 = arith.constant 0 : i32
    return %c0_i32, %c0_i32_0 : i32, i32
  }
  func.func @transform_7(%arg0: i32) -> (i32, i32) {
    %c0_i32 = arith.constant 0 : i32
    %c0_i32_0 = arith.constant 0 : i32
    %c0_i32_1 = arith.constant 0 : i32
    return %c0_i32, %c0_i32_0 : i32, i32
  }
  func.func @transform_8(%arg0: i32) -> (i32, i32) {
    %c0_i32 = arith.constant 0 : i32
    %c0_i32_0 = arith.constant 0 : i32
    %c0_i32_1 = arith.constant 0 : i32
    return %c0_i32, %c0_i32_0 : i32, i32
  }
  func.func @transform_9(%arg0: i32) -> (i32, i32) {
    %c0_i32 = arith.constant 0 : i32
    %c0_i32_0 = arith.constant 0 : i32
    %c0_i32_1 = arith.constant 0 : i32
    return %c0_i32, %c0_i32_0 : i32, i32
  }
  func.func @transform_10(%arg0: i32) -> (i32, i32) {
    %c0_i32 = arith.constant 0 : i32
    %c0_i32_0 = arith.constant 0 : i32
    %c0_i32_1 = arith.constant 0 : i32
    return %c0_i32, %c0_i32_0 : i32, i32
  }
  func.func @transform_11(%arg0: i32) -> (i32, i32) {
    %c0_i32 = arith.constant 0 : i32
    %c0_i32_0 = arith.constant 0 : i32
    %c0_i32_1 = arith.constant 0 : i32
    return %c0_i32, %c0_i32_0 : i32, i32
  }
  func.func @transform_12(%arg0: i32) -> (i32, i32) {
    %c0_i32 = arith.constant 0 : i32
    %c0_i32_0 = arith.constant 0 : i32
    return %arg0, %c0_i32 : i32, i32
  }
}

</mosaic_0001>

<sc_bundles>
// kernel: kernel.16.cloned.1.call-start
scs
__scs_entry_jumppad:
0x0: {  	(pc) =	sbr.rel $0x88, $3  }
0x1: {  	(tag) =	ssettag $0x0;
	lr =	simm.s32 $0x1  }
0x2: {  	[smem:$0x3F93] =	sst lr;
	_ =	strace $0xD0000000  }
0x3: {  	_ = 	snop  }
0x4: {  	_ = 	snop  }
0x5: {  	_ = 	snop  }
0x6: {  	_ = 	snop  }
0x7: {  	_ = 	snop  }
__scs_overlays_trampoline_lowered:
0x8: {  	[smem:$0x3FA2] =	sst s0  }
0x9: {  	[smem:$0x3FA3] =	sst s1  }
0xa: {  	[smem:$0x3FA4] =	sst s2  }
0xb: {  	[smem:$0x3FA5] =	sst s3  }
0xc: {  	[smem:$0x3FA6] =	sst s4  }
0xd: {  	[smem:$0x3FA7] =	sst s5  }
0xe: {  	[smem:$0x3FA8] =	sst s6  }
0xf: {  	[smem:$0x3FA9] =	sst s7  }
0x10: {  	[smem:$0x3FAA] =	sst s8  }
0x11: {  	[smem:$0x3FAB] =	sst s9;
	s0 =	simm.s32 @!p0 $0x0  }
0x12: {  	s1 =	sld [smem:$0x3F91];
	s0 =	simm.s32 @p0 $0x1  }
0x13: {  	[smem:$0x3FAC] =	sst s0;
	s0 =	simm.s32 @!p1 $0x0  }
0x14: {  	s2 =	sld [smem:$0x3F90];
	s0 =	simm.s32 @p1 $0x1  }
0x15: {  	[smem:$0x3FAD] =	sst s0;
	s0 =	simm.s32 @!p2 $0x0  }
0x16: {  	s3 =	sld [smem:$0x3FDB];
	s0 =	simm.s32 @p2 $0x1  }
0x17: {  	s4 =	simm.s32 $0x1BF5;
	[smem:$0x3FAF] =	sst s0  }
0x18: {  	s0 =	sld [smem:$0x3F92];
	_ =	swait.ge [sflag:s4], $0x0  }
0x19: {  	s7 =	sld [smem:$0x3F93]  }
0x1a: {  	s8 =	sadd.s32 $0xFFFFE003, lr  }
0x1b: {  	s9 =	sadd.s32 $0xFFFFFEF7, lr;
	s5 =	simm.s32 $0xFFFFFFFF;
	p2 =	slt.u32 s8, $0xFFFFF086  }
0x1c: {  	p1 =	slt.u32 s9, $0xF7A;
	s5 =	simm.s32 @!p2 $0x0  }
0x1d: {  	s5 =	simm.s32 @p1 $0x1;
	p0 =	seq.s32 s7, s2  }
0x1e: {  	s7 =	smul.u32 @!p0 $0xF7A, s2;
	p2 =	seq.s32 @!p0 s5, $0x0  }
0x1f: {  	s9 =	smul.u32 $0xF7A, s1;
	s8 =	simm.s32 @!p0 $0x1BF5;
	p2 =	por !p2, p0  }
0x20: {  	[sflag:s8] =	ssyncset.s32 @!p0 $0xFFFFF086;
	s6 =	sadd.s32 @!p0 s3, s7;
	s7 =	simm.s32 @!p0 $0x108  }
0x21: {  	s3 =	sadd.s32 s3, s9;
	s6 =	sadd.s32 @!p0 $0x88, s6;
	s7 =	simm.s32 @p2 $0x1082  }
0x22: {  	[simem:s7], [sflag:s8] =	dma.local @!p0 [hbm:s6], $0xF7A  }
0x23: {  	s9 =	sor.u32 $0xD0000000, s2;
	s6 =	simm.s32 $0x108;
	_ =	swait.ge @!p0 [sflag:s8], $0x0  }
0x24: {  	s3 =	sadd.s32 $0x88, s3;
	s6 =	simm.s32 @!p1 $0x1082;
	[sflag:s4] =	ssyncset.s32 $0xFFFFF086  }
0x25: {  	[simem:s6], [sflag:s4] =	dma.local [hbm:s3], $0xF7A  }
0x26: {  	[smem:$0x3F93] =	sst s1;
	(tag) =	ssettag s2;
	_ =	strace s9  }
0x27: {  	s1 =	sld [smem:$0x3FA3]  }
0x28: {  	s2 =	sld [smem:$0x3FA4]  }
0x29: {  	s4 =	sld [smem:$0x3FA6]  }
0x2a: {  	p0 =	seq.s32 s5, $0x0;
	s5 =	sld [smem:$0x3FA7]  }
0x2b: {  	s6 =	sld [smem:$0x3FA8]  }
0x2c: {  	s7 =	sld [smem:$0x3FA9]  }
0x2d: {  	s3 =	simm.s32 $0x108;
	s8 =	sld [smem:$0x3FAA]  }
0x2e: {  	s3 =	simm.s32 @!p0 $0x1082;
	s9 =	sld [smem:$0x3FAB]  }
0x2f: {  	lr =	sadd.s32 s0, s3;
	s0 =	sld [smem:$0x3FA2]  }
0x30: {  	s3 =	sld [smem:$0x3FA5]  }
0x31: {  	[smem:$0x3FAE] =	sst s10  }
0x32: {  	s10 =	sld [smem:$0x3FAC];
	_ =	sdelay $0x3  }
0x33: {  	p0 =	seq.s32 s10, $0x1;
	s10 =	sld [smem:$0x3FAE];
	_ =	sdelay $0x3  }
0x34: {  	[smem:$0x3FAE] =	sst s10  }
0x35: {  	s10 =	sld [smem:$0x3FAD];
	_ =	sdelay $0x3  }
0x36: {  	p1 =	seq.s32 s10, $0x1;
	s10 =	sld [smem:$0x3FAE];
	_ =	sdelay $0x3  }
0x37: {  	[smem:$0x3FAE] =	sst s10  }
0x38: {  	s10 =	sld [smem:$0x3FAF]  }
0x39: {  	_ = 	snop;
	(pc) =	sbr.ind lr, $3  }
0x3a: {  	_ = 	snop  }
0x3b: {  	_ = 	snop  }
0x3c: {  	p2 =	seq.s32 s10, $0x1;
	s10 =	sld [smem:$0x3FAE]  }
0x3d: {  	_ =	shalt  }
0x3e: {  	_ =	shalt  }
0x3f: {  	_ =	shalt  }
0x40: {  	_ =	shalt  }
0x41: {  	_ =	shalt  }
0x42: {  	_ =	shalt  }
0x43: {  	_ =	shalt  }
0x44: {  	_ =	shalt  }
0x45: {  	_ =	shalt  }
0x46: {  	_ =	shalt  }
0x47: {  	_ =	shalt  }
0x48: {  	_ =	shalt  }
0x49: {  	_ =	shalt  }
0x4a: {  	_ =	shalt  }
0x4b: {  	_ =	shalt  }
0x4c: {  	_ =	shalt  }
0x4d: {  	_ =	shalt  }
0x4e: {  	_ =	shalt  }
0x4f: {  	_ =	shalt  }
0x50: {  	_ =	shalt  }
0x51: {  	_ =	shalt  }
0x52: {  	_ =	shalt  }
0x53: {  	_ =	shalt  }
0x54: {  	_ =	shalt  }
0x55: {  	_ =	shalt  }
0x56: {  	_ =	shalt  }
0x57: {  	_ =	shalt  }
0x58: {  	_ =	shalt  }
0x59: {  	_ =	shalt  }
0x5a: {  	_ =	shalt  }
0x5b: {  	_ =	shalt  }
0x5c: {  	_ =	shalt  }
0x5d: {  	_ =	shalt  }
0x5e: {  	_ =	shalt  }
0x5f: {  	_ =	shalt  }
0x60: {  	_ =	shalt  }
0x61: {  	_ =	shalt  }
0x62: {  	_ =	shalt  }
0x63: {  	_ =	shalt  }
0x64: {  	_ =	shalt  }
0x65: {  	_ =	shalt  }
0x66: {  	_ =	shalt  }
0x67: {  	_ =	shalt  }
0x68: {  	_ =	shalt  }
0x69: {  	_ =	shalt  }
0x6a: {  	_ =	shalt  }
0x6b: {  	_ =	shalt  }
0x6c: {  	_ =	shalt  }
0x6d: {  	_ =	shalt  }
0x6e: {  	_ =	shalt  }
0x6f: {  	_ =	shalt  }
0x70: {  	_ =	shalt  }
0x71: {  	_ =	shalt  }
0x72: {  	_ =	shalt  }
0x73: {  	_ =	shalt  }
0x74: {  	_ =	shalt  }
0x75: {  	_ =	shalt  }
0x76: {  	_ =	shalt  }
0x77: {  	_ =	shalt  }
0x78: {  	_ =	shalt  }
0x79: {  	_ =	shalt  }
0x7a: {  	_ =	shalt  }
0x7b: {  	_ =	shalt  }
0x7c: {  	_ =	shalt  }
0x7d: {  	_ =	shalt  }
0x7e: {  	_ =	shalt  }
0x7f: {  	_ =	shalt  }
0x80: {  	_ =	shalt  }
0x81: {  	_ =	shalt  }
0x82: {  	_ =	shalt  }
0x83: {  	_ =	shalt  }
0x84: {  	_ =	shalt  }
0x85: {  	_ =	shalt  }
0x86: {  	_ =	shalt  }
0x87: {  	_ =	shalt  }
.Lfunc_end0:
.L_simem_size_0:
called_computation_lowered:
.L_overlay_start_0:
0x88: {  	s2 =	sld [smem:$0x3FD9]  }
0x89: {  	s3 =	sld [smem:$0x3FFE];
	_ =	sdelay $0x1  }
0x8a: {  	s1 =	srdreg.scid  }
0x8b: {  	s0 =	sand.u32 $0x1, s1  }
0x8c: {  	s16 =	sshll.u32 s0, $0xA;
	s2 =	sadd.s32 s3, s2  }
0x8d: {  	s2 =	sadd.s32 s2, s16  }
0x8e: {  	[smem:$0x3FBA] =	sst s2  }
0x8f: {  	_ = 	snop  }
0x90: {  	(tm) =	ssettm $0x1  }
0x91: {  	s17 =	sld [smem:$0x3FFB];
	_ =	sdelay $0x3  }
0x92: {  	_ =	strace s17  }
0x93: {  	s2 =	sld [smem:$0x3FFC];
	_ =	sdelay $0x3  }
0x94: {  	_ =	strace s2  }
0x95: {  	s2 =	sld [smem:$0x3FFD];
	_ =	sdelay $0x3  }
0x96: {  	_ =	strace s2  }
0x97: {  	_ =	strace $0x8FFFFFFF  }
0x98: {  	s18 =	sld [smem:$0x3FDB];
	_ =	sdelay $0x1  }
0x99: {  	s19 =	simm.s32 $_scs_section_size  }
0x9a: {  	s4 =	simm.s32 $_size__tile_overlayer_lowered;
	s5 =	simm.s32 $_tile_overlayer_lowered  }
0x9b: {  	s22 =	simm.s32 $0x1BFF;
	s21 =	sshll.u32 s5, $0x1;
	s2 =	sadd.s32 s19, s18  }
0x9c: {  	s6 =	simm.s32 $0x0;
	s20 =	sshll.u32 s4, $0x1;
	s4 =	sadd.s32 s21, s2  }
0x9d: {  	[timem:s6], [sflag:s22] =	dma.local [hbm:s4], s20  }
0x9e: {  	_ =	swait.ge [sflag:s22], s20  }
0x9f: {  	s3 =	ssub.s32 $0x0, s20;
	[sflag:s22] =	ssyncset.done $0x0  }
0xa0: {  	[sflag:s22] =	ssyncadd.s32 s3;
	_ =	sdelay $0x1  }
0xa1: {  	s23 =	simm.s32 $0x1B8B  }
0xa2: {  	_ =	swait.ge [sflag:s23], $0x1  }
0xa3: {  	[sflag:s23] =	ssyncset.done $0x0  }
0xa4: {  	s25 =	simm.s32 $0x1B8E;
	s24 =	sld [smem:$0x3FFE];
	[sflag:s23] =	ssyncadd.s32 $0xFFFFFFFF  }
0xa5: {  	s26 =	simm.s32 $execute0_lowered;
	[smem:$0x3FD2] =	sst s25  }
0xa6: {  	s4 =	sshll.u32 s26, $0x1;
	_ =	strace $0x80000046;
	[dreg:$0x1] =	wrdreg $0xFFFFFFFF  }
0xa7: {  	s28 =	simm.s32 $_size_execute0_lowered;
	s2 =	sadd.s32 s2, s4;
	[dreg:$0x0] =	wrdreg $0x0  }
0xa8: {  	s4 =	sshll.u32 s28, $0x1;
	[dreg:$0x2] =	wrdreg s2  }
0xa9: {  	[dreg:$0x3] =	wrdreg s4  }
0xaa: {  	[dreg:$0x4] =	wrdreg $0xC0  }
0xab: {  	_ =	task [dreg:s6], $0x5FFFF  }
0xac: {  	[dreg:$0x1] =	wrdreg $0xFFFFFFFF  }
0xad: {  	[dreg:$0x0] =	wrdreg $0x60  }
0xae: {  	[dreg:$0x2] =	wrdreg s24  }
0xaf: {  	[dreg:$0x3] =	wrdreg $0x68000  }
0xb0: {  	[dreg:$0x4] =	wrdreg $0x9  }
0xb1: {  	_ =	task.clear_ibuf [dreg:s6], $0x5FFFF;
	_ =	strace $0x90000046  }
0xb2: {  	s29 =	simm.s32 $0x9;
	_ =	strace $0x80000048  }
0xb3: {  	_ =	swait.ge [sflag:s29], $0x1  }
0xb4: {  	[sflag:s29] =	ssyncadd.s32 $0xFFFFFFFF  }
0xb5: {  	_ =	strace $0x90000048  }
0xb6: {  	_ =	sfence  }
0xb7: {  	s30 =	sld [smem:$0x0];
	_ =	sdelay $0x2  }
0xb8: {  	s31 =	sshll.u32 s1, $0xD;
	s1 =	sshrl.u32 s1, $0x2  }
0xb9: {  	s3 =	sand.u32 $0x4000, s31;
	s1 =	sadd.s32 s1, s30  }
0xba: {  	s0 =	sor.u32 s3, s0;
	s1 =	sshll.u32 s1, $0x11  }
0xbb: {  	s0 =	sor.u32 s1, s0  }
0xbc: {  	s0 =	sadd.s32 $0x8F2B, s0  }
0xbd: {  	[sflag:s0] =	ssyncadd.remote.s32 $0x1  }
0xbe: {  	_ =	sfence.sel $0xFFFF  }
0xbf: {  	[dreg:$0x0] =	wrdreg $0xFFFFFFFF;
	(pc) =	sbr.abs _section_cstart, $3  }
0xc0: {  	[dreg:$0x1] =	wrdreg $0xFFFFFFFF  }
0xc1: {  	_ =	task.clear_ibuf [dreg:s6], $0x2FFFF;
	_ =	strace $0x9FFFFFFF  }
0xc2: {  	(tm) =	ssettm $0x7FFFFFFF  }
0xc3: {  	_ =	shalt  }
tec
execute0_lowered:
.L_overlay_start_1:
0x0: {  	(tag) =	ssettag $0x1  }
0x1: {  	s1 =	srdreg.scid  }
0x2: {  	s0 =	stileid.u32;
	s5 =	rddreg [dreg:$0x0]  }
0x3: {  	s2 =	rddreg [dreg:$0x1];
	s3 =	simm.s32 $0x0;
	s13 =	simm.s32 $0x2  }
0x4: {  	s14 =	simm.s32 $0x80;
	s15 =	simm.s32 $0x1;
	s8 =	smul.u32 $0x14000, s0  }
0x5: {  	s4 =	sand.u32 $0x1, s1;
	s28 =	sshll.u32 s0, $0x1;
	s9 =	smul.u32 $0x50000, s0  }
0x6: {  	s16 =	simm.s32 $0x0;
	s1 =	sor.u32 s4, s28;
	s7 =	smul.u32 $0x140000, s4  }
0x7: {  	[smem:$0x7FF] =	sst s3;
	s4 =	ssub.s32 $0x2, s4;
	s6 =	smul.u32 $0x500, s1  }
0x8: {  	s1 =	rddreg [dreg:$0x2];
	_ =	strace $0x80000047;
	s30 =	sshrl.u32 s4, $0x1  }
0x9: {  	s31 =	sshrl.u32 s9, $0x2;
	s29 =	sadd.s32 s8, s7;
	s12 =	ssub.s32 s4, s30  }
0xa: {  	s4 =	sadd.s32 s31, s2;
	s10 =	sadd.s32 s6, s5;
	s6 =	sshrl.u32 s29, $0x3  }
0xb: {  	s7 =	sadd.s32 $0xC000, s4;
	s8 =	sadd.s32 $0x10000, s4;
	s11 =	sadd.s32 s6, s5  }
0xc: {  	s5 =	sadd.s32 $0x4000, s4;
	s6 =	sadd.s32 $0x8000, s4;
	s9 =	sadd.s32 $0x5E00, s10  }
0xd: {  	v0 =	vimm.f32 $0.0e+00;
	v1 =	vimm.f32 $1.000000000e+00;
	s10 =	sadd.s32 $0xFE00, s11;
	s11 =	smax.u32 s12, $0x1;
	s12 =	simm.s32 $0x2800  }
.LBB2_1:
0xe: {  	s17 =	simm.s32 $0x0  }
0xf: {  	s18 =	sand.u32 $0xFFFFFF80, s17  }
0x10: {  	s18 =	ssub.s32 $0x0, s18  }
0x11: {  	s17 =	sand.u32 $0x3FFFFF80, s17;
	s18 =	sand.u32 $0xFFFFFF80, s18  }
0x12: {  	s19 =	sand.u32 $0x70, s3;
	s18 =	sadd.s32 s18, s17  }
0x13: {  	s17 =	simm.s32 $0x1;
	s19 =	sor.u32 s19, s18;
	s18 =	simm.s32 $0x0  }
.LBB2_2:
0x14: {  	s20 =	sshll.u32 s17, $0x4;
	p0 =	sne.s32 s17, $0x3FF;
	s17 =	sadd.s32 $0x1, s17;
	[tilespmem:s19+$0x2800] =	vst v0  }
.Ltmp0:
0x15: {  	s18 =	sadd.s32 $0x10, s18;
	s19 =	sand.u32 $0xFFFFFF80, s20;
	(pc) =	sbr.rel @p0 .LBB2_2-.Ltmp0, $4  }
0x16: {  	s19 =	ssub.s32 s18, s19  }
0x17: {  	s20 =	sand.u32 $0x3FFFFF80, s20;
	s19 =	sand.u32 $0xFFFFFF80, s19  }
0x18: {  	s21 =	sand.u32 $0x70, s18;
	s19 =	sadd.s32 s19, s20  }
0x19: {  	s19 =	sor.u32 s21, s19  }
0x1a: {  	[tilespmem:s19+$0x2800] =	vst v0  }
0x1b: {  	[spmem:s4] =	stream.linear.scatter [tilespmem:s12], [sflag:$0x2], $0x4000, $0x38;
	[tilespmem:$0x1A800] =	vst v63  }
0x1c: {  	_ =	swait.ge [sflag:s13], $0x4000  }
0x1d: {  	[sflag:s13] =	ssyncset.done $0x0  }
0x1e: {  	[sflag:s13] =	ssyncadd.s32 $0xFFFFC000  }
0x1f: {  	[spmem:s5] =	stream.linear.scatter [tilespmem:s12], [sflag:$0x2], $0x4000, $0x38;
	[tilespmem:$0x1A800] =	vst v63  }
0x20: {  	_ =	swait.ge [sflag:s13], $0x4000  }
0x21: {  	[sflag:s13] =	ssyncset.done $0x0  }
0x22: {  	[sflag:s13] =	ssyncadd.s32 $0xFFFFC000  }
0x23: {  	[spmem:s6] =	stream.linear.scatter [tilespmem:s12], [sflag:$0x2], $0x4000, $0x38;
	[tilespmem:$0x1A800] =	vst v63  }
0x24: {  	_ =	swait.ge [sflag:s13], $0x4000  }
0x25: {  	[sflag:s13] =	ssyncset.done $0x0  }
0x26: {  	[sflag:s13] =	ssyncadd.s32 $0xFFFFC000  }
0x27: {  	[spmem:s7] =	stream.linear.scatter [tilespmem:s12], [sflag:$0x2], $0x4000, $0x38;
	[tilespmem:$0x1A800] =	vst v63  }
0x28: {  	s18 =	simm.s32 $0x0;
	_ =	swait.ge [sflag:s13], $0x4000  }
0x29: {  	s17 =	sand.u32 $0xFFFFFF80, s18;
	[sflag:s13] =	ssyncset.done $0x0  }
0x2a: {  	s18 =	sand.u32 $0x3FFFFF80, s18;
	s31 =	ssub.s32 $0x0, s17;
	[sflag:s13] =	ssyncadd.s32 $0xFFFFC000  }
0x2b: {  	[spmem:s8] =	stream.linear.scatter [tilespmem:s12], [sflag:$0x2], $0x4000, $0x38;
	[tilespmem:$0x1A800] =	vst v63  }
0x2c: {  	s17 =	simm.s32 $0x0;
	s19 =	sand.u32 $0xFFFFFF80, s31;
	_ =	swait.ge [sflag:s13], $0x4000  }
0x2d: {  	s20 =	sand.u32 $0x70, s17;
	s19 =	sadd.s32 s19, s18;
	[sflag:s13] =	ssyncset.done $0x0  }
0x2e: {  	s18 =	simm.s32 $0x1;
	s19 =	sor.u32 s20, s19;
	[sflag:s13] =	ssyncadd.s32 $0xFFFFC000  }
.LBB2_4:
0x2f: {  	s20 =	sshll.u32 s18, $0x4;
	p0 =	sne.s32 s18, $0x3FF;
	s18 =	sadd.s32 $0x1, s18;
	[tilespmem:s19+$0x2800] =	vst v1  }
.Ltmp1:
0x30: {  	s17 =	sadd.s32 $0x10, s17;
	s19 =	sand.u32 $0xFFFFFF80, s20;
	(pc) =	sbr.rel @p0 .LBB2_4-.Ltmp1, $4  }
0x31: {  	s19 =	ssub.s32 s17, s19  }
0x32: {  	s20 =	sand.u32 $0x3FFFFF80, s20;
	s19 =	sand.u32 $0xFFFFFF80, s19  }
0x33: {  	s21 =	sand.u32 $0x70, s17;
	s19 =	sadd.s32 s19, s20  }
0x34: {  	s19 =	sor.u32 s21, s19  }
0x35: {  	[tilespmem:s19+$0x2800] =	vst v1;
	s17 =	simm.s32 $0x0  }
0x36: {  	[tilespmem:s17], [sflag:$0x2] =	stream.linear.gather [hbm4b:s9+s17], $0x2800, $0x38;
	[tilespmem:$0x1A800] =	vst v63  }
0x37: {  	_ =	swait.ge [sflag:s13], $0x2800  }
0x38: {  	[sflag:s13] =	ssyncset.done $0x0  }
0x39: {  	[sflag:s13] =	ssyncadd.s32 $0xFFFFD800  }
0x3a: {  	s23 =	simm.s32 $0x0;
	[bflag:$0x0] =	sbarrier.arrive $0xFFFF  }
0x3b: {  	[spmem:s2] =	stream.indirect.scatter.add.f32 [tilespmem:s12], [sflag:$0x1], $0x80, s23, s14, $0xb8;
	[tilespmem:$0x1A800] =	vst v63  }
0x3c: {  	s24 =	simm.s32 $0x80  }
0x3d: {  	[spmem:s2] =	stream.indirect.scatter.add.f32 [tilespmem:s12], [sflag:$0x1], $0x80, s24, s14, $0xb8;
	[tilespmem:$0x1A800] =	vst v63  }
0x3e: {  	s25 =	simm.s32 $0x100  }
0x3f: {  	[spmem:s2] =	stream.indirect.scatter.add.f32 [tilespmem:s12], [sflag:$0x1], $0x80, s25, s14, $0xb8;
	[tilespmem:$0x1A800] =	vst v63  }
0x40: {  	s26 =	simm.s32 $0x180  }
0x41: {  	[spmem:s2] =	stream.indirect.scatter.add.f32 [tilespmem:s12], [sflag:$0x1], $0x80, s26, s14, $0xb8;
	[tilespmem:$0x1A800] =	vst v63  }
0x42: {  	s28 =	simm.s32 $0x200  }
0x43: {  	[spmem:s2] =	stream.indirect.scatter.add.f32 [tilespmem:s12], [sflag:$0x1], $0x80, s28, s14, $0xb8;
	[tilespmem:$0x1A800] =	vst v63  }
0x44: {  	s29 =	simm.s32 $0x280  }
0x45: {  	[spmem:s2] =	stream.indirect.scatter.add.f32 [tilespmem:s12], [sflag:$0x1], $0x80, s29, s14, $0xb8;
	[tilespmem:$0x1A800] =	vst v63  }
0x46: {  	s30 =	simm.s32 $0x300  }
0x47: {  	[spmem:s2] =	stream.indirect.scatter.add.f32 [tilespmem:s12], [sflag:$0x1], $0x80, s30, s14, $0xb8;
	[tilespmem:$0x1A800] =	vst v63  }
0x48: {  	s31 =	simm.s32 $0x380  }
0x49: {  	[spmem:s2] =	stream.indirect.scatter.add.f32 [tilespmem:s12], [sflag:$0x1], $0x80, s31, s14, $0xb8;
	[tilespmem:$0x1A800] =	vst v63  }
0x4a: {  	_ =	swait.ge [sflag:s15], $0x4000  }
0x4b: {  	[sflag:s15] =	ssyncset.done $0x0  }
0x4c: {  	[sflag:s15] =	ssyncadd.s32 $0xFFFFC000  }
0x4d: {  	_ =	swait.ge [sflag:s15], $0x4000  }
0x4e: {  	[sflag:s15] =	ssyncset.done $0x0  }
0x4f: {  	[sflag:s15] =	ssyncadd.s32 $0xFFFFC000  }
0x50: {  	_ =	swait.ge [sflag:s15], $0x4000  }
0x51: {  	[sflag:s15] =	ssyncset.done $0x0  }
0x52: {  	[sflag:s15] =	ssyncadd.s32 $0xFFFFC000  }
0x53: {  	_ =	swait.ge [sflag:s15], $0x4000  }
0x54: {  	[sflag:s15] =	ssyncset.done $0x0  }
0x55: {  	[sflag:s15] =	ssyncadd.s32 $0xFFFFC000  }
0x56: {  	_ =	swait.ge [sflag:s15], $0x4000  }
0x57: {  	[sflag:s15] =	ssyncset.done $0x0  }
0x58: {  	[sflag:s15] =	ssyncadd.s32 $0xFFFFC000  }
0x59: {  	_ =	swait.ge [sflag:s15], $0x4000  }
0x5a: {  	[sflag:s15] =	ssyncset.done $0x0  }
0x5b: {  	[sflag:s15] =	ssyncadd.s32 $0xFFFFC000  }
0x5c: {  	_ =	swait.ge [sflag:s15], $0x4000  }
0x5d: {  	[sflag:s15] =	ssyncset.done $0x0  }
0x5e: {  	[sflag:s15] =	ssyncadd.s32 $0xFFFFC000  }
0x5f: {  	_ =	swait.ge [sflag:s15], $0x4000  }
0x60: {  	s19 =	simm.s32 $0x2000;
	s17 =	simm.s32 $0x1000;
	[sflag:s15] =	ssyncset.done $0x0  }
.LBB2_6:
0x61: {  	s20 =	sshra.s32 s17, $0x2  }
0x62: {  	[sflag:s15] =	ssyncadd.s32 $0xFFFFC000;
	s17 =	smov.u32 s19;
	s18 =	sadd.s32 $0x1000, s19  }
0x63: {  	[spmem:s2] =	stream.indirect.scatter.add.f32 [tilespmem:s12], [sflag:$0x1], $0x80, s20, s14, $0xb8;
	[tilespmem:$0x1A800] =	vst v63  }
0x64: {  	p0 =	sne.s32 s19, $0x9000;
	s19 =	sadd.s32 $0x80, s20  }
0x65: {  	[spmem:s2] =	stream.indirect.scatter.add.f32 [tilespmem:s12], [sflag:$0x1], $0x80, s19, s14, $0xb8;
	[tilespmem:$0x1A800] =	vst v63  }
0x66: {  	s19 =	sadd.s32 $0x100, s20  }
0x67: {  	[spmem:s2] =	stream.indirect.scatter.add.f32 [tilespmem:s12], [sflag:$0x1], $0x80, s19, s14, $0xb8;
	[tilespmem:$0x1A800] =	vst v63  }
0x68: {  	s19 =	sadd.s32 $0x180, s20  }
0x69: {  	[spmem:s2] =	stream.indirect.scatter.add.f32 [tilespmem:s12], [sflag:$0x1], $0x80, s19, s14, $0xb8;
	[tilespmem:$0x1A800] =	vst v63  }
0x6a: {  	s19 =	sadd.s32 $0x200, s20  }
0x6b: {  	[spmem:s2] =	stream.indirect.scatter.add.f32 [tilespmem:s12], [sflag:$0x1], $0x80, s19, s14, $0xb8;
	[tilespmem:$0x1A800] =	vst v63  }
0x6c: {  	s19 =	sadd.s32 $0x280, s20  }
0x6d: {  	[spmem:s2] =	stream.indirect.scatter.add.f32 [tilespmem:s12], [sflag:$0x1], $0x80, s19, s14, $0xb8;
	[tilespmem:$0x1A800] =	vst v63  }
0x6e: {  	s19 =	sadd.s32 $0x300, s20  }
0x6f: {  	[spmem:s2] =	stream.indirect.scatter.add.f32 [tilespmem:s12], [sflag:$0x1], $0x80, s19, s14, $0xb8;
	[tilespmem:$0x1A800] =	vst v63  }
0x70: {  	s19 =	sadd.s32 $0x380, s20  }
0x71: {  	[spmem:s2] =	stream.indirect.scatter.add.f32 [tilespmem:s12], [sflag:$0x1], $0x80, s19, s14, $0xb8;
	[tilespmem:$0x1A800] =	vst v63  }
0x72: {  	_ =	swait.ge [sflag:s15], $0x4000  }
0x73: {  	[sflag:s15] =	ssyncset.done $0x0  }
0x74: {  	[sflag:s15] =	ssyncadd.s32 $0xFFFFC000  }
0x75: {  	_ =	swait.ge [sflag:s15], $0x4000  }
0x76: {  	[sflag:s15] =	ssyncset.done $0x0  }
0x77: {  	[sflag:s15] =	ssyncadd.s32 $0xFFFFC000  }
0x78: {  	_ =	swait.ge [sflag:s15], $0x4000  }
0x79: {  	[sflag:s15] =	ssyncset.done $0x0  }
0x7a: {  	[sflag:s15] =	ssyncadd.s32 $0xFFFFC000  }
0x7b: {  	_ =	swait.ge [sflag:s15], $0x4000  }
0x7c: {  	[sflag:s15] =	ssyncset.done $0x0  }
0x7d: {  	[sflag:s15] =	ssyncadd.s32 $0xFFFFC000  }
0x7e: {  	_ =	swait.ge [sflag:s15], $0x4000  }
0x7f: {  	[sflag:s15] =	ssyncset.done $0x0  }
0x80: {  	[sflag:s15] =	ssyncadd.s32 $0xFFFFC000  }
0x81: {  	_ =	swait.ge [sflag:s15], $0x4000  }
0x82: {  	[sflag:s15] =	ssyncset.done $0x0  }
0x83: {  	[sflag:s15] =	ssyncadd.s32 $0xFFFFC000  }
.Ltmp2:
0x84: {  	_ =	swait.ge [sflag:s15], $0x4000;
	(pc) =	sbr.rel @p0 .LBB2_6-.Ltmp2, $4  }
0x85: {  	[sflag:s15] =	ssyncset.done $0x0  }
0x86: {  	[sflag:s15] =	ssyncadd.s32 $0xFFFFC000  }
0x87: {  	_ =	swait.ge [sflag:s15], $0x4000  }
0x88: {  	s19 =	smov.u32 s18;
	[sflag:s15] =	ssyncset.done $0x0  }
0x89: {  	s17 =	sshra.s32 s17, $0x2;
	[sflag:s15] =	ssyncadd.s32 $0xFFFFC000  }
0x8a: {  	[spmem:s2] =	stream.indirect.scatter.add.f32 [tilespmem:s12], [sflag:$0x1], $0x80, s17, s14, $0xb8;
	[tilespmem:$0x1A800] =	vst v63  }
0x8b: {  	s18 =	sadd.s32 $0x80, s17  }
0x8c: {  	[spmem:s2] =	stream.indirect.scatter.add.f32 [tilespmem:s12], [sflag:$0x1], $0x80, s18, s14, $0xb8;
	[tilespmem:$0x1A800] =	vst v63  }
0x8d: {  	s24 =	sadd.s32 $0x100, s17  }
0x8e: {  	[spmem:s2] =	stream.indirect.scatter.add.f32 [tilespmem:s12], [sflag:$0x1], $0x80, s24, s14, $0xb8;
	[tilespmem:$0x1A800] =	vst v63  }
0x8f: {  	s25 =	sadd.s32 $0x180, s17  }
0x90: {  	[spmem:s2] =	stream.indirect.scatter.add.f32 [tilespmem:s12], [sflag:$0x1], $0x80, s25, s14, $0xb8;
	[tilespmem:$0x1A800] =	vst v63  }
0x91: {  	s26 =	sadd.s32 $0x200, s17  }
0x92: {  	[spmem:s2] =	stream.indirect.scatter.add.f32 [tilespmem:s12], [sflag:$0x1], $0x80, s26, s14, $0xb8;
	[tilespmem:$0x1A800] =	vst v63  }
0x93: {  	s28 =	sadd.s32 $0x280, s17  }
0x94: {  	[spmem:s2] =	stream.indirect.scatter.add.f32 [tilespmem:s12], [sflag:$0x1], $0x80, s28, s14, $0xb8;
	[tilespmem:$0x1A800] =	vst v63  }
0x95: {  	s29 =	sadd.s32 $0x300, s17  }
0x96: {  	[spmem:s2] =	stream.indirect.scatter.add.f32 [tilespmem:s12], [sflag:$0x1], $0x80, s29, s14, $0xb8;
	[tilespmem:$0x1A800] =	vst v63  }
0x97: {  	s17 =	sadd.s32 $0x380, s17  }
0x98: {  	[spmem:s2] =	stream.indirect.scatter.add.f32 [tilespmem:s12], [sflag:$0x1], $0x80, s17, s14, $0xb8;
	[tilespmem:$0x1A800] =	vst v63  }
0x99: {  	_ =	swait.ge [sflag:s15], $0x4000  }
0x9a: {  	[sflag:s15] =	ssyncset.done $0x0  }
0x9b: {  	[sflag:s15] =	ssyncadd.s32 $0xFFFFC000  }
0x9c: {  	_ =	swait.ge [sflag:s15], $0x4000  }
0x9d: {  	[sflag:s15] =	ssyncset.done $0x0  }
0x9e: {  	[sflag:s15] =	ssyncadd.s32 $0xFFFFC000  }
0x9f: {  	_ =	swait.ge [sflag:s15], $0x4000  }
0xa0: {  	[sflag:s15] =	ssyncset.done $0x0  }
0xa1: {  	[sflag:s15] =	ssyncadd.s32 $0xFFFFC000  }
0xa2: {  	_ =	swait.ge [sflag:s15], $0x4000  }
0xa3: {  	[sflag:s15] =	ssyncset.done $0x0  }
0xa4: {  	[sflag:s15] =	ssyncadd.s32 $0xFFFFC000  }
0xa5: {  	_ =	swait.ge [sflag:s15], $0x4000  }
0xa6: {  	[sflag:s15] =	ssyncset.done $0x0  }
0xa7: {  	[sflag:s15] =	ssyncadd.s32 $0xFFFFC000  }
0xa8: {  	_ =	swait.ge [sflag:s15], $0x4000  }
0xa9: {  	[sflag:s15] =	ssyncset.done $0x0  }
0xaa: {  	[sflag:s15] =	ssyncadd.s32 $0xFFFFC000  }
0xab: {  	_ =	swait.ge [sflag:s15], $0x4000  }
0xac: {  	[sflag:s15] =	ssyncset.done $0x0  }
0xad: {  	[sflag:s15] =	ssyncadd.s32 $0xFFFFC000  }
0xae: {  	_ =	swait.ge [sflag:s15], $0x4000  }
0xaf: {  	s30 =	sshll.u32 s0, $0x6;
	s16 =	sadd.s32 $0x1, s16;
	[sflag:s15] =	ssyncset.done $0x0  }
0xb0: {  	s31 =	sshrl.u32 s4, $0x3;
	p0 =	sne.s32 s16, s11;
	[sflag:s15] =	ssyncadd.s32 $0xFFFFC000  }
.Ltmp3:
0xb1: {  	s17 =	sor.u32 $0x1C02, s30;
	[bflag:$0x0] =	sbarrier.arrive $0xFFFF;
	(pc) =	sbr.rel @p0 .LBB2_1-.Ltmp3, $4  }
0xb2: {  	[hbm:s10], [sflag:s17] =	dma.local [spmem:s31], $0x2800  }
0xb3: {  	_ =	swait.ge [sflag:s13], $0x2800  }
0xb4: {  	[sflag:s13] =	ssyncset.done $0x0  }
0xb5: {  	[sflag:s13] =	ssyncadd.s32 $0xFFFFD800  }
0xb6: {  	_ =	sfence.sel $0x180000  }
0xb7: {  	[bflag:$0x0] =	sbarrier.arrive $0xFFFF  }
0xb8: {  	p0 =	sne.s32 s0, $0x0;
	_ =	strace $0x90000047  }
0xb9: {  	s0 =	sadd.s32 @!p0 $0x100000, s1;
	[bflag:$0x2] =	sbarrier.arrive $0xFFFF  }
0xba: {  	[sflag:s0] =	ssyncadd.tile.s32 @!p0 $0x1;
	_ =	shalt  }
.Lfunc_end2:
_tile_overlayer_lowered:
.L_overlay_start_2:
0xbb: {  	(tag) =	ssettag $0x2  }
0xbc: {  	s0 =	rddreg [dreg:$0x0];
	s2 =	stileid.u32  }
0xbd: {  	s1 =	rddreg [dreg:$0x1];
	p0 =	sne.s32 s2, $0x0  }
0xbe: {  	s3 =	rddreg [dreg:$0x2];
	[bflag:$0x3] =	sbarrier.arrive $0xFFFF;
	s2 =	simm.s32 @!p0 $0x1C02  }
0xbf: {  	[timem:s3], [sflag:s2] =	dma.local @!p0 [hbm:s0], s1  }
0xc0: {  	s0 =	simm.s32 @!p0 $0x2  }
0xc1: {  	_ =	swait.ge @!p0 [sflag:s0], s1  }
0xc2: {  	s1 =	ssub.s32 @!p0 $0x0, s1;
	[sflag:s0] =	ssyncset.done @!p0 $0x0  }
0xc3: {  	[sflag:s0] =	ssyncadd.s32 @!p0 s1  }
0xc4: {  	[bflag:$0x3] =	sbarrier.arrive $0xFFFF  }
0xc5: {  	_ =	shalt  }

// kernel: kernel.19.cloned.1.call-start
scs
__scs_entry_jumppad:
0x0: {  	(pc) =	sbr.rel $0x88, $3  }
0x1: {  	(tag) =	ssettag $0x0;
	lr =	simm.s32 $0x1  }
0x2: {  	[smem:$0x3F93] =	sst lr;
	_ =	strace $0xD0000000  }
0x3: {  	_ = 	snop  }
0x4: {  	_ = 	snop  }
0x5: {  	_ = 	snop  }
0x6: {  	_ = 	snop  }
0x7: {  	_ = 	snop  }
__scs_overlays_trampoline_lowered:
0x8: {  	[smem:$0x3FA2] =	sst s0  }
0x9: {  	[smem:$0x3FA3] =	sst s1  }
0xa: {  	[smem:$0x3FA4] =	sst s2  }
0xb: {  	[smem:$0x3FA5] =	sst s3  }
0xc: {  	[smem:$0x3FA6] =	sst s4  }
0xd: {  	[smem:$0x3FA7] =	sst s5  }
0xe: {  	[smem:$0x3FA8] =	sst s6  }
0xf: {  	[smem:$0x3FA9] =	sst s7  }
0x10: {  	[smem:$0x3FAA] =	sst s8  }
0x11: {  	[smem:$0x3FAB] =	sst s9;
	s0 =	simm.s32 @!p0 $0x0  }
0x12: {  	s1 =	sld [smem:$0x3F91];
	s0 =	simm.s32 @p0 $0x1  }
0x13: {  	[smem:$0x3FAC] =	sst s0;
	s0 =	simm.s32 @!p1 $0x0  }
0x14: {  	s2 =	sld [smem:$0x3F90];
	s0 =	simm.s32 @p1 $0x1  }
0x15: {  	[smem:$0x3FAD] =	sst s0;
	s0 =	simm.s32 @!p2 $0x0  }
0x16: {  	s3 =	sld [smem:$0x3FDB];
	s0 =	simm.s32 @p2 $0x1  }
0x17: {  	s4 =	simm.s32 $0x1BF5;
	[smem:$0x3FAF] =	sst s0  }
0x18: {  	s0 =	sld [smem:$0x3F92];
	_ =	swait.ge [sflag:s4], $0x0  }
0x19: {  	s7 =	sld [smem:$0x3F93]  }
0x1a: {  	s8 =	sadd.s32 $0xFFFFE003, lr  }
0x1b: {  	s9 =	sadd.s32 $0xFFFFFEF7, lr;
	s5 =	simm.s32 $0xFFFFFFFF;
	p2 =	slt.u32 s8, $0xFFFFF086  }
0x1c: {  	p1 =	slt.u32 s9, $0xF7A;
	s5 =	simm.s32 @!p2 $0x0  }
0x1d: {  	s5 =	simm.s32 @p1 $0x1;
	p0 =	seq.s32 s7, s2  }
0x1e: {  	s7 =	smul.u32 @!p0 $0xF7A, s2;
	p2 =	seq.s32 @!p0 s5, $0x0  }
0x1f: {  	s9 =	smul.u32 $0xF7A, s1;
	s8 =	simm.s32 @!p0 $0x1BF5;
	p2 =	por !p2, p0  }
0x20: {  	[sflag:s8] =	ssyncset.s32 @!p0 $0xFFFFF086;
	s6 =	sadd.s32 @!p0 s3, s7;
	s7 =	simm.s32 @!p0 $0x108  }
0x21: {  	s3 =	sadd.s32 s3, s9;
	s6 =	sadd.s32 @!p0 $0x88, s6;
	s7 =	simm.s32 @p2 $0x1082  }
0x22: {  	[simem:s7], [sflag:s8] =	dma.local @!p0 [hbm:s6], $0xF7A  }
0x23: {  	s9 =	sor.u32 $0xD0000000, s2;
	s6 =	simm.s32 $0x108;
	_ =	swait.ge @!p0 [sflag:s8], $0x0  }
0x24: {  	s3 =	sadd.s32 $0x88, s3;
	s6 =	simm.s32 @!p1 $0x1082;
	[sflag:s4] =	ssyncset.s32 $0xFFFFF086  }
0x25: {  	[simem:s6], [sflag:s4] =	dma.local [hbm:s3], $0xF7A  }
0x26: {  	[smem:$0x3F93] =	sst s1;
	(tag) =	ssettag s2;
	_ =	strace s9  }
0x27: {  	s1 =	sld [smem:$0x3FA3]  }
0x28: {  	s2 =	sld [smem:$0x3FA4]  }
0x29: {  	s4 =	sld [smem:$0x3FA6]  }
0x2a: {  	p0 =	seq.s32 s5, $0x0;
	s5 =	sld [smem:$0x3FA7]  }
0x2b: {  	s6 =	sld [smem:$0x3FA8]  }
0x2c: {  	s7 =	sld [smem:$0x3FA9]  }
0x2d: {  	s3 =	simm.s32 $0x108;
	s8 =	sld [smem:$0x3FAA]  }
0x2e: {  	s3 =	simm.s32 @!p0 $0x1082;
	s9 =	sld [smem:$0x3FAB]  }
0x2f: {  	lr =	sadd.s32 s0, s3;
	s0 =	sld [smem:$0x3FA2]  }
0x30: {  	s3 =	sld [smem:$0x3FA5]  }
0x31: {  	[smem:$0x3FAE] =	sst s10  }
0x32: {  	s10 =	sld [smem:$0x3FAC];
	_ =	sdelay $0x3  }
0x33: {  	p0 =	seq.s32 s10, $0x1;
	s10 =	sld [smem:$0x3FAE];
	_ =	sdelay $0x3  }
0x34: {  	[smem:$0x3FAE] =	sst s10  }
0x35: {  	s10 =	sld [smem:$0x3FAD];
	_ =	sdelay $0x3  }
0x36: {  	p1 =	seq.s32 s10, $0x1;
	s10 =	sld [smem:$0x3FAE];
	_ =	sdelay $0x3  }
0x37: {  	[smem:$0x3FAE] =	sst s10  }
0x38: {  	s10 =	sld [smem:$0x3FAF]  }
0x39: {  	_ = 	snop;
	(pc) =	sbr.ind lr, $3  }
0x3a: {  	_ = 	snop  }
0x3b: {  	_ = 	snop  }
0x3c: {  	p2 =	seq.s32 s10, $0x1;
	s10 =	sld [smem:$0x3FAE]  }
0x3d: {  	_ =	shalt  }
0x3e: {  	_ =	shalt  }
0x3f: {  	_ =	shalt  }
0x40: {  	_ =	shalt  }
0x41: {  	_ =	shalt  }
0x42: {  	_ =	shalt  }
0x43: {  	_ =	shalt  }
0x44: {  	_ =	shalt  }
0x45: {  	_ =	shalt  }
0x46: {  	_ =	shalt  }
0x47: {  	_ =	shalt  }
0x48: {  	_ =	shalt  }
0x49: {  	_ =	shalt  }
0x4a: {  	_ =	shalt  }
0x4b: {  	_ =	shalt  }
0x4c: {  	_ =	shalt  }
0x4d: {  	_ =	shalt  }
0x4e: {  	_ =	shalt  }
0x4f: {  	_ =	shalt  }
0x50: {  	_ =	shalt  }
0x51: {  	_ =	shalt  }
0x52: {  	_ =	shalt  }
0x53: {  	_ =	shalt  }
0x54: {  	_ =	shalt  }
0x55: {  	_ =	shalt  }
0x56: {  	_ =	shalt  }
0x57: {  	_ =	shalt  }
0x58: {  	_ =	shalt  }
0x59: {  	_ =	shalt  }
0x5a: {  	_ =	shalt  }
0x5b: {  	_ =	shalt  }
0x5c: {  	_ =	shalt  }
0x5d: {  	_ =	shalt  }
0x5e: {  	_ =	shalt  }
0x5f: {  	_ =	shalt  }
0x60: {  	_ =	shalt  }
0x61: {  	_ =	shalt  }
0x62: {  	_ =	shalt  }
0x63: {  	_ =	shalt  }
0x64: {  	_ =	shalt  }
0x65: {  	_ =	shalt  }
0x66: {  	_ =	shalt  }
0x67: {  	_ =	shalt  }
0x68: {  	_ =	shalt  }
0x69: {  	_ =	shalt  }
0x6a: {  	_ =	shalt  }
0x6b: {  	_ =	shalt  }
0x6c: {  	_ =	shalt  }
0x6d: {  	_ =	shalt  }
0x6e: {  	_ =	shalt  }
0x6f: {  	_ =	shalt  }
0x70: {  	_ =	shalt  }
0x71: {  	_ =	shalt  }
0x72: {  	_ =	shalt  }
0x73: {  	_ =	shalt  }
0x74: {  	_ =	shalt  }
0x75: {  	_ =	shalt  }
0x76: {  	_ =	shalt  }
0x77: {  	_ =	shalt  }
0x78: {  	_ =	shalt  }
0x79: {  	_ =	shalt  }
0x7a: {  	_ =	shalt  }
0x7b: {  	_ =	shalt  }
0x7c: {  	_ =	shalt  }
0x7d: {  	_ =	shalt  }
0x7e: {  	_ =	shalt  }
0x7f: {  	_ =	shalt  }
0x80: {  	_ =	shalt  }
0x81: {  	_ =	shalt  }
0x82: {  	_ =	shalt  }
0x83: {  	_ =	shalt  }
0x84: {  	_ =	shalt  }
0x85: {  	_ =	shalt  }
0x86: {  	_ =	shalt  }
0x87: {  	_ =	shalt  }
.Lfunc_end0:
.L_simem_size_0:
called_computation.1_lowered:
.L_overlay_start_0:
0x88: {  	s2 =	sld [smem:$0x3FD9]  }
0x89: {  	s3 =	sld [smem:$0x3FFE];
	_ =	sdelay $0x1  }
0x8a: {  	s1 =	srdreg.scid  }
0x8b: {  	s0 =	sand.u32 $0x1, s1  }
0x8c: {  	s16 =	sshll.u32 s0, $0xA;
	s2 =	sadd.s32 s3, s2  }
0x8d: {  	s2 =	sadd.s32 s2, s16  }
0x8e: {  	[smem:$0x3FBA] =	sst s2  }
0x8f: {  	_ = 	snop  }
0x90: {  	(tm) =	ssettm $0x1  }
0x91: {  	s17 =	sld [smem:$0x3FFB];
	_ =	sdelay $0x3  }
0x92: {  	_ =	strace s17  }
0x93: {  	s2 =	sld [smem:$0x3FFC];
	_ =	sdelay $0x3  }
0x94: {  	_ =	strace s2  }
0x95: {  	s2 =	sld [smem:$0x3FFD];
	_ =	sdelay $0x3  }
0x96: {  	_ =	strace s2  }
0x97: {  	_ =	strace $0x8FFFFFFF  }
0x98: {  	s18 =	sld [smem:$0x3FDB];
	_ =	sdelay $0x1  }
0x99: {  	s19 =	simm.s32 $_scs_section_size  }
0x9a: {  	s4 =	simm.s32 $_size__tile_overlayer_lowered;
	s5 =	simm.s32 $_tile_overlayer_lowered  }
0x9b: {  	s22 =	simm.s32 $0x1BFF;
	s21 =	sshll.u32 s5, $0x1;
	s2 =	sadd.s32 s19, s18  }
0x9c: {  	s6 =	simm.s32 $0x0;
	s20 =	sshll.u32 s4, $0x1;
	s4 =	sadd.s32 s21, s2  }
0x9d: {  	[timem:s6], [sflag:s22] =	dma.local [hbm:s4], s20  }
0x9e: {  	_ =	swait.ge [sflag:s22], s20  }
0x9f: {  	s3 =	ssub.s32 $0x0, s20;
	[sflag:s22] =	ssyncset.done $0x0  }
0xa0: {  	[sflag:s22] =	ssyncadd.s32 s3;
	_ =	sdelay $0x1  }
0xa1: {  	s23 =	simm.s32 $0x1B8B  }
0xa2: {  	_ =	swait.ge [sflag:s23], $0x1  }
0xa3: {  	[sflag:s23] =	ssyncset.done $0x0  }
0xa4: {  	s25 =	simm.s32 $0x1B8E;
	s24 =	sld [smem:$0x3FFE];
	[sflag:s23] =	ssyncadd.s32 $0xFFFFFFFF  }
0xa5: {  	s26 =	simm.s32 $execute0_lowered;
	[smem:$0x3FD2] =	sst s25  }
0xa6: {  	s4 =	sshll.u32 s26, $0x1;
	_ =	strace $0x80000049;
	[dreg:$0x1] =	wrdreg $0xFFFFFFFF  }
0xa7: {  	s28 =	simm.s32 $_size_execute0_lowered;
	s2 =	sadd.s32 s2, s4;
	[dreg:$0x0] =	wrdreg $0x0  }
0xa8: {  	s4 =	sshll.u32 s28, $0x1;
	[dreg:$0x2] =	wrdreg s2  }
0xa9: {  	[dreg:$0x3] =	wrdreg s4  }
0xaa: {  	[dreg:$0x4] =	wrdreg $0xC0  }
0xab: {  	_ =	task [dreg:s6], $0x5FFFF  }
0xac: {  	[dreg:$0x1] =	wrdreg $0xFFFFFFFF  }
0xad: {  	[dreg:$0x0] =	wrdreg $0x60  }
0xae: {  	[dreg:$0x2] =	wrdreg s24  }
0xaf: {  	[dreg:$0x3] =	wrdreg $0x82000  }
0xb0: {  	[dreg:$0x4] =	wrdreg $0x9  }
0xb1: {  	_ =	task.clear_ibuf [dreg:s6], $0x5FFFF;
	_ =	strace $0x90000049  }
0xb2: {  	s29 =	simm.s32 $0x9;
	_ =	strace $0x8000004B  }
0xb3: {  	_ =	swait.ge [sflag:s29], $0x1  }
0xb4: {  	[sflag:s29] =	ssyncadd.s32 $0xFFFFFFFF  }
0xb5: {  	_ =	strace $0x9000004B  }
0xb6: {  	_ =	sfence  }
0xb7: {  	s30 =	sld [smem:$0x0];
	_ =	sdelay $0x2  }
0xb8: {  	s31 =	sshll.u32 s1, $0xD;
	s1 =	sshrl.u32 s1, $0x2  }
0xb9: {  	s3 =	sand.u32 $0x4000, s31;
	s1 =	sadd.s32 s1, s30  }
0xba: {  	s0 =	sor.u32 s3, s0;
	s1 =	sshll.u32 s1, $0x11  }
0xbb: {  	s0 =	sor.u32 s1, s0  }
0xbc: {  	s0 =	sadd.s32 $0x8F2B, s0  }
0xbd: {  	[sflag:s0] =	ssyncadd.remote.s32 $0x1  }
0xbe: {  	_ =	sfence.sel $0xFFFF  }
0xbf: {  	[dreg:$0x0] =	wrdreg $0xFFFFFFFF;
	(pc) =	sbr.abs _section_cstart, $3  }
0xc0: {  	[dreg:$0x1] =	wrdreg $0xFFFFFFFF  }
0xc1: {  	_ =	task.clear_ibuf [dreg:s6], $0x2FFFF;
	_ =	strace $0x9FFFFFFF  }
0xc2: {  	(tm) =	ssettm $0x7FFFFFFF  }
0xc3: {  	_ =	shalt  }
tec
execute0_lowered:
.L_overlay_start_1:
0x0: {  	(tag) =	ssettag $0x1  }
0x1: {  	s0 =	rddreg [dreg:$0x0];
	s1 =	srdreg.scid  }
0x2: {  	s2 =	rddreg [dreg:$0x1];
	s9 =	stileid.u32;
	s3 =	simm.s32 $0x0  }
0x3: {  	s19 =	simm.s32 $0x200;
	s20 =	simm.s32 $0x5;
	s21 =	simm.s32 $0x80  }
0x4: {  	s28 =	simm.s32 $0x3;
	s29 =	simm.s32 $0x4;
	s30 =	simm.s32 $0x0  }
0x5: {  	s1 =	sand.u32 $0x1, s1;
	s6 =	smul.u32 $0x14000, s9;
	[smem:$0x7FF] =	sst s3  }
0x6: {  	s4 =	sadd.s32 $0x5FE00, s0;
	s8 =	smul.u32 $0x50000, s9;
	s22 =	sshll.u32 s9, $0x1  }
0x7: {  	s5 =	smul.u32 $0x140000, s1;
	_ =	strace $0x8000004A;
	s23 =	ssub.s32 $0x2, s1  }
0x8: {  	s1 =	sor.u32 s1, s22;
	s22 =	simm.s32 $0x100;
	s24 =	sshrl.u32 s8, $0x2  }
0x9: {  	s10 =	sshrl.u32 s23, $0x1;
	s8 =	smul.u32 $0x2800, s1;
	s6 =	sadd.s32 s6, s5  }
0xa: {  	s5 =	sadd.s32 $0x5E00, s0;
	s25 =	ssub.s32 s23, s10;
	s23 =	simm.s32 $0x180  }
0xb: {  	s7 =	sshrl.u32 s6, $0x3;
	s6 =	sadd.s32 $0xFE00, s0;
	s15 =	sshrl.u32 s8, $0x3  }
0xc: {  	s18 =	smax.u32 s25, $0x1;
	s25 =	simm.s32 $0x2;
	s0 =	sadd.s32 s7, s0  }
0xd: {  	s7 =	sadd.s32 s24, s2;
	s13 =	sadd.s32 s4, s15;
	s14 =	sadd.s32 s5, s15  }
0xe: {  	s16 =	sor.u32 $0x10, s15;
	s24 =	simm.s32 $0x1;
	s26 =	sadd.s32 $0x4000, s7  }
0xf: {  	s31 =	sadd.s32 $0x8000, s7;
	s11 =	sadd.s32 $0xC000, s7;
	s12 =	sadd.s32 $0x10000, s7  }
0x10: {  	s15 =	sadd.s32 s4, s16;
	s16 =	sadd.s32 s5, s16;
	[dreg:$0x3] =	wrdreg s26  }
0x11: {  	v0 =	vimm.f32 $0.0e+00;
	s17 =	sadd.s32 $0x6AE00, s0;
	[dreg:$0x4] =	wrdreg s31;
	s26 =	simm.s32 $0x4200  }
.LBB2_1:
0x12: {  	s0 =	simm.s32 $0x0  }
0x13: {  	s1 =	sand.u32 $0xFFFFFF80, s0  }
0x14: {  	s1 =	ssub.s32 $0x0, s1  }
0x15: {  	s0 =	sand.u32 $0x3FFFFF80, s0;
	s1 =	sand.u32 $0xFFFFFF80, s1  }
0x16: {  	s31 =	sand.u32 $0x70, s3;
	s1 =	sadd.s32 s1, s0  }
0x17: {  	s0 =	simm.s32 $0x1;
	s1 =	sor.u32 s31, s1;
	s31 =	simm.s32 $0x0  }
.LBB2_2:
0x18: {  	s9 =	sshll.u32 s0, $0x4;
	p0 =	sne.s32 s0, $0x3FF;
	s0 =	sadd.s32 $0x1, s0;
	[tilespmem:s1+$0x200] =	vst v0  }
.Ltmp0:
0x19: {  	s31 =	sadd.s32 $0x10, s31;
	s1 =	sand.u32 $0xFFFFFF80, s9;
	(pc) =	sbr.rel @p0 .LBB2_2-.Ltmp0, $4  }
0x1a: {  	s1 =	ssub.s32 s31, s1  }
0x1b: {  	s9 =	sand.u32 $0x3FFFFF80, s9;
	s1 =	sand.u32 $0xFFFFFF80, s1  }
0x1c: {  	s10 =	sand.u32 $0x70, s31;
	s1 =	sadd.s32 s1, s9  }
0x1d: {  	s1 =	sor.u32 s10, s1  }
0x1e: {  	[tilespmem:s1+$0x200] =	vst v0  }
0x1f: {  	[spmem:s7] =	stream.linear.scatter [tilespmem:s19], [sflag:$0x5], $0x4000, $0x38;
	[tilespmem:$0x1C200] =	vst v63  }
0x20: {  	_ =	swait.ge [sflag:s20], $0x4000  }
0x21: {  	[sflag:s20] =	ssyncset.done $0x0  }
0x22: {  	s0 =	rddreg [dreg:$0x3];
	[sflag:s20] =	ssyncadd.s32 $0xFFFFC000  }
0x23: {  	[spmem:s0] =	stream.linear.scatter [tilespmem:s19], [sflag:$0x5], $0x4000, $0x38;
	[tilespmem:$0x1C200] =	vst v63  }
0x24: {  	_ =	swait.ge [sflag:s20], $0x4000  }
0x25: {  	[sflag:s20] =	ssyncset.done $0x0  }
0x26: {  	s1 =	rddreg [dreg:$0x4];
	[sflag:s20] =	ssyncadd.s32 $0xFFFFC000  }
0x27: {  	[spmem:s1] =	stream.linear.scatter [tilespmem:s19], [sflag:$0x5], $0x4000, $0x38;
	[tilespmem:$0x1C200] =	vst v63  }
0x28: {  	_ =	swait.ge [sflag:s20], $0x4000  }
0x29: {  	[sflag:s20] =	ssyncset.done $0x0  }
0x2a: {  	[sflag:s20] =	ssyncadd.s32 $0xFFFFC000  }
0x2b: {  	[spmem:s11] =	stream.linear.scatter [tilespmem:s19], [sflag:$0x5], $0x4000, $0x38;
	[tilespmem:$0x1C200] =	vst v63  }
0x2c: {  	_ =	swait.ge [sflag:s20], $0x4000  }
0x2d: {  	[sflag:s20] =	ssyncset.done $0x0  }
0x2e: {  	[sflag:s20] =	ssyncadd.s32 $0xFFFFC000  }
0x2f: {  	[spmem:s12] =	stream.linear.scatter [tilespmem:s19], [sflag:$0x5], $0x4000, $0x38;
	[tilespmem:$0x1C200] =	vst v63  }
0x30: {  	_ =	swait.ge [sflag:s20], $0x4000  }
0x31: {  	[sflag:s20] =	ssyncset.done $0x0  }
0x32: {  	[sflag:s20] =	ssyncadd.s32 $0xFFFFC000  }
0x33: {  	s9 =	simm.s32 $0x0;
	[bflag:$0x0] =	sbarrier.arrive $0xFFFF  }
0x34: {  	[tilespmem:s9], [sflag:$0x1] =	stream.linear.gather [hbm4b:s13+s9], $0x80, $0x38;
	[tilespmem:$0x1C200] =	vst v63  }
0x35: {  	_ = 	snop  }
0x36: {  	[tilespmem:s21], [sflag:$0x1] =	stream.linear.gather [hbm4b:s14+s9], $0x80, $0x38;
	[tilespmem:$0x1C200] =	vst v63  }
0x37: {  	_ = 	snop  }
0x38: {  	[tilespmem:s22], [sflag:$0x2] =	stream.linear.gather [hbm4b:s15+s9], $0x80, $0x38;
	[tilespmem:$0x1C200] =	vst v63  }
0x39: {  	_ = 	snop  }
0x3a: {  	[tilespmem:s23], [sflag:$0x2] =	stream.linear.gather [hbm4b:s16+s9], $0x80, $0x38;
	[tilespmem:$0x1C200] =	vst v63  }
0x3b: {  	_ =	swait.ge [sflag:s24], $0x80  }
0x3c: {  	[sflag:s24] =	ssyncset.done $0x0  }
0x3d: {  	[sflag:s24] =	ssyncadd.s32 $0xFFFFFF80  }
0x3e: {  	_ =	swait.ge [sflag:s24], $0x80  }
0x3f: {  	[sflag:s24] =	ssyncset.done $0x0  }
0x40: {  	[sflag:s24] =	ssyncadd.s32 $0xFFFFFF80  }
0x41: {  	[tilespmem:s19], [sflag:$0x3] =	stream.indirect.gather [hbm4b:s6+s21], $0x80, s3, s21, $0xb8;
	[tilespmem:$0x1C200] =	vst v63  }
0x42: {  	_ =	swait.ge [sflag:s25], $0x80  }
0x43: {  	[sflag:s25] =	ssyncset.done $0x0  }
0x44: {  	[sflag:s25] =	ssyncadd.s32 $0xFFFFFF80  }
0x45: {  	_ =	swait.ge [sflag:s25], $0x80  }
0x46: {  	s0 =	smin.u32 s9, $0x4C;
	[sflag:s25] =	ssyncset.done $0x0  }
0x47: {  	s0 =	sshll.u32 s0, $0x7;
	[sflag:s25] =	ssyncadd.s32 $0xFFFFFF80  }
0x48: {  	[tilespmem:s26], [sflag:$0x4] =	stream.indirect.gather [hbm4b:s6+s21], $0x80, s22, s21, $0xb8;
	[tilespmem:$0x1C200] =	vst v63  }
0x49: {  	s10 =	sadd.s32 $0x100, s0;
	_ =	swait.ge [sflag:s28], $0x4000  }
0x4a: {  	s9 =	sand.u32 $0x7C00, s10;
	[sflag:s28] =	ssyncset.done $0x0  }
0x4b: {  	s1 =	sand.u32 $0x300, s10;
	s9 =	sadd.s32 s8, s9;
	[sflag:s28] =	ssyncadd.s32 $0xFFFFC000  }
0x4c: {  	[spmem:s2] =	stream.indirect.scatter.add.f32 [tilespmem:s19], [sflag:$0x5], $0x80, s21, s21, $0xb8;
	[tilespmem:$0x1C200] =	vst v63  }
0x4d: {  	s1 =	sor.u32 s1, s9;
	_ =	swait.ge [sflag:s20], $0x4000  }
0x4e: {  	s1 =	sshrl.u32 s1, $0x3;
	[sflag:s20] =	ssyncset.done $0x0  }
0x4f: {  	s10 =	sadd.s32 s4, s1;
	[sflag:s20] =	ssyncadd.s32 $0xFFFFC000  }
0x50: {  	[tilespmem:s3], [sflag:$0x1] =	stream.linear.gather [hbm4b:s10+s3], $0x80, $0x38;
	[tilespmem:$0x1C200] =	vst v63  }
0x51: {  	s1 =	sadd.s32 s5, s1  }
0x52: {  	[tilespmem:s21], [sflag:$0x1] =	stream.linear.gather [hbm4b:s1+s3], $0x80, $0x38;
	[tilespmem:$0x1C200] =	vst v63  }
0x53: {  	s0 =	sadd.s32 $0x180, s0;
	_ =	swait.ge [sflag:s29], $0x4000  }
0x54: {  	s9 =	sand.u32 $0x7C00, s0;
	[sflag:s29] =	ssyncset.done $0x0  }
0x55: {  	s0 =	sand.u32 $0x380, s0;
	s1 =	sadd.s32 s8, s9;
	[sflag:s29] =	ssyncadd.s32 $0xFFFFC000  }
0x56: {  	[spmem:s2] =	stream.indirect.scatter.add.f32 [tilespmem:s26], [sflag:$0x5], $0x80, s23, s21, $0xb8;
	[tilespmem:$0x1C200] =	vst v63  }
0x57: {  	s0 =	sor.u32 s0, s1;
	_ =	swait.ge [sflag:s20], $0x4000  }
0x58: {  	s31 =	simm.s32 $0x2;
	s0 =	sshrl.u32 s0, $0x3;
	[sflag:s20] =	ssyncset.done $0x0  }
0x59: {  	s10 =	sadd.s32 s4, s0;
	s0 =	sadd.s32 s5, s0;
	[sflag:s20] =	ssyncadd.s32 $0xFFFFC000  }
0x5a: {  	[tilespmem:s22], [sflag:$0x2] =	stream.linear.gather [hbm4b:s10+s3], $0x80, $0x38;
	[tilespmem:$0x1C200] =	vst v63  }
.LBB2_4:
0x5b: {  	p0 =	sne.s32 s31, $0x4E;
	s1 =	smov.u32 s31;
	s31 =	sadd.s32 $0x2, s31  }
0x5c: {  	[tilespmem:s23], [sflag:$0x2] =	stream.linear.gather [hbm4b:s0+s3], $0x80, $0x38;
	[tilespmem:$0x1C200] =	vst v63  }
0x5d: {  	_ =	swait.ge [sflag:s24], $0x80  }
0x5e: {  	[sflag:s24] =	ssyncset.done $0x0  }
0x5f: {  	[sflag:s24] =	ssyncadd.s32 $0xFFFFFF80  }
0x60: {  	_ =	swait.ge [sflag:s24], $0x80  }
0x61: {  	[sflag:s24] =	ssyncset.done $0x0  }
0x62: {  	[sflag:s24] =	ssyncadd.s32 $0xFFFFFF80  }
0x63: {  	[tilespmem:s19], [sflag:$0x3] =	stream.indirect.gather [hbm4b:s6+s21], $0x80, s3, s21, $0xb8;
	[tilespmem:$0x1C200] =	vst v63  }
0x64: {  	_ =	swait.ge [sflag:s25], $0x80  }
0x65: {  	[sflag:s25] =	ssyncset.done $0x0  }
0x66: {  	[sflag:s25] =	ssyncadd.s32 $0xFFFFFF80  }
0x67: {  	_ =	swait.ge [sflag:s25], $0x80  }
0x68: {  	[sflag:s25] =	ssyncset.done $0x0  }
0x69: {  	s0 =	smin.u32 s1, $0x4C;
	[sflag:s25] =	ssyncadd.s32 $0xFFFFFF80  }
0x6a: {  	[tilespmem:s26], [sflag:$0x4] =	stream.indirect.gather [hbm4b:s6+s21], $0x80, s22, s21, $0xb8;
	[tilespmem:$0x1C200] =	vst v63  }
0x6b: {  	s0 =	sshll.u32 s0, $0x7;
	_ =	swait.ge [sflag:s28], $0x4000  }
0x6c: {  	s1 =	sadd.s32 $0x100, s0;
	s0 =	sadd.s32 $0x180, s0;
	[sflag:s28] =	ssyncset.done $0x0  }
0x6d: {  	s9 =	sand.u32 $0x7C00, s1;
	s1 =	sand.u32 $0x300, s1;
	[sflag:s28] =	ssyncadd.s32 $0xFFFFC000  }
0x6e: {  	s10 =	sand.u32 $0x7C00, s0;
	s0 =	sand.u32 $0x380, s0;
	s9 =	sadd.s32 s8, s9  }
0x6f: {  	[spmem:s2] =	stream.indirect.scatter.add.f32 [tilespmem:s19], [sflag:$0x5], $0x80, s21, s21, $0xb8;
	[tilespmem:$0x1C200] =	vst v63  }
0x70: {  	s1 =	sor.u32 s1, s9;
	s9 =	sadd.s32 s8, s10;
	_ =	swait.ge [sflag:s20], $0x4000  }
0x71: {  	s1 =	sshrl.u32 s1, $0x3;
	s0 =	sor.u32 s0, s9;
	[sflag:s20] =	ssyncset.done $0x0  }
0x72: {  	s9 =	sadd.s32 s4, s1;
	s1 =	sadd.s32 s5, s1;
	[sflag:s20] =	ssyncadd.s32 $0xFFFFC000  }
0x73: {  	[tilespmem:s3], [sflag:$0x1] =	stream.linear.gather [hbm4b:s9+s3], $0x80, $0x38;
	[tilespmem:$0x1C200] =	vst v63  }
0x74: {  	s9 =	sshrl.u32 s0, $0x3  }
0x75: {  	[tilespmem:s21], [sflag:$0x1] =	stream.linear.gather [hbm4b:s1+s3], $0x80, $0x38;
	[tilespmem:$0x1C200] =	vst v63  }
0x76: {  	s0 =	sadd.s32 s5, s9;
	_ =	swait.ge [sflag:s29], $0x4000  }
0x77: {  	[sflag:s29] =	ssyncset.done $0x0  }
0x78: {  	[sflag:s29] =	ssyncadd.s32 $0xFFFFC000  }
0x79: {  	[spmem:s2] =	stream.indirect.scatter.add.f32 [tilespmem:s26], [sflag:$0x5], $0x80, s23, s21, $0xb8;
	[tilespmem:$0x1C200] =	vst v63  }
.Ltmp1:
0x7a: {  	_ = 	snop;
	(pc) =	sbr.rel @p0 .LBB2_4-.Ltmp1, $4  }
0x7b: {  	_ =	swait.ge [sflag:s20], $0x4000  }
0x7c: {  	[sflag:s20] =	ssyncset.done $0x0  }
0x7d: {  	s1 =	sadd.s32 s4, s9;
	[sflag:s20] =	ssyncadd.s32 $0xFFFFC000  }
0x7e: {  	[tilespmem:s22], [sflag:$0x2] =	stream.linear.gather [hbm4b:s1+s3], $0x80, $0x38;
	[tilespmem:$0x1C200] =	vst v63  }
0x7f: {  	[tilespmem:s23], [sflag:$0x2] =	stream.linear.gather [hbm4b:s0+s3], $0x80, $0x38;
	[tilespmem:$0x1C200] =	vst v63  }
0x80: {  	_ =	swait.ge [sflag:s24], $0x80  }
0x81: {  	[sflag:s24] =	ssyncset.done $0x0  }
0x82: {  	[sflag:s24] =	ssyncadd.s32 $0xFFFFFF80  }
0x83: {  	_ =	swait.ge [sflag:s24], $0x80  }
0x84: {  	[sflag:s24] =	ssyncset.done $0x0  }
0x85: {  	[sflag:s24] =	ssyncadd.s32 $0xFFFFFF80  }
0x86: {  	_ =	swait.ge [sflag:s25], $0x80  }
0x87: {  	[sflag:s25] =	ssyncset.done $0x0  }
0x88: {  	[sflag:s25] =	ssyncadd.s32 $0xFFFFFF80  }
0x89: {  	s31 =	stileid.u32;
	_ =	swait.ge [sflag:s25], $0x80  }
0x8a: {  	s1 =	sshrl.u32 s7, $0x3;
	s30 =	sadd.s32 $0x1, s30;
	[sflag:s25] =	ssyncset.done $0x0  }
0x8b: {  	s0 =	sshll.u32 s31, $0x6;
	p0 =	sne.s32 s30, s18;
	[sflag:s25] =	ssyncadd.s32 $0xFFFFFF80  }
.Ltmp2:
0x8c: {  	s0 =	sor.u32 $0x1C05, s0;
	[bflag:$0x0] =	sbarrier.arrive $0xFFFF;
	(pc) =	sbr.rel @p0 .LBB2_1-.Ltmp2, $4  }
0x8d: {  	[hbm:s17], [sflag:s0] =	dma.local [spmem:s1], $0x2800  }
0x8e: {  	_ =	swait.ge [sflag:s20], $0x2800  }
0x8f: {  	[sflag:s20] =	ssyncset.done $0x0  }
0x90: {  	[sflag:s20] =	ssyncadd.s32 $0xFFFFD800  }
0x91: {  	_ =	sfence.sel $0x180000  }
0x92: {  	[bflag:$0x0] =	sbarrier.arrive $0xFFFF  }
0x93: {  	_ =	strace $0x9000004A  }
0x94: {  	s0 =	stileid.u32;
	[bflag:$0x2] =	sbarrier.arrive $0xFFFF  }
0x95: {  	p0 =	sne.s32 s0, $0x0;
	s0 =	rddreg [dreg:$0x2]  }
0x96: {  	s0 =	sadd.s32 @!p0 $0x100000, s0  }
0x97: {  	[sflag:s0] =	ssyncadd.tile.s32 @!p0 $0x1;
	_ =	shalt  }
.Lfunc_end2:
_tile_overlayer_lowered:
.L_overlay_start_2:
0x98: {  	(tag) =	ssettag $0x2  }
0x99: {  	s0 =	rddreg [dreg:$0x0];
	s2 =	stileid.u32  }
0x9a: {  	s1 =	rddreg [dreg:$0x1];
	p0 =	sne.s32 s2, $0x0  }
0x9b: {  	s3 =	rddreg [dreg:$0x2];
	[bflag:$0x3] =	sbarrier.arrive $0xFFFF;
	s2 =	simm.s32 @!p0 $0x1C05  }
0x9c: {  	[timem:s3], [sflag:s2] =	dma.local @!p0 [hbm:s0], s1  }
0x9d: {  	s0 =	simm.s32 @!p0 $0x5  }
0x9e: {  	_ =	swait.ge @!p0 [sflag:s0], s1  }
0x9f: {  	s1 =	ssub.s32 @!p0 $0x0, s1;
	[sflag:s0] =	ssyncset.done @!p0 $0x0  }
0xa0: {  	[sflag:s0] =	ssyncadd.s32 @!p0 s1  }
0xa1: {  	[bflag:$0x3] =	sbarrier.arrive $0xFFFF  }
0xa2: {  	_ =	shalt  }

// kernel: kernel.22.cloned.1.call-start
scs
__scs_entry_jumppad:
0x0: {  	(pc) =	sbr.rel $0x88, $3  }
0x1: {  	(tag) =	ssettag $0x0;
	lr =	simm.s32 $0x1  }
0x2: {  	[smem:$0x3F93] =	sst lr;
	_ =	strace $0xD0000000  }
0x3: {  	_ = 	snop  }
0x4: {  	_ = 	snop  }
0x5: {  	_ = 	snop  }
0x6: {  	_ = 	snop  }
0x7: {  	_ = 	snop  }
__scs_overlays_trampoline_lowered:
0x8: {  	[smem:$0x3FA2] =	sst s0  }
0x9: {  	[smem:$0x3FA3] =	sst s1  }
0xa: {  	[smem:$0x3FA4] =	sst s2  }
0xb: {  	[smem:$0x3FA5] =	sst s3  }
0xc: {  	[smem:$0x3FA6] =	sst s4  }
0xd: {  	[smem:$0x3FA7] =	sst s5  }
0xe: {  	[smem:$0x3FA8] =	sst s6  }
0xf: {  	[smem:$0x3FA9] =	sst s7  }
0x10: {  	[smem:$0x3FAA] =	sst s8  }
0x11: {  	[smem:$0x3FAB] =	sst s9;
	s0 =	simm.s32 @!p0 $0x0  }
0x12: {  	s1 =	sld [smem:$0x3F91];
	s0 =	simm.s32 @p0 $0x1  }
0x13: {  	[smem:$0x3FAC] =	sst s0;
	s0 =	simm.s32 @!p1 $0x0  }
0x14: {  	s2 =	sld [smem:$0x3F90];
	s0 =	simm.s32 @p1 $0x1  }
0x15: {  	[smem:$0x3FAD] =	sst s0;
	s0 =	simm.s32 @!p2 $0x0  }
0x16: {  	s3 =	sld [smem:$0x3FDB];
	s0 =	simm.s32 @p2 $0x1  }
0x17: {  	s4 =	simm.s32 $0x1BF5;
	[smem:$0x3FAF] =	sst s0  }
0x18: {  	s0 =	sld [smem:$0x3F92];
	_ =	swait.ge [sflag:s4], $0x0  }
0x19: {  	s7 =	sld [smem:$0x3F93]  }
0x1a: {  	s8 =	sadd.s32 $0xFFFFE003, lr  }
0x1b: {  	s9 =	sadd.s32 $0xFFFFFEF7, lr;
	s5 =	simm.s32 $0xFFFFFFFF;
	p2 =	slt.u32 s8, $0xFFFFF086  }
0x1c: {  	p1 =	slt.u32 s9, $0xF7A;
	s5 =	simm.s32 @!p2 $0x0  }
0x1d: {  	s5 =	simm.s32 @p1 $0x1;
	p0 =	seq.s32 s7, s2  }
0x1e: {  	s7 =	smul.u32 @!p0 $0xF7A, s2;
	p2 =	seq.s32 @!p0 s5, $0x0  }
0x1f: {  	s9 =	smul.u32 $0xF7A, s1;
	s8 =	simm.s32 @!p0 $0x1BF5;
	p2 =	por !p2, p0  }
0x20: {  	[sflag:s8] =	ssyncset.s32 @!p0 $0xFFFFF086;
	s6 =	sadd.s32 @!p0 s3, s7;
	s7 =	simm.s32 @!p0 $0x108  }
0x21: {  	s3 =	sadd.s32 s3, s9;
	s6 =	sadd.s32 @!p0 $0x88, s6;
	s7 =	simm.s32 @p2 $0x1082  }
0x22: {  	[simem:s7], [sflag:s8] =	dma.local @!p0 [hbm:s6], $0xF7A  }
0x23: {  	s9 =	sor.u32 $0xD0000000, s2;
	s6 =	simm.s32 $0x108;
	_ =	swait.ge @!p0 [sflag:s8], $0x0  }
0x24: {  	s3 =	sadd.s32 $0x88, s3;
	s6 =	simm.s32 @!p1 $0x1082;
	[sflag:s4] =	ssyncset.s32 $0xFFFFF086  }
0x25: {  	[simem:s6], [sflag:s4] =	dma.local [hbm:s3], $0xF7A  }
0x26: {  	[smem:$0x3F93] =	sst s1;
	(tag) =	ssettag s2;
	_ =	strace s9  }
0x27: {  	s1 =	sld [smem:$0x3FA3]  }
0x28: {  	s2 =	sld [smem:$0x3FA4]  }
0x29: {  	s4 =	sld [smem:$0x3FA6]  }
0x2a: {  	p0 =	seq.s32 s5, $0x0;
	s5 =	sld [smem:$0x3FA7]  }
0x2b: {  	s6 =	sld [smem:$0x3FA8]  }
0x2c: {  	s7 =	sld [smem:$0x3FA9]  }
0x2d: {  	s3 =	simm.s32 $0x108;
	s8 =	sld [smem:$0x3FAA]  }
0x2e: {  	s3 =	simm.s32 @!p0 $0x1082;
	s9 =	sld [smem:$0x3FAB]  }
0x2f: {  	lr =	sadd.s32 s0, s3;
	s0 =	sld [smem:$0x3FA2]  }
0x30: {  	s3 =	sld [smem:$0x3FA5]  }
0x31: {  	[smem:$0x3FAE] =	sst s10  }
0x32: {  	s10 =	sld [smem:$0x3FAC];
	_ =	sdelay $0x3  }
0x33: {  	p0 =	seq.s32 s10, $0x1;
	s10 =	sld [smem:$0x3FAE];
	_ =	sdelay $0x3  }
0x34: {  	[smem:$0x3FAE] =	sst s10  }
0x35: {  	s10 =	sld [smem:$0x3FAD];
	_ =	sdelay $0x3  }
0x36: {  	p1 =	seq.s32 s10, $0x1;
	s10 =	sld [smem:$0x3FAE];
	_ =	sdelay $0x3  }
0x37: {  	[smem:$0x3FAE] =	sst s10  }
0x38: {  	s10 =	sld [smem:$0x3FAF]  }
0x39: {  	_ = 	snop;
	(pc) =	sbr.ind lr, $3  }
0x3a: {  	_ = 	snop  }
0x3b: {  	_ = 	snop  }
0x3c: {  	p2 =	seq.s32 s10, $0x1;
	s10 =	sld [smem:$0x3FAE]  }
0x3d: {  	_ =	shalt  }
0x3e: {  	_ =	shalt  }
0x3f: {  	_ =	shalt  }
0x40: {  	_ =	shalt  }
0x41: {  	_ =	shalt  }
0x42: {  	_ =	shalt  }
0x43: {  	_ =	shalt  }
0x44: {  	_ =	shalt  }
0x45: {  	_ =	shalt  }
0x46: {  	_ =	shalt  }
0x47: {  	_ =	shalt  }
0x48: {  	_ =	shalt  }
0x49: {  	_ =	shalt  }
0x4a: {  	_ =	shalt  }
0x4b: {  	_ =	shalt  }
0x4c: {  	_ =	shalt  }
0x4d: {  	_ =	shalt  }
0x4e: {  	_ =	shalt  }
0x4f: {  	_ =	shalt  }
0x50: {  	_ =	shalt  }
0x51: {  	_ =	shalt  }
0x52: {  	_ =	shalt  }
0x53: {  	_ =	shalt  }
0x54: {  	_ =	shalt  }
0x55: {  	_ =	shalt  }
0x56: {  	_ =	shalt  }
0x57: {  	_ =	shalt  }
0x58: {  	_ =	shalt  }
0x59: {  	_ =	shalt  }
0x5a: {  	_ =	shalt  }
0x5b: {  	_ =	shalt  }
0x5c: {  	_ =	shalt  }
0x5d: {  	_ =	shalt  }
0x5e: {  	_ =	shalt  }
0x5f: {  	_ =	shalt  }
0x60: {  	_ =	shalt  }
0x61: {  	_ =	shalt  }
0x62: {  	_ =	shalt  }
0x63: {  	_ =	shalt  }
0x64: {  	_ =	shalt  }
0x65: {  	_ =	shalt  }
0x66: {  	_ =	shalt  }
0x67: {  	_ =	shalt  }
0x68: {  	_ =	shalt  }
0x69: {  	_ =	shalt  }
0x6a: {  	_ =	shalt  }
0x6b: {  	_ =	shalt  }
0x6c: {  	_ =	shalt  }
0x6d: {  	_ =	shalt  }
0x6e: {  	_ =	shalt  }
0x6f: {  	_ =	shalt  }
0x70: {  	_ =	shalt  }
0x71: {  	_ =	shalt  }
0x72: {  	_ =	shalt  }
0x73: {  	_ =	shalt  }
0x74: {  	_ =	shalt  }
0x75: {  	_ =	shalt  }
0x76: {  	_ =	shalt  }
0x77: {  	_ =	shalt  }
0x78: {  	_ =	shalt  }
0x79: {  	_ =	shalt  }
0x7a: {  	_ =	shalt  }
0x7b: {  	_ =	shalt  }
0x7c: {  	_ =	shalt  }
0x7d: {  	_ =	shalt  }
0x7e: {  	_ =	shalt  }
0x7f: {  	_ =	shalt  }
0x80: {  	_ =	shalt  }
0x81: {  	_ =	shalt  }
0x82: {  	_ =	shalt  }
0x83: {  	_ =	shalt  }
0x84: {  	_ =	shalt  }
0x85: {  	_ =	shalt  }
0x86: {  	_ =	shalt  }
0x87: {  	_ =	shalt  }
.Lfunc_end0:
.L_simem_size_0:
called_computation.2_lowered:
.L_overlay_start_0:
0x88: {  	s2 =	sld [smem:$0x3FD9]  }
0x89: {  	s3 =	sld [smem:$0x3FFE];
	_ =	sdelay $0x1  }
0x8a: {  	s1 =	srdreg.scid  }
0x8b: {  	s0 =	sand.u32 $0x1, s1  }
0x8c: {  	s16 =	sshll.u32 s0, $0xA;
	s2 =	sadd.s32 s3, s2  }
0x8d: {  	s2 =	sadd.s32 s2, s16  }
0x8e: {  	[smem:$0x3FBA] =	sst s2  }
0x8f: {  	_ = 	snop  }
0x90: {  	(tm) =	ssettm $0x1  }
0x91: {  	s17 =	sld [smem:$0x3FFB];
	_ =	sdelay $0x3  }
0x92: {  	_ =	strace s17  }
0x93: {  	s2 =	sld [smem:$0x3FFC];
	_ =	sdelay $0x3  }
0x94: {  	_ =	strace s2  }
0x95: {  	s2 =	sld [smem:$0x3FFD];
	_ =	sdelay $0x3  }
0x96: {  	_ =	strace s2  }
0x97: {  	_ =	strace $0x8FFFFFFF  }
0x98: {  	s18 =	sld [smem:$0x3FDB];
	_ =	sdelay $0x1  }
0x99: {  	s19 =	simm.s32 $_scs_section_size  }
0x9a: {  	s4 =	simm.s32 $_size__tile_overlayer_lowered;
	s5 =	simm.s32 $_tile_overlayer_lowered  }
0x9b: {  	s22 =	simm.s32 $0x1BFF;
	s21 =	sshll.u32 s5, $0x1;
	s2 =	sadd.s32 s19, s18  }
0x9c: {  	s6 =	simm.s32 $0x0;
	s20 =	sshll.u32 s4, $0x1;
	s4 =	sadd.s32 s21, s2  }
0x9d: {  	[timem:s6], [sflag:s22] =	dma.local [hbm:s4], s20  }
0x9e: {  	_ =	swait.ge [sflag:s22], s20  }
0x9f: {  	s3 =	ssub.s32 $0x0, s20;
	[sflag:s22] =	ssyncset.done $0x0  }
0xa0: {  	[sflag:s22] =	ssyncadd.s32 s3;
	_ =	sdelay $0x1  }
0xa1: {  	s23 =	simm.s32 $0x1B8B  }
0xa2: {  	_ =	swait.ge [sflag:s23], $0x1  }
0xa3: {  	[sflag:s23] =	ssyncset.done $0x0  }
0xa4: {  	s25 =	simm.s32 $0x1B8E;
	s24 =	sld [smem:$0x3FFE];
	[sflag:s23] =	ssyncadd.s32 $0xFFFFFFFF  }
0xa5: {  	s26 =	simm.s32 $execute0_lowered;
	[smem:$0x3FD2] =	sst s25  }
0xa6: {  	s4 =	sshll.u32 s26, $0x1;
	_ =	strace $0x8000004C;
	[dreg:$0x1] =	wrdreg $0xFFFFFFFF  }
0xa7: {  	s28 =	simm.s32 $_size_execute0_lowered;
	s2 =	sadd.s32 s2, s4;
	[dreg:$0x0] =	wrdreg $0x0  }
0xa8: {  	s4 =	sshll.u32 s28, $0x1;
	[dreg:$0x2] =	wrdreg s2  }
0xa9: {  	[dreg:$0x3] =	wrdreg s4  }
0xaa: {  	[dreg:$0x4] =	wrdreg $0xC0  }
0xab: {  	_ =	task [dreg:s6], $0x5FFFF  }
0xac: {  	[dreg:$0x1] =	wrdreg $0xFFFFFFFF  }
0xad: {  	[dreg:$0x0] =	wrdreg $0x60  }
0xae: {  	[dreg:$0x2] =	wrdreg s24  }
0xaf: {  	[dreg:$0x3] =	wrdreg $0x82000  }
0xb0: {  	[dreg:$0x4] =	wrdreg $0x9  }
0xb1: {  	_ =	task.clear_ibuf [dreg:s6], $0x5FFFF;
	_ =	strace $0x9000004C  }
0xb2: {  	s29 =	simm.s32 $0x9;
	_ =	strace $0x8000004E  }
0xb3: {  	_ =	swait.ge [sflag:s29], $0x1  }
0xb4: {  	[sflag:s29] =	ssyncadd.s32 $0xFFFFFFFF  }
0xb5: {  	_ =	strace $0x9000004E  }
0xb6: {  	_ =	sfence  }
0xb7: {  	s30 =	sld [smem:$0x0];
	_ =	sdelay $0x2  }
0xb8: {  	s31 =	sshll.u32 s1, $0xD;
	s1 =	sshrl.u32 s1, $0x2  }
0xb9: {  	s3 =	sand.u32 $0x4000, s31;
	s1 =	sadd.s32 s1, s30  }
0xba: {  	s0 =	sor.u32 s3, s0;
	s1 =	sshll.u32 s1, $0x11  }
0xbb: {  	s0 =	sor.u32 s1, s0  }
0xbc: {  	s0 =	sadd.s32 $0x8F2B, s0  }
0xbd: {  	[sflag:s0] =	ssyncadd.remote.s32 $0x1  }
0xbe: {  	_ =	sfence.sel $0xFFFF  }
0xbf: {  	[dreg:$0x0] =	wrdreg $0xFFFFFFFF;
	(pc) =	sbr.abs _section_cstart, $3  }
0xc0: {  	[dreg:$0x1] =	wrdreg $0xFFFFFFFF  }
0xc1: {  	_ =	task.clear_ibuf [dreg:s6], $0x2FFFF;
	_ =	strace $0x9FFFFFFF  }
0xc2: {  	(tm) =	ssettm $0x7FFFFFFF  }
0xc3: {  	_ =	shalt  }
tec
execute0_lowered:
.L_overlay_start_1:
0x0: {  	(tag) =	ssettag $0x1  }
0x1: {  	s0 =	rddreg [dreg:$0x0];
	s1 =	srdreg.scid  }
0x2: {  	s2 =	rddreg [dreg:$0x1];
	s9 =	stileid.u32;
	s3 =	simm.s32 $0x0  }
0x3: {  	s19 =	simm.s32 $0x200;
	s20 =	simm.s32 $0x5;
	s21 =	simm.s32 $0x80  }
0x4: {  	s28 =	simm.s32 $0x3;
	s29 =	simm.s32 $0x4;
	s30 =	simm.s32 $0x0  }
0x5: {  	s1 =	sand.u32 $0x1, s1;
	s6 =	smul.u32 $0x14000, s9;
	[smem:$0x7FF] =	sst s3  }
0x6: {  	s4 =	sadd.s32 $0x5FE00, s0;
	s8 =	smul.u32 $0x50000, s9;
	s22 =	sshll.u32 s9, $0x1  }
0x7: {  	s5 =	smul.u32 $0x140000, s1;
	_ =	strace $0x8000004D;
	s23 =	ssub.s32 $0x2, s1  }
0x8: {  	s1 =	sor.u32 s1, s22;
	s22 =	simm.s32 $0x100;
	s24 =	sshrl.u32 s8, $0x2  }
0x9: {  	s10 =	sshrl.u32 s23, $0x1;
	s8 =	smul.u32 $0x2800, s1;
	s6 =	sadd.s32 s6, s5  }
0xa: {  	s5 =	sadd.s32 $0x5E00, s0;
	s25 =	ssub.s32 s23, s10;
	s23 =	simm.s32 $0x180  }
0xb: {  	s7 =	sshrl.u32 s6, $0x3;
	s6 =	sadd.s32 $0xFE00, s0;
	s15 =	sshrl.u32 s8, $0x3  }
0xc: {  	s18 =	smax.u32 s25, $0x1;
	s25 =	simm.s32 $0x2;
	s0 =	sadd.s32 s7, s0  }
0xd: {  	s7 =	sadd.s32 s24, s2;
	s13 =	sadd.s32 s4, s15;
	s14 =	sadd.s32 s5, s15  }
0xe: {  	s16 =	sor.u32 $0x10, s15;
	s24 =	simm.s32 $0x1;
	s26 =	sadd.s32 $0x4000, s7  }
0xf: {  	s31 =	sadd.s32 $0x8000, s7;
	s11 =	sadd.s32 $0xC000, s7;
	s12 =	sadd.s32 $0x10000, s7  }
0x10: {  	s15 =	sadd.s32 s4, s16;
	s16 =	sadd.s32 s5, s16;
	[dreg:$0x3] =	wrdreg s26  }
0x11: {  	v0 =	vimm.f32 $0.0e+00;
	s17 =	sadd.s32 $0x6AE00, s0;
	[dreg:$0x4] =	wrdreg s31;
	s26 =	simm.s32 $0x4200  }
.LBB2_1:
0x12: {  	s0 =	simm.s32 $0x0  }
0x13: {  	s1 =	sand.u32 $0xFFFFFF80, s0  }
0x14: {  	s1 =	ssub.s32 $0x0, s1  }
0x15: {  	s0 =	sand.u32 $0x3FFFFF80, s0;
	s1 =	sand.u32 $0xFFFFFF80, s1  }
0x16: {  	s31 =	sand.u32 $0x70, s3;
	s1 =	sadd.s32 s1, s0  }
0x17: {  	s0 =	simm.s32 $0x1;
	s1 =	sor.u32 s31, s1;
	s31 =	simm.s32 $0x0  }
.LBB2_2:
0x18: {  	s9 =	sshll.u32 s0, $0x4;
	p0 =	sne.s32 s0, $0x3FF;
	s0 =	sadd.s32 $0x1, s0;
	[tilespmem:s1+$0x200] =	vst v0  }
.Ltmp0:
0x19: {  	s31 =	sadd.s32 $0x10, s31;
	s1 =	sand.u32 $0xFFFFFF80, s9;
	(pc) =	sbr.rel @p0 .LBB2_2-.Ltmp0, $4  }
0x1a: {  	s1 =	ssub.s32 s31, s1  }
0x1b: {  	s9 =	sand.u32 $0x3FFFFF80, s9;
	s1 =	sand.u32 $0xFFFFFF80, s1  }
0x1c: {  	s10 =	sand.u32 $0x70, s31;
	s1 =	sadd.s32 s1, s9  }
0x1d: {  	s1 =	sor.u32 s10, s1  }
0x1e: {  	[tilespmem:s1+$0x200] =	vst v0  }
0x1f: {  	[spmem:s7] =	stream.linear.scatter [tilespmem:s19], [sflag:$0x5], $0x4000, $0x38;
	[tilespmem:$0x1C200] =	vst v63  }
0x20: {  	_ =	swait.ge [sflag:s20], $0x4000  }
0x21: {  	[sflag:s20] =	ssyncset.done $0x0  }
0x22: {  	s0 =	rddreg [dreg:$0x3];
	[sflag:s20] =	ssyncadd.s32 $0xFFFFC000  }
0x23: {  	[spmem:s0] =	stream.linear.scatter [tilespmem:s19], [sflag:$0x5], $0x4000, $0x38;
	[tilespmem:$0x1C200] =	vst v63  }
0x24: {  	_ =	swait.ge [sflag:s20], $0x4000  }
0x25: {  	[sflag:s20] =	ssyncset.done $0x0  }
0x26: {  	s1 =	rddreg [dreg:$0x4];
	[sflag:s20] =	ssyncadd.s32 $0xFFFFC000  }
0x27: {  	[spmem:s1] =	stream.linear.scatter [tilespmem:s19], [sflag:$0x5], $0x4000, $0x38;
	[tilespmem:$0x1C200] =	vst v63  }
0x28: {  	_ =	swait.ge [sflag:s20], $0x4000  }
0x29: {  	[sflag:s20] =	ssyncset.done $0x0  }
0x2a: {  	[sflag:s20] =	ssyncadd.s32 $0xFFFFC000  }
0x2b: {  	[spmem:s11] =	stream.linear.scatter [tilespmem:s19], [sflag:$0x5], $0x4000, $0x38;
	[tilespmem:$0x1C200] =	vst v63  }
0x2c: {  	_ =	swait.ge [sflag:s20], $0x4000  }
0x2d: {  	[sflag:s20] =	ssyncset.done $0x0  }
0x2e: {  	[sflag:s20] =	ssyncadd.s32 $0xFFFFC000  }
0x2f: {  	[spmem:s12] =	stream.linear.scatter [tilespmem:s19], [sflag:$0x5], $0x4000, $0x38;
	[tilespmem:$0x1C200] =	vst v63  }
0x30: {  	_ =	swait.ge [sflag:s20], $0x4000  }
0x31: {  	[sflag:s20] =	ssyncset.done $0x0  }
0x32: {  	[sflag:s20] =	ssyncadd.s32 $0xFFFFC000  }
0x33: {  	s9 =	simm.s32 $0x0;
	[bflag:$0x0] =	sbarrier.arrive $0xFFFF  }
0x34: {  	[tilespmem:s9], [sflag:$0x1] =	stream.linear.gather [hbm4b:s13+s9], $0x80, $0x38;
	[tilespmem:$0x1C200] =	vst v63  }
0x35: {  	_ = 	snop  }
0x36: {  	[tilespmem:s21], [sflag:$0x1] =	stream.linear.gather [hbm4b:s14+s9], $0x80, $0x38;
	[tilespmem:$0x1C200] =	vst v63  }
0x37: {  	_ = 	snop  }
0x38: {  	[tilespmem:s22], [sflag:$0x2] =	stream.linear.gather [hbm4b:s15+s9], $0x80, $0x38;
	[tilespmem:$0x1C200] =	vst v63  }
0x39: {  	_ = 	snop  }
0x3a: {  	[tilespmem:s23], [sflag:$0x2] =	stream.linear.gather [hbm4b:s16+s9], $0x80, $0x38;
	[tilespmem:$0x1C200] =	vst v63  }
0x3b: {  	_ =	swait.ge [sflag:s24], $0x80  }
0x3c: {  	[sflag:s24] =	ssyncset.done $0x0  }
0x3d: {  	[sflag:s24] =	ssyncadd.s32 $0xFFFFFF80  }
0x3e: {  	_ =	swait.ge [sflag:s24], $0x80  }
0x3f: {  	[sflag:s24] =	ssyncset.done $0x0  }
0x40: {  	[sflag:s24] =	ssyncadd.s32 $0xFFFFFF80  }
0x41: {  	[tilespmem:s19], [sflag:$0x3] =	stream.indirect.gather [hbm4b:s6+s21], $0x80, s3, s21, $0xb8;
	[tilespmem:$0x1C200] =	vst v63  }
0x42: {  	_ =	swait.ge [sflag:s25], $0x80  }
0x43: {  	[sflag:s25] =	ssyncset.done $0x0  }
0x44: {  	[sflag:s25] =	ssyncadd.s32 $0xFFFFFF80  }
0x45: {  	_ =	swait.ge [sflag:s25], $0x80  }
0x46: {  	s0 =	smin.u32 s9, $0x4C;
	[sflag:s25] =	ssyncset.done $0x0  }
0x47: {  	s0 =	sshll.u32 s0, $0x7;
	[sflag:s25] =	ssyncadd.s32 $0xFFFFFF80  }
0x48: {  	[tilespmem:s26], [sflag:$0x4] =	stream.indirect.gather [hbm4b:s6+s21], $0x80, s22, s21, $0xb8;
	[tilespmem:$0x1C200] =	vst v63  }
0x49: {  	s10 =	sadd.s32 $0x100, s0;
	_ =	swait.ge [sflag:s28], $0x4000  }
0x4a: {  	s9 =	sand.u32 $0x7C00, s10;
	[sflag:s28] =	ssyncset.done $0x0  }
0x4b: {  	s1 =	sand.u32 $0x300, s10;
	s9 =	sadd.s32 s8, s9;
	[sflag:s28] =	ssyncadd.s32 $0xFFFFC000  }
0x4c: {  	[spmem:s2] =	stream.indirect.scatter.add.f32 [tilespmem:s19], [sflag:$0x5], $0x80, s21, s21, $0xb8;
	[tilespmem:$0x1C200] =	vst v63  }
0x4d: {  	s1 =	sor.u32 s1, s9;
	_ =	swait.ge [sflag:s20], $0x4000  }
0x4e: {  	s1 =	sshrl.u32 s1, $0x3;
	[sflag:s20] =	ssyncset.done $0x0  }
0x4f: {  	s10 =	sadd.s32 s4, s1;
	[sflag:s20] =	ssyncadd.s32 $0xFFFFC000  }
0x50: {  	[tilespmem:s3], [sflag:$0x1] =	stream.linear.gather [hbm4b:s10+s3], $0x80, $0x38;
	[tilespmem:$0x1C200] =	vst v63  }
0x51: {  	s1 =	sadd.s32 s5, s1  }
0x52: {  	[tilespmem:s21], [sflag:$0x1] =	stream.linear.gather [hbm4b:s1+s3], $0x80, $0x38;
	[tilespmem:$0x1C200] =	vst v63  }
0x53: {  	s0 =	sadd.s32 $0x180, s0;
	_ =	swait.ge [sflag:s29], $0x4000  }
0x54: {  	s9 =	sand.u32 $0x7C00, s0;
	[sflag:s29] =	ssyncset.done $0x0  }
0x55: {  	s0 =	sand.u32 $0x380, s0;
	s1 =	sadd.s32 s8, s9;
	[sflag:s29] =	ssyncadd.s32 $0xFFFFC000  }
0x56: {  	[spmem:s2] =	stream.indirect.scatter.add.f32 [tilespmem:s26], [sflag:$0x5], $0x80, s23, s21, $0xb8;
	[tilespmem:$0x1C200] =	vst v63  }
0x57: {  	s0 =	sor.u32 s0, s1;
	_ =	swait.ge [sflag:s20], $0x4000  }
0x58: {  	s31 =	simm.s32 $0x2;
	s0 =	sshrl.u32 s0, $0x3;
	[sflag:s20] =	ssyncset.done $0x0  }
0x59: {  	s10 =	sadd.s32 s4, s0;
	s0 =	sadd.s32 s5, s0;
	[sflag:s20] =	ssyncadd.s32 $0xFFFFC000  }
0x5a: {  	[tilespmem:s22], [sflag:$0x2] =	stream.linear.gather [hbm4b:s10+s3], $0x80, $0x38;
	[tilespmem:$0x1C200] =	vst v63  }
.LBB2_4:
0x5b: {  	p0 =	sne.s32 s31, $0x4E;
	s1 =	smov.u32 s31;
	s31 =	sadd.s32 $0x2, s31  }
0x5c: {  	[tilespmem:s23], [sflag:$0x2] =	stream.linear.gather [hbm4b:s0+s3], $0x80, $0x38;
	[tilespmem:$0x1C200] =	vst v63  }
0x5d: {  	_ =	swait.ge [sflag:s24], $0x80  }
0x5e: {  	[sflag:s24] =	ssyncset.done $0x0  }
0x5f: {  	[sflag:s24] =	ssyncadd.s32 $0xFFFFFF80  }
0x60: {  	_ =	swait.ge [sflag:s24], $0x80  }
0x61: {  	[sflag:s24] =	ssyncset.done $0x0  }
0x62: {  	[sflag:s24] =	ssyncadd.s32 $0xFFFFFF80  }
0x63: {  	[tilespmem:s19], [sflag:$0x3] =	stream.indirect.gather [hbm4b:s6+s21], $0x80, s3, s21, $0xb8;
	[tilespmem:$0x1C200] =	vst v63  }
0x64: {  	_ =	swait.ge [sflag:s25], $0x80  }
0x65: {  	[sflag:s25] =	ssyncset.done $0x0  }
0x66: {  	[sflag:s25] =	ssyncadd.s32 $0xFFFFFF80  }
0x67: {  	_ =	swait.ge [sflag:s25], $0x80  }
0x68: {  	[sflag:s25] =	ssyncset.done $0x0  }
0x69: {  	s0 =	smin.u32 s1, $0x4C;
	[sflag:s25] =	ssyncadd.s32 $0xFFFFFF80  }
0x6a: {  	[tilespmem:s26], [sflag:$0x4] =	stream.indirect.gather [hbm4b:s6+s21], $0x80, s22, s21, $0xb8;
	[tilespmem:$0x1C200] =	vst v63  }
0x6b: {  	s0 =	sshll.u32 s0, $0x7;
	_ =	swait.ge [sflag:s28], $0x4000  }
0x6c: {  	s1 =	sadd.s32 $0x100, s0;
	s0 =	sadd.s32 $0x180, s0;
	[sflag:s28] =	ssyncset.done $0x0  }
0x6d: {  	s9 =	sand.u32 $0x7C00, s1;
	s1 =	sand.u32 $0x300, s1;
	[sflag:s28] =	ssyncadd.s32 $0xFFFFC000  }
0x6e: {  	s10 =	sand.u32 $0x7C00, s0;
	s0 =	sand.u32 $0x380, s0;
	s9 =	sadd.s32 s8, s9  }
0x6f: {  	[spmem:s2] =	stream.indirect.scatter.add.f32 [tilespmem:s19], [sflag:$0x5], $0x80, s21, s21, $0xb8;
	[tilespmem:$0x1C200] =	vst v63  }
0x70: {  	s1 =	sor.u32 s1, s9;
	s9 =	sadd.s32 s8, s10;
	_ =	swait.ge [sflag:s20], $0x4000  }
0x71: {  	s1 =	sshrl.u32 s1, $0x3;
	s0 =	sor.u32 s0, s9;
	[sflag:s20] =	ssyncset.done $0x0  }
0x72: {  	s9 =	sadd.s32 s4, s1;
	s1 =	sadd.s32 s5, s1;
	[sflag:s20] =	ssyncadd.s32 $0xFFFFC000  }
0x73: {  	[tilespmem:s3], [sflag:$0x1] =	stream.linear.gather [hbm4b:s9+s3], $0x80, $0x38;
	[tilespmem:$0x1C200] =	vst v63  }
0x74: {  	s9 =	sshrl.u32 s0, $0x3  }
0x75: {  	[tilespmem:s21], [sflag:$0x1] =	stream.linear.gather [hbm4b:s1+s3], $0x80, $0x38;
	[tilespmem:$0x1C200] =	vst v63  }
0x76: {  	s0 =	sadd.s32 s5, s9;
	_ =	swait.ge [sflag:s29], $0x4000  }
0x77: {  	[sflag:s29] =	ssyncset.done $0x0  }
0x78: {  	[sflag:s29] =	ssyncadd.s32 $0xFFFFC000  }
0x79: {  	[spmem:s2] =	stream.indirect.scatter.add.f32 [tilespmem:s26], [sflag:$0x5], $0x80, s23, s21, $0xb8;
	[tilespmem:$0x1C200] =	vst v63  }
.Ltmp1:
0x7a: {  	_ = 	snop;
	(pc) =	sbr.rel @p0 .LBB2_4-.Ltmp1, $4  }
0x7b: {  	_ =	swait.ge [sflag:s20], $0x4000  }
0x7c: {  	[sflag:s20] =	ssyncset.done $0x0  }
0x7d: {  	s1 =	sadd.s32 s4, s9;
	[sflag:s20] =	ssyncadd.s32 $0xFFFFC000  }
0x7e: {  	[tilespmem:s22], [sflag:$0x2] =	stream.linear.gather [hbm4b:s1+s3], $0x80, $0x38;
	[tilespmem:$0x1C200] =	vst v63  }
0x7f: {  	[tilespmem:s23], [sflag:$0x2] =	stream.linear.gather [hbm4b:s0+s3], $0x80, $0x38;
	[tilespmem:$0x1C200] =	vst v63  }
0x80: {  	_ =	swait.ge [sflag:s24], $0x80  }
0x81: {  	[sflag:s24] =	ssyncset.done $0x0  }
0x82: {  	[sflag:s24] =	ssyncadd.s32 $0xFFFFFF80  }
0x83: {  	_ =	swait.ge [sflag:s24], $0x80  }
0x84: {  	[sflag:s24] =	ssyncset.done $0x0  }
0x85: {  	[sflag:s24] =	ssyncadd.s32 $0xFFFFFF80  }
0x86: {  	_ =	swait.ge [sflag:s25], $0x80  }
0x87: {  	[sflag:s25] =	ssyncset.done $0x0  }
0x88: {  	[sflag:s25] =	ssyncadd.s32 $0xFFFFFF80  }
0x89: {  	s31 =	stileid.u32;
	_ =	swait.ge [sflag:s25], $0x80  }
0x8a: {  	s1 =	sshrl.u32 s7, $0x3;
	s30 =	sadd.s32 $0x1, s30;
	[sflag:s25] =	ssyncset.done $0x0  }
0x8b: {  	s0 =	sshll.u32 s31, $0x6;
	p0 =	sne.s32 s30, s18;
	[sflag:s25] =	ssyncadd.s32 $0xFFFFFF80  }
.Ltmp2:
0x8c: {  	s0 =	sor.u32 $0x1C05, s0;
	[bflag:$0x0] =	sbarrier.arrive $0xFFFF;
	(pc) =	sbr.rel @p0 .LBB2_1-.Ltmp2, $4  }
0x8d: {  	[hbm:s17], [sflag:s0] =	dma.local [spmem:s1], $0x2800  }
0x8e: {  	_ =	swait.ge [sflag:s20], $0x2800  }
0x8f: {  	[sflag:s20] =	ssyncset.done $0x0  }
0x90: {  	[sflag:s20] =	ssyncadd.s32 $0xFFFFD800  }
0x91: {  	_ =	sfence.sel $0x180000  }
0x92: {  	[bflag:$0x0] =	sbarrier.arrive $0xFFFF  }
0x93: {  	_ =	strace $0x9000004D  }
0x94: {  	s0 =	stileid.u32;
	[bflag:$0x2] =	sbarrier.arrive $0xFFFF  }
0x95: {  	p0 =	sne.s32 s0, $0x0;
	s0 =	rddreg [dreg:$0x2]  }
0x96: {  	s0 =	sadd.s32 @!p0 $0x100000, s0  }
0x97: {  	[sflag:s0] =	ssyncadd.tile.s32 @!p0 $0x1;
	_ =	shalt  }
.Lfunc_end2:
_tile_overlayer_lowered:
.L_overlay_start_2:
0x98: {  	(tag) =	ssettag $0x2  }
0x99: {  	s0 =	rddreg [dreg:$0x0];
	s2 =	stileid.u32  }
0x9a: {  	s1 =	rddreg [dreg:$0x1];
	p0 =	sne.s32 s2, $0x0  }
0x9b: {  	s3 =	rddreg [dreg:$0x2];
	[bflag:$0x3] =	sbarrier.arrive $0xFFFF;
	s2 =	simm.s32 @!p0 $0x1C05  }
0x9c: {  	[timem:s3], [sflag:s2] =	dma.local @!p0 [hbm:s0], s1  }
0x9d: {  	s0 =	simm.s32 @!p0 $0x5  }
0x9e: {  	_ =	swait.ge @!p0 [sflag:s0], s1  }
0x9f: {  	s1 =	ssub.s32 @!p0 $0x0, s1;
	[sflag:s0] =	ssyncset.done @!p0 $0x0  }
0xa0: {  	[sflag:s0] =	ssyncadd.s32 @!p0 s1  }
0xa1: {  	[bflag:$0x3] =	sbarrier.arrive $0xFFFF  }
0xa2: {  	_ =	shalt  }

// kernel: kernel.25.cloned.1.call-start
scs
__scs_entry_jumppad:
0x0: {  	(pc) =	sbr.rel $0x88, $3  }
0x1: {  	(tag) =	ssettag $0x0;
	lr =	simm.s32 $0x1  }
0x2: {  	[smem:$0x3F93] =	sst lr;
	_ =	strace $0xD0000000  }
0x3: {  	_ = 	snop  }
0x4: {  	_ = 	snop  }
0x5: {  	_ = 	snop  }
0x6: {  	_ = 	snop  }
0x7: {  	_ = 	snop  }
__scs_overlays_trampoline_lowered:
0x8: {  	[smem:$0x3FA2] =	sst s0  }
0x9: {  	[smem:$0x3FA3] =	sst s1  }
0xa: {  	[smem:$0x3FA4] =	sst s2  }
0xb: {  	[smem:$0x3FA5] =	sst s3  }
0xc: {  	[smem:$0x3FA6] =	sst s4  }
0xd: {  	[smem:$0x3FA7] =	sst s5  }
0xe: {  	[smem:$0x3FA8] =	sst s6  }
0xf: {  	[smem:$0x3FA9] =	sst s7  }
0x10: {  	[smem:$0x3FAA] =	sst s8  }
0x11: {  	[smem:$0x3FAB] =	sst s9;
	s0 =	simm.s32 @!p0 $0x0  }
0x12: {  	s1 =	sld [smem:$0x3F91];
	s0 =	simm.s32 @p0 $0x1  }
0x13: {  	[smem:$0x3FAC] =	sst s0;
	s0 =	simm.s32 @!p1 $0x0  }
0x14: {  	s2 =	sld [smem:$0x3F90];
	s0 =	simm.s32 @p1 $0x1  }
0x15: {  	[smem:$0x3FAD] =	sst s0;
	s0 =	simm.s32 @!p2 $0x0  }
0x16: {  	s3 =	sld [smem:$0x3FDB];
	s0 =	simm.s32 @p2 $0x1  }
0x17: {  	s4 =	simm.s32 $0x1BF5;
	[smem:$0x3FAF] =	sst s0  }
0x18: {  	s0 =	sld [smem:$0x3F92];
	_ =	swait.ge [sflag:s4], $0x0  }
0x19: {  	s7 =	sld [smem:$0x3F93]  }
0x1a: {  	s8 =	sadd.s32 $0xFFFFE003, lr  }
0x1b: {  	s9 =	sadd.s32 $0xFFFFFEF7, lr;
	s5 =	simm.s32 $0xFFFFFFFF;
	p2 =	slt.u32 s8, $0xFFFFF086  }
0x1c: {  	p1 =	slt.u32 s9, $0xF7A;
	s5 =	simm.s32 @!p2 $0x0  }
0x1d: {  	s5 =	simm.s32 @p1 $0x1;
	p0 =	seq.s32 s7, s2  }
0x1e: {  	s7 =	smul.u32 @!p0 $0xF7A, s2;
	p2 =	seq.s32 @!p0 s5, $0x0  }
0x1f: {  	s9 =	smul.u32 $0xF7A, s1;
	s8 =	simm.s32 @!p0 $0x1BF5;
	p2 =	por !p2, p0  }
0x20: {  	[sflag:s8] =	ssyncset.s32 @!p0 $0xFFFFF086;
	s6 =	sadd.s32 @!p0 s3, s7;
	s7 =	simm.s32 @!p0 $0x108  }
0x21: {  	s3 =	sadd.s32 s3, s9;
	s6 =	sadd.s32 @!p0 $0x88, s6;
	s7 =	simm.s32 @p2 $0x1082  }
0x22: {  	[simem:s7], [sflag:s8] =	dma.local @!p0 [hbm:s6], $0xF7A  }
0x23: {  	s9 =	sor.u32 $0xD0000000, s2;
	s6 =	simm.s32 $0x108;
	_ =	swait.ge @!p0 [sflag:s8], $0x0  }
0x24: {  	s3 =	sadd.s32 $0x88, s3;
	s6 =	simm.s32 @!p1 $0x1082;
	[sflag:s4] =	ssyncset.s32 $0xFFFFF086  }
0x25: {  	[simem:s6], [sflag:s4] =	dma.local [hbm:s3], $0xF7A  }
0x26: {  	[smem:$0x3F93] =	sst s1;
	(tag) =	ssettag s2;
	_ =	strace s9  }
0x27: {  	s1 =	sld [smem:$0x3FA3]  }
0x28: {  	s2 =	sld [smem:$0x3FA4]  }
0x29: {  	s4 =	sld [smem:$0x3FA6]  }
0x2a: {  	p0 =	seq.s32 s5, $0x0;
	s5 =	sld [smem:$0x3FA7]  }
0x2b: {  	s6 =	sld [smem:$0x3FA8]  }
0x2c: {  	s7 =	sld [smem:$0x3FA9]  }
0x2d: {  	s3 =	simm.s32 $0x108;
	s8 =	sld [smem:$0x3FAA]  }
0x2e: {  	s3 =	simm.s32 @!p0 $0x1082;
	s9 =	sld [smem:$0x3FAB]  }
0x2f: {  	lr =	sadd.s32 s0, s3;
	s0 =	sld [smem:$0x3FA2]  }
0x30: {  	s3 =	sld [smem:$0x3FA5]  }
0x31: {  	[smem:$0x3FAE] =	sst s10  }
0x32: {  	s10 =	sld [smem:$0x3FAC];
	_ =	sdelay $0x3  }
0x33: {  	p0 =	seq.s32 s10, $0x1;
	s10 =	sld [smem:$0x3FAE];
	_ =	sdelay $0x3  }
0x34: {  	[smem:$0x3FAE] =	sst s10  }
0x35: {  	s10 =	sld [smem:$0x3FAD];
	_ =	sdelay $0x3  }
0x36: {  	p1 =	seq.s32 s10, $0x1;
	s10 =	sld [smem:$0x3FAE];
	_ =	sdelay $0x3  }
0x37: {  	[smem:$0x3FAE] =	sst s10  }
0x38: {  	s10 =	sld [smem:$0x3FAF]  }
0x39: {  	_ = 	snop;
	(pc) =	sbr.ind lr, $3  }
0x3a: {  	_ = 	snop  }
0x3b: {  	_ = 	snop  }
0x3c: {  	p2 =	seq.s32 s10, $0x1;
	s10 =	sld [smem:$0x3FAE]  }
0x3d: {  	_ =	shalt  }
0x3e: {  	_ =	shalt  }
0x3f: {  	_ =	shalt  }
0x40: {  	_ =	shalt  }
0x41: {  	_ =	shalt  }
0x42: {  	_ =	shalt  }
0x43: {  	_ =	shalt  }
0x44: {  	_ =	shalt  }
0x45: {  	_ =	shalt  }
0x46: {  	_ =	shalt  }
0x47: {  	_ =	shalt  }
0x48: {  	_ =	shalt  }
0x49: {  	_ =	shalt  }
0x4a: {  	_ =	shalt  }
0x4b: {  	_ =	shalt  }
0x4c: {  	_ =	shalt  }
0x4d: {  	_ =	shalt  }
0x4e: {  	_ =	shalt  }
0x4f: {  	_ =	shalt  }
0x50: {  	_ =	shalt  }
0x51: {  	_ =	shalt  }
0x52: {  	_ =	shalt  }
0x53: {  	_ =	shalt  }
0x54: {  	_ =	shalt  }
0x55: {  	_ =	shalt  }
0x56: {  	_ =	shalt  }
0x57: {  	_ =	shalt  }
0x58: {  	_ =	shalt  }
0x59: {  	_ =	shalt  }
0x5a: {  	_ =	shalt  }
0x5b: {  	_ =	shalt  }
0x5c: {  	_ =	shalt  }
0x5d: {  	_ =	shalt  }
0x5e: {  	_ =	shalt  }
0x5f: {  	_ =	shalt  }
0x60: {  	_ =	shalt  }
0x61: {  	_ =	shalt  }
0x62: {  	_ =	shalt  }
0x63: {  	_ =	shalt  }
0x64: {  	_ =	shalt  }
0x65: {  	_ =	shalt  }
0x66: {  	_ =	shalt  }
0x67: {  	_ =	shalt  }
0x68: {  	_ =	shalt  }
0x69: {  	_ =	shalt  }
0x6a: {  	_ =	shalt  }
0x6b: {  	_ =	shalt  }
0x6c: {  	_ =	shalt  }
0x6d: {  	_ =	shalt  }
0x6e: {  	_ =	shalt  }
0x6f: {  	_ =	shalt  }
0x70: {  	_ =	shalt  }
0x71: {  	_ =	shalt  }
0x72: {  	_ =	shalt  }
0x73: {  	_ =	shalt  }
0x74: {  	_ =	shalt  }
0x75: {  	_ =	shalt  }
0x76: {  	_ =	shalt  }
0x77: {  	_ =	shalt  }
0x78: {  	_ =	shalt  }
0x79: {  	_ =	shalt  }
0x7a: {  	_ =	shalt  }
0x7b: {  	_ =	shalt  }
0x7c: {  	_ =	shalt  }
0x7d: {  	_ =	shalt  }
0x7e: {  	_ =	shalt  }
0x7f: {  	_ =	shalt  }
0x80: {  	_ =	shalt  }
0x81: {  	_ =	shalt  }
0x82: {  	_ =	shalt  }
0x83: {  	_ =	shalt  }
0x84: {  	_ =	shalt  }
0x85: {  	_ =	shalt  }
0x86: {  	_ =	shalt  }
0x87: {  	_ =	shalt  }
.Lfunc_end0:
.L_simem_size_0:
called_computation.3_lowered:
.L_overlay_start_0:
0x88: {  	s2 =	sld [smem:$0x3FD9]  }
0x89: {  	s3 =	sld [smem:$0x3FFE];
	_ =	sdelay $0x1  }
0x8a: {  	s1 =	srdreg.scid  }
0x8b: {  	s0 =	sand.u32 $0x1, s1  }
0x8c: {  	s16 =	sshll.u32 s0, $0xA;
	s2 =	sadd.s32 s3, s2  }
0x8d: {  	s2 =	sadd.s32 s2, s16  }
0x8e: {  	[smem:$0x3FBA] =	sst s2  }
0x8f: {  	_ = 	snop  }
0x90: {  	(tm) =	ssettm $0x1  }
0x91: {  	s17 =	sld [smem:$0x3FFB];
	_ =	sdelay $0x3  }
0x92: {  	_ =	strace s17  }
0x93: {  	s2 =	sld [smem:$0x3FFC];
	_ =	sdelay $0x3  }
0x94: {  	_ =	strace s2  }
0x95: {  	s2 =	sld [smem:$0x3FFD];
	_ =	sdelay $0x3  }
0x96: {  	_ =	strace s2  }
0x97: {  	_ =	strace $0x8FFFFFFF  }
0x98: {  	s18 =	sld [smem:$0x3FDB];
	_ =	sdelay $0x1  }
0x99: {  	s19 =	simm.s32 $_scs_section_size  }
0x9a: {  	s4 =	simm.s32 $_size__tile_overlayer_lowered;
	s5 =	simm.s32 $_tile_overlayer_lowered  }
0x9b: {  	s22 =	simm.s32 $0x1BFF;
	s21 =	sshll.u32 s5, $0x1;
	s2 =	sadd.s32 s19, s18  }
0x9c: {  	s6 =	simm.s32 $0x0;
	s20 =	sshll.u32 s4, $0x1;
	s4 =	sadd.s32 s21, s2  }
0x9d: {  	[timem:s6], [sflag:s22] =	dma.local [hbm:s4], s20  }
0x9e: {  	_ =	swait.ge [sflag:s22], s20  }
0x9f: {  	s3 =	ssub.s32 $0x0, s20;
	[sflag:s22] =	ssyncset.done $0x0  }
0xa0: {  	[sflag:s22] =	ssyncadd.s32 s3;
	_ =	sdelay $0x1  }
0xa1: {  	s23 =	simm.s32 $0x1B8B  }
0xa2: {  	_ =	swait.ge [sflag:s23], $0x1  }
0xa3: {  	[sflag:s23] =	ssyncset.done $0x0  }
0xa4: {  	s25 =	simm.s32 $0x1B8E;
	s24 =	sld [smem:$0x3FFE];
	[sflag:s23] =	ssyncadd.s32 $0xFFFFFFFF  }
0xa5: {  	s26 =	simm.s32 $execute0_lowered;
	[smem:$0x3FD2] =	sst s25  }
0xa6: {  	s4 =	sshll.u32 s26, $0x1;
	_ =	strace $0x8000004F;
	[dreg:$0x1] =	wrdreg $0xFFFFFFFF  }
0xa7: {  	s28 =	simm.s32 $_size_execute0_lowered;
	s2 =	sadd.s32 s2, s4;
	[dreg:$0x0] =	wrdreg $0x0  }
0xa8: {  	s4 =	sshll.u32 s28, $0x1;
	[dreg:$0x2] =	wrdreg s2  }
0xa9: {  	[dreg:$0x3] =	wrdreg s4  }
0xaa: {  	[dreg:$0x4] =	wrdreg $0xC0  }
0xab: {  	_ =	task [dreg:s6], $0x5FFFF  }
0xac: {  	[dreg:$0x1] =	wrdreg $0xFFFFFFFF  }
0xad: {  	[dreg:$0x0] =	wrdreg $0x60  }
0xae: {  	[dreg:$0x2] =	wrdreg s24  }
0xaf: {  	[dreg:$0x3] =	wrdreg $0x82000  }
0xb0: {  	[dreg:$0x4] =	wrdreg $0x9  }
0xb1: {  	_ =	task.clear_ibuf [dreg:s6], $0x5FFFF;
	_ =	strace $0x9000004F  }
0xb2: {  	s29 =	simm.s32 $0x9;
	_ =	strace $0x80000051  }
0xb3: {  	_ =	swait.ge [sflag:s29], $0x1  }
0xb4: {  	[sflag:s29] =	ssyncadd.s32 $0xFFFFFFFF  }
0xb5: {  	_ =	strace $0x90000051  }
0xb6: {  	_ =	sfence  }
0xb7: {  	s30 =	sld [smem:$0x0];
	_ =	sdelay $0x2  }
0xb8: {  	s31 =	sshll.u32 s1, $0xD;
	s1 =	sshrl.u32 s1, $0x2  }
0xb9: {  	s3 =	sand.u32 $0x4000, s31;
	s1 =	sadd.s32 s1, s30  }
0xba: {  	s0 =	sor.u32 s3, s0;
	s1 =	sshll.u32 s1, $0x11  }
0xbb: {  	s0 =	sor.u32 s1, s0  }
0xbc: {  	s0 =	sadd.s32 $0x8F2B, s0  }
0xbd: {  	[sflag:s0] =	ssyncadd.remote.s32 $0x1  }
0xbe: {  	_ =	sfence.sel $0xFFFF  }
0xbf: {  	[dreg:$0x0] =	wrdreg $0xFFFFFFFF;
	(pc) =	sbr.abs _section_cstart, $3  }
0xc0: {  	[dreg:$0x1] =	wrdreg $0xFFFFFFFF  }
0xc1: {  	_ =	task.clear_ibuf [dreg:s6], $0x2FFFF;
	_ =	strace $0x9FFFFFFF  }
0xc2: {  	(tm) =	ssettm $0x7FFFFFFF  }
0xc3: {  	_ =	shalt  }
tec
execute0_lowered:
.L_overlay_start_1:
0x0: {  	(tag) =	ssettag $0x1  }
0x1: {  	s0 =	rddreg [dreg:$0x0];
	s1 =	srdreg.scid  }
0x2: {  	s2 =	rddreg [dreg:$0x1];
	s9 =	stileid.u32;
	s3 =	simm.s32 $0x0  }
0x3: {  	s19 =	simm.s32 $0x200;
	s20 =	simm.s32 $0x5;
	s21 =	simm.s32 $0x80  }
0x4: {  	s28 =	simm.s32 $0x3;
	s29 =	simm.s32 $0x4;
	s30 =	simm.s32 $0x0  }
0x5: {  	s1 =	sand.u32 $0x1, s1;
	s6 =	smul.u32 $0x14000, s9;
	[smem:$0x7FF] =	sst s3  }
0x6: {  	s4 =	sadd.s32 $0x5FE00, s0;
	s8 =	smul.u32 $0x50000, s9;
	s22 =	sshll.u32 s9, $0x1  }
0x7: {  	s5 =	smul.u32 $0x140000, s1;
	_ =	strace $0x80000050;
	s23 =	ssub.s32 $0x2, s1  }
0x8: {  	s1 =	sor.u32 s1, s22;
	s22 =	simm.s32 $0x100;
	s24 =	sshrl.u32 s8, $0x2  }
0x9: {  	s10 =	sshrl.u32 s23, $0x1;
	s8 =	smul.u32 $0x2800, s1;
	s6 =	sadd.s32 s6, s5  }
0xa: {  	s5 =	sadd.s32 $0x5E00, s0;
	s25 =	ssub.s32 s23, s10;
	s23 =	simm.s32 $0x180  }
0xb: {  	s7 =	sshrl.u32 s6, $0x3;
	s6 =	sadd.s32 $0xFE00, s0;
	s15 =	sshrl.u32 s8, $0x3  }
0xc: {  	s18 =	smax.u32 s25, $0x1;
	s25 =	simm.s32 $0x2;
	s0 =	sadd.s32 s7, s0  }
0xd: {  	s7 =	sadd.s32 s24, s2;
	s13 =	sadd.s32 s4, s15;
	s14 =	sadd.s32 s5, s15  }
0xe: {  	s16 =	sor.u32 $0x10, s15;
	s24 =	simm.s32 $0x1;
	s26 =	sadd.s32 $0x4000, s7  }
0xf: {  	s31 =	sadd.s32 $0x8000, s7;
	s11 =	sadd.s32 $0xC000, s7;
	s12 =	sadd.s32 $0x10000, s7  }
0x10: {  	s15 =	sadd.s32 s4, s16;
	s16 =	sadd.s32 s5, s16;
	[dreg:$0x3] =	wrdreg s26  }
0x11: {  	v0 =	vimm.f32 $0.0e+00;
	s17 =	sadd.s32 $0x6AE00, s0;
	[dreg:$0x4] =	wrdreg s31;
	s26 =	simm.s32 $0x4200  }
.LBB2_1:
0x12: {  	s0 =	simm.s32 $0x0  }
0x13: {  	s1 =	sand.u32 $0xFFFFFF80, s0  }
0x14: {  	s1 =	ssub.s32 $0x0, s1  }
0x15: {  	s0 =	sand.u32 $0x3FFFFF80, s0;
	s1 =	sand.u32 $0xFFFFFF80, s1  }
0x16: {  	s31 =	sand.u32 $0x70, s3;
	s1 =	sadd.s32 s1, s0  }
0x17: {  	s0 =	simm.s32 $0x1;
	s1 =	sor.u32 s31, s1;
	s31 =	simm.s32 $0x0  }
.LBB2_2:
0x18: {  	s9 =	sshll.u32 s0, $0x4;
	p0 =	sne.s32 s0, $0x3FF;
	s0 =	sadd.s32 $0x1, s0;
	[tilespmem:s1+$0x200] =	vst v0  }
.Ltmp0:
0x19: {  	s31 =	sadd.s32 $0x10, s31;
	s1 =	sand.u32 $0xFFFFFF80, s9;
	(pc) =	sbr.rel @p0 .LBB2_2-.Ltmp0, $4  }
0x1a: {  	s1 =	ssub.s32 s31, s1  }
0x1b: {  	s9 =	sand.u32 $0x3FFFFF80, s9;
	s1 =	sand.u32 $0xFFFFFF80, s1  }
0x1c: {  	s10 =	sand.u32 $0x70, s31;
	s1 =	sadd.s32 s1, s9  }
0x1d: {  	s1 =	sor.u32 s10, s1  }
0x1e: {  	[tilespmem:s1+$0x200] =	vst v0  }
0x1f: {  	[spmem:s7] =	stream.linear.scatter [tilespmem:s19], [sflag:$0x5], $0x4000, $0x38;
	[tilespmem:$0x1C200] =	vst v63  }
0x20: {  	_ =	swait.ge [sflag:s20], $0x4000  }
0x21: {  	[sflag:s20] =	ssyncset.done $0x0  }
0x22: {  	s0 =	rddreg [dreg:$0x3];
	[sflag:s20] =	ssyncadd.s32 $0xFFFFC000  }
0x23: {  	[spmem:s0] =	stream.linear.scatter [tilespmem:s19], [sflag:$0x5], $0x4000, $0x38;
	[tilespmem:$0x1C200] =	vst v63  }
0x24: {  	_ =	swait.ge [sflag:s20], $0x4000  }
0x25: {  	[sflag:s20] =	ssyncset.done $0x0  }
0x26: {  	s1 =	rddreg [dreg:$0x4];
	[sflag:s20] =	ssyncadd.s32 $0xFFFFC000  }
0x27: {  	[spmem:s1] =	stream.linear.scatter [tilespmem:s19], [sflag:$0x5], $0x4000, $0x38;
	[tilespmem:$0x1C200] =	vst v63  }
0x28: {  	_ =	swait.ge [sflag:s20], $0x4000  }
0x29: {  	[sflag:s20] =	ssyncset.done $0x0  }
0x2a: {  	[sflag:s20] =	ssyncadd.s32 $0xFFFFC000  }
0x2b: {  	[spmem:s11] =	stream.linear.scatter [tilespmem:s19], [sflag:$0x5], $0x4000, $0x38;
	[tilespmem:$0x1C200] =	vst v63  }
0x2c: {  	_ =	swait.ge [sflag:s20], $0x4000  }
0x2d: {  	[sflag:s20] =	ssyncset.done $0x0  }
0x2e: {  	[sflag:s20] =	ssyncadd.s32 $0xFFFFC000  }
0x2f: {  	[spmem:s12] =	stream.linear.scatter [tilespmem:s19], [sflag:$0x5], $0x4000, $0x38;
	[tilespmem:$0x1C200] =	vst v63  }
0x30: {  	_ =	swait.ge [sflag:s20], $0x4000  }
0x31: {  	[sflag:s20] =	ssyncset.done $0x0  }
0x32: {  	[sflag:s20] =	ssyncadd.s32 $0xFFFFC000  }
0x33: {  	s9 =	simm.s32 $0x0;
	[bflag:$0x0] =	sbarrier.arrive $0xFFFF  }
0x34: {  	[tilespmem:s9], [sflag:$0x1] =	stream.linear.gather [hbm4b:s13+s9], $0x80, $0x38;
	[tilespmem:$0x1C200] =	vst v63  }
0x35: {  	_ = 	snop  }
0x36: {  	[tilespmem:s21], [sflag:$0x1] =	stream.linear.gather [hbm4b:s14+s9], $0x80, $0x38;
	[tilespmem:$0x1C200] =	vst v63  }
0x37: {  	_ = 	snop  }
0x38: {  	[tilespmem:s22], [sflag:$0x2] =	stream.linear.gather [hbm4b:s15+s9], $0x80, $0x38;
	[tilespmem:$0x1C200] =	vst v63  }
0x39: {  	_ = 	snop  }
0x3a: {  	[tilespmem:s23], [sflag:$0x2] =	stream.linear.gather [hbm4b:s16+s9], $0x80, $0x38;
	[tilespmem:$0x1C200] =	vst v63  }
0x3b: {  	_ =	swait.ge [sflag:s24], $0x80  }
0x3c: {  	[sflag:s24] =	ssyncset.done $0x0  }
0x3d: {  	[sflag:s24] =	ssyncadd.s32 $0xFFFFFF80  }
0x3e: {  	_ =	swait.ge [sflag:s24], $0x80  }
0x3f: {  	[sflag:s24] =	ssyncset.done $0x0  }
0x40: {  	[sflag:s24] =	ssyncadd.s32 $0xFFFFFF80  }
0x41: {  	[tilespmem:s19], [sflag:$0x3] =	stream.indirect.gather [hbm4b:s6+s21], $0x80, s3, s21, $0xb8;
	[tilespmem:$0x1C200] =	vst v63  }
0x42: {  	_ =	swait.ge [sflag:s25], $0x80  }
0x43: {  	[sflag:s25] =	ssyncset.done $0x0  }
0x44: {  	[sflag:s25] =	ssyncadd.s32 $0xFFFFFF80  }
0x45: {  	_ =	swait.ge [sflag:s25], $0x80  }
0x46: {  	s0 =	smin.u32 s9, $0x4C;
	[sflag:s25] =	ssyncset.done $0x0  }
0x47: {  	s0 =	sshll.u32 s0, $0x7;
	[sflag:s25] =	ssyncadd.s32 $0xFFFFFF80  }
0x48: {  	[tilespmem:s26], [sflag:$0x4] =	stream.indirect.gather [hbm4b:s6+s21], $0x80, s22, s21, $0xb8;
	[tilespmem:$0x1C200] =	vst v63  }
0x49: {  	s10 =	sadd.s32 $0x100, s0;
	_ =	swait.ge [sflag:s28], $0x4000  }
0x4a: {  	s9 =	sand.u32 $0x7C00, s10;
	[sflag:s28] =	ssyncset.done $0x0  }
0x4b: {  	s1 =	sand.u32 $0x300, s10;
	s9 =	sadd.s32 s8, s9;
	[sflag:s28] =	ssyncadd.s32 $0xFFFFC000  }
0x4c: {  	[spmem:s2] =	stream.indirect.scatter.add.f32 [tilespmem:s19], [sflag:$0x5], $0x80, s21, s21, $0xb8;
	[tilespmem:$0x1C200] =	vst v63  }
0x4d: {  	s1 =	sor.u32 s1, s9;
	_ =	swait.ge [sflag:s20], $0x4000  }
0x4e: {  	s1 =	sshrl.u32 s1, $0x3;
	[sflag:s20] =	ssyncset.done $0x0  }
0x4f: {  	s10 =	sadd.s32 s4, s1;
	[sflag:s20] =	ssyncadd.s32 $0xFFFFC000  }
0x50: {  	[tilespmem:s3], [sflag:$0x1] =	stream.linear.gather [hbm4b:s10+s3], $0x80, $0x38;
	[tilespmem:$0x1C200] =	vst v63  }
0x51: {  	s1 =	sadd.s32 s5, s1  }
0x52: {  	[tilespmem:s21], [sflag:$0x1] =	stream.linear.gather [hbm4b:s1+s3], $0x80, $0x38;
	[tilespmem:$0x1C200] =	vst v63  }
0x53: {  	s0 =	sadd.s32 $0x180, s0;
	_ =	swait.ge [sflag:s29], $0x4000  }
0x54: {  	s9 =	sand.u32 $0x7C00, s0;
	[sflag:s29] =	ssyncset.done $0x0  }
0x55: {  	s0 =	sand.u32 $0x380, s0;
	s1 =	sadd.s32 s8, s9;
	[sflag:s29] =	ssyncadd.s32 $0xFFFFC000  }
0x56: {  	[spmem:s2] =	stream.indirect.scatter.add.f32 [tilespmem:s26], [sflag:$0x5], $0x80, s23, s21, $0xb8;
	[tilespmem:$0x1C200] =	vst v63  }
0x57: {  	s0 =	sor.u32 s0, s1;
	_ =	swait.ge [sflag:s20], $0x4000  }
0x58: {  	s31 =	simm.s32 $0x2;
	s0 =	sshrl.u32 s0, $0x3;
	[sflag:s20] =	ssyncset.done $0x0  }
0x59: {  	s10 =	sadd.s32 s4, s0;
	s0 =	sadd.s32 s5, s0;
	[sflag:s20] =	ssyncadd.s32 $0xFFFFC000  }
0x5a: {  	[tilespmem:s22], [sflag:$0x2] =	stream.linear.gather [hbm4b:s10+s3], $0x80, $0x38;
	[tilespmem:$0x1C200] =	vst v63  }
.LBB2_4:
0x5b: {  	p0 =	sne.s32 s31, $0x4E;
	s1 =	smov.u32 s31;
	s31 =	sadd.s32 $0x2, s31  }
0x5c: {  	[tilespmem:s23], [sflag:$0x2] =	stream.linear.gather [hbm4b:s0+s3], $0x80, $0x38;
	[tilespmem:$0x1C200] =	vst v63  }
0x5d: {  	_ =	swait.ge [sflag:s24], $0x80  }
0x5e: {  	[sflag:s24] =	ssyncset.done $0x0  }
0x5f: {  	[sflag:s24] =	ssyncadd.s32 $0xFFFFFF80  }
0x60: {  	_ =	swait.ge [sflag:s24], $0x80  }
0x61: {  	[sflag:s24] =	ssyncset.done $0x0  }
0x62: {  	[sflag:s24] =	ssyncadd.s32 $0xFFFFFF80  }
0x63: {  	[tilespmem:s19], [sflag:$0x3] =	stream.indirect.gather [hbm4b:s6+s21], $0x80, s3, s21, $0xb8;
	[tilespmem:$0x1C200] =	vst v63  }
0x64: {  	_ =	swait.ge [sflag:s25], $0x80  }
0x65: {  	[sflag:s25] =	ssyncset.done $0x0  }
0x66: {  	[sflag:s25] =	ssyncadd.s32 $0xFFFFFF80  }
0x67: {  	_ =	swait.ge [sflag:s25], $0x80  }
0x68: {  	[sflag:s25] =	ssyncset.done $0x0  }
0x69: {  	s0 =	smin.u32 s1, $0x4C;
	[sflag:s25] =	ssyncadd.s32 $0xFFFFFF80  }
0x6a: {  	[tilespmem:s26], [sflag:$0x4] =	stream.indirect.gather [hbm4b:s6+s21], $0x80, s22, s21, $0xb8;
	[tilespmem:$0x1C200] =	vst v63  }
0x6b: {  	s0 =	sshll.u32 s0, $0x7;
	_ =	swait.ge [sflag:s28], $0x4000  }
0x6c: {  	s1 =	sadd.s32 $0x100, s0;
	s0 =	sadd.s32 $0x180, s0;
	[sflag:s28] =	ssyncset.done $0x0  }
0x6d: {  	s9 =	sand.u32 $0x7C00, s1;
	s1 =	sand.u32 $0x300, s1;
	[sflag:s28] =	ssyncadd.s32 $0xFFFFC000  }
0x6e: {  	s10 =	sand.u32 $0x7C00, s0;
	s0 =	sand.u32 $0x380, s0;
	s9 =	sadd.s32 s8, s9  }
0x6f: {  	[spmem:s2] =	stream.indirect.scatter.add.f32 [tilespmem:s19], [sflag:$0x5], $0x80, s21, s21, $0xb8;
	[tilespmem:$0x1C200] =	vst v63  }
0x70: {  	s1 =	sor.u32 s1, s9;
	s9 =	sadd.s32 s8, s10;
	_ =	swait.ge [sflag:s20], $0x4000  }
0x71: {  	s1 =	sshrl.u32 s1, $0x3;
	s0 =	sor.u32 s0, s9;
	[sflag:s20] =	ssyncset.done $0x0  }
0x72: {  	s9 =	sadd.s32 s4, s1;
	s1 =	sadd.s32 s5, s1;
	[sflag:s20] =	ssyncadd.s32 $0xFFFFC000  }
0x73: {  	[tilespmem:s3], [sflag:$0x1] =	stream.linear.gather [hbm4b:s9+s3], $0x80, $0x38;
	[tilespmem:$0x1C200] =	vst v63  }
0x74: {  	s9 =	sshrl.u32 s0, $0x3  }
0x75: {  	[tilespmem:s21], [sflag:$0x1] =	stream.linear.gather [hbm4b:s1+s3], $0x80, $0x38;
	[tilespmem:$0x1C200] =	vst v63  }
0x76: {  	s0 =	sadd.s32 s5, s9;
	_ =	swait.ge [sflag:s29], $0x4000  }
0x77: {  	[sflag:s29] =	ssyncset.done $0x0  }
0x78: {  	[sflag:s29] =	ssyncadd.s32 $0xFFFFC000  }
0x79: {  	[spmem:s2] =	stream.indirect.scatter.add.f32 [tilespmem:s26], [sflag:$0x5], $0x80, s23, s21, $0xb8;
	[tilespmem:$0x1C200] =	vst v63  }
.Ltmp1:
0x7a: {  	_ = 	snop;
	(pc) =	sbr.rel @p0 .LBB2_4-.Ltmp1, $4  }
0x7b: {  	_ =	swait.ge [sflag:s20], $0x4000  }
0x7c: {  	[sflag:s20] =	ssyncset.done $0x0  }
0x7d: {  	s1 =	sadd.s32 s4, s9;
	[sflag:s20] =	ssyncadd.s32 $0xFFFFC000  }
0x7e: {  	[tilespmem:s22], [sflag:$0x2] =	stream.linear.gather [hbm4b:s1+s3], $0x80, $0x38;
	[tilespmem:$0x1C200] =	vst v63  }
0x7f: {  	[tilespmem:s23], [sflag:$0x2] =	stream.linear.gather [hbm4b:s0+s3], $0x80, $0x38;
	[tilespmem:$0x1C200] =	vst v63  }
0x80: {  	_ =	swait.ge [sflag:s24], $0x80  }
0x81: {  	[sflag:s24] =	ssyncset.done $0x0  }
0x82: {  	[sflag:s24] =	ssyncadd.s32 $0xFFFFFF80  }
0x83: {  	_ =	swait.ge [sflag:s24], $0x80  }
0x84: {  	[sflag:s24] =	ssyncset.done $0x0  }
0x85: {  	[sflag:s24] =	ssyncadd.s32 $0xFFFFFF80  }
0x86: {  	_ =	swait.ge [sflag:s25], $0x80  }
0x87: {  	[sflag:s25] =	ssyncset.done $0x0  }
0x88: {  	[sflag:s25] =	ssyncadd.s32 $0xFFFFFF80  }
0x89: {  	s31 =	stileid.u32;
	_ =	swait.ge [sflag:s25], $0x80  }
0x8a: {  	s1 =	sshrl.u32 s7, $0x3;
	s30 =	sadd.s32 $0x1, s30;
	[sflag:s25] =	ssyncset.done $0x0  }
0x8b: {  	s0 =	sshll.u32 s31, $0x6;
	p0 =	sne.s32 s30, s18;
	[sflag:s25] =	ssyncadd.s32 $0xFFFFFF80  }
.Ltmp2:
0x8c: {  	s0 =	sor.u32 $0x1C05, s0;
	[bflag:$0x0] =	sbarrier.arrive $0xFFFF;
	(pc) =	sbr.rel @p0 .LBB2_1-.Ltmp2, $4  }
0x8d: {  	[hbm:s17], [sflag:s0] =	dma.local [spmem:s1], $0x2800  }
0x8e: {  	_ =	swait.ge [sflag:s20], $0x2800  }
0x8f: {  	[sflag:s20] =	ssyncset.done $0x0  }
0x90: {  	[sflag:s20] =	ssyncadd.s32 $0xFFFFD800  }
0x91: {  	_ =	sfence.sel $0x180000  }
0x92: {  	[bflag:$0x0] =	sbarrier.arrive $0xFFFF  }
0x93: {  	_ =	strace $0x90000050  }
0x94: {  	s0 =	stileid.u32;
	[bflag:$0x2] =	sbarrier.arrive $0xFFFF  }
0x95: {  	p0 =	sne.s32 s0, $0x0;
	s0 =	rddreg [dreg:$0x2]  }
0x96: {  	s0 =	sadd.s32 @!p0 $0x100000, s0  }
0x97: {  	[sflag:s0] =	ssyncadd.tile.s32 @!p0 $0x1;
	_ =	shalt  }
.Lfunc_end2:
_tile_overlayer_lowered:
.L_overlay_start_2:
0x98: {  	(tag) =	ssettag $0x2  }
0x99: {  	s0 =	rddreg [dreg:$0x0];
	s2 =	stileid.u32  }
0x9a: {  	s1 =	rddreg [dreg:$0x1];
	p0 =	sne.s32 s2, $0x0  }
0x9b: {  	s3 =	rddreg [dreg:$0x2];
	[bflag:$0x3] =	sbarrier.arrive $0xFFFF;
	s2 =	simm.s32 @!p0 $0x1C05  }
0x9c: {  	[timem:s3], [sflag:s2] =	dma.local @!p0 [hbm:s0], s1  }
0x9d: {  	s0 =	simm.s32 @!p0 $0x5  }
0x9e: {  	_ =	swait.ge @!p0 [sflag:s0], s1  }
0x9f: {  	s1 =	ssub.s32 @!p0 $0x0, s1;
	[sflag:s0] =	ssyncset.done @!p0 $0x0  }
0xa0: {  	[sflag:s0] =	ssyncadd.s32 @!p0 s1  }
0xa1: {  	[bflag:$0x3] =	sbarrier.arrive $0xFFFF  }
0xa2: {  	_ =	shalt  }

// kernel: kernel.28.cloned.1.call-start
scs
__scs_entry_jumppad:
0x0: {  	(pc) =	sbr.rel $0x88, $3  }
0x1: {  	(tag) =	ssettag $0x0;
	lr =	simm.s32 $0x1  }
0x2: {  	[smem:$0x3F93] =	sst lr;
	_ =	strace $0xD0000000  }
0x3: {  	_ = 	snop  }
0x4: {  	_ = 	snop  }
0x5: {  	_ = 	snop  }
0x6: {  	_ = 	snop  }
0x7: {  	_ = 	snop  }
__scs_overlays_trampoline_lowered:
0x8: {  	[smem:$0x3FA2] =	sst s0  }
0x9: {  	[smem:$0x3FA3] =	sst s1  }
0xa: {  	[smem:$0x3FA4] =	sst s2  }
0xb: {  	[smem:$0x3FA5] =	sst s3  }
0xc: {  	[smem:$0x3FA6] =	sst s4  }
0xd: {  	[smem:$0x3FA7] =	sst s5  }
0xe: {  	[smem:$0x3FA8] =	sst s6  }
0xf: {  	[smem:$0x3FA9] =	sst s7  }
0x10: {  	[smem:$0x3FAA] =	sst s8  }
0x11: {  	[smem:$0x3FAB] =	sst s9;
	s0 =	simm.s32 @!p0 $0x0  }
0x12: {  	s1 =	sld [smem:$0x3F91];
	s0 =	simm.s32 @p0 $0x1  }
0x13: {  	[smem:$0x3FAC] =	sst s0;
	s0 =	simm.s32 @!p1 $0x0  }
0x14: {  	s2 =	sld [smem:$0x3F90];
	s0 =	simm.s32 @p1 $0x1  }
0x15: {  	[smem:$0x3FAD] =	sst s0;
	s0 =	simm.s32 @!p2 $0x0  }
0x16: {  	s3 =	sld [smem:$0x3FDB];
	s0 =	simm.s32 @p2 $0x1  }
0x17: {  	s4 =	simm.s32 $0x1BF5;
	[smem:$0x3FAF] =	sst s0  }
0x18: {  	s0 =	sld [smem:$0x3F92];
	_ =	swait.ge [sflag:s4], $0x0  }
0x19: {  	s7 =	sld [smem:$0x3F93]  }
0x1a: {  	s8 =	sadd.s32 $0xFFFFE003, lr  }
0x1b: {  	s9 =	sadd.s32 $0xFFFFFEF7, lr;
	s5 =	simm.s32 $0xFFFFFFFF;
	p2 =	slt.u32 s8, $0xFFFFF086  }
0x1c: {  	p1 =	slt.u32 s9, $0xF7A;
	s5 =	simm.s32 @!p2 $0x0  }
0x1d: {  	s5 =	simm.s32 @p1 $0x1;
	p0 =	seq.s32 s7, s2  }
0x1e: {  	s7 =	smul.u32 @!p0 $0xF7A, s2;
	p2 =	seq.s32 @!p0 s5, $0x0  }
0x1f: {  	s9 =	smul.u32 $0xF7A, s1;
	s8 =	simm.s32 @!p0 $0x1BF5;
	p2 =	por !p2, p0  }
0x20: {  	[sflag:s8] =	ssyncset.s32 @!p0 $0xFFFFF086;
	s6 =	sadd.s32 @!p0 s3, s7;
	s7 =	simm.s32 @!p0 $0x108  }
0x21: {  	s3 =	sadd.s32 s3, s9;
	s6 =	sadd.s32 @!p0 $0x88, s6;
	s7 =	simm.s32 @p2 $0x1082  }
0x22: {  	[simem:s7], [sflag:s8] =	dma.local @!p0 [hbm:s6], $0xF7A  }
0x23: {  	s9 =	sor.u32 $0xD0000000, s2;
	s6 =	simm.s32 $0x108;
	_ =	swait.ge @!p0 [sflag:s8], $0x0  }
0x24: {  	s3 =	sadd.s32 $0x88, s3;
	s6 =	simm.s32 @!p1 $0x1082;
	[sflag:s4] =	ssyncset.s32 $0xFFFFF086  }
0x25: {  	[simem:s6], [sflag:s4] =	dma.local [hbm:s3], $0xF7A  }
0x26: {  	[smem:$0x3F93] =	sst s1;
	(tag) =	ssettag s2;
	_ =	strace s9  }
0x27: {  	s1 =	sld [smem:$0x3FA3]  }
0x28: {  	s2 =	sld [smem:$0x3FA4]  }
0x29: {  	s4 =	sld [smem:$0x3FA6]  }
0x2a: {  	p0 =	seq.s32 s5, $0x0;
	s5 =	sld [smem:$0x3FA7]  }
0x2b: {  	s6 =	sld [smem:$0x3FA8]  }
0x2c: {  	s7 =	sld [smem:$0x3FA9]  }
0x2d: {  	s3 =	simm.s32 $0x108;
	s8 =	sld [smem:$0x3FAA]  }
0x2e: {  	s3 =	simm.s32 @!p0 $0x1082;
	s9 =	sld [smem:$0x3FAB]  }
0x2f: {  	lr =	sadd.s32 s0, s3;
	s0 =	sld [smem:$0x3FA2]  }
0x30: {  	s3 =	sld [smem:$0x3FA5]  }
0x31: {  	[smem:$0x3FAE] =	sst s10  }
0x32: {  	s10 =	sld [smem:$0x3FAC];
	_ =	sdelay $0x3  }
0x33: {  	p0 =	seq.s32 s10, $0x1;
	s10 =	sld [smem:$0x3FAE];
	_ =	sdelay $0x3  }
0x34: {  	[smem:$0x3FAE] =	sst s10  }
0x35: {  	s10 =	sld [smem:$0x3FAD];
	_ =	sdelay $0x3  }
0x36: {  	p1 =	seq.s32 s10, $0x1;
	s10 =	sld [smem:$0x3FAE];
	_ =	sdelay $0x3  }
0x37: {  	[smem:$0x3FAE] =	sst s10  }
0x38: {  	s10 =	sld [smem:$0x3FAF]  }
0x39: {  	_ = 	snop;
	(pc) =	sbr.ind lr, $3  }
0x3a: {  	_ = 	snop  }
0x3b: {  	_ = 	snop  }
0x3c: {  	p2 =	seq.s32 s10, $0x1;
	s10 =	sld [smem:$0x3FAE]  }
0x3d: {  	_ =	shalt  }
0x3e: {  	_ =	shalt  }
0x3f: {  	_ =	shalt  }
0x40: {  	_ =	shalt  }
0x41: {  	_ =	shalt  }
0x42: {  	_ =	shalt  }
0x43: {  	_ =	shalt  }
0x44: {  	_ =	shalt  }
0x45: {  	_ =	shalt  }
0x46: {  	_ =	shalt  }
0x47: {  	_ =	shalt  }
0x48: {  	_ =	shalt  }
0x49: {  	_ =	shalt  }
0x4a: {  	_ =	shalt  }
0x4b: {  	_ =	shalt  }
0x4c: {  	_ =	shalt  }
0x4d: {  	_ =	shalt  }
0x4e: {  	_ =	shalt  }
0x4f: {  	_ =	shalt  }
0x50: {  	_ =	shalt  }
0x51: {  	_ =	shalt  }
0x52: {  	_ =	shalt  }
0x53: {  	_ =	shalt  }
0x54: {  	_ =	shalt  }
0x55: {  	_ =	shalt  }
0x56: {  	_ =	shalt  }
0x57: {  	_ =	shalt  }
0x58: {  	_ =	shalt  }
0x59: {  	_ =	shalt  }
0x5a: {  	_ =	shalt  }
0x5b: {  	_ =	shalt  }
0x5c: {  	_ =	shalt  }
0x5d: {  	_ =	shalt  }
0x5e: {  	_ =	shalt  }
0x5f: {  	_ =	shalt  }
0x60: {  	_ =	shalt  }
0x61: {  	_ =	shalt  }
0x62: {  	_ =	shalt  }
0x63: {  	_ =	shalt  }
0x64: {  	_ =	shalt  }
0x65: {  	_ =	shalt  }
0x66: {  	_ =	shalt  }
0x67: {  	_ =	shalt  }
0x68: {  	_ =	shalt  }
0x69: {  	_ =	shalt  }
0x6a: {  	_ =	shalt  }
0x6b: {  	_ =	shalt  }
0x6c: {  	_ =	shalt  }
0x6d: {  	_ =	shalt  }
0x6e: {  	_ =	shalt  }
0x6f: {  	_ =	shalt  }
0x70: {  	_ =	shalt  }
0x71: {  	_ =	shalt  }
0x72: {  	_ =	shalt  }
0x73: {  	_ =	shalt  }
0x74: {  	_ =	shalt  }
0x75: {  	_ =	shalt  }
0x76: {  	_ =	shalt  }
0x77: {  	_ =	shalt  }
0x78: {  	_ =	shalt  }
0x79: {  	_ =	shalt  }
0x7a: {  	_ =	shalt  }
0x7b: {  	_ =	shalt  }
0x7c: {  	_ =	shalt  }
0x7d: {  	_ =	shalt  }
0x7e: {  	_ =	shalt  }
0x7f: {  	_ =	shalt  }
0x80: {  	_ =	shalt  }
0x81: {  	_ =	shalt  }
0x82: {  	_ =	shalt  }
0x83: {  	_ =	shalt  }
0x84: {  	_ =	shalt  }
0x85: {  	_ =	shalt  }
0x86: {  	_ =	shalt  }
0x87: {  	_ =	shalt  }
.Lfunc_end0:
.L_simem_size_0:
called_computation.4_lowered:
.L_overlay_start_0:
0x88: {  	s2 =	sld [smem:$0x3FD9]  }
0x89: {  	s3 =	sld [smem:$0x3FFE];
	_ =	sdelay $0x1  }
0x8a: {  	s1 =	srdreg.scid  }
0x8b: {  	s0 =	sand.u32 $0x1, s1  }
0x8c: {  	s16 =	sshll.u32 s0, $0xA;
	s2 =	sadd.s32 s3, s2  }
0x8d: {  	s2 =	sadd.s32 s2, s16  }
0x8e: {  	[smem:$0x3FBA] =	sst s2  }
0x8f: {  	_ = 	snop  }
0x90: {  	(tm) =	ssettm $0x1  }
0x91: {  	s17 =	sld [smem:$0x3FFB];
	_ =	sdelay $0x3  }
0x92: {  	_ =	strace s17  }
0x93: {  	s2 =	sld [smem:$0x3FFC];
	_ =	sdelay $0x3  }
0x94: {  	_ =	strace s2  }
0x95: {  	s2 =	sld [smem:$0x3FFD];
	_ =	sdelay $0x3  }
0x96: {  	_ =	strace s2  }
0x97: {  	_ =	strace $0x8FFFFFFF  }
0x98: {  	s18 =	sld [smem:$0x3FDB];
	_ =	sdelay $0x1  }
0x99: {  	s19 =	simm.s32 $_scs_section_size  }
0x9a: {  	s4 =	simm.s32 $_size__tile_overlayer_lowered;
	s5 =	simm.s32 $_tile_overlayer_lowered  }
0x9b: {  	s22 =	simm.s32 $0x1BFF;
	s21 =	sshll.u32 s5, $0x1;
	s2 =	sadd.s32 s19, s18  }
0x9c: {  	s6 =	simm.s32 $0x0;
	s20 =	sshll.u32 s4, $0x1;
	s4 =	sadd.s32 s21, s2  }
0x9d: {  	[timem:s6], [sflag:s22] =	dma.local [hbm:s4], s20  }
0x9e: {  	_ =	swait.ge [sflag:s22], s20  }
0x9f: {  	s3 =	ssub.s32 $0x0, s20;
	[sflag:s22] =	ssyncset.done $0x0  }
0xa0: {  	[sflag:s22] =	ssyncadd.s32 s3;
	_ =	sdelay $0x1  }
0xa1: {  	s23 =	simm.s32 $0x1B8B  }
0xa2: {  	_ =	swait.ge [sflag:s23], $0x1  }
0xa3: {  	[sflag:s23] =	ssyncset.done $0x0  }
0xa4: {  	s25 =	simm.s32 $0x1B8E;
	s24 =	sld [smem:$0x3FFE];
	[sflag:s23] =	ssyncadd.s32 $0xFFFFFFFF  }
0xa5: {  	s26 =	simm.s32 $execute0_lowered;
	[smem:$0x3FD2] =	sst s25  }
0xa6: {  	s4 =	sshll.u32 s26, $0x1;
	_ =	strace $0x80000052;
	[dreg:$0x1] =	wrdreg $0xFFFFFFFF  }
0xa7: {  	s28 =	simm.s32 $_size_execute0_lowered;
	s2 =	sadd.s32 s2, s4;
	[dreg:$0x0] =	wrdreg $0x0  }
0xa8: {  	s4 =	sshll.u32 s28, $0x1;
	[dreg:$0x2] =	wrdreg s2  }
0xa9: {  	[dreg:$0x3] =	wrdreg s4  }
0xaa: {  	[dreg:$0x4] =	wrdreg $0xC0  }
0xab: {  	_ =	task [dreg:s6], $0x5FFFF  }
0xac: {  	[dreg:$0x1] =	wrdreg $0xFFFFFFFF  }
0xad: {  	[dreg:$0x0] =	wrdreg $0x60  }
0xae: {  	[dreg:$0x2] =	wrdreg s24  }
0xaf: {  	[dreg:$0x3] =	wrdreg $0x82000  }
0xb0: {  	[dreg:$0x4] =	wrdreg $0x9  }
0xb1: {  	_ =	task.clear_ibuf [dreg:s6], $0x5FFFF;
	_ =	strace $0x90000052  }
0xb2: {  	s29 =	simm.s32 $0x9;
	_ =	strace $0x80000054  }
0xb3: {  	_ =	swait.ge [sflag:s29], $0x1  }
0xb4: {  	[sflag:s29] =	ssyncadd.s32 $0xFFFFFFFF  }
0xb5: {  	_ =	strace $0x90000054  }
0xb6: {  	_ =	sfence  }
0xb7: {  	s30 =	sld [smem:$0x0];
	_ =	sdelay $0x2  }
0xb8: {  	s31 =	sshll.u32 s1, $0xD;
	s1 =	sshrl.u32 s1, $0x2  }
0xb9: {  	s3 =	sand.u32 $0x4000, s31;
	s1 =	sadd.s32 s1, s30  }
0xba: {  	s0 =	sor.u32 s3, s0;
	s1 =	sshll.u32 s1, $0x11  }
0xbb: {  	s0 =	sor.u32 s1, s0  }
0xbc: {  	s0 =	sadd.s32 $0x8F2B, s0  }
0xbd: {  	[sflag:s0] =	ssyncadd.remote.s32 $0x1  }
0xbe: {  	_ =	sfence.sel $0xFFFF  }
0xbf: {  	[dreg:$0x0] =	wrdreg $0xFFFFFFFF;
	(pc) =	sbr.abs _section_cstart, $3  }
0xc0: {  	[dreg:$0x1] =	wrdreg $0xFFFFFFFF  }
0xc1: {  	_ =	task.clear_ibuf [dreg:s6], $0x2FFFF;
	_ =	strace $0x9FFFFFFF  }
0xc2: {  	(tm) =	ssettm $0x7FFFFFFF  }
0xc3: {  	_ =	shalt  }
tec
execute0_lowered:
.L_overlay_start_1:
0x0: {  	(tag) =	ssettag $0x1  }
0x1: {  	s0 =	rddreg [dreg:$0x0];
	s1 =	srdreg.scid  }
0x2: {  	s2 =	rddreg [dreg:$0x1];
	s9 =	stileid.u32;
	s3 =	simm.s32 $0x0  }
0x3: {  	s19 =	simm.s32 $0x200;
	s20 =	simm.s32 $0x5;
	s21 =	simm.s32 $0x80  }
0x4: {  	s28 =	simm.s32 $0x3;
	s29 =	simm.s32 $0x4;
	s30 =	simm.s32 $0x0  }
0x5: {  	s1 =	sand.u32 $0x1, s1;
	s6 =	smul.u32 $0x14000, s9;
	[smem:$0x7FF] =	sst s3  }
0x6: {  	s4 =	sadd.s32 $0x5FE00, s0;
	s8 =	smul.u32 $0x50000, s9;
	s22 =	sshll.u32 s9, $0x1  }
0x7: {  	s5 =	smul.u32 $0x140000, s1;
	_ =	strace $0x80000053;
	s23 =	ssub.s32 $0x2, s1  }
0x8: {  	s1 =	sor.u32 s1, s22;
	s22 =	simm.s32 $0x100;
	s24 =	sshrl.u32 s8, $0x2  }
0x9: {  	s10 =	sshrl.u32 s23, $0x1;
	s8 =	smul.u32 $0x2800, s1;
	s6 =	sadd.s32 s6, s5  }
0xa: {  	s5 =	sadd.s32 $0x5E00, s0;
	s25 =	ssub.s32 s23, s10;
	s23 =	simm.s32 $0x180  }
0xb: {  	s7 =	sshrl.u32 s6, $0x3;
	s6 =	sadd.s32 $0xFE00, s0;
	s15 =	sshrl.u32 s8, $0x3  }
0xc: {  	s18 =	smax.u32 s25, $0x1;
	s25 =	simm.s32 $0x2;
	s0 =	sadd.s32 s7, s0  }
0xd: {  	s7 =	sadd.s32 s24, s2;
	s13 =	sadd.s32 s4, s15;
	s14 =	sadd.s32 s5, s15  }
0xe: {  	s16 =	sor.u32 $0x10, s15;
	s24 =	simm.s32 $0x1;
	s26 =	sadd.s32 $0x4000, s7  }
0xf: {  	s31 =	sadd.s32 $0x8000, s7;
	s11 =	sadd.s32 $0xC000, s7;
	s12 =	sadd.s32 $0x10000, s7  }
0x10: {  	s15 =	sadd.s32 s4, s16;
	s16 =	sadd.s32 s5, s16;
	[dreg:$0x3] =	wrdreg s26  }
0x11: {  	v0 =	vimm.f32 $0.0e+00;
	s17 =	sadd.s32 $0x6AE00, s0;
	[dreg:$0x4] =	wrdreg s31;
	s26 =	simm.s32 $0x4200  }
.LBB2_1:
0x12: {  	s0 =	simm.s32 $0x0  }
0x13: {  	s1 =	sand.u32 $0xFFFFFF80, s0  }
0x14: {  	s1 =	ssub.s32 $0x0, s1  }
0x15: {  	s0 =	sand.u32 $0x3FFFFF80, s0;
	s1 =	sand.u32 $0xFFFFFF80, s1  }
0x16: {  	s31 =	sand.u32 $0x70, s3;
	s1 =	sadd.s32 s1, s0  }
0x17: {  	s0 =	simm.s32 $0x1;
	s1 =	sor.u32 s31, s1;
	s31 =	simm.s32 $0x0  }
.LBB2_2:
0x18: {  	s9 =	sshll.u32 s0, $0x4;
	p0 =	sne.s32 s0, $0x3FF;
	s0 =	sadd.s32 $0x1, s0;
	[tilespmem:s1+$0x200] =	vst v0  }
.Ltmp0:
0x19: {  	s31 =	sadd.s32 $0x10, s31;
	s1 =	sand.u32 $0xFFFFFF80, s9;
	(pc) =	sbr.rel @p0 .LBB2_2-.Ltmp0, $4  }
0x1a: {  	s1 =	ssub.s32 s31, s1  }
0x1b: {  	s9 =	sand.u32 $0x3FFFFF80, s9;
	s1 =	sand.u32 $0xFFFFFF80, s1  }
0x1c: {  	s10 =	sand.u32 $0x70, s31;
	s1 =	sadd.s32 s1, s9  }
0x1d: {  	s1 =	sor.u32 s10, s1  }
0x1e: {  	[tilespmem:s1+$0x200] =	vst v0  }
0x1f: {  	[spmem:s7] =	stream.linear.scatter [tilespmem:s19], [sflag:$0x5], $0x4000, $0x38;
	[tilespmem:$0x1C200] =	vst v63  }
0x20: {  	_ =	swait.ge [sflag:s20], $0x4000  }
0x21: {  	[sflag:s20] =	ssyncset.done $0x0  }
0x22: {  	s0 =	rddreg [dreg:$0x3];
	[sflag:s20] =	ssyncadd.s32 $0xFFFFC000  }
0x23: {  	[spmem:s0] =	stream.linear.scatter [tilespmem:s19], [sflag:$0x5], $0x4000, $0x38;
	[tilespmem:$0x1C200] =	vst v63  }
0x24: {  	_ =	swait.ge [sflag:s20], $0x4000  }
0x25: {  	[sflag:s20] =	ssyncset.done $0x0  }
0x26: {  	s1 =	rddreg [dreg:$0x4];
	[sflag:s20] =	ssyncadd.s32 $0xFFFFC000  }
0x27: {  	[spmem:s1] =	stream.linear.scatter [tilespmem:s19], [sflag:$0x5], $0x4000, $0x38;
	[tilespmem:$0x1C200] =	vst v63  }
0x28: {  	_ =	swait.ge [sflag:s20], $0x4000  }
0x29: {  	[sflag:s20] =	ssyncset.done $0x0  }
0x2a: {  	[sflag:s20] =	ssyncadd.s32 $0xFFFFC000  }
0x2b: {  	[spmem:s11] =	stream.linear.scatter [tilespmem:s19], [sflag:$0x5], $0x4000, $0x38;
	[tilespmem:$0x1C200] =	vst v63  }
0x2c: {  	_ =	swait.ge [sflag:s20], $0x4000  }
0x2d: {  	[sflag:s20] =	ssyncset.done $0x0  }
0x2e: {  	[sflag:s20] =	ssyncadd.s32 $0xFFFFC000  }
0x2f: {  	[spmem:s12] =	stream.linear.scatter [tilespmem:s19], [sflag:$0x5], $0x4000, $0x38;
	[tilespmem:$0x1C200] =	vst v63  }
0x30: {  	_ =	swait.ge [sflag:s20], $0x4000  }
0x31: {  	[sflag:s20] =	ssyncset.done $0x0  }
0x32: {  	[sflag:s20] =	ssyncadd.s32 $0xFFFFC000  }
0x33: {  	s9 =	simm.s32 $0x0;
	[bflag:$0x0] =	sbarrier.arrive $0xFFFF  }
0x34: {  	[tilespmem:s9], [sflag:$0x1] =	stream.linear.gather [hbm4b:s13+s9], $0x80, $0x38;
	[tilespmem:$0x1C200] =	vst v63  }
0x35: {  	_ = 	snop  }
0x36: {  	[tilespmem:s21], [sflag:$0x1] =	stream.linear.gather [hbm4b:s14+s9], $0x80, $0x38;
	[tilespmem:$0x1C200] =	vst v63  }
0x37: {  	_ = 	snop  }
0x38: {  	[tilespmem:s22], [sflag:$0x2] =	stream.linear.gather [hbm4b:s15+s9], $0x80, $0x38;
	[tilespmem:$0x1C200] =	vst v63  }
0x39: {  	_ = 	snop  }
0x3a: {  	[tilespmem:s23], [sflag:$0x2] =	stream.linear.gather [hbm4b:s16+s9], $0x80, $0x38;
	[tilespmem:$0x1C200] =	vst v63  }
0x3b: {  	_ =	swait.ge [sflag:s24], $0x80  }
0x3c: {  	[sflag:s24] =	ssyncset.done $0x0  }
0x3d: {  	[sflag:s24] =	ssyncadd.s32 $0xFFFFFF80  }
0x3e: {  	_ =	swait.ge [sflag:s24], $0x80  }
0x3f: {  	[sflag:s24] =	ssyncset.done $0x0  }
0x40: {  	[sflag:s24] =	ssyncadd.s32 $0xFFFFFF80  }
0x41: {  	[tilespmem:s19], [sflag:$0x3] =	stream.indirect.gather [hbm4b:s6+s21], $0x80, s3, s21, $0xb8;
	[tilespmem:$0x1C200] =	vst v63  }
0x42: {  	_ =	swait.ge [sflag:s25], $0x80  }
0x43: {  	[sflag:s25] =	ssyncset.done $0x0  }
0x44: {  	[sflag:s25] =	ssyncadd.s32 $0xFFFFFF80  }
0x45: {  	_ =	swait.ge [sflag:s25], $0x80  }
0x46: {  	s0 =	smin.u32 s9, $0x4C;
	[sflag:s25] =	ssyncset.done $0x0  }
0x47: {  	s0 =	sshll.u32 s0, $0x7;
	[sflag:s25] =	ssyncadd.s32 $0xFFFFFF80  }
0x48: {  	[tilespmem:s26], [sflag:$0x4] =	stream.indirect.gather [hbm4b:s6+s21], $0x80, s22, s21, $0xb8;
	[tilespmem:$0x1C200] =	vst v63  }
0x49: {  	s10 =	sadd.s32 $0x100, s0;
	_ =	swait.ge [sflag:s28], $0x4000  }
0x4a: {  	s9 =	sand.u32 $0x7C00, s10;
	[sflag:s28] =	ssyncset.done $0x0  }
0x4b: {  	s1 =	sand.u32 $0x300, s10;
	s9 =	sadd.s32 s8, s9;
	[sflag:s28] =	ssyncadd.s32 $0xFFFFC000  }
0x4c: {  	[spmem:s2] =	stream.indirect.scatter.add.f32 [tilespmem:s19], [sflag:$0x5], $0x80, s21, s21, $0xb8;
	[tilespmem:$0x1C200] =	vst v63  }
0x4d: {  	s1 =	sor.u32 s1, s9;
	_ =	swait.ge [sflag:s20], $0x4000  }
0x4e: {  	s1 =	sshrl.u32 s1, $0x3;
	[sflag:s20] =	ssyncset.done $0x0  }
0x4f: {  	s10 =	sadd.s32 s4, s1;
	[sflag:s20] =	ssyncadd.s32 $0xFFFFC000  }
0x50: {  	[tilespmem:s3], [sflag:$0x1] =	stream.linear.gather [hbm4b:s10+s3], $0x80, $0x38;
	[tilespmem:$0x1C200] =	vst v63  }
0x51: {  	s1 =	sadd.s32 s5, s1  }
0x52: {  	[tilespmem:s21], [sflag:$0x1] =	stream.linear.gather [hbm4b:s1+s3], $0x80, $0x38;
	[tilespmem:$0x1C200] =	vst v63  }
0x53: {  	s0 =	sadd.s32 $0x180, s0;
	_ =	swait.ge [sflag:s29], $0x4000  }
0x54: {  	s9 =	sand.u32 $0x7C00, s0;
	[sflag:s29] =	ssyncset.done $0x0  }
0x55: {  	s0 =	sand.u32 $0x380, s0;
	s1 =	sadd.s32 s8, s9;
	[sflag:s29] =	ssyncadd.s32 $0xFFFFC000  }
0x56: {  	[spmem:s2] =	stream.indirect.scatter.add.f32 [tilespmem:s26], [sflag:$0x5], $0x80, s23, s21, $0xb8;
	[tilespmem:$0x1C200] =	vst v63  }
0x57: {  	s0 =	sor.u32 s0, s1;
	_ =	swait.ge [sflag:s20], $0x4000  }
0x58: {  	s31 =	simm.s32 $0x2;
	s0 =	sshrl.u32 s0, $0x3;
	[sflag:s20] =	ssyncset.done $0x0  }
0x59: {  	s10 =	sadd.s32 s4, s0;
	s0 =	sadd.s32 s5, s0;
	[sflag:s20] =	ssyncadd.s32 $0xFFFFC000  }
0x5a: {  	[tilespmem:s22], [sflag:$0x2] =	stream.linear.gather [hbm4b:s10+s3], $0x80, $0x38;
	[tilespmem:$0x1C200] =	vst v63  }
.LBB2_4:
0x5b: {  	p0 =	sne.s32 s31, $0x4E;
	s1 =	smov.u32 s31;
	s31 =	sadd.s32 $0x2, s31  }
0x5c: {  	[tilespmem:s23], [sflag:$0x2] =	stream.linear.gather [hbm4b:s0+s3], $0x80, $0x38;
	[tilespmem:$0x1C200] =	vst v63  }
0x5d: {  	_ =	swait.ge [sflag:s24], $0x80  }
0x5e: {  	[sflag:s24] =	ssyncset.done $0x0  }
0x5f: {  	[sflag:s24] =	ssyncadd.s32 $0xFFFFFF80  }
0x60: {  	_ =	swait.ge [sflag:s24], $0x80  }
0x61: {  	[sflag:s24] =	ssyncset.done $0x0  }
0x62: {  	[sflag:s24] =	ssyncadd.s32 $0xFFFFFF80  }
0x63: {  	[tilespmem:s19], [sflag:$0x3] =	stream.indirect.gather [hbm4b:s6+s21], $0x80, s3, s21, $0xb8;
	[tilespmem:$0x1C200] =	vst v63  }
0x64: {  	_ =	swait.ge [sflag:s25], $0x80  }
0x65: {  	[sflag:s25] =	ssyncset.done $0x0  }
0x66: {  	[sflag:s25] =	ssyncadd.s32 $0xFFFFFF80  }
0x67: {  	_ =	swait.ge [sflag:s25], $0x80  }
0x68: {  	[sflag:s25] =	ssyncset.done $0x0  }
0x69: {  	s0 =	smin.u32 s1, $0x4C;
	[sflag:s25] =	ssyncadd.s32 $0xFFFFFF80  }
0x6a: {  	[tilespmem:s26], [sflag:$0x4] =	stream.indirect.gather [hbm4b:s6+s21], $0x80, s22, s21, $0xb8;
	[tilespmem:$0x1C200] =	vst v63  }
0x6b: {  	s0 =	sshll.u32 s0, $0x7;
	_ =	swait.ge [sflag:s28], $0x4000  }
0x6c: {  	s1 =	sadd.s32 $0x100, s0;
	s0 =	sadd.s32 $0x180, s0;
	[sflag:s28] =	ssyncset.done $0x0  }
0x6d: {  	s9 =	sand.u32 $0x7C00, s1;
	s1 =	sand.u32 $0x300, s1;
	[sflag:s28] =	ssyncadd.s32 $0xFFFFC000  }
0x6e: {  	s10 =	sand.u32 $0x7C00, s0;
	s0 =	sand.u32 $0x380, s0;
	s9 =	sadd.s32 s8, s9  }
0x6f: {  	[spmem:s2] =	stream.indirect.scatter.add.f32 [tilespmem:s19], [sflag:$0x5], $0x80, s21, s21, $0xb8;
	[tilespmem:$0x1C200] =	vst v63  }
0x70: {  	s1 =	sor.u32 s1, s9;
	s9 =	sadd.s32 s8, s10;
	_ =	swait.ge [sflag:s20], $0x4000  }
0x71: {  	s1 =	sshrl.u32 s1, $0x3;
	s0 =	sor.u32 s0, s9;
	[sflag:s20] =	ssyncset.done $0x0  }
0x72: {  	s9 =	sadd.s32 s4, s1;
	s1 =	sadd.s32 s5, s1;
	[sflag:s20] =	ssyncadd.s32 $0xFFFFC000  }
0x73: {  	[tilespmem:s3], [sflag:$0x1] =	stream.linear.gather [hbm4b:s9+s3], $0x80, $0x38;
	[tilespmem:$0x1C200] =	vst v63  }
0x74: {  	s9 =	sshrl.u32 s0, $0x3  }
0x75: {  	[tilespmem:s21], [sflag:$0x1] =	stream.linear.gather [hbm4b:s1+s3], $0x80, $0x38;
	[tilespmem:$0x1C200] =	vst v63  }
0x76: {  	s0 =	sadd.s32 s5, s9;
	_ =	swait.ge [sflag:s29], $0x4000  }
0x77: {  	[sflag:s29] =	ssyncset.done $0x0  }
0x78: {  	[sflag:s29] =	ssyncadd.s32 $0xFFFFC000  }
0x79: {  	[spmem:s2] =	stream.indirect.scatter.add.f32 [tilespmem:s26], [sflag:$0x5], $0x80, s23, s21, $0xb8;
	[tilespmem:$0x1C200] =	vst v63  }
.Ltmp1:
0x7a: {  	_ = 	snop;
	(pc) =	sbr.rel @p0 .LBB2_4-.Ltmp1, $4  }
0x7b: {  	_ =	swait.ge [sflag:s20], $0x4000  }
0x7c: {  	[sflag:s20] =	ssyncset.done $0x0  }
0x7d: {  	s1 =	sadd.s32 s4, s9;
	[sflag:s20] =	ssyncadd.s32 $0xFFFFC000  }
0x7e: {  	[tilespmem:s22], [sflag:$0x2] =	stream.linear.gather [hbm4b:s1+s3], $0x80, $0x38;
	[tilespmem:$0x1C200] =	vst v63  }
0x7f: {  	[tilespmem:s23], [sflag:$0x2] =	stream.linear.gather [hbm4b:s0+s3], $0x80, $0x38;
	[tilespmem:$0x1C200] =	vst v63  }
0x80: {  	_ =	swait.ge [sflag:s24], $0x80  }
0x81: {  	[sflag:s24] =	ssyncset.done $0x0  }
0x82: {  	[sflag:s24] =	ssyncadd.s32 $0xFFFFFF80  }
0x83: {  	_ =	swait.ge [sflag:s24], $0x80  }
0x84: {  	[sflag:s24] =	ssyncset.done $0x0  }
0x85: {  	[sflag:s24] =	ssyncadd.s32 $0xFFFFFF80  }
0x86: {  	_ =	swait.ge [sflag:s25], $0x80  }
0x87: {  	[sflag:s25] =	ssyncset.done $0x0  }
0x88: {  	[sflag:s25] =	ssyncadd.s32 $0xFFFFFF80  }
0x89: {  	s31 =	stileid.u32;
	_ =	swait.ge [sflag:s25], $0x80  }
0x8a: {  	s1 =	sshrl.u32 s7, $0x3;
	s30 =	sadd.s32 $0x1, s30;
	[sflag:s25] =	ssyncset.done $0x0  }
0x8b: {  	s0 =	sshll.u32 s31, $0x6;
	p0 =	sne.s32 s30, s18;
	[sflag:s25] =	ssyncadd.s32 $0xFFFFFF80  }
.Ltmp2:
0x8c: {  	s0 =	sor.u32 $0x1C05, s0;
	[bflag:$0x0] =	sbarrier.arrive $0xFFFF;
	(pc) =	sbr.rel @p0 .LBB2_1-.Ltmp2, $4  }
0x8d: {  	[hbm:s17], [sflag:s0] =	dma.local [spmem:s1], $0x2800  }
0x8e: {  	_ =	swait.ge [sflag:s20], $0x2800  }
0x8f: {  	[sflag:s20] =	ssyncset.done $0x0  }
0x90: {  	[sflag:s20] =	ssyncadd.s32 $0xFFFFD800  }
0x91: {  	_ =	sfence.sel $0x180000  }
0x92: {  	[bflag:$0x0] =	sbarrier.arrive $0xFFFF  }
0x93: {  	_ =	strace $0x90000053  }
0x94: {  	s0 =	stileid.u32;
	[bflag:$0x2] =	sbarrier.arrive $0xFFFF  }
0x95: {  	p0 =	sne.s32 s0, $0x0;
	s0 =	rddreg [dreg:$0x2]  }
0x96: {  	s0 =	sadd.s32 @!p0 $0x100000, s0  }
0x97: {  	[sflag:s0] =	ssyncadd.tile.s32 @!p0 $0x1;
	_ =	shalt  }
.Lfunc_end2:
_tile_overlayer_lowered:
.L_overlay_start_2:
0x98: {  	(tag) =	ssettag $0x2  }
0x99: {  	s0 =	rddreg [dreg:$0x0];
	s2 =	stileid.u32  }
0x9a: {  	s1 =	rddreg [dreg:$0x1];
	p0 =	sne.s32 s2, $0x0  }
0x9b: {  	s3 =	rddreg [dreg:$0x2];
	[bflag:$0x3] =	sbarrier.arrive $0xFFFF;
	s2 =	simm.s32 @!p0 $0x1C05  }
0x9c: {  	[timem:s3], [sflag:s2] =	dma.local @!p0 [hbm:s0], s1  }
0x9d: {  	s0 =	simm.s32 @!p0 $0x5  }
0x9e: {  	_ =	swait.ge @!p0 [sflag:s0], s1  }
0x9f: {  	s1 =	ssub.s32 @!p0 $0x0, s1;
	[sflag:s0] =	ssyncset.done @!p0 $0x0  }
0xa0: {  	[sflag:s0] =	ssyncadd.s32 @!p0 s1  }
0xa1: {  	[bflag:$0x3] =	sbarrier.arrive $0xFFFF  }
0xa2: {  	_ =	shalt  }

// kernel: kernel.31.cloned.1.call-start
scs
__scs_entry_jumppad:
0x0: {  	(pc) =	sbr.rel $0x88, $3  }
0x1: {  	(tag) =	ssettag $0x0;
	lr =	simm.s32 $0x1  }
0x2: {  	[smem:$0x3F93] =	sst lr;
	_ =	strace $0xD0000000  }
0x3: {  	_ = 	snop  }
0x4: {  	_ = 	snop  }
0x5: {  	_ = 	snop  }
0x6: {  	_ = 	snop  }
0x7: {  	_ = 	snop  }
__scs_overlays_trampoline_lowered:
0x8: {  	[smem:$0x3FA2] =	sst s0  }
0x9: {  	[smem:$0x3FA3] =	sst s1  }
0xa: {  	[smem:$0x3FA4] =	sst s2  }
0xb: {  	[smem:$0x3FA5] =	sst s3  }
0xc: {  	[smem:$0x3FA6] =	sst s4  }
0xd: {  	[smem:$0x3FA7] =	sst s5  }
0xe: {  	[smem:$0x3FA8] =	sst s6  }
0xf: {  	[smem:$0x3FA9] =	sst s7  }
0x10: {  	[smem:$0x3FAA] =	sst s8  }
0x11: {  	[smem:$0x3FAB] =	sst s9;
	s0 =	simm.s32 @!p0 $0x0  }
0x12: {  	s1 =	sld [smem:$0x3F91];
	s0 =	simm.s32 @p0 $0x1  }
0x13: {  	[smem:$0x3FAC] =	sst s0;
	s0 =	simm.s32 @!p1 $0x0  }
0x14: {  	s2 =	sld [smem:$0x3F90];
	s0 =	simm.s32 @p1 $0x1  }
0x15: {  	[smem:$0x3FAD] =	sst s0;
	s0 =	simm.s32 @!p2 $0x0  }
0x16: {  	s3 =	sld [smem:$0x3FDB];
	s0 =	simm.s32 @p2 $0x1  }
0x17: {  	s4 =	simm.s32 $0x1BF5;
	[smem:$0x3FAF] =	sst s0  }
0x18: {  	s0 =	sld [smem:$0x3F92];
	_ =	swait.ge [sflag:s4], $0x0  }
0x19: {  	s7 =	sld [smem:$0x3F93]  }
0x1a: {  	s8 =	sadd.s32 $0xFFFFE003, lr  }
0x1b: {  	s9 =	sadd.s32 $0xFFFFFEF7, lr;
	s5 =	simm.s32 $0xFFFFFFFF;
	p2 =	slt.u32 s8, $0xFFFFF086  }
0x1c: {  	p1 =	slt.u32 s9, $0xF7A;
	s5 =	simm.s32 @!p2 $0x0  }
0x1d: {  	s5 =	simm.s32 @p1 $0x1;
	p0 =	seq.s32 s7, s2  }
0x1e: {  	s7 =	smul.u32 @!p0 $0xF7A, s2;
	p2 =	seq.s32 @!p0 s5, $0x0  }
0x1f: {  	s9 =	smul.u32 $0xF7A, s1;
	s8 =	simm.s32 @!p0 $0x1BF5;
	p2 =	por !p2, p0  }
0x20: {  	[sflag:s8] =	ssyncset.s32 @!p0 $0xFFFFF086;
	s6 =	sadd.s32 @!p0 s3, s7;
	s7 =	simm.s32 @!p0 $0x108  }
0x21: {  	s3 =	sadd.s32 s3, s9;
	s6 =	sadd.s32 @!p0 $0x88, s6;
	s7 =	simm.s32 @p2 $0x1082  }
0x22: {  	[simem:s7], [sflag:s8] =	dma.local @!p0 [hbm:s6], $0xF7A  }
0x23: {  	s9 =	sor.u32 $0xD0000000, s2;
	s6 =	simm.s32 $0x108;
	_ =	swait.ge @!p0 [sflag:s8], $0x0  }
0x24: {  	s3 =	sadd.s32 $0x88, s3;
	s6 =	simm.s32 @!p1 $0x1082;
	[sflag:s4] =	ssyncset.s32 $0xFFFFF086  }
0x25: {  	[simem:s6], [sflag:s4] =	dma.local [hbm:s3], $0xF7A  }
0x26: {  	[smem:$0x3F93] =	sst s1;
	(tag) =	ssettag s2;
	_ =	strace s9  }
0x27: {  	s1 =	sld [smem:$0x3FA3]  }
0x28: {  	s2 =	sld [smem:$0x3FA4]  }
0x29: {  	s4 =	sld [smem:$0x3FA6]  }
0x2a: {  	p0 =	seq.s32 s5, $0x0;
	s5 =	sld [smem:$0x3FA7]  }
0x2b: {  	s6 =	sld [smem:$0x3FA8]  }
0x2c: {  	s7 =	sld [smem:$0x3FA9]  }
0x2d: {  	s3 =	simm.s32 $0x108;
	s8 =	sld [smem:$0x3FAA]  }
0x2e: {  	s3 =	simm.s32 @!p0 $0x1082;
	s9 =	sld [smem:$0x3FAB]  }
0x2f: {  	lr =	sadd.s32 s0, s3;
	s0 =	sld [smem:$0x3FA2]  }
0x30: {  	s3 =	sld [smem:$0x3FA5]  }
0x31: {  	[smem:$0x3FAE] =	sst s10  }
0x32: {  	s10 =	sld [smem:$0x3FAC];
	_ =	sdelay $0x3  }
0x33: {  	p0 =	seq.s32 s10, $0x1;
	s10 =	sld [smem:$0x3FAE];
	_ =	sdelay $0x3  }
0x34: {  	[smem:$0x3FAE] =	sst s10  }
0x35: {  	s10 =	sld [smem:$0x3FAD];
	_ =	sdelay $0x3  }
0x36: {  	p1 =	seq.s32 s10, $0x1;
	s10 =	sld [smem:$0x3FAE];
	_ =	sdelay $0x3  }
0x37: {  	[smem:$0x3FAE] =	sst s10  }
0x38: {  	s10 =	sld [smem:$0x3FAF]  }
0x39: {  	_ = 	snop;
	(pc) =	sbr.ind lr, $3  }
0x3a: {  	_ = 	snop  }
0x3b: {  	_ = 	snop  }
0x3c: {  	p2 =	seq.s32 s10, $0x1;
	s10 =	sld [smem:$0x3FAE]  }
0x3d: {  	_ =	shalt  }
0x3e: {  	_ =	shalt  }
0x3f: {  	_ =	shalt  }
0x40: {  	_ =	shalt  }
0x41: {  	_ =	shalt  }
0x42: {  	_ =	shalt  }
0x43: {  	_ =	shalt  }
0x44: {  	_ =	shalt  }
0x45: {  	_ =	shalt  }
0x46: {  	_ =	shalt  }
0x47: {  	_ =	shalt  }
0x48: {  	_ =	shalt  }
0x49: {  	_ =	shalt  }
0x4a: {  	_ =	shalt  }
0x4b: {  	_ =	shalt  }
0x4c: {  	_ =	shalt  }
0x4d: {  	_ =	shalt  }
0x4e: {  	_ =	shalt  }
0x4f: {  	_ =	shalt  }
0x50: {  	_ =	shalt  }
0x51: {  	_ =	shalt  }
0x52: {  	_ =	shalt  }
0x53: {  	_ =	shalt  }
0x54: {  	_ =	shalt  }
0x55: {  	_ =	shalt  }
0x56: {  	_ =	shalt  }
0x57: {  	_ =	shalt  }
0x58: {  	_ =	shalt  }
0x59: {  	_ =	shalt  }
0x5a: {  	_ =	shalt  }
0x5b: {  	_ =	shalt  }
0x5c: {  	_ =	shalt  }
0x5d: {  	_ =	shalt  }
0x5e: {  	_ =	shalt  }
0x5f: {  	_ =	shalt  }
0x60: {  	_ =	shalt  }
0x61: {  	_ =	shalt  }
0x62: {  	_ =	shalt  }
0x63: {  	_ =	shalt  }
0x64: {  	_ =	shalt  }
0x65: {  	_ =	shalt  }
0x66: {  	_ =	shalt  }
0x67: {  	_ =	shalt  }
0x68: {  	_ =	shalt  }
0x69: {  	_ =	shalt  }
0x6a: {  	_ =	shalt  }
0x6b: {  	_ =	shalt  }
0x6c: {  	_ =	shalt  }
0x6d: {  	_ =	shalt  }
0x6e: {  	_ =	shalt  }
0x6f: {  	_ =	shalt  }
0x70: {  	_ =	shalt  }
0x71: {  	_ =	shalt  }
0x72: {  	_ =	shalt  }
0x73: {  	_ =	shalt  }
0x74: {  	_ =	shalt  }
0x75: {  	_ =	shalt  }
0x76: {  	_ =	shalt  }
0x77: {  	_ =	shalt  }
0x78: {  	_ =	shalt  }
0x79: {  	_ =	shalt  }
0x7a: {  	_ =	shalt  }
0x7b: {  	_ =	shalt  }
0x7c: {  	_ =	shalt  }
0x7d: {  	_ =	shalt  }
0x7e: {  	_ =	shalt  }
0x7f: {  	_ =	shalt  }
0x80: {  	_ =	shalt  }
0x81: {  	_ =	shalt  }
0x82: {  	_ =	shalt  }
0x83: {  	_ =	shalt  }
0x84: {  	_ =	shalt  }
0x85: {  	_ =	shalt  }
0x86: {  	_ =	shalt  }
0x87: {  	_ =	shalt  }
.Lfunc_end0:
.L_simem_size_0:
called_computation.5_lowered:
.L_overlay_start_0:
0x88: {  	s2 =	sld [smem:$0x3FD9]  }
0x89: {  	s3 =	sld [smem:$0x3FFE];
	_ =	sdelay $0x1  }
0x8a: {  	s1 =	srdreg.scid  }
0x8b: {  	s0 =	sand.u32 $0x1, s1  }
0x8c: {  	s16 =	sshll.u32 s0, $0xA;
	s2 =	sadd.s32 s3, s2  }
0x8d: {  	s2 =	sadd.s32 s2, s16  }
0x8e: {  	[smem:$0x3FBA] =	sst s2  }
0x8f: {  	_ = 	snop  }
0x90: {  	(tm) =	ssettm $0x1  }
0x91: {  	s17 =	sld [smem:$0x3FFB];
	_ =	sdelay $0x3  }
0x92: {  	_ =	strace s17  }
0x93: {  	s2 =	sld [smem:$0x3FFC];
	_ =	sdelay $0x3  }
0x94: {  	_ =	strace s2  }
0x95: {  	s2 =	sld [smem:$0x3FFD];
	_ =	sdelay $0x3  }
0x96: {  	_ =	strace s2  }
0x97: {  	_ =	strace $0x8FFFFFFF  }
0x98: {  	s18 =	sld [smem:$0x3FDB];
	_ =	sdelay $0x1  }
0x99: {  	s19 =	simm.s32 $_scs_section_size  }
0x9a: {  	s4 =	simm.s32 $_size__tile_overlayer_lowered;
	s5 =	simm.s32 $_tile_overlayer_lowered  }
0x9b: {  	s22 =	simm.s32 $0x1BFF;
	s21 =	sshll.u32 s5, $0x1;
	s2 =	sadd.s32 s19, s18  }
0x9c: {  	s6 =	simm.s32 $0x0;
	s20 =	sshll.u32 s4, $0x1;
	s4 =	sadd.s32 s21, s2  }
0x9d: {  	[timem:s6], [sflag:s22] =	dma.local [hbm:s4], s20  }
0x9e: {  	_ =	swait.ge [sflag:s22], s20  }
0x9f: {  	s3 =	ssub.s32 $0x0, s20;
	[sflag:s22] =	ssyncset.done $0x0  }
0xa0: {  	[sflag:s22] =	ssyncadd.s32 s3;
	_ =	sdelay $0x1  }
0xa1: {  	s23 =	simm.s32 $0x1B8B  }
0xa2: {  	_ =	swait.ge [sflag:s23], $0x1  }
0xa3: {  	[sflag:s23] =	ssyncset.done $0x0  }
0xa4: {  	s25 =	simm.s32 $0x1B8E;
	s24 =	sld [smem:$0x3FFE];
	[sflag:s23] =	ssyncadd.s32 $0xFFFFFFFF  }
0xa5: {  	s26 =	simm.s32 $execute0_lowered;
	[smem:$0x3FD2] =	sst s25  }
0xa6: {  	s4 =	sshll.u32 s26, $0x1;
	_ =	strace $0x80000055;
	[dreg:$0x1] =	wrdreg $0xFFFFFFFF  }
0xa7: {  	s28 =	simm.s32 $_size_execute0_lowered;
	s2 =	sadd.s32 s2, s4;
	[dreg:$0x0] =	wrdreg $0x0  }
0xa8: {  	s4 =	sshll.u32 s28, $0x1;
	[dreg:$0x2] =	wrdreg s2  }
0xa9: {  	[dreg:$0x3] =	wrdreg s4  }
0xaa: {  	[dreg:$0x4] =	wrdreg $0xC0  }
0xab: {  	_ =	task [dreg:s6], $0x5FFFF  }
0xac: {  	[dreg:$0x1] =	wrdreg $0xFFFFFFFF  }
0xad: {  	[dreg:$0x0] =	wrdreg $0x60  }
0xae: {  	[dreg:$0x2] =	wrdreg s24  }
0xaf: {  	[dreg:$0x3] =	wrdreg $0x82000  }
0xb0: {  	[dreg:$0x4] =	wrdreg $0x9  }
0xb1: {  	_ =	task.clear_ibuf [dreg:s6], $0x5FFFF;
	_ =	strace $0x90000055  }
0xb2: {  	s29 =	simm.s32 $0x9;
	_ =	strace $0x80000057  }
0xb3: {  	_ =	swait.ge [sflag:s29], $0x1  }
0xb4: {  	[sflag:s29] =	ssyncadd.s32 $0xFFFFFFFF  }
0xb5: {  	_ =	strace $0x90000057  }
0xb6: {  	_ =	sfence  }
0xb7: {  	s30 =	sld [smem:$0x0];
	_ =	sdelay $0x2  }
0xb8: {  	s31 =	sshll.u32 s1, $0xD;
	s1 =	sshrl.u32 s1, $0x2  }
0xb9: {  	s3 =	sand.u32 $0x4000, s31;
	s1 =	sadd.s32 s1, s30  }
0xba: {  	s0 =	sor.u32 s3, s0;
	s1 =	sshll.u32 s1, $0x11  }
0xbb: {  	s0 =	sor.u32 s1, s0  }
0xbc: {  	s0 =	sadd.s32 $0x8F2B, s0  }
0xbd: {  	[sflag:s0] =	ssyncadd.remote.s32 $0x1  }
0xbe: {  	_ =	sfence.sel $0xFFFF  }
0xbf: {  	[dreg:$0x0] =	wrdreg $0xFFFFFFFF;
	(pc) =	sbr.abs _section_cstart, $3  }
0xc0: {  	[dreg:$0x1] =	wrdreg $0xFFFFFFFF  }
0xc1: {  	_ =	task.clear_ibuf [dreg:s6], $0x2FFFF;
	_ =	strace $0x9FFFFFFF  }
0xc2: {  	(tm) =	ssettm $0x7FFFFFFF  }
0xc3: {  	_ =	shalt  }
tec
execute0_lowered:
.L_overlay_start_1:
0x0: {  	(tag) =	ssettag $0x1  }
0x1: {  	s0 =	rddreg [dreg:$0x0];
	s1 =	srdreg.scid  }
0x2: {  	s2 =	rddreg [dreg:$0x1];
	s9 =	stileid.u32;
	s3 =	simm.s32 $0x0  }
0x3: {  	s19 =	simm.s32 $0x200;
	s20 =	simm.s32 $0x5;
	s21 =	simm.s32 $0x80  }
0x4: {  	s28 =	simm.s32 $0x3;
	s29 =	simm.s32 $0x4;
	s30 =	simm.s32 $0x0  }
0x5: {  	s1 =	sand.u32 $0x1, s1;
	s6 =	smul.u32 $0x14000, s9;
	[smem:$0x7FF] =	sst s3  }
0x6: {  	s4 =	sadd.s32 $0x5FE00, s0;
	s8 =	smul.u32 $0x50000, s9;
	s22 =	sshll.u32 s9, $0x1  }
0x7: {  	s5 =	smul.u32 $0x140000, s1;
	_ =	strace $0x80000056;
	s23 =	ssub.s32 $0x2, s1  }
0x8: {  	s1 =	sor.u32 s1, s22;
	s22 =	simm.s32 $0x100;
	s24 =	sshrl.u32 s8, $0x2  }
0x9: {  	s10 =	sshrl.u32 s23, $0x1;
	s8 =	smul.u32 $0x2800, s1;
	s6 =	sadd.s32 s6, s5  }
0xa: {  	s5 =	sadd.s32 $0x5E00, s0;
	s25 =	ssub.s32 s23, s10;
	s23 =	simm.s32 $0x180  }
0xb: {  	s7 =	sshrl.u32 s6, $0x3;
	s6 =	sadd.s32 $0xFE00, s0;
	s15 =	sshrl.u32 s8, $0x3  }
0xc: {  	s18 =	smax.u32 s25, $0x1;
	s25 =	simm.s32 $0x2;
	s0 =	sadd.s32 s7, s0  }
0xd: {  	s7 =	sadd.s32 s24, s2;
	s13 =	sadd.s32 s4, s15;
	s14 =	sadd.s32 s5, s15  }
0xe: {  	s16 =	sor.u32 $0x10, s15;
	s24 =	simm.s32 $0x1;
	s26 =	sadd.s32 $0x4000, s7  }
0xf: {  	s31 =	sadd.s32 $0x8000, s7;
	s11 =	sadd.s32 $0xC000, s7;
	s12 =	sadd.s32 $0x10000, s7  }
0x10: {  	s15 =	sadd.s32 s4, s16;
	s16 =	sadd.s32 s5, s16;
	[dreg:$0x3] =	wrdreg s26  }
0x11: {  	v0 =	vimm.f32 $0.0e+00;
	s17 =	sadd.s32 $0x6AE00, s0;
	[dreg:$0x4] =	wrdreg s31;
	s26 =	simm.s32 $0x4200  }
.LBB2_1:
0x12: {  	s0 =	simm.s32 $0x0  }
0x13: {  	s1 =	sand.u32 $0xFFFFFF80, s0  }
0x14: {  	s1 =	ssub.s32 $0x0, s1  }
0x15: {  	s0 =	sand.u32 $0x3FFFFF80, s0;
	s1 =	sand.u32 $0xFFFFFF80, s1  }
0x16: {  	s31 =	sand.u32 $0x70, s3;
	s1 =	sadd.s32 s1, s0  }
0x17: {  	s0 =	simm.s32 $0x1;
	s1 =	sor.u32 s31, s1;
	s31 =	simm.s32 $0x0  }
.LBB2_2:
0x18: {  	s9 =	sshll.u32 s0, $0x4;
	p0 =	sne.s32 s0, $0x3FF;
	s0 =	sadd.s32 $0x1, s0;
	[tilespmem:s1+$0x200] =	vst v0  }
.Ltmp0:
0x19: {  	s31 =	sadd.s32 $0x10, s31;
	s1 =	sand.u32 $0xFFFFFF80, s9;
	(pc) =	sbr.rel @p0 .LBB2_2-.Ltmp0, $4  }
0x1a: {  	s1 =	ssub.s32 s31, s1  }
0x1b: {  	s9 =	sand.u32 $0x3FFFFF80, s9;
	s1 =	sand.u32 $0xFFFFFF80, s1  }
0x1c: {  	s10 =	sand.u32 $0x70, s31;
	s1 =	sadd.s32 s1, s9  }
0x1d: {  	s1 =	sor.u32 s10, s1  }
0x1e: {  	[tilespmem:s1+$0x200] =	vst v0  }
0x1f: {  	[spmem:s7] =	stream.linear.scatter [tilespmem:s19], [sflag:$0x5], $0x4000, $0x38;
	[tilespmem:$0x1C200] =	vst v63  }
0x20: {  	_ =	swait.ge [sflag:s20], $0x4000  }
0x21: {  	[sflag:s20] =	ssyncset.done $0x0  }
0x22: {  	s0 =	rddreg [dreg:$0x3];
	[sflag:s20] =	ssyncadd.s32 $0xFFFFC000  }
0x23: {  	[spmem:s0] =	stream.linear.scatter [tilespmem:s19], [sflag:$0x5], $0x4000, $0x38;
	[tilespmem:$0x1C200] =	vst v63  }
0x24: {  	_ =	swait.ge [sflag:s20], $0x4000  }
0x25: {  	[sflag:s20] =	ssyncset.done $0x0  }
0x26: {  	s1 =	rddreg [dreg:$0x4];
	[sflag:s20] =	ssyncadd.s32 $0xFFFFC000  }
0x27: {  	[spmem:s1] =	stream.linear.scatter [tilespmem:s19], [sflag:$0x5], $0x4000, $0x38;
	[tilespmem:$0x1C200] =	vst v63  }
0x28: {  	_ =	swait.ge [sflag:s20], $0x4000  }
0x29: {  	[sflag:s20] =	ssyncset.done $0x0  }
0x2a: {  	[sflag:s20] =	ssyncadd.s32 $0xFFFFC000  }
0x2b: {  	[spmem:s11] =	stream.linear.scatter [tilespmem:s19], [sflag:$0x5], $0x4000, $0x38;
	[tilespmem:$0x1C200] =	vst v63  }
0x2c: {  	_ =	swait.ge [sflag:s20], $0x4000  }
0x2d: {  	[sflag:s20] =	ssyncset.done $0x0  }
0x2e: {  	[sflag:s20] =	ssyncadd.s32 $0xFFFFC000  }
0x2f: {  	[spmem:s12] =	stream.linear.scatter [tilespmem:s19], [sflag:$0x5], $0x4000, $0x38;
	[tilespmem:$0x1C200] =	vst v63  }
0x30: {  	_ =	swait.ge [sflag:s20], $0x4000  }
0x31: {  	[sflag:s20] =	ssyncset.done $0x0  }
0x32: {  	[sflag:s20] =	ssyncadd.s32 $0xFFFFC000  }
0x33: {  	s9 =	simm.s32 $0x0;
	[bflag:$0x0] =	sbarrier.arrive $0xFFFF  }
0x34: {  	[tilespmem:s9], [sflag:$0x1] =	stream.linear.gather [hbm4b:s13+s9], $0x80, $0x38;
	[tilespmem:$0x1C200] =	vst v63  }
0x35: {  	_ = 	snop  }
0x36: {  	[tilespmem:s21], [sflag:$0x1] =	stream.linear.gather [hbm4b:s14+s9], $0x80, $0x38;
	[tilespmem:$0x1C200] =	vst v63  }
0x37: {  	_ = 	snop  }
0x38: {  	[tilespmem:s22], [sflag:$0x2] =	stream.linear.gather [hbm4b:s15+s9], $0x80, $0x38;
	[tilespmem:$0x1C200] =	vst v63  }
0x39: {  	_ = 	snop  }
0x3a: {  	[tilespmem:s23], [sflag:$0x2] =	stream.linear.gather [hbm4b:s16+s9], $0x80, $0x38;
	[tilespmem:$0x1C200] =	vst v63  }
0x3b: {  	_ =	swait.ge [sflag:s24], $0x80  }
0x3c: {  	[sflag:s24] =	ssyncset.done $0x0  }
0x3d: {  	[sflag:s24] =	ssyncadd.s32 $0xFFFFFF80  }
0x3e: {  	_ =	swait.ge [sflag:s24], $0x80  }
0x3f: {  	[sflag:s24] =	ssyncset.done $0x0  }
0x40: {  	[sflag:s24] =	ssyncadd.s32 $0xFFFFFF80  }
0x41: {  	[tilespmem:s19], [sflag:$0x3] =	stream.indirect.gather [hbm4b:s6+s21], $0x80, s3, s21, $0xb8;
	[tilespmem:$0x1C200] =	vst v63  }
0x42: {  	_ =	swait.ge [sflag:s25], $0x80  }
0x43: {  	[sflag:s25] =	ssyncset.done $0x0  }
0x44: {  	[sflag:s25] =	ssyncadd.s32 $0xFFFFFF80  }
0x45: {  	_ =	swait.ge [sflag:s25], $0x80  }
0x46: {  	s0 =	smin.u32 s9, $0x4C;
	[sflag:s25] =	ssyncset.done $0x0  }
0x47: {  	s0 =	sshll.u32 s0, $0x7;
	[sflag:s25] =	ssyncadd.s32 $0xFFFFFF80  }
0x48: {  	[tilespmem:s26], [sflag:$0x4] =	stream.indirect.gather [hbm4b:s6+s21], $0x80, s22, s21, $0xb8;
	[tilespmem:$0x1C200] =	vst v63  }
0x49: {  	s10 =	sadd.s32 $0x100, s0;
	_ =	swait.ge [sflag:s28], $0x4000  }
0x4a: {  	s9 =	sand.u32 $0x7C00, s10;
	[sflag:s28] =	ssyncset.done $0x0  }
0x4b: {  	s1 =	sand.u32 $0x300, s10;
	s9 =	sadd.s32 s8, s9;
	[sflag:s28] =	ssyncadd.s32 $0xFFFFC000  }
0x4c: {  	[spmem:s2] =	stream.indirect.scatter.add.f32 [tilespmem:s19], [sflag:$0x5], $0x80, s21, s21, $0xb8;
	[tilespmem:$0x1C200] =	vst v63  }
0x4d: {  	s1 =	sor.u32 s1, s9;
	_ =	swait.ge [sflag:s20], $0x4000  }
0x4e: {  	s1 =	sshrl.u32 s1, $0x3;
	[sflag:s20] =	ssyncset.done $0x0  }
0x4f: {  	s10 =	sadd.s32 s4, s1;
	[sflag:s20] =	ssyncadd.s32 $0xFFFFC000  }
0x50: {  	[tilespmem:s3], [sflag:$0x1] =	stream.linear.gather [hbm4b:s10+s3], $0x80, $0x38;
	[tilespmem:$0x1C200] =	vst v63  }
0x51: {  	s1 =	sadd.s32 s5, s1  }
0x52: {  	[tilespmem:s21], [sflag:$0x1] =	stream.linear.gather [hbm4b:s1+s3], $0x80, $0x38;
	[tilespmem:$0x1C200] =	vst v63  }
0x53: {  	s0 =	sadd.s32 $0x180, s0;
	_ =	swait.ge [sflag:s29], $0x4000  }
0x54: {  	s9 =	sand.u32 $0x7C00, s0;
	[sflag:s29] =	ssyncset.done $0x0  }
0x55: {  	s0 =	sand.u32 $0x380, s0;
	s1 =	sadd.s32 s8, s9;
	[sflag:s29] =	ssyncadd.s32 $0xFFFFC000  }
0x56: {  	[spmem:s2] =	stream.indirect.scatter.add.f32 [tilespmem:s26], [sflag:$0x5], $0x80, s23, s21, $0xb8;
	[tilespmem:$0x1C200] =	vst v63  }
0x57: {  	s0 =	sor.u32 s0, s1;
	_ =	swait.ge [sflag:s20], $0x4000  }
0x58: {  	s31 =	simm.s32 $0x2;
	s0 =	sshrl.u32 s0, $0x3;
	[sflag:s20] =	ssyncset.done $0x0  }
0x59: {  	s10 =	sadd.s32 s4, s0;
	s0 =	sadd.s32 s5, s0;
	[sflag:s20] =	ssyncadd.s32 $0xFFFFC000  }
0x5a: {  	[tilespmem:s22], [sflag:$0x2] =	stream.linear.gather [hbm4b:s10+s3], $0x80, $0x38;
	[tilespmem:$0x1C200] =	vst v63  }
.LBB2_4:
0x5b: {  	p0 =	sne.s32 s31, $0x4E;
	s1 =	smov.u32 s31;
	s31 =	sadd.s32 $0x2, s31  }
0x5c: {  	[tilespmem:s23], [sflag:$0x2] =	stream.linear.gather [hbm4b:s0+s3], $0x80, $0x38;
	[tilespmem:$0x1C200] =	vst v63  }
0x5d: {  	_ =	swait.ge [sflag:s24], $0x80  }
0x5e: {  	[sflag:s24] =	ssyncset.done $0x0  }
0x5f: {  	[sflag:s24] =	ssyncadd.s32 $0xFFFFFF80  }
0x60: {  	_ =	swait.ge [sflag:s24], $0x80  }
0x61: {  	[sflag:s24] =	ssyncset.done $0x0  }
0x62: {  	[sflag:s24] =	ssyncadd.s32 $0xFFFFFF80  }
0x63: {  	[tilespmem:s19], [sflag:$0x3] =	stream.indirect.gather [hbm4b:s6+s21], $0x80, s3, s21, $0xb8;
	[tilespmem:$0x1C200] =	vst v63  }
0x64: {  	_ =	swait.ge [sflag:s25], $0x80  }
0x65: {  	[sflag:s25] =	ssyncset.done $0x0  }
0x66: {  	[sflag:s25] =	ssyncadd.s32 $0xFFFFFF80  }
0x67: {  	_ =	swait.ge [sflag:s25], $0x80  }
0x68: {  	[sflag:s25] =	ssyncset.done $0x0  }
0x69: {  	s0 =	smin.u32 s1, $0x4C;
	[sflag:s25] =	ssyncadd.s32 $0xFFFFFF80  }
0x6a: {  	[tilespmem:s26], [sflag:$0x4] =	stream.indirect.gather [hbm4b:s6+s21], $0x80, s22, s21, $0xb8;
	[tilespmem:$0x1C200] =	vst v63  }
0x6b: {  	s0 =	sshll.u32 s0, $0x7;
	_ =	swait.ge [sflag:s28], $0x4000  }
0x6c: {  	s1 =	sadd.s32 $0x100, s0;
	s0 =	sadd.s32 $0x180, s0;
	[sflag:s28] =	ssyncset.done $0x0  }
0x6d: {  	s9 =	sand.u32 $0x7C00, s1;
	s1 =	sand.u32 $0x300, s1;
	[sflag:s28] =	ssyncadd.s32 $0xFFFFC000  }
0x6e: {  	s10 =	sand.u32 $0x7C00, s0;
	s0 =	sand.u32 $0x380, s0;
	s9 =	sadd.s32 s8, s9  }
0x6f: {  	[spmem:s2] =	stream.indirect.scatter.add.f32 [tilespmem:s19], [sflag:$0x5], $0x80, s21, s21, $0xb8;
	[tilespmem:$0x1C200] =	vst v63  }
0x70: {  	s1 =	sor.u32 s1, s9;
	s9 =	sadd.s32 s8, s10;
	_ =	swait.ge [sflag:s20], $0x4000  }
0x71: {  	s1 =	sshrl.u32 s1, $0x3;
	s0 =	sor.u32 s0, s9;
	[sflag:s20] =	ssyncset.done $0x0  }
0x72: {  	s9 =	sadd.s32 s4, s1;
	s1 =	sadd.s32 s5, s1;
	[sflag:s20] =	ssyncadd.s32 $0xFFFFC000  }
0x73: {  	[tilespmem:s3], [sflag:$0x1] =	stream.linear.gather [hbm4b:s9+s3], $0x80, $0x38;
	[tilespmem:$0x1C200] =	vst v63  }
0x74: {  	s9 =	sshrl.u32 s0, $0x3  }
0x75: {  	[tilespmem:s21], [sflag:$0x1] =	stream.linear.gather [hbm4b:s1+s3], $0x80, $0x38;
	[tilespmem:$0x1C200] =	vst v63  }
0x76: {  	s0 =	sadd.s32 s5, s9;
	_ =	swait.ge [sflag:s29], $0x4000  }
0x77: {  	[sflag:s29] =	ssyncset.done $0x0  }
0x78: {  	[sflag:s29] =	ssyncadd.s32 $0xFFFFC000  }
0x79: {  	[spmem:s2] =	stream.indirect.scatter.add.f32 [tilespmem:s26], [sflag:$0x5], $0x80, s23, s21, $0xb8;
	[tilespmem:$0x1C200] =	vst v63  }
.Ltmp1:
0x7a: {  	_ = 	snop;
	(pc) =	sbr.rel @p0 .LBB2_4-.Ltmp1, $4  }
0x7b: {  	_ =	swait.ge [sflag:s20], $0x4000  }
0x7c: {  	[sflag:s20] =	ssyncset.done $0x0  }
0x7d: {  	s1 =	sadd.s32 s4, s9;
	[sflag:s20] =	ssyncadd.s32 $0xFFFFC000  }
0x7e: {  	[tilespmem:s22], [sflag:$0x2] =	stream.linear.gather [hbm4b:s1+s3], $0x80, $0x38;
	[tilespmem:$0x1C200] =	vst v63  }
0x7f: {  	[tilespmem:s23], [sflag:$0x2] =	stream.linear.gather [hbm4b:s0+s3], $0x80, $0x38;
	[tilespmem:$0x1C200] =	vst v63  }
0x80: {  	_ =	swait.ge [sflag:s24], $0x80  }
0x81: {  	[sflag:s24] =	ssyncset.done $0x0  }
0x82: {  	[sflag:s24] =	ssyncadd.s32 $0xFFFFFF80  }
0x83: {  	_ =	swait.ge [sflag:s24], $0x80  }
0x84: {  	[sflag:s24] =	ssyncset.done $0x0  }
0x85: {  	[sflag:s24] =	ssyncadd.s32 $0xFFFFFF80  }
0x86: {  	_ =	swait.ge [sflag:s25], $0x80  }
0x87: {  	[sflag:s25] =	ssyncset.done $0x0  }
0x88: {  	[sflag:s25] =	ssyncadd.s32 $0xFFFFFF80  }
0x89: {  	s31 =	stileid.u32;
	_ =	swait.ge [sflag:s25], $0x80  }
0x8a: {  	s1 =	sshrl.u32 s7, $0x3;
	s30 =	sadd.s32 $0x1, s30;
	[sflag:s25] =	ssyncset.done $0x0  }
0x8b: {  	s0 =	sshll.u32 s31, $0x6;
	p0 =	sne.s32 s30, s18;
	[sflag:s25] =	ssyncadd.s32 $0xFFFFFF80  }
.Ltmp2:
0x8c: {  	s0 =	sor.u32 $0x1C05, s0;
	[bflag:$0x0] =	sbarrier.arrive $0xFFFF;
	(pc) =	sbr.rel @p0 .LBB2_1-.Ltmp2, $4  }
0x8d: {  	[hbm:s17], [sflag:s0] =	dma.local [spmem:s1], $0x2800  }
0x8e: {  	_ =	swait.ge [sflag:s20], $0x2800  }
0x8f: {  	[sflag:s20] =	ssyncset.done $0x0  }
0x90: {  	[sflag:s20] =	ssyncadd.s32 $0xFFFFD800  }
0x91: {  	_ =	sfence.sel $0x180000  }
0x92: {  	[bflag:$0x0] =	sbarrier.arrive $0xFFFF  }
0x93: {  	_ =	strace $0x90000056  }
0x94: {  	s0 =	stileid.u32;
	[bflag:$0x2] =	sbarrier.arrive $0xFFFF  }
0x95: {  	p0 =	sne.s32 s0, $0x0;
	s0 =	rddreg [dreg:$0x2]  }
0x96: {  	s0 =	sadd.s32 @!p0 $0x100000, s0  }
0x97: {  	[sflag:s0] =	ssyncadd.tile.s32 @!p0 $0x1;
	_ =	shalt  }
.Lfunc_end2:
_tile_overlayer_lowered:
.L_overlay_start_2:
0x98: {  	(tag) =	ssettag $0x2  }
0x99: {  	s0 =	rddreg [dreg:$0x0];
	s2 =	stileid.u32  }
0x9a: {  	s1 =	rddreg [dreg:$0x1];
	p0 =	sne.s32 s2, $0x0  }
0x9b: {  	s3 =	rddreg [dreg:$0x2];
	[bflag:$0x3] =	sbarrier.arrive $0xFFFF;
	s2 =	simm.s32 @!p0 $0x1C05  }
0x9c: {  	[timem:s3], [sflag:s2] =	dma.local @!p0 [hbm:s0], s1  }
0x9d: {  	s0 =	simm.s32 @!p0 $0x5  }
0x9e: {  	_ =	swait.ge @!p0 [sflag:s0], s1  }
0x9f: {  	s1 =	ssub.s32 @!p0 $0x0, s1;
	[sflag:s0] =	ssyncset.done @!p0 $0x0  }
0xa0: {  	[sflag:s0] =	ssyncadd.s32 @!p0 s1  }
0xa1: {  	[bflag:$0x3] =	sbarrier.arrive $0xFFFF  }
0xa2: {  	_ =	shalt  }

// kernel: kernel.34.cloned.1.call-start
scs
__scs_entry_jumppad:
0x0: {  	(pc) =	sbr.rel $0x88, $3  }
0x1: {  	(tag) =	ssettag $0x0;
	lr =	simm.s32 $0x1  }
0x2: {  	[smem:$0x3F93] =	sst lr;
	_ =	strace $0xD0000000  }
0x3: {  	_ = 	snop  }
0x4: {  	_ = 	snop  }
0x5: {  	_ = 	snop  }
0x6: {  	_ = 	snop  }
0x7: {  	_ = 	snop  }
__scs_overlays_trampoline_lowered:
0x8: {  	[smem:$0x3FA2] =	sst s0  }
0x9: {  	[smem:$0x3FA3] =	sst s1  }
0xa: {  	[smem:$0x3FA4] =	sst s2  }
0xb: {  	[smem:$0x3FA5] =	sst s3  }
0xc: {  	[smem:$0x3FA6] =	sst s4  }
0xd: {  	[smem:$0x3FA7] =	sst s5  }
0xe: {  	[smem:$0x3FA8] =	sst s6  }
0xf: {  	[smem:$0x3FA9] =	sst s7  }
0x10: {  	[smem:$0x3FAA] =	sst s8  }
0x11: {  	[smem:$0x3FAB] =	sst s9;
	s0 =	simm.s32 @!p0 $0x0  }
0x12: {  	s1 =	sld [smem:$0x3F91];
	s0 =	simm.s32 @p0 $0x1  }
0x13: {  	[smem:$0x3FAC] =	sst s0;
	s0 =	simm.s32 @!p1 $0x0  }
0x14: {  	s2 =	sld [smem:$0x3F90];
	s0 =	simm.s32 @p1 $0x1  }
0x15: {  	[smem:$0x3FAD] =	sst s0;
	s0 =	simm.s32 @!p2 $0x0  }
0x16: {  	s3 =	sld [smem:$0x3FDB];
	s0 =	simm.s32 @p2 $0x1  }
0x17: {  	s4 =	simm.s32 $0x1BF5;
	[smem:$0x3FAF] =	sst s0  }
0x18: {  	s0 =	sld [smem:$0x3F92];
	_ =	swait.ge [sflag:s4], $0x0  }
0x19: {  	s7 =	sld [smem:$0x3F93]  }
0x1a: {  	s8 =	sadd.s32 $0xFFFFE003, lr  }
0x1b: {  	s9 =	sadd.s32 $0xFFFFFEF7, lr;
	s5 =	simm.s32 $0xFFFFFFFF;
	p2 =	slt.u32 s8, $0xFFFFF086  }
0x1c: {  	p1 =	slt.u32 s9, $0xF7A;
	s5 =	simm.s32 @!p2 $0x0  }
0x1d: {  	s5 =	simm.s32 @p1 $0x1;
	p0 =	seq.s32 s7, s2  }
0x1e: {  	s7 =	smul.u32 @!p0 $0xF7A, s2;
	p2 =	seq.s32 @!p0 s5, $0x0  }
0x1f: {  	s9 =	smul.u32 $0xF7A, s1;
	s8 =	simm.s32 @!p0 $0x1BF5;
	p2 =	por !p2, p0  }
0x20: {  	[sflag:s8] =	ssyncset.s32 @!p0 $0xFFFFF086;
	s6 =	sadd.s32 @!p0 s3, s7;
	s7 =	simm.s32 @!p0 $0x108  }
0x21: {  	s3 =	sadd.s32 s3, s9;
	s6 =	sadd.s32 @!p0 $0x88, s6;
	s7 =	simm.s32 @p2 $0x1082  }
0x22: {  	[simem:s7], [sflag:s8] =	dma.local @!p0 [hbm:s6], $0xF7A  }
0x23: {  	s9 =	sor.u32 $0xD0000000, s2;
	s6 =	simm.s32 $0x108;
	_ =	swait.ge @!p0 [sflag:s8], $0x0  }
0x24: {  	s3 =	sadd.s32 $0x88, s3;
	s6 =	simm.s32 @!p1 $0x1082;
	[sflag:s4] =	ssyncset.s32 $0xFFFFF086  }
0x25: {  	[simem:s6], [sflag:s4] =	dma.local [hbm:s3], $0xF7A  }
0x26: {  	[smem:$0x3F93] =	sst s1;
	(tag) =	ssettag s2;
	_ =	strace s9  }
0x27: {  	s1 =	sld [smem:$0x3FA3]  }
0x28: {  	s2 =	sld [smem:$0x3FA4]  }
0x29: {  	s4 =	sld [smem:$0x3FA6]  }
0x2a: {  	p0 =	seq.s32 s5, $0x0;
	s5 =	sld [smem:$0x3FA7]  }
0x2b: {  	s6 =	sld [smem:$0x3FA8]  }
0x2c: {  	s7 =	sld [smem:$0x3FA9]  }
0x2d: {  	s3 =	simm.s32 $0x108;
	s8 =	sld [smem:$0x3FAA]  }
0x2e: {  	s3 =	simm.s32 @!p0 $0x1082;
	s9 =	sld [smem:$0x3FAB]  }
0x2f: {  	lr =	sadd.s32 s0, s3;
	s0 =	sld [smem:$0x3FA2]  }
0x30: {  	s3 =	sld [smem:$0x3FA5]  }
0x31: {  	[smem:$0x3FAE] =	sst s10  }
0x32: {  	s10 =	sld [smem:$0x3FAC];
	_ =	sdelay $0x3  }
0x33: {  	p0 =	seq.s32 s10, $0x1;
	s10 =	sld [smem:$0x3FAE];
	_ =	sdelay $0x3  }
0x34: {  	[smem:$0x3FAE] =	sst s10  }
0x35: {  	s10 =	sld [smem:$0x3FAD];
	_ =	sdelay $0x3  }
0x36: {  	p1 =	seq.s32 s10, $0x1;
	s10 =	sld [smem:$0x3FAE];
	_ =	sdelay $0x3  }
0x37: {  	[smem:$0x3FAE] =	sst s10  }
0x38: {  	s10 =	sld [smem:$0x3FAF]  }
0x39: {  	_ = 	snop;
	(pc) =	sbr.ind lr, $3  }
0x3a: {  	_ = 	snop  }
0x3b: {  	_ = 	snop  }
0x3c: {  	p2 =	seq.s32 s10, $0x1;
	s10 =	sld [smem:$0x3FAE]  }
0x3d: {  	_ =	shalt  }
0x3e: {  	_ =	shalt  }
0x3f: {  	_ =	shalt  }
0x40: {  	_ =	shalt  }
0x41: {  	_ =	shalt  }
0x42: {  	_ =	shalt  }
0x43: {  	_ =	shalt  }
0x44: {  	_ =	shalt  }
0x45: {  	_ =	shalt  }
0x46: {  	_ =	shalt  }
0x47: {  	_ =	shalt  }
0x48: {  	_ =	shalt  }
0x49: {  	_ =	shalt  }
0x4a: {  	_ =	shalt  }
0x4b: {  	_ =	shalt  }
0x4c: {  	_ =	shalt  }
0x4d: {  	_ =	shalt  }
0x4e: {  	_ =	shalt  }
0x4f: {  	_ =	shalt  }
0x50: {  	_ =	shalt  }
0x51: {  	_ =	shalt  }
0x52: {  	_ =	shalt  }
0x53: {  	_ =	shalt  }
0x54: {  	_ =	shalt  }
0x55: {  	_ =	shalt  }
0x56: {  	_ =	shalt  }
0x57: {  	_ =	shalt  }
0x58: {  	_ =	shalt  }
0x59: {  	_ =	shalt  }
0x5a: {  	_ =	shalt  }
0x5b: {  	_ =	shalt  }
0x5c: {  	_ =	shalt  }
0x5d: {  	_ =	shalt  }
0x5e: {  	_ =	shalt  }
0x5f: {  	_ =	shalt  }
0x60: {  	_ =	shalt  }
0x61: {  	_ =	shalt  }
0x62: {  	_ =	shalt  }
0x63: {  	_ =	shalt  }
0x64: {  	_ =	shalt  }
0x65: {  	_ =	shalt  }
0x66: {  	_ =	shalt  }
0x67: {  	_ =	shalt  }
0x68: {  	_ =	shalt  }
0x69: {  	_ =	shalt  }
0x6a: {  	_ =	shalt  }
0x6b: {  	_ =	shalt  }
0x6c: {  	_ =	shalt  }
0x6d: {  	_ =	shalt  }
0x6e: {  	_ =	shalt  }
0x6f: {  	_ =	shalt  }
0x70: {  	_ =	shalt  }
0x71: {  	_ =	shalt  }
0x72: {  	_ =	shalt  }
0x73: {  	_ =	shalt  }
0x74: {  	_ =	shalt  }
0x75: {  	_ =	shalt  }
0x76: {  	_ =	shalt  }
0x77: {  	_ =	shalt  }
0x78: {  	_ =	shalt  }
0x79: {  	_ =	shalt  }
0x7a: {  	_ =	shalt  }
0x7b: {  	_ =	shalt  }
0x7c: {  	_ =	shalt  }
0x7d: {  	_ =	shalt  }
0x7e: {  	_ =	shalt  }
0x7f: {  	_ =	shalt  }
0x80: {  	_ =	shalt  }
0x81: {  	_ =	shalt  }
0x82: {  	_ =	shalt  }
0x83: {  	_ =	shalt  }
0x84: {  	_ =	shalt  }
0x85: {  	_ =	shalt  }
0x86: {  	_ =	shalt  }
0x87: {  	_ =	shalt  }
.Lfunc_end0:
.L_simem_size_0:
called_computation.6_lowered:
.L_overlay_start_0:
0x88: {  	s2 =	sld [smem:$0x3FD9]  }
0x89: {  	s3 =	sld [smem:$0x3FFE];
	_ =	sdelay $0x1  }
0x8a: {  	s1 =	srdreg.scid  }
0x8b: {  	s0 =	sand.u32 $0x1, s1  }
0x8c: {  	s16 =	sshll.u32 s0, $0xA;
	s2 =	sadd.s32 s3, s2  }
0x8d: {  	s2 =	sadd.s32 s2, s16  }
0x8e: {  	[smem:$0x3FBA] =	sst s2  }
0x8f: {  	_ = 	snop  }
0x90: {  	(tm) =	ssettm $0x1  }
0x91: {  	s17 =	sld [smem:$0x3FFB];
	_ =	sdelay $0x3  }
0x92: {  	_ =	strace s17  }
0x93: {  	s2 =	sld [smem:$0x3FFC];
	_ =	sdelay $0x3  }
0x94: {  	_ =	strace s2  }
0x95: {  	s2 =	sld [smem:$0x3FFD];
	_ =	sdelay $0x3  }
0x96: {  	_ =	strace s2  }
0x97: {  	_ =	strace $0x8FFFFFFF  }
0x98: {  	s18 =	sld [smem:$0x3FDB];
	_ =	sdelay $0x1  }
0x99: {  	s19 =	simm.s32 $_scs_section_size  }
0x9a: {  	s4 =	simm.s32 $_size__tile_overlayer_lowered;
	s5 =	simm.s32 $_tile_overlayer_lowered  }
0x9b: {  	s22 =	simm.s32 $0x1BFF;
	s21 =	sshll.u32 s5, $0x1;
	s2 =	sadd.s32 s19, s18  }
0x9c: {  	s6 =	simm.s32 $0x0;
	s20 =	sshll.u32 s4, $0x1;
	s4 =	sadd.s32 s21, s2  }
0x9d: {  	[timem:s6], [sflag:s22] =	dma.local [hbm:s4], s20  }
0x9e: {  	_ =	swait.ge [sflag:s22], s20  }
0x9f: {  	s3 =	ssub.s32 $0x0, s20;
	[sflag:s22] =	ssyncset.done $0x0  }
0xa0: {  	[sflag:s22] =	ssyncadd.s32 s3;
	_ =	sdelay $0x1  }
0xa1: {  	s23 =	simm.s32 $0x1B8B  }
0xa2: {  	_ =	swait.ge [sflag:s23], $0x1  }
0xa3: {  	[sflag:s23] =	ssyncset.done $0x0  }
0xa4: {  	s25 =	simm.s32 $0x1B8E;
	s24 =	sld [smem:$0x3FFE];
	[sflag:s23] =	ssyncadd.s32 $0xFFFFFFFF  }
0xa5: {  	s26 =	simm.s32 $execute0_lowered;
	[smem:$0x3FD2] =	sst s25  }
0xa6: {  	s4 =	sshll.u32 s26, $0x1;
	_ =	strace $0x80000058;
	[dreg:$0x1] =	wrdreg $0xFFFFFFFF  }
0xa7: {  	s28 =	simm.s32 $_size_execute0_lowered;
	s2 =	sadd.s32 s2, s4;
	[dreg:$0x0] =	wrdreg $0x0  }
0xa8: {  	s4 =	sshll.u32 s28, $0x1;
	[dreg:$0x2] =	wrdreg s2  }
0xa9: {  	[dreg:$0x3] =	wrdreg s4  }
0xaa: {  	[dreg:$0x4] =	wrdreg $0xC0  }
0xab: {  	_ =	task [dreg:s6], $0x5FFFF  }
0xac: {  	[dreg:$0x1] =	wrdreg $0xFFFFFFFF  }
0xad: {  	[dreg:$0x0] =	wrdreg $0x60  }
0xae: {  	[dreg:$0x2] =	wrdreg s24  }
0xaf: {  	[dreg:$0x3] =	wrdreg $0x82000  }
0xb0: {  	[dreg:$0x4] =	wrdreg $0x9  }
0xb1: {  	_ =	task.clear_ibuf [dreg:s6], $0x5FFFF;
	_ =	strace $0x90000058  }
0xb2: {  	s29 =	simm.s32 $0x9;
	_ =	strace $0x8000005A  }
0xb3: {  	_ =	swait.ge [sflag:s29], $0x1  }
0xb4: {  	[sflag:s29] =	ssyncadd.s32 $0xFFFFFFFF  }
0xb5: {  	_ =	strace $0x9000005A  }
0xb6: {  	_ =	sfence  }
0xb7: {  	s30 =	sld [smem:$0x0];
	_ =	sdelay $0x2  }
0xb8: {  	s31 =	sshll.u32 s1, $0xD;
	s1 =	sshrl.u32 s1, $0x2  }
0xb9: {  	s3 =	sand.u32 $0x4000, s31;
	s1 =	sadd.s32 s1, s30  }
0xba: {  	s0 =	sor.u32 s3, s0;
	s1 =	sshll.u32 s1, $0x11  }
0xbb: {  	s0 =	sor.u32 s1, s0  }
0xbc: {  	s0 =	sadd.s32 $0x8F2B, s0  }
0xbd: {  	[sflag:s0] =	ssyncadd.remote.s32 $0x1  }
0xbe: {  	_ =	sfence.sel $0xFFFF  }
0xbf: {  	[dreg:$0x0] =	wrdreg $0xFFFFFFFF;
	(pc) =	sbr.abs _section_cstart, $3  }
0xc0: {  	[dreg:$0x1] =	wrdreg $0xFFFFFFFF  }
0xc1: {  	_ =	task.clear_ibuf [dreg:s6], $0x2FFFF;
	_ =	strace $0x9FFFFFFF  }
0xc2: {  	(tm) =	ssettm $0x7FFFFFFF  }
0xc3: {  	_ =	shalt  }
tec
execute0_lowered:
.L_overlay_start_1:
0x0: {  	(tag) =	ssettag $0x1  }
0x1: {  	s0 =	rddreg [dreg:$0x0];
	s1 =	srdreg.scid  }
0x2: {  	s2 =	rddreg [dreg:$0x1];
	s9 =	stileid.u32;
	s3 =	simm.s32 $0x0  }
0x3: {  	s19 =	simm.s32 $0x200;
	s20 =	simm.s32 $0x5;
	s21 =	simm.s32 $0x80  }
0x4: {  	s28 =	simm.s32 $0x3;
	s29 =	simm.s32 $0x4;
	s30 =	simm.s32 $0x0  }
0x5: {  	s1 =	sand.u32 $0x1, s1;
	s6 =	smul.u32 $0x14000, s9;
	[smem:$0x7FF] =	sst s3  }
0x6: {  	s4 =	sadd.s32 $0x5FE00, s0;
	s8 =	smul.u32 $0x50000, s9;
	s22 =	sshll.u32 s9, $0x1  }
0x7: {  	s5 =	smul.u32 $0x140000, s1;
	_ =	strace $0x80000059;
	s23 =	ssub.s32 $0x2, s1  }
0x8: {  	s1 =	sor.u32 s1, s22;
	s22 =	simm.s32 $0x100;
	s24 =	sshrl.u32 s8, $0x2  }
0x9: {  	s10 =	sshrl.u32 s23, $0x1;
	s8 =	smul.u32 $0x2800, s1;
	s6 =	sadd.s32 s6, s5  }
0xa: {  	s5 =	sadd.s32 $0x5E00, s0;
	s25 =	ssub.s32 s23, s10;
	s23 =	simm.s32 $0x180  }
0xb: {  	s7 =	sshrl.u32 s6, $0x3;
	s6 =	sadd.s32 $0xFE00, s0;
	s15 =	sshrl.u32 s8, $0x3  }
0xc: {  	s18 =	smax.u32 s25, $0x1;
	s25 =	simm.s32 $0x2;
	s0 =	sadd.s32 s7, s0  }
0xd: {  	s7 =	sadd.s32 s24, s2;
	s13 =	sadd.s32 s4, s15;
	s14 =	sadd.s32 s5, s15  }
0xe: {  	s16 =	sor.u32 $0x10, s15;
	s24 =	simm.s32 $0x1;
	s26 =	sadd.s32 $0x4000, s7  }
0xf: {  	s31 =	sadd.s32 $0x8000, s7;
	s11 =	sadd.s32 $0xC000, s7;
	s12 =	sadd.s32 $0x10000, s7  }
0x10: {  	s15 =	sadd.s32 s4, s16;
	s16 =	sadd.s32 s5, s16;
	[dreg:$0x3] =	wrdreg s26  }
0x11: {  	v0 =	vimm.f32 $0.0e+00;
	s17 =	sadd.s32 $0x6AE00, s0;
	[dreg:$0x4] =	wrdreg s31;
	s26 =	simm.s32 $0x4200  }
.LBB2_1:
0x12: {  	s0 =	simm.s32 $0x0  }
0x13: {  	s1 =	sand.u32 $0xFFFFFF80, s0  }
0x14: {  	s1 =	ssub.s32 $0x0, s1  }
0x15: {  	s0 =	sand.u32 $0x3FFFFF80, s0;
	s1 =	sand.u32 $0xFFFFFF80, s1  }
0x16: {  	s31 =	sand.u32 $0x70, s3;
	s1 =	sadd.s32 s1, s0  }
0x17: {  	s0 =	simm.s32 $0x1;
	s1 =	sor.u32 s31, s1;
	s31 =	simm.s32 $0x0  }
.LBB2_2:
0x18: {  	s9 =	sshll.u32 s0, $0x4;
	p0 =	sne.s32 s0, $0x3FF;
	s0 =	sadd.s32 $0x1, s0;
	[tilespmem:s1+$0x200] =	vst v0  }
.Ltmp0:
0x19: {  	s31 =	sadd.s32 $0x10, s31;
	s1 =	sand.u32 $0xFFFFFF80, s9;
	(pc) =	sbr.rel @p0 .LBB2_2-.Ltmp0, $4  }
0x1a: {  	s1 =	ssub.s32 s31, s1  }
0x1b: {  	s9 =	sand.u32 $0x3FFFFF80, s9;
	s1 =	sand.u32 $0xFFFFFF80, s1  }
0x1c: {  	s10 =	sand.u32 $0x70, s31;
	s1 =	sadd.s32 s1, s9  }
0x1d: {  	s1 =	sor.u32 s10, s1  }
0x1e: {  	[tilespmem:s1+$0x200] =	vst v0  }
0x1f: {  	[spmem:s7] =	stream.linear.scatter [tilespmem:s19], [sflag:$0x5], $0x4000, $0x38;
	[tilespmem:$0x1C200] =	vst v63  }
0x20: {  	_ =	swait.ge [sflag:s20], $0x4000  }
0x21: {  	[sflag:s20] =	ssyncset.done $0x0  }
0x22: {  	s0 =	rddreg [dreg:$0x3];
	[sflag:s20] =	ssyncadd.s32 $0xFFFFC000  }
0x23: {  	[spmem:s0] =	stream.linear.scatter [tilespmem:s19], [sflag:$0x5], $0x4000, $0x38;
	[tilespmem:$0x1C200] =	vst v63  }
0x24: {  	_ =	swait.ge [sflag:s20], $0x4000  }
0x25: {  	[sflag:s20] =	ssyncset.done $0x0  }
0x26: {  	s1 =	rddreg [dreg:$0x4];
	[sflag:s20] =	ssyncadd.s32 $0xFFFFC000  }
0x27: {  	[spmem:s1] =	stream.linear.scatter [tilespmem:s19], [sflag:$0x5], $0x4000, $0x38;
	[tilespmem:$0x1C200] =	vst v63  }
0x28: {  	_ =	swait.ge [sflag:s20], $0x4000  }
0x29: {  	[sflag:s20] =	ssyncset.done $0x0  }
0x2a: {  	[sflag:s20] =	ssyncadd.s32 $0xFFFFC000  }
0x2b: {  	[spmem:s11] =	stream.linear.scatter [tilespmem:s19], [sflag:$0x5], $0x4000, $0x38;
	[tilespmem:$0x1C200] =	vst v63  }
0x2c: {  	_ =	swait.ge [sflag:s20], $0x4000  }
0x2d: {  	[sflag:s20] =	ssyncset.done $0x0  }
0x2e: {  	[sflag:s20] =	ssyncadd.s32 $0xFFFFC000  }
0x2f: {  	[spmem:s12] =	stream.linear.scatter [tilespmem:s19], [sflag:$0x5], $0x4000, $0x38;
	[tilespmem:$0x1C200] =	vst v63  }
0x30: {  	_ =	swait.ge [sflag:s20], $0x4000  }
0x31: {  	[sflag:s20] =	ssyncset.done $0x0  }
0x32: {  	[sflag:s20] =	ssyncadd.s32 $0xFFFFC000  }
0x33: {  	s9 =	simm.s32 $0x0;
	[bflag:$0x0] =	sbarrier.arrive $0xFFFF  }
0x34: {  	[tilespmem:s9], [sflag:$0x1] =	stream.linear.gather [hbm4b:s13+s9], $0x80, $0x38;
	[tilespmem:$0x1C200] =	vst v63  }
0x35: {  	_ = 	snop  }
0x36: {  	[tilespmem:s21], [sflag:$0x1] =	stream.linear.gather [hbm4b:s14+s9], $0x80, $0x38;
	[tilespmem:$0x1C200] =	vst v63  }
0x37: {  	_ = 	snop  }
0x38: {  	[tilespmem:s22], [sflag:$0x2] =	stream.linear.gather [hbm4b:s15+s9], $0x80, $0x38;
	[tilespmem:$0x1C200] =	vst v63  }
0x39: {  	_ = 	snop  }
0x3a: {  	[tilespmem:s23], [sflag:$0x2] =	stream.linear.gather [hbm4b:s16+s9], $0x80, $0x38;
	[tilespmem:$0x1C200] =	vst v63  }
0x3b: {  	_ =	swait.ge [sflag:s24], $0x80  }
0x3c: {  	[sflag:s24] =	ssyncset.done $0x0  }
0x3d: {  	[sflag:s24] =	ssyncadd.s32 $0xFFFFFF80  }
0x3e: {  	_ =	swait.ge [sflag:s24], $0x80  }
0x3f: {  	[sflag:s24] =	ssyncset.done $0x0  }
0x40: {  	[sflag:s24] =	ssyncadd.s32 $0xFFFFFF80  }
0x41: {  	[tilespmem:s19], [sflag:$0x3] =	stream.indirect.gather [hbm4b:s6+s21], $0x80, s3, s21, $0xb8;
	[tilespmem:$0x1C200] =	vst v63  }
0x42: {  	_ =	swait.ge [sflag:s25], $0x80  }
0x43: {  	[sflag:s25] =	ssyncset.done $0x0  }
0x44: {  	[sflag:s25] =	ssyncadd.s32 $0xFFFFFF80  }
0x45: {  	_ =	swait.ge [sflag:s25], $0x80  }
0x46: {  	s0 =	smin.u32 s9, $0x4C;
	[sflag:s25] =	ssyncset.done $0x0  }
0x47: {  	s0 =	sshll.u32 s0, $0x7;
	[sflag:s25] =	ssyncadd.s32 $0xFFFFFF80  }
0x48: {  	[tilespmem:s26], [sflag:$0x4] =	stream.indirect.gather [hbm4b:s6+s21], $0x80, s22, s21, $0xb8;
	[tilespmem:$0x1C200] =	vst v63  }
0x49: {  	s10 =	sadd.s32 $0x100, s0;
	_ =	swait.ge [sflag:s28], $0x4000  }
0x4a: {  	s9 =	sand.u32 $0x7C00, s10;
	[sflag:s28] =	ssyncset.done $0x0  }
0x4b: {  	s1 =	sand.u32 $0x300, s10;
	s9 =	sadd.s32 s8, s9;
	[sflag:s28] =	ssyncadd.s32 $0xFFFFC000  }
0x4c: {  	[spmem:s2] =	stream.indirect.scatter.add.f32 [tilespmem:s19], [sflag:$0x5], $0x80, s21, s21, $0xb8;
	[tilespmem:$0x1C200] =	vst v63  }
0x4d: {  	s1 =	sor.u32 s1, s9;
	_ =	swait.ge [sflag:s20], $0x4000  }
0x4e: {  	s1 =	sshrl.u32 s1, $0x3;
	[sflag:s20] =	ssyncset.done $0x0  }
0x4f: {  	s10 =	sadd.s32 s4, s1;
	[sflag:s20] =	ssyncadd.s32 $0xFFFFC000  }
0x50: {  	[tilespmem:s3], [sflag:$0x1] =	stream.linear.gather [hbm4b:s10+s3], $0x80, $0x38;
	[tilespmem:$0x1C200] =	vst v63  }
0x51: {  	s1 =	sadd.s32 s5, s1  }
0x52: {  	[tilespmem:s21], [sflag:$0x1] =	stream.linear.gather [hbm4b:s1+s3], $0x80, $0x38;
	[tilespmem:$0x1C200] =	vst v63  }
0x53: {  	s0 =	sadd.s32 $0x180, s0;
	_ =	swait.ge [sflag:s29], $0x4000  }
0x54: {  	s9 =	sand.u32 $0x7C00, s0;
	[sflag:s29] =	ssyncset.done $0x0  }
0x55: {  	s0 =	sand.u32 $0x380, s0;
	s1 =	sadd.s32 s8, s9;
	[sflag:s29] =	ssyncadd.s32 $0xFFFFC000  }
0x56: {  	[spmem:s2] =	stream.indirect.scatter.add.f32 [tilespmem:s26], [sflag:$0x5], $0x80, s23, s21, $0xb8;
	[tilespmem:$0x1C200] =	vst v63  }
0x57: {  	s0 =	sor.u32 s0, s1;
	_ =	swait.ge [sflag:s20], $0x4000  }
0x58: {  	s31 =	simm.s32 $0x2;
	s0 =	sshrl.u32 s0, $0x3;
	[sflag:s20] =	ssyncset.done $0x0  }
0x59: {  	s10 =	sadd.s32 s4, s0;
	s0 =	sadd.s32 s5, s0;
	[sflag:s20] =	ssyncadd.s32 $0xFFFFC000  }
0x5a: {  	[tilespmem:s22], [sflag:$0x2] =	stream.linear.gather [hbm4b:s10+s3], $0x80, $0x38;
	[tilespmem:$0x1C200] =	vst v63  }
.LBB2_4:
0x5b: {  	p0 =	sne.s32 s31, $0x4E;
	s1 =	smov.u32 s31;
	s31 =	sadd.s32 $0x2, s31  }
0x5c: {  	[tilespmem:s23], [sflag:$0x2] =	stream.linear.gather [hbm4b:s0+s3], $0x80, $0x38;
	[tilespmem:$0x1C200] =	vst v63  }
0x5d: {  	_ =	swait.ge [sflag:s24], $0x80  }
0x5e: {  	[sflag:s24] =	ssyncset.done $0x0  }
0x5f: {  	[sflag:s24] =	ssyncadd.s32 $0xFFFFFF80  }
0x60: {  	_ =	swait.ge [sflag:s24], $0x80  }
0x61: {  	[sflag:s24] =	ssyncset.done $0x0  }
0x62: {  	[sflag:s24] =	ssyncadd.s32 $0xFFFFFF80  }
0x63: {  	[tilespmem:s19], [sflag:$0x3] =	stream.indirect.gather [hbm4b:s6+s21], $0x80, s3, s21, $0xb8;
	[tilespmem:$0x1C200] =	vst v63  }
0x64: {  	_ =	swait.ge [sflag:s25], $0x80  }
0x65: {  	[sflag:s25] =	ssyncset.done $0x0  }
0x66: {  	[sflag:s25] =	ssyncadd.s32 $0xFFFFFF80  }
0x67: {  	_ =	swait.ge [sflag:s25], $0x80  }
0x68: {  	[sflag:s25] =	ssyncset.done $0x0  }
0x69: {  	s0 =	smin.u32 s1, $0x4C;
	[sflag:s25] =	ssyncadd.s32 $0xFFFFFF80  }
0x6a: {  	[tilespmem:s26], [sflag:$0x4] =	stream.indirect.gather [hbm4b:s6+s21], $0x80, s22, s21, $0xb8;
	[tilespmem:$0x1C200] =	vst v63  }
0x6b: {  	s0 =	sshll.u32 s0, $0x7;
	_ =	swait.ge [sflag:s28], $0x4000  }
0x6c: {  	s1 =	sadd.s32 $0x100, s0;
	s0 =	sadd.s32 $0x180, s0;
	[sflag:s28] =	ssyncset.done $0x0  }
0x6d: {  	s9 =	sand.u32 $0x7C00, s1;
	s1 =	sand.u32 $0x300, s1;
	[sflag:s28] =	ssyncadd.s32 $0xFFFFC000  }
0x6e: {  	s10 =	sand.u32 $0x7C00, s0;
	s0 =	sand.u32 $0x380, s0;
	s9 =	sadd.s32 s8, s9  }
0x6f: {  	[spmem:s2] =	stream.indirect.scatter.add.f32 [tilespmem:s19], [sflag:$0x5], $0x80, s21, s21, $0xb8;
	[tilespmem:$0x1C200] =	vst v63  }
0x70: {  	s1 =	sor.u32 s1, s9;
	s9 =	sadd.s32 s8, s10;
	_ =	swait.ge [sflag:s20], $0x4000  }
0x71: {  	s1 =	sshrl.u32 s1, $0x3;
	s0 =	sor.u32 s0, s9;
	[sflag:s20] =	ssyncset.done $0x0  }
0x72: {  	s9 =	sadd.s32 s4, s1;
	s1 =	sadd.s32 s5, s1;
	[sflag:s20] =	ssyncadd.s32 $0xFFFFC000  }
0x73: {  	[tilespmem:s3], [sflag:$0x1] =	stream.linear.gather [hbm4b:s9+s3], $0x80, $0x38;
	[tilespmem:$0x1C200] =	vst v63  }
0x74: {  	s9 =	sshrl.u32 s0, $0x3  }
0x75: {  	[tilespmem:s21], [sflag:$0x1] =	stream.linear.gather [hbm4b:s1+s3], $0x80, $0x38;
	[tilespmem:$0x1C200] =	vst v63  }
0x76: {  	s0 =	sadd.s32 s5, s9;
	_ =	swait.ge [sflag:s29], $0x4000  }
0x77: {  	[sflag:s29] =	ssyncset.done $0x0  }
0x78: {  	[sflag:s29] =	ssyncadd.s32 $0xFFFFC000  }
0x79: {  	[spmem:s2] =	stream.indirect.scatter.add.f32 [tilespmem:s26], [sflag:$0x5], $0x80, s23, s21, $0xb8;
	[tilespmem:$0x1C200] =	vst v63  }
.Ltmp1:
0x7a: {  	_ = 	snop;
	(pc) =	sbr.rel @p0 .LBB2_4-.Ltmp1, $4  }
0x7b: {  	_ =	swait.ge [sflag:s20], $0x4000  }
0x7c: {  	[sflag:s20] =	ssyncset.done $0x0  }
0x7d: {  	s1 =	sadd.s32 s4, s9;
	[sflag:s20] =	ssyncadd.s32 $0xFFFFC000  }
0x7e: {  	[tilespmem:s22], [sflag:$0x2] =	stream.linear.gather [hbm4b:s1+s3], $0x80, $0x38;
	[tilespmem:$0x1C200] =	vst v63  }
0x7f: {  	[tilespmem:s23], [sflag:$0x2] =	stream.linear.gather [hbm4b:s0+s3], $0x80, $0x38;
	[tilespmem:$0x1C200] =	vst v63  }
0x80: {  	_ =	swait.ge [sflag:s24], $0x80  }
0x81: {  	[sflag:s24] =	ssyncset.done $0x0  }
0x82: {  	[sflag:s24] =	ssyncadd.s32 $0xFFFFFF80  }
0x83: {  	_ =	swait.ge [sflag:s24], $0x80  }
0x84: {  	[sflag:s24] =	ssyncset.done $0x0  }
0x85: {  	[sflag:s24] =	ssyncadd.s32 $0xFFFFFF80  }
0x86: {  	_ =	swait.ge [sflag:s25], $0x80  }
0x87: {  	[sflag:s25] =	ssyncset.done $0x0  }
0x88: {  	[sflag:s25] =	ssyncadd.s32 $0xFFFFFF80  }
0x89: {  	s31 =	stileid.u32;
	_ =	swait.ge [sflag:s25], $0x80  }
0x8a: {  	s1 =	sshrl.u32 s7, $0x3;
	s30 =	sadd.s32 $0x1, s30;
	[sflag:s25] =	ssyncset.done $0x0  }
0x8b: {  	s0 =	sshll.u32 s31, $0x6;
	p0 =	sne.s32 s30, s18;
	[sflag:s25] =	ssyncadd.s32 $0xFFFFFF80  }
.Ltmp2:
0x8c: {  	s0 =	sor.u32 $0x1C05, s0;
	[bflag:$0x0] =	sbarrier.arrive $0xFFFF;
	(pc) =	sbr.rel @p0 .LBB2_1-.Ltmp2, $4  }
0x8d: {  	[hbm:s17], [sflag:s0] =	dma.local [spmem:s1], $0x2800  }
0x8e: {  	_ =	swait.ge [sflag:s20], $0x2800  }
0x8f: {  	[sflag:s20] =	ssyncset.done $0x0  }
0x90: {  	[sflag:s20] =	ssyncadd.s32 $0xFFFFD800  }
0x91: {  	_ =	sfence.sel $0x180000  }
0x92: {  	[bflag:$0x0] =	sbarrier.arrive $0xFFFF  }
0x93: {  	_ =	strace $0x90000059  }
0x94: {  	s0 =	stileid.u32;
	[bflag:$0x2] =	sbarrier.arrive $0xFFFF  }
0x95: {  	p0 =	sne.s32 s0, $0x0;
	s0 =	rddreg [dreg:$0x2]  }
0x96: {  	s0 =	sadd.s32 @!p0 $0x100000, s0  }
0x97: {  	[sflag:s0] =	ssyncadd.tile.s32 @!p0 $0x1;
	_ =	shalt  }
.Lfunc_end2:
_tile_overlayer_lowered:
.L_overlay_start_2:
0x98: {  	(tag) =	ssettag $0x2  }
0x99: {  	s0 =	rddreg [dreg:$0x0];
	s2 =	stileid.u32  }
0x9a: {  	s1 =	rddreg [dreg:$0x1];
	p0 =	sne.s32 s2, $0x0  }
0x9b: {  	s3 =	rddreg [dreg:$0x2];
	[bflag:$0x3] =	sbarrier.arrive $0xFFFF;
	s2 =	simm.s32 @!p0 $0x1C05  }
0x9c: {  	[timem:s3], [sflag:s2] =	dma.local @!p0 [hbm:s0], s1  }
0x9d: {  	s0 =	simm.s32 @!p0 $0x5  }
0x9e: {  	_ =	swait.ge @!p0 [sflag:s0], s1  }
0x9f: {  	s1 =	ssub.s32 @!p0 $0x0, s1;
	[sflag:s0] =	ssyncset.done @!p0 $0x0  }
0xa0: {  	[sflag:s0] =	ssyncadd.s32 @!p0 s1  }
0xa1: {  	[bflag:$0x3] =	sbarrier.arrive $0xFFFF  }
0xa2: {  	_ =	shalt  }

</sc_bundles>
